<compile_context>
chip_gen: v7x
topology: tpu7x:2x2x1
jax: 0.10.2.dev20260603
libtpu: 0.0.44.dev20260713+nightly
codegen_flags: <defaults>
</compile_context>

<pallas_src>
import functools

import jax
import jax.numpy as jnp
from jax import lax
from jax.experimental import pallas as pl
from jax.experimental.pallas import tpu as pltpu
from jax.experimental.pallas import tpu_sc as plsc

_NUM_BINS = 1000000
_HASH_MULT = 2654435761
_EMBED_DIM = 32
_NB = 4
_NC = 2
_NS = 16
_LANES = 16
_WB = 4


def _sc_hash_gather(t128, raw_flat, b, f):
    mesh = plsc.VectorSubcoreMesh(core_axis_name="core", subcore_axis_name="subcore")
    out_type = jax.ShapeDtypeStruct((b, 32, 128), t128.dtype)
    n_tiles = _NC * _NS
    b_per_tile = b // n_tiles
    n_win = b_per_tile // _WB
    n_outer = n_win // _NB
    wrows = _WB * f

    @functools.partial(
        pl.kernel,
        out_type=out_type,
        mesh=mesh,
        scratch_types=(
            [
                pltpu.VMEM((_NB, 128), jnp.int32),
                pltpu.VMEM((_NB, 128), jnp.int32),
                pltpu.VMEM((_NB, wrows, _EMBED_DIM), jnp.float32),
            ]
            + [pltpu.SemaphoreType.DMA] * (3 * _NB)
        ),
        compiler_params=pltpu.CompilerParams(use_tc_tiling_on_sc=False),
    )
    def k(t_hbm, in_hbm, out_hbm, raw_v, idx_v, rows_v, *sems):
        sem_raw = sems[0:_NB]
        sem_g = sems[_NB : 2 * _NB]
        sem_out = sems[2 * _NB : 3 * _NB]
        wid = lax.axis_index("subcore") * _NC + lax.axis_index("core")
        row0 = wid * b_per_tile * f
        bt0 = wid * b_per_tile

        def start_raw(w, u):
            pltpu.async_copy(
                in_hbm.at[pl.ds(row0 + w * wrows, wrows)],
                raw_v.at[u, pl.ds(0, wrows)],
                sem_raw[u],
            )

        def wait_raw(u):
            pltpu.make_async_copy(
                in_hbm.at[pl.ds(0, wrows)],
                raw_v.at[u, pl.ds(0, wrows)],
                sem_raw[u],
            ).wait()

        def start_gather(u):
            pltpu.async_copy(
                t_hbm.at[idx_v.at[u, pl.ds(0, wrows)]], rows_v.at[u], sem_g[u]
            )

        def wait_gather(u):
            pltpu.make_async_copy(
                t_hbm.at[idx_v.at[u, pl.ds(0, wrows)]], rows_v.at[u], sem_g[u]
            ).wait()

        def start_out(w, u):
            for bq in range(_WB):
                pltpu.async_copy(
                    rows_v.at[u, pl.ds(bq * f, f), :],
                    out_hbm.at[bt0 + w * _WB + bq, pl.ds(0, f), pl.ds(0, _EMBED_DIM)],
                    sem_out[u],
                )

        def wait_out(u):
            for bq in range(_WB):
                pltpu.make_async_copy(
                    rows_v.at[u, pl.ds(bq * f, f), :],
                    out_hbm.at[bq, pl.ds(0, f), pl.ds(0, _EMBED_DIM)],
                    sem_out[u],
                ).wait()

        def hash_window(u):
            for c in range(128 // _LANES):
                sl = pl.ds(c * _LANES, _LANES)
                v = raw_v[u, sl].astype(jnp.uint32)
                h = (v * jnp.uint32(_HASH_MULT)) % jnp.uint32(_NUM_BINS)
                idx_v[u, sl] = h.astype(jnp.int32)

        for u in range(_NB):
            start_raw(u, u)

        @pl.loop(0, n_outer)
        def _(o):
            for u in range(_NB):
                w = o * _NB + u

                @pl.when(o > 0)
                def _():
                    wait_out(u)

                wait_raw(u)
                hash_window(u)
                start_gather(u)

                up = (u - 3) % _NB
                if u >= 3:
                    wait_gather(up)
                    start_out(w - 3, up)
                else:

                    @pl.when(o > 0)
                    def _():
                        wait_gather(up)
                        start_out(w - 3, up)

                @pl.when(o < n_outer - 1)
                def _():
                    start_raw(w + _NB, u)

        for w in (n_win - 3, n_win - 2, n_win - 1):
            lu = w % _NB
            wait_gather(lu)
            start_out(w, lu)
        for u in range(_NB):
            wait_out(u)

    return k(t128, raw_flat)


def kernel(inputs, table):
    b, f = inputs.shape
    n = b * f
    out3 = _sc_hash_gather(table, inputs.reshape(n), b, f)
    return out3[:, :f, :_EMBED_DIM]

# --- scband reference (transcript-rebuilt; emitter-appended) ---
"""Pipeline reference for scband-categorical-model-12292196401319 (READ-ONLY COPY).

The authoritative reference and input builder live on the scoring server;
editing this copy changes nothing except your own understanding.
"""

import jax, jax.numpy as jnp
import numpy as np

INPUT_DIM = 1000000
EMBED_DIM = 32
BATCH = 16384
N_FIELDS = 26


def _hash(inputs, num_bins):
    # Approximation of tf.keras.layers.Hashing (FarmHash) with a
    # Knuth multiplicative hash; deterministic map of raw ids -> [0, num_bins).
    h = inputs.astype(jnp.uint32) * jnp.uint32(2654435761)
    return (h % jnp.uint32(num_bins)).astype(jnp.int32)


def setup_inputs(seed: int = 0) -> dict:
    key = jax.random.key(seed)
    k1, k2 = jax.random.split(key)
    inputs = jax.random.randint(k1, (BATCH, N_FIELDS), 0, 1000000000, dtype=jnp.int32)
    # Keras Embedding default initializer: uniform(-0.05, 0.05)
    table = jax.random.uniform(k2, (INPUT_DIM, EMBED_DIM), minval=-0.05, maxval=0.05, dtype=jnp.float32)
    return {"inputs": inputs, "table": table}


def reference(inputs, table):
    idx = _hash(inputs, INPUT_DIM)
    out = jnp.take(table, idx, axis=0)
    return out

if __name__ == "__main__":
    import jax
    _d = setup_inputs()
    print(jax.jit(kernel)(*tuple(_d.values())))

</pallas_src>

<mosaic_0001>
#map = affine_map<(d0, d1) -> (0, 0)>
#map1 = affine_map<(d0, d1) -> (0)>
#map2 = affine_map<(d0, d1) -> (0, 0, 0)>
module attributes {stable_mosaic.version = 14 : i64} {
  func.func @k(%arg0: i32, %arg1: i32, %arg2: memref<1000000x32xf32, #tpu.memory_space<hbm>>, %arg3: memref<425984xi32, #tpu.memory_space<hbm>>, %arg4: memref<16384x32x128xf32, #tpu.memory_space<hbm>>, %arg5: memref<4x128xi32, #tpu.memory_space<vmem>>, %arg6: memref<4x128xi32, #tpu.memory_space<vmem>>, %arg7: memref<4x104x32xf32, #tpu.memory_space<vmem>>, %arg8: memref<!tpu.dma_semaphore, #tpu.memory_space<semaphore_mem>>, %arg9: memref<!tpu.dma_semaphore, #tpu.memory_space<semaphore_mem>>, %arg10: memref<!tpu.dma_semaphore, #tpu.memory_space<semaphore_mem>>, %arg11: memref<!tpu.dma_semaphore, #tpu.memory_space<semaphore_mem>>, %arg12: memref<!tpu.dma_semaphore, #tpu.memory_space<semaphore_mem>>, %arg13: memref<!tpu.dma_semaphore, #tpu.memory_space<semaphore_mem>>, %arg14: memref<!tpu.dma_semaphore, #tpu.memory_space<semaphore_mem>>, %arg15: memref<!tpu.dma_semaphore, #tpu.memory_space<semaphore_mem>>, %arg16: memref<!tpu.dma_semaphore, #tpu.memory_space<semaphore_mem>>, %arg17: memref<!tpu.dma_semaphore, #tpu.memory_space<semaphore_mem>>, %arg18: memref<!tpu.dma_semaphore, #tpu.memory_space<semaphore_mem>>, %arg19: memref<!tpu.dma_semaphore, #tpu.memory_space<semaphore_mem>>) attributes {dimension_semantics = [#tpu.dimension_semantics<core_parallel>, #tpu.dimension_semantics<subcore_parallel>], iteration_bounds = array<i64: 2, 16>, scalar_prefetch = 0 : i64, scratch_operands = 15 : i64, tpu.core_type = #tpu.core_type<sc_vector_subcore>, window_params = [{transform_indices = #map}, {transform_indices = #map1}, {transform_indices = #map2}]} {
    %mul3A = arith.constant 2 : i32
    %mul3A_0 = arith.muli %arg1, %mul3A : i32
    %add3A = arith.addi %mul3A_0, %arg0 : i32
    %mul3A_1 = arith.constant 512 : i32
    %mul3A_2 = arith.muli %add3A, %mul3A_1 : i32
    %mul3A_3 = arith.constant 26 : i32
    %mul3A_4 = arith.muli %mul3A_2, %mul3A_3 : i32
    %mul3A_5 = arith.constant 512 : i32
    %mul3A_6 = arith.muli %add3A, %mul3A_5 : i32
    %add3A_7 = arith.constant 0 : i32
    %add3A_8 = arith.addi %mul3A_4, %add3A_7 : i32
    %dma_start3A = arith.constant 0 : i32
    %dma_start3A_9 = arith.constant 0 : i32
    %dma_start3A_10 = tpu.memref_slice %arg5[%dma_start3A, %dma_start3A_9] : memref<4x128xi32, #tpu.memory_space<vmem>> -> memref<1x104xi32, #tpu.memory_space<vmem>>
    %dma_start3A_11 = tpu.memref_squeeze %dma_start3A_10 : memref<1x104xi32, #tpu.memory_space<vmem>> -> memref<104xi32, #tpu.memory_space<vmem>>
    %dma_start3A_12 = tpu.memref_slice %arg3[%add3A_8] : memref<425984xi32, #tpu.memory_space<hbm>> -> memref<104xi32, #tpu.memory_space<hbm>>
    %dma_start3A_13 = arith.constant 0 : i32
    %dma_start3A_14 = tpu.memref_slice %arg5[%dma_start3A, %dma_start3A_13] : memref<4x128xi32, #tpu.memory_space<vmem>> -> memref<1x104xi32, #tpu.memory_space<vmem>>
    %dma_start3A_15 = tpu.memref_squeeze %dma_start3A_14 : memref<1x104xi32, #tpu.memory_space<vmem>> -> memref<104xi32, #tpu.memory_space<vmem>>
    %dma_start3A_16 = tpu.memref_slice %arg3[%add3A_8] : memref<425984xi32, #tpu.memory_space<hbm>> -> memref<104xi32, #tpu.memory_space<hbm>>
    tpu.enqueue_dma source(%dma_start3A_16 : memref<104xi32, #tpu.memory_space<hbm>>) target(%dma_start3A_15 : memref<104xi32, #tpu.memory_space<vmem>>) target_semaphore(%arg8 : memref<!tpu.dma_semaphore, #tpu.memory_space<semaphore_mem>>)
    %add3A_17 = arith.constant 104 : i32
    %add3A_18 = arith.addi %mul3A_4, %add3A_17 : i32
    %dma_start3A_19 = arith.constant 1 : i32
    %dma_start3A_20 = arith.constant 0 : i32
    %dma_start3A_21 = tpu.memref_slice %arg5[%dma_start3A_19, %dma_start3A_20] : memref<4x128xi32, #tpu.memory_space<vmem>> -> memref<1x104xi32, #tpu.memory_space<vmem>>
    %dma_start3A_22 = tpu.memref_squeeze %dma_start3A_21 : memref<1x104xi32, #tpu.memory_space<vmem>> -> memref<104xi32, #tpu.memory_space<vmem>>
    %dma_start3A_23 = tpu.memref_slice %arg3[%add3A_18] : memref<425984xi32, #tpu.memory_space<hbm>> -> memref<104xi32, #tpu.memory_space<hbm>>
    %dma_start3A_24 = arith.constant 0 : i32
    %dma_start3A_25 = tpu.memref_slice %arg5[%dma_start3A_19, %dma_start3A_24] : memref<4x128xi32, #tpu.memory_space<vmem>> -> memref<1x104xi32, #tpu.memory_space<vmem>>
    %dma_start3A_26 = tpu.memref_squeeze %dma_start3A_25 : memref<1x104xi32, #tpu.memory_space<vmem>> -> memref<104xi32, #tpu.memory_space<vmem>>
    %dma_start3A_27 = tpu.memref_slice %arg3[%add3A_18] : memref<425984xi32, #tpu.memory_space<hbm>> -> memref<104xi32, #tpu.memory_space<hbm>>
    tpu.enqueue_dma source(%dma_start3A_27 : memref<104xi32, #tpu.memory_space<hbm>>) target(%dma_start3A_26 : memref<104xi32, #tpu.memory_space<vmem>>) target_semaphore(%arg9 : memref<!tpu.dma_semaphore, #tpu.memory_space<semaphore_mem>>)
    %add3A_28 = arith.constant 208 : i32
    %add3A_29 = arith.addi %mul3A_4, %add3A_28 : i32
    %dma_start3A_30 = arith.constant 2 : i32
    %dma_start3A_31 = arith.constant 0 : i32
    %dma_start3A_32 = tpu.memref_slice %arg5[%dma_start3A_30, %dma_start3A_31] : memref<4x128xi32, #tpu.memory_space<vmem>> -> memref<1x104xi32, #tpu.memory_space<vmem>>
    %dma_start3A_33 = tpu.memref_squeeze %dma_start3A_32 : memref<1x104xi32, #tpu.memory_space<vmem>> -> memref<104xi32, #tpu.memory_space<vmem>>
    %dma_start3A_34 = tpu.memref_slice %arg3[%add3A_29] : memref<425984xi32, #tpu.memory_space<hbm>> -> memref<104xi32, #tpu.memory_space<hbm>>
    %dma_start3A_35 = arith.constant 0 : i32
    %dma_start3A_36 = tpu.memref_slice %arg5[%dma_start3A_30, %dma_start3A_35] : memref<4x128xi32, #tpu.memory_space<vmem>> -> memref<1x104xi32, #tpu.memory_space<vmem>>
    %dma_start3A_37 = tpu.memref_squeeze %dma_start3A_36 : memref<1x104xi32, #tpu.memory_space<vmem>> -> memref<104xi32, #tpu.memory_space<vmem>>
    %dma_start3A_38 = tpu.memref_slice %arg3[%add3A_29] : memref<425984xi32, #tpu.memory_space<hbm>> -> memref<104xi32, #tpu.memory_space<hbm>>
    tpu.enqueue_dma source(%dma_start3A_38 : memref<104xi32, #tpu.memory_space<hbm>>) target(%dma_start3A_37 : memref<104xi32, #tpu.memory_space<vmem>>) target_semaphore(%arg10 : memref<!tpu.dma_semaphore, #tpu.memory_space<semaphore_mem>>)
    %add3A_39 = arith.constant 312 : i32
    %add3A_40 = arith.addi %mul3A_4, %add3A_39 : i32
    %dma_start3A_41 = arith.constant 3 : i32
    %dma_start3A_42 = arith.constant 0 : i32
    %dma_start3A_43 = tpu.memref_slice %arg5[%dma_start3A_41, %dma_start3A_42] : memref<4x128xi32, #tpu.memory_space<vmem>> -> memref<1x104xi32, #tpu.memory_space<vmem>>
    %dma_start3A_44 = tpu.memref_squeeze %dma_start3A_43 : memref<1x104xi32, #tpu.memory_space<vmem>> -> memref<104xi32, #tpu.memory_space<vmem>>
    %dma_start3A_45 = tpu.memref_slice %arg3[%add3A_40] : memref<425984xi32, #tpu.memory_space<hbm>> -> memref<104xi32, #tpu.memory_space<hbm>>
    %dma_start3A_46 = arith.constant 0 : i32
    %dma_start3A_47 = tpu.memref_slice %arg5[%dma_start3A_41, %dma_start3A_46] : memref<4x128xi32, #tpu.memory_space<vmem>> -> memref<1x104xi32, #tpu.memory_space<vmem>>
    %dma_start3A_48 = tpu.memref_squeeze %dma_start3A_47 : memref<1x104xi32, #tpu.memory_space<vmem>> -> memref<104xi32, #tpu.memory_space<vmem>>
    %dma_start3A_49 = tpu.memref_slice %arg3[%add3A_40] : memref<425984xi32, #tpu.memory_space<hbm>> -> memref<104xi32, #tpu.memory_space<hbm>>
    tpu.enqueue_dma source(%dma_start3A_49 : memref<104xi32, #tpu.memory_space<hbm>>) target(%dma_start3A_48 : memref<104xi32, #tpu.memory_space<vmem>>) target_semaphore(%arg11 : memref<!tpu.dma_semaphore, #tpu.memory_space<semaphore_mem>>)
    %scan3A = arith.constant 0 : i32
    %scan3A_50 = arith.constant 32 : i32
    %scan3A_51 = arith.addi %scan3A, %scan3A_50 : i32
    %scan3A_52 = arith.constant 1 : i32
    scf.for %scan3A_629 = %scan3A to %scan3A_51 step %scan3A_52  : i32 {
      %mul3A_630 = arith.constant 1 : i32
      %mul3A_631 = arith.muli %scan3A_629, %mul3A_630 : i32
      %add3A_632 = arith.constant 0 : i32
      %add3A_633 = arith.addi %add3A_632, %mul3A_631 : i32
      %mul3A_634 = arith.constant 4 : i32
      %mul3A_635 = arith.muli %add3A_633, %mul3A_634 : i32
      %add3A_636 = arith.constant 0 : i32
      %add3A_637 = arith.addi %mul3A_635, %add3A_636 : i32
      %gt3A = arith.constant 0 : i32
      %gt3A_638 = arith.cmpi sgt, %add3A_633, %gt3A : i32
      %convert_element_type3A = arith.extui %gt3A_638 : i1 to i32
      %cond3A = arith.constant 0 : i32
      %cond3A_639 = arith.cmpi ne, %convert_element_type3A, %cond3A : i32
      scf.if %cond3A_639 {
        %dma_wait3A_2038 = arith.constant 0 : i32
        %dma_wait3A_2039 = arith.constant 0 : i32
        %dma_wait3A_2040 = arith.constant 0 : i32
        %dma_wait3A_2041 = arith.constant 0 : i32
        %dma_wait3A_2042 = tpu.memref_slice %arg7[%dma_wait3A_2038, %dma_wait3A_2040, %dma_wait3A_2041] : memref<4x104x32xf32, #tpu.memory_space<vmem>> -> memref<1x26x32xf32, #tpu.memory_space<vmem>>
        %dma_wait3A_2043 = tpu.memref_squeeze %dma_wait3A_2042 : memref<1x26x32xf32, #tpu.memory_space<vmem>> -> memref<26x32xf32, #tpu.memory_space<vmem>>
        %dma_wait3A_2044 = arith.constant 0 : i32
        %dma_wait3A_2045 = arith.constant 0 : i32
        %dma_wait3A_2046 = tpu.memref_slice %arg4[%dma_wait3A_2039, %dma_wait3A_2044, %dma_wait3A_2045] : memref<16384x32x128xf32, #tpu.memory_space<hbm>> -> memref<1x26x32xf32, #tpu.memory_space<hbm>>
        %dma_wait3A_2047 = tpu.memref_squeeze %dma_wait3A_2046 : memref<1x26x32xf32, #tpu.memory_space<hbm>> -> memref<26x32xf32, #tpu.memory_space<hbm>>
        %dma_wait3A_2048 = arith.constant 0 : i32
        %dma_wait3A_2049 = arith.constant 0 : i32
        %dma_wait3A_2050 = tpu.memref_slice %arg4[%dma_wait3A_2039, %dma_wait3A_2048, %dma_wait3A_2049] : memref<16384x32x128xf32, #tpu.memory_space<hbm>> -> memref<1x26x32xf32, #tpu.memory_space<hbm>>
        %dma_wait3A_2051 = tpu.memref_squeeze %dma_wait3A_2050 : memref<1x26x32xf32, #tpu.memory_space<hbm>> -> memref<26x32xf32, #tpu.memory_space<hbm>>
        %dma_wait3A_2052 = arith.constant 0 : i32
        %dma_wait3A_2053 = arith.constant 0 : i32
        %dma_wait3A_2054 = tpu.memref_slice %arg7[%dma_wait3A_2038, %dma_wait3A_2052, %dma_wait3A_2053] : memref<4x104x32xf32, #tpu.memory_space<vmem>> -> memref<1x26x32xf32, #tpu.memory_space<vmem>>
        %dma_wait3A_2055 = tpu.memref_squeeze %dma_wait3A_2054 : memref<1x26x32xf32, #tpu.memory_space<vmem>> -> memref<26x32xf32, #tpu.memory_space<vmem>>
        tpu.wait_dma2 semaphore(%arg16 : memref<!tpu.dma_semaphore, #tpu.memory_space<semaphore_mem>>) src(%dma_wait3A_2055 : memref<26x32xf32, #tpu.memory_space<vmem>>) dst(%dma_wait3A_2051 : memref<26x32xf32, #tpu.memory_space<hbm>>)
        %dma_wait3A_2056 = arith.constant 0 : i32
        %dma_wait3A_2057 = arith.constant 1 : i32
        %dma_wait3A_2058 = arith.constant 26 : i32
        %dma_wait3A_2059 = arith.constant 0 : i32
        %dma_wait3A_2060 = tpu.memref_slice %arg7[%dma_wait3A_2056, %dma_wait3A_2058, %dma_wait3A_2059] : memref<4x104x32xf32, #tpu.memory_space<vmem>> -> memref<1x26x32xf32, #tpu.memory_space<vmem>>
        %dma_wait3A_2061 = tpu.memref_squeeze %dma_wait3A_2060 : memref<1x26x32xf32, #tpu.memory_space<vmem>> -> memref<26x32xf32, #tpu.memory_space<vmem>>
        %dma_wait3A_2062 = arith.constant 0 : i32
        %dma_wait3A_2063 = arith.constant 0 : i32
        %dma_wait3A_2064 = tpu.memref_slice %arg4[%dma_wait3A_2057, %dma_wait3A_2062, %dma_wait3A_2063] : memref<16384x32x128xf32, #tpu.memory_space<hbm>> -> memref<1x26x32xf32, #tpu.memory_space<hbm>>
        %dma_wait3A_2065 = tpu.memref_squeeze %dma_wait3A_2064 : memref<1x26x32xf32, #tpu.memory_space<hbm>> -> memref<26x32xf32, #tpu.memory_space<hbm>>
        %dma_wait3A_2066 = arith.constant 0 : i32
        %dma_wait3A_2067 = arith.constant 0 : i32
        %dma_wait3A_2068 = tpu.memref_slice %arg4[%dma_wait3A_2057, %dma_wait3A_2066, %dma_wait3A_2067] : memref<16384x32x128xf32, #tpu.memory_space<hbm>> -> memref<1x26x32xf32, #tpu.memory_space<hbm>>
        %dma_wait3A_2069 = tpu.memref_squeeze %dma_wait3A_2068 : memref<1x26x32xf32, #tpu.memory_space<hbm>> -> memref<26x32xf32, #tpu.memory_space<hbm>>
        %dma_wait3A_2070 = arith.constant 26 : i32
        %dma_wait3A_2071 = arith.constant 0 : i32
        %dma_wait3A_2072 = tpu.memref_slice %arg7[%dma_wait3A_2056, %dma_wait3A_2070, %dma_wait3A_2071] : memref<4x104x32xf32, #tpu.memory_space<vmem>> -> memref<1x26x32xf32, #tpu.memory_space<vmem>>
        %dma_wait3A_2073 = tpu.memref_squeeze %dma_wait3A_2072 : memref<1x26x32xf32, #tpu.memory_space<vmem>> -> memref<26x32xf32, #tpu.memory_space<vmem>>
        tpu.wait_dma2 semaphore(%arg16 : memref<!tpu.dma_semaphore, #tpu.memory_space<semaphore_mem>>) src(%dma_wait3A_2073 : memref<26x32xf32, #tpu.memory_space<vmem>>) dst(%dma_wait3A_2069 : memref<26x32xf32, #tpu.memory_space<hbm>>)
        %dma_wait3A_2074 = arith.constant 0 : i32
        %dma_wait3A_2075 = arith.constant 2 : i32
        %dma_wait3A_2076 = arith.constant 52 : i32
        %dma_wait3A_2077 = arith.constant 0 : i32
        %dma_wait3A_2078 = tpu.memref_slice %arg7[%dma_wait3A_2074, %dma_wait3A_2076, %dma_wait3A_2077] : memref<4x104x32xf32, #tpu.memory_space<vmem>> -> memref<1x26x32xf32, #tpu.memory_space<vmem>>
        %dma_wait3A_2079 = tpu.memref_squeeze %dma_wait3A_2078 : memref<1x26x32xf32, #tpu.memory_space<vmem>> -> memref<26x32xf32, #tpu.memory_space<vmem>>
        %dma_wait3A_2080 = arith.constant 0 : i32
        %dma_wait3A_2081 = arith.constant 0 : i32
        %dma_wait3A_2082 = tpu.memref_slice %arg4[%dma_wait3A_2075, %dma_wait3A_2080, %dma_wait3A_2081] : memref<16384x32x128xf32, #tpu.memory_space<hbm>> -> memref<1x26x32xf32, #tpu.memory_space<hbm>>
        %dma_wait3A_2083 = tpu.memref_squeeze %dma_wait3A_2082 : memref<1x26x32xf32, #tpu.memory_space<hbm>> -> memref<26x32xf32, #tpu.memory_space<hbm>>
        %dma_wait3A_2084 = arith.constant 0 : i32
        %dma_wait3A_2085 = arith.constant 0 : i32
        %dma_wait3A_2086 = tpu.memref_slice %arg4[%dma_wait3A_2075, %dma_wait3A_2084, %dma_wait3A_2085] : memref<16384x32x128xf32, #tpu.memory_space<hbm>> -> memref<1x26x32xf32, #tpu.memory_space<hbm>>
        %dma_wait3A_2087 = tpu.memref_squeeze %dma_wait3A_2086 : memref<1x26x32xf32, #tpu.memory_space<hbm>> -> memref<26x32xf32, #tpu.memory_space<hbm>>
        %dma_wait3A_2088 = arith.constant 52 : i32
        %dma_wait3A_2089 = arith.constant 0 : i32
        %dma_wait3A_2090 = tpu.memref_slice %arg7[%dma_wait3A_2074, %dma_wait3A_2088, %dma_wait3A_2089] : memref<4x104x32xf32, #tpu.memory_space<vmem>> -> memref<1x26x32xf32, #tpu.memory_space<vmem>>
        %dma_wait3A_2091 = tpu.memref_squeeze %dma_wait3A_2090 : memref<1x26x32xf32, #tpu.memory_space<vmem>> -> memref<26x32xf32, #tpu.memory_space<vmem>>
        tpu.wait_dma2 semaphore(%arg16 : memref<!tpu.dma_semaphore, #tpu.memory_space<semaphore_mem>>) src(%dma_wait3A_2091 : memref<26x32xf32, #tpu.memory_space<vmem>>) dst(%dma_wait3A_2087 : memref<26x32xf32, #tpu.memory_space<hbm>>)
        %dma_wait3A_2092 = arith.constant 0 : i32
        %dma_wait3A_2093 = arith.constant 3 : i32
        %dma_wait3A_2094 = arith.constant 78 : i32
        %dma_wait3A_2095 = arith.constant 0 : i32
        %dma_wait3A_2096 = tpu.memref_slice %arg7[%dma_wait3A_2092, %dma_wait3A_2094, %dma_wait3A_2095] : memref<4x104x32xf32, #tpu.memory_space<vmem>> -> memref<1x26x32xf32, #tpu.memory_space<vmem>>
        %dma_wait3A_2097 = tpu.memref_squeeze %dma_wait3A_2096 : memref<1x26x32xf32, #tpu.memory_space<vmem>> -> memref<26x32xf32, #tpu.memory_space<vmem>>
        %dma_wait3A_2098 = arith.constant 0 : i32
        %dma_wait3A_2099 = arith.constant 0 : i32
        %dma_wait3A_2100 = tpu.memref_slice %arg4[%dma_wait3A_2093, %dma_wait3A_2098, %dma_wait3A_2099] : memref<16384x32x128xf32, #tpu.memory_space<hbm>> -> memref<1x26x32xf32, #tpu.memory_space<hbm>>
        %dma_wait3A_2101 = tpu.memref_squeeze %dma_wait3A_2100 : memref<1x26x32xf32, #tpu.memory_space<hbm>> -> memref<26x32xf32, #tpu.memory_space<hbm>>
        %dma_wait3A_2102 = arith.constant 0 : i32
        %dma_wait3A_2103 = arith.constant 0 : i32
        %dma_wait3A_2104 = tpu.memref_slice %arg4[%dma_wait3A_2093, %dma_wait3A_2102, %dma_wait3A_2103] : memref<16384x32x128xf32, #tpu.memory_space<hbm>> -> memref<1x26x32xf32, #tpu.memory_space<hbm>>
        %dma_wait3A_2105 = tpu.memref_squeeze %dma_wait3A_2104 : memref<1x26x32xf32, #tpu.memory_space<hbm>> -> memref<26x32xf32, #tpu.memory_space<hbm>>
        %dma_wait3A_2106 = arith.constant 78 : i32
        %dma_wait3A_2107 = arith.constant 0 : i32
        %dma_wait3A_2108 = tpu.memref_slice %arg7[%dma_wait3A_2092, %dma_wait3A_2106, %dma_wait3A_2107] : memref<4x104x32xf32, #tpu.memory_space<vmem>> -> memref<1x26x32xf32, #tpu.memory_space<vmem>>
        %dma_wait3A_2109 = tpu.memref_squeeze %dma_wait3A_2108 : memref<1x26x32xf32, #tpu.memory_space<vmem>> -> memref<26x32xf32, #tpu.memory_space<vmem>>
        tpu.wait_dma2 semaphore(%arg16 : memref<!tpu.dma_semaphore, #tpu.memory_space<semaphore_mem>>) src(%dma_wait3A_2109 : memref<26x32xf32, #tpu.memory_space<vmem>>) dst(%dma_wait3A_2105 : memref<26x32xf32, #tpu.memory_space<hbm>>)
      } else {
      }
      %dma_wait3A_640 = arith.constant 0 : i32
      %dma_wait3A_641 = arith.constant 0 : i32
      %dma_wait3A_642 = tpu.memref_slice %arg5[%dma_wait3A_640, %dma_wait3A_641] : memref<4x128xi32, #tpu.memory_space<vmem>> -> memref<1x104xi32, #tpu.memory_space<vmem>>
      %dma_wait3A_643 = tpu.memref_squeeze %dma_wait3A_642 : memref<1x104xi32, #tpu.memory_space<vmem>> -> memref<104xi32, #tpu.memory_space<vmem>>
      %dma_wait3A_644 = arith.constant 0 : i32
      %dma_wait3A_645 = tpu.memref_slice %arg3[%dma_wait3A_644] : memref<425984xi32, #tpu.memory_space<hbm>> -> memref<104xi32, #tpu.memory_space<hbm>>
      %dma_wait3A_646 = arith.constant 0 : i32
      %dma_wait3A_647 = tpu.memref_slice %arg5[%dma_wait3A_640, %dma_wait3A_646] : memref<4x128xi32, #tpu.memory_space<vmem>> -> memref<1x104xi32, #tpu.memory_space<vmem>>
      %dma_wait3A_648 = tpu.memref_squeeze %dma_wait3A_647 : memref<1x104xi32, #tpu.memory_space<vmem>> -> memref<104xi32, #tpu.memory_space<vmem>>
      %dma_wait3A_649 = arith.constant 0 : i32
      %dma_wait3A_650 = tpu.memref_slice %arg3[%dma_wait3A_649] : memref<425984xi32, #tpu.memory_space<hbm>> -> memref<104xi32, #tpu.memory_space<hbm>>
      tpu.wait_dma2 semaphore(%arg8 : memref<!tpu.dma_semaphore, #tpu.memory_space<semaphore_mem>>) src(%dma_wait3A_650 : memref<104xi32, #tpu.memory_space<hbm>>) dst(%dma_wait3A_648 : memref<104xi32, #tpu.memory_space<vmem>>)
      %get3A = arith.constant 0 : i32
      %get3A_651 = arith.index_cast %get3A : i32 to index
      %get3A_652 = arith.constant 0 : index
      %get3A_653 = tpu.vector_load %arg5[%get3A_651, %get3A_652] {strides = array<i32>} : memref<4x128xi32, #tpu.memory_space<vmem>>, vector<1x16xi32>,
      %get3A_654 = vector.shape_cast %get3A_653 : vector<1x16xi32> to vector<16xi32>
      %mul3A_655 = arith.constant -1640531535 : i32
      %mul3A_656 = vector.broadcast %mul3A_655 : i32 to vector<16xi32>
      %mul3A_657 = arith.muli %get3A_654, %mul3A_656 : vector<16xi32>
      %jit3A = arith.constant 1000000 : i32
      %eq3A = arith.constant 0 : i32
      %eq3A_658 = arith.cmpi eq, %jit3A, %eq3A : i32
      %jit3A_659 = arith.constant 1 : i32
      %select_n3A = arith.select %eq3A_658, %jit3A_659, %jit3A : i32
      %rem3A = vector.broadcast %select_n3A : i32 to vector<16xi32>
      %rem3A_660 = arith.remui %mul3A_657, %rem3A : vector<16xi32>
      %ne3A = arith.constant 0 : i32
      %ne3A_661 = vector.broadcast %ne3A : i32 to vector<16xi32>
      %ne3A_662 = arith.cmpi ne, %rem3A_660, %ne3A_661 : vector<16xi32>
      %lt3A = arith.constant 0 : i32
      %lt3A_663 = vector.broadcast %lt3A : i32 to vector<16xi32>
      %lt3A_664 = arith.cmpi ult, %rem3A_660, %lt3A_663 : vector<16xi32>
      %lt3A_665 = arith.constant 0 : i32
      %lt3A_666 = arith.cmpi ult, %select_n3A, %lt3A_665 : i32
      %ne3A_667 = vector.broadcast %lt3A_666 : i1 to vector<16xi1>
      %ne3A_668 = vector.broadcast %ne3A_667 : vector<16xi1> to vector<16xi1>
      %ne3A_669 = arith.xori %lt3A_664, %ne3A_668 : vector<16xi1>
      %and3A = arith.andi %ne3A_669, %ne3A_662 : vector<16xi1>
      %add3A_670 = vector.broadcast %select_n3A : i32 to vector<16xi32>
      %add3A_671 = arith.addi %rem3A_660, %add3A_670 : vector<16xi32>
      %select_n3A_672 = arith.select %and3A, %add3A_671, %rem3A_660 : vector<16xi1>, vector<16xi32>
      %swap3A = arith.constant 0 : i32
      %swap3A_673 = arith.index_cast %swap3A : i32 to index
      %swap3A_674 = arith.constant 0 : index
      %swap3A_675 = tpu.vector_load %arg6[%swap3A_673, %swap3A_674] {strides = array<i32>} : memref<4x128xi32, #tpu.memory_space<vmem>>, vector<1x16xi32>,
      %swap3A_676 = vector.shape_cast %swap3A_675 : vector<1x16xi32> to vector<16xi32>
      %swap3A_677 = vector.shape_cast %select_n3A_672 : vector<16xi32> to vector<1x16xi32>
      tpu.vector_store %arg6[%swap3A_673, %swap3A_674], %swap3A_677 {strides = array<i32>} : memref<4x128xi32, #tpu.memory_space<vmem>>, vector<1x16xi32>,
      %get3A_678 = arith.constant 0 : i32
      %get3A_679 = arith.index_cast %get3A_678 : i32 to index
      %get3A_680 = arith.constant 16 : index
      %get3A_681 = tpu.vector_load %arg5[%get3A_679, %get3A_680] {strides = array<i32>} : memref<4x128xi32, #tpu.memory_space<vmem>>, vector<1x16xi32>,
      %get3A_682 = vector.shape_cast %get3A_681 : vector<1x16xi32> to vector<16xi32>
      %mul3A_683 = arith.constant -1640531535 : i32
      %mul3A_684 = vector.broadcast %mul3A_683 : i32 to vector<16xi32>
      %mul3A_685 = arith.muli %get3A_682, %mul3A_684 : vector<16xi32>
      %jit3A_686 = arith.constant 1000000 : i32
      %eq3A_687 = arith.constant 0 : i32
      %eq3A_688 = arith.cmpi eq, %jit3A_686, %eq3A_687 : i32
      %jit3A_689 = arith.constant 1 : i32
      %select_n3A_690 = arith.select %eq3A_688, %jit3A_689, %jit3A_686 : i32
      %rem3A_691 = vector.broadcast %select_n3A_690 : i32 to vector<16xi32>
      %rem3A_692 = arith.remui %mul3A_685, %rem3A_691 : vector<16xi32>
      %ne3A_693 = arith.constant 0 : i32
      %ne3A_694 = vector.broadcast %ne3A_693 : i32 to vector<16xi32>
      %ne3A_695 = arith.cmpi ne, %rem3A_692, %ne3A_694 : vector<16xi32>
      %lt3A_696 = arith.constant 0 : i32
      %lt3A_697 = vector.broadcast %lt3A_696 : i32 to vector<16xi32>
      %lt3A_698 = arith.cmpi ult, %rem3A_692, %lt3A_697 : vector<16xi32>
      %lt3A_699 = arith.constant 0 : i32
      %lt3A_700 = arith.cmpi ult, %select_n3A_690, %lt3A_699 : i32
      %ne3A_701 = vector.broadcast %lt3A_700 : i1 to vector<16xi1>
      %ne3A_702 = vector.broadcast %ne3A_701 : vector<16xi1> to vector<16xi1>
      %ne3A_703 = arith.xori %lt3A_698, %ne3A_702 : vector<16xi1>
      %and3A_704 = arith.andi %ne3A_703, %ne3A_695 : vector<16xi1>
      %add3A_705 = vector.broadcast %select_n3A_690 : i32 to vector<16xi32>
      %add3A_706 = arith.addi %rem3A_692, %add3A_705 : vector<16xi32>
      %select_n3A_707 = arith.select %and3A_704, %add3A_706, %rem3A_692 : vector<16xi1>, vector<16xi32>
      %swap3A_708 = arith.constant 0 : i32
      %swap3A_709 = arith.index_cast %swap3A_708 : i32 to index
      %swap3A_710 = arith.constant 16 : index
      %swap3A_711 = tpu.vector_load %arg6[%swap3A_709, %swap3A_710] {strides = array<i32>} : memref<4x128xi32, #tpu.memory_space<vmem>>, vector<1x16xi32>,
      %swap3A_712 = vector.shape_cast %swap3A_711 : vector<1x16xi32> to vector<16xi32>
      %swap3A_713 = vector.shape_cast %select_n3A_707 : vector<16xi32> to vector<1x16xi32>
      tpu.vector_store %arg6[%swap3A_709, %swap3A_710], %swap3A_713 {strides = array<i32>} : memref<4x128xi32, #tpu.memory_space<vmem>>, vector<1x16xi32>,
      %get3A_714 = arith.constant 0 : i32
      %get3A_715 = arith.index_cast %get3A_714 : i32 to index
      %get3A_716 = arith.constant 32 : index
      %get3A_717 = tpu.vector_load %arg5[%get3A_715, %get3A_716] {strides = array<i32>} : memref<4x128xi32, #tpu.memory_space<vmem>>, vector<1x16xi32>,
      %get3A_718 = vector.shape_cast %get3A_717 : vector<1x16xi32> to vector<16xi32>
      %mul3A_719 = arith.constant -1640531535 : i32
      %mul3A_720 = vector.broadcast %mul3A_719 : i32 to vector<16xi32>
      %mul3A_721 = arith.muli %get3A_718, %mul3A_720 : vector<16xi32>
      %jit3A_722 = arith.constant 1000000 : i32
      %eq3A_723 = arith.constant 0 : i32
      %eq3A_724 = arith.cmpi eq, %jit3A_722, %eq3A_723 : i32
      %jit3A_725 = arith.constant 1 : i32
      %select_n3A_726 = arith.select %eq3A_724, %jit3A_725, %jit3A_722 : i32
      %rem3A_727 = vector.broadcast %select_n3A_726 : i32 to vector<16xi32>
      %rem3A_728 = arith.remui %mul3A_721, %rem3A_727 : vector<16xi32>
      %ne3A_729 = arith.constant 0 : i32
      %ne3A_730 = vector.broadcast %ne3A_729 : i32 to vector<16xi32>
      %ne3A_731 = arith.cmpi ne, %rem3A_728, %ne3A_730 : vector<16xi32>
      %lt3A_732 = arith.constant 0 : i32
      %lt3A_733 = vector.broadcast %lt3A_732 : i32 to vector<16xi32>
      %lt3A_734 = arith.cmpi ult, %rem3A_728, %lt3A_733 : vector<16xi32>
      %lt3A_735 = arith.constant 0 : i32
      %lt3A_736 = arith.cmpi ult, %select_n3A_726, %lt3A_735 : i32
      %ne3A_737 = vector.broadcast %lt3A_736 : i1 to vector<16xi1>
      %ne3A_738 = vector.broadcast %ne3A_737 : vector<16xi1> to vector<16xi1>
      %ne3A_739 = arith.xori %lt3A_734, %ne3A_738 : vector<16xi1>
      %and3A_740 = arith.andi %ne3A_739, %ne3A_731 : vector<16xi1>
      %add3A_741 = vector.broadcast %select_n3A_726 : i32 to vector<16xi32>
      %add3A_742 = arith.addi %rem3A_728, %add3A_741 : vector<16xi32>
      %select_n3A_743 = arith.select %and3A_740, %add3A_742, %rem3A_728 : vector<16xi1>, vector<16xi32>
      %swap3A_744 = arith.constant 0 : i32
      %swap3A_745 = arith.index_cast %swap3A_744 : i32 to index
      %swap3A_746 = arith.constant 32 : index
      %swap3A_747 = tpu.vector_load %arg6[%swap3A_745, %swap3A_746] {strides = array<i32>} : memref<4x128xi32, #tpu.memory_space<vmem>>, vector<1x16xi32>,
      %swap3A_748 = vector.shape_cast %swap3A_747 : vector<1x16xi32> to vector<16xi32>
      %swap3A_749 = vector.shape_cast %select_n3A_743 : vector<16xi32> to vector<1x16xi32>
      tpu.vector_store %arg6[%swap3A_745, %swap3A_746], %swap3A_749 {strides = array<i32>} : memref<4x128xi32, #tpu.memory_space<vmem>>, vector<1x16xi32>,
      %get3A_750 = arith.constant 0 : i32
      %get3A_751 = arith.index_cast %get3A_750 : i32 to index
      %get3A_752 = arith.constant 48 : index
      %get3A_753 = tpu.vector_load %arg5[%get3A_751, %get3A_752] {strides = array<i32>} : memref<4x128xi32, #tpu.memory_space<vmem>>, vector<1x16xi32>,
      %get3A_754 = vector.shape_cast %get3A_753 : vector<1x16xi32> to vector<16xi32>
      %mul3A_755 = arith.constant -1640531535 : i32
      %mul3A_756 = vector.broadcast %mul3A_755 : i32 to vector<16xi32>
      %mul3A_757 = arith.muli %get3A_754, %mul3A_756 : vector<16xi32>
      %jit3A_758 = arith.constant 1000000 : i32
      %eq3A_759 = arith.constant 0 : i32
      %eq3A_760 = arith.cmpi eq, %jit3A_758, %eq3A_759 : i32
      %jit3A_761 = arith.constant 1 : i32
      %select_n3A_762 = arith.select %eq3A_760, %jit3A_761, %jit3A_758 : i32
      %rem3A_763 = vector.broadcast %select_n3A_762 : i32 to vector<16xi32>
      %rem3A_764 = arith.remui %mul3A_757, %rem3A_763 : vector<16xi32>
      %ne3A_765 = arith.constant 0 : i32
      %ne3A_766 = vector.broadcast %ne3A_765 : i32 to vector<16xi32>
      %ne3A_767 = arith.cmpi ne, %rem3A_764, %ne3A_766 : vector<16xi32>
      %lt3A_768 = arith.constant 0 : i32
      %lt3A_769 = vector.broadcast %lt3A_768 : i32 to vector<16xi32>
      %lt3A_770 = arith.cmpi ult, %rem3A_764, %lt3A_769 : vector<16xi32>
      %lt3A_771 = arith.constant 0 : i32
      %lt3A_772 = arith.cmpi ult, %select_n3A_762, %lt3A_771 : i32
      %ne3A_773 = vector.broadcast %lt3A_772 : i1 to vector<16xi1>
      %ne3A_774 = vector.broadcast %ne3A_773 : vector<16xi1> to vector<16xi1>
      %ne3A_775 = arith.xori %lt3A_770, %ne3A_774 : vector<16xi1>
      %and3A_776 = arith.andi %ne3A_775, %ne3A_767 : vector<16xi1>
      %add3A_777 = vector.broadcast %select_n3A_762 : i32 to vector<16xi32>
      %add3A_778 = arith.addi %rem3A_764, %add3A_777 : vector<16xi32>
      %select_n3A_779 = arith.select %and3A_776, %add3A_778, %rem3A_764 : vector<16xi1>, vector<16xi32>
      %swap3A_780 = arith.constant 0 : i32
      %swap3A_781 = arith.index_cast %swap3A_780 : i32 to index
      %swap3A_782 = arith.constant 48 : index
      %swap3A_783 = tpu.vector_load %arg6[%swap3A_781, %swap3A_782] {strides = array<i32>} : memref<4x128xi32, #tpu.memory_space<vmem>>, vector<1x16xi32>,
      %swap3A_784 = vector.shape_cast %swap3A_783 : vector<1x16xi32> to vector<16xi32>
      %swap3A_785 = vector.shape_cast %select_n3A_779 : vector<16xi32> to vector<1x16xi32>
      tpu.vector_store %arg6[%swap3A_781, %swap3A_782], %swap3A_785 {strides = array<i32>} : memref<4x128xi32, #tpu.memory_space<vmem>>, vector<1x16xi32>,
      %get3A_786 = arith.constant 0 : i32
      %get3A_787 = arith.index_cast %get3A_786 : i32 to index
      %get3A_788 = arith.constant 64 : index
      %get3A_789 = tpu.vector_load %arg5[%get3A_787, %get3A_788] {strides = array<i32>} : memref<4x128xi32, #tpu.memory_space<vmem>>, vector<1x16xi32>,
      %get3A_790 = vector.shape_cast %get3A_789 : vector<1x16xi32> to vector<16xi32>
      %mul3A_791 = arith.constant -1640531535 : i32
      %mul3A_792 = vector.broadcast %mul3A_791 : i32 to vector<16xi32>
      %mul3A_793 = arith.muli %get3A_790, %mul3A_792 : vector<16xi32>
      %jit3A_794 = arith.constant 1000000 : i32
      %eq3A_795 = arith.constant 0 : i32
      %eq3A_796 = arith.cmpi eq, %jit3A_794, %eq3A_795 : i32
      %jit3A_797 = arith.constant 1 : i32
      %select_n3A_798 = arith.select %eq3A_796, %jit3A_797, %jit3A_794 : i32
      %rem3A_799 = vector.broadcast %select_n3A_798 : i32 to vector<16xi32>
      %rem3A_800 = arith.remui %mul3A_793, %rem3A_799 : vector<16xi32>
      %ne3A_801 = arith.constant 0 : i32
      %ne3A_802 = vector.broadcast %ne3A_801 : i32 to vector<16xi32>
      %ne3A_803 = arith.cmpi ne, %rem3A_800, %ne3A_802 : vector<16xi32>
      %lt3A_804 = arith.constant 0 : i32
      %lt3A_805 = vector.broadcast %lt3A_804 : i32 to vector<16xi32>
      %lt3A_806 = arith.cmpi ult, %rem3A_800, %lt3A_805 : vector<16xi32>
      %lt3A_807 = arith.constant 0 : i32
      %lt3A_808 = arith.cmpi ult, %select_n3A_798, %lt3A_807 : i32
      %ne3A_809 = vector.broadcast %lt3A_808 : i1 to vector<16xi1>
      %ne3A_810 = vector.broadcast %ne3A_809 : vector<16xi1> to vector<16xi1>
      %ne3A_811 = arith.xori %lt3A_806, %ne3A_810 : vector<16xi1>
      %and3A_812 = arith.andi %ne3A_811, %ne3A_803 : vector<16xi1>
      %add3A_813 = vector.broadcast %select_n3A_798 : i32 to vector<16xi32>
      %add3A_814 = arith.addi %rem3A_800, %add3A_813 : vector<16xi32>
      %select_n3A_815 = arith.select %and3A_812, %add3A_814, %rem3A_800 : vector<16xi1>, vector<16xi32>
      %swap3A_816 = arith.constant 0 : i32
      %swap3A_817 = arith.index_cast %swap3A_816 : i32 to index
      %swap3A_818 = arith.constant 64 : index
      %swap3A_819 = tpu.vector_load %arg6[%swap3A_817, %swap3A_818] {strides = array<i32>} : memref<4x128xi32, #tpu.memory_space<vmem>>, vector<1x16xi32>,
      %swap3A_820 = vector.shape_cast %swap3A_819 : vector<1x16xi32> to vector<16xi32>
      %swap3A_821 = vector.shape_cast %select_n3A_815 : vector<16xi32> to vector<1x16xi32>
      tpu.vector_store %arg6[%swap3A_817, %swap3A_818], %swap3A_821 {strides = array<i32>} : memref<4x128xi32, #tpu.memory_space<vmem>>, vector<1x16xi32>,
      %get3A_822 = arith.constant 0 : i32
      %get3A_823 = arith.index_cast %get3A_822 : i32 to index
      %get3A_824 = arith.constant 80 : index
      %get3A_825 = tpu.vector_load %arg5[%get3A_823, %get3A_824] {strides = array<i32>} : memref<4x128xi32, #tpu.memory_space<vmem>>, vector<1x16xi32>,
      %get3A_826 = vector.shape_cast %get3A_825 : vector<1x16xi32> to vector<16xi32>
      %mul3A_827 = arith.constant -1640531535 : i32
      %mul3A_828 = vector.broadcast %mul3A_827 : i32 to vector<16xi32>
      %mul3A_829 = arith.muli %get3A_826, %mul3A_828 : vector<16xi32>
      %jit3A_830 = arith.constant 1000000 : i32
      %eq3A_831 = arith.constant 0 : i32
      %eq3A_832 = arith.cmpi eq, %jit3A_830, %eq3A_831 : i32
      %jit3A_833 = arith.constant 1 : i32
      %select_n3A_834 = arith.select %eq3A_832, %jit3A_833, %jit3A_830 : i32
      %rem3A_835 = vector.broadcast %select_n3A_834 : i32 to vector<16xi32>
      %rem3A_836 = arith.remui %mul3A_829, %rem3A_835 : vector<16xi32>
      %ne3A_837 = arith.constant 0 : i32
      %ne3A_838 = vector.broadcast %ne3A_837 : i32 to vector<16xi32>
      %ne3A_839 = arith.cmpi ne, %rem3A_836, %ne3A_838 : vector<16xi32>
      %lt3A_840 = arith.constant 0 : i32
      %lt3A_841 = vector.broadcast %lt3A_840 : i32 to vector<16xi32>
      %lt3A_842 = arith.cmpi ult, %rem3A_836, %lt3A_841 : vector<16xi32>
      %lt3A_843 = arith.constant 0 : i32
      %lt3A_844 = arith.cmpi ult, %select_n3A_834, %lt3A_843 : i32
      %ne3A_845 = vector.broadcast %lt3A_844 : i1 to vector<16xi1>
      %ne3A_846 = vector.broadcast %ne3A_845 : vector<16xi1> to vector<16xi1>
      %ne3A_847 = arith.xori %lt3A_842, %ne3A_846 : vector<16xi1>
      %and3A_848 = arith.andi %ne3A_847, %ne3A_839 : vector<16xi1>
      %add3A_849 = vector.broadcast %select_n3A_834 : i32 to vector<16xi32>
      %add3A_850 = arith.addi %rem3A_836, %add3A_849 : vector<16xi32>
      %select_n3A_851 = arith.select %and3A_848, %add3A_850, %rem3A_836 : vector<16xi1>, vector<16xi32>
      %swap3A_852 = arith.constant 0 : i32
      %swap3A_853 = arith.index_cast %swap3A_852 : i32 to index
      %swap3A_854 = arith.constant 80 : index
      %swap3A_855 = tpu.vector_load %arg6[%swap3A_853, %swap3A_854] {strides = array<i32>} : memref<4x128xi32, #tpu.memory_space<vmem>>, vector<1x16xi32>,
      %swap3A_856 = vector.shape_cast %swap3A_855 : vector<1x16xi32> to vector<16xi32>
      %swap3A_857 = vector.shape_cast %select_n3A_851 : vector<16xi32> to vector<1x16xi32>
      tpu.vector_store %arg6[%swap3A_853, %swap3A_854], %swap3A_857 {strides = array<i32>} : memref<4x128xi32, #tpu.memory_space<vmem>>, vector<1x16xi32>,
      %get3A_858 = arith.constant 0 : i32
      %get3A_859 = arith.index_cast %get3A_858 : i32 to index
      %get3A_860 = arith.constant 96 : index
      %get3A_861 = tpu.vector_load %arg5[%get3A_859, %get3A_860] {strides = array<i32>} : memref<4x128xi32, #tpu.memory_space<vmem>>, vector<1x16xi32>,
      %get3A_862 = vector.shape_cast %get3A_861 : vector<1x16xi32> to vector<16xi32>
      %mul3A_863 = arith.constant -1640531535 : i32
      %mul3A_864 = vector.broadcast %mul3A_863 : i32 to vector<16xi32>
      %mul3A_865 = arith.muli %get3A_862, %mul3A_864 : vector<16xi32>
      %jit3A_866 = arith.constant 1000000 : i32
      %eq3A_867 = arith.constant 0 : i32
      %eq3A_868 = arith.cmpi eq, %jit3A_866, %eq3A_867 : i32
      %jit3A_869 = arith.constant 1 : i32
      %select_n3A_870 = arith.select %eq3A_868, %jit3A_869, %jit3A_866 : i32
      %rem3A_871 = vector.broadcast %select_n3A_870 : i32 to vector<16xi32>
      %rem3A_872 = arith.remui %mul3A_865, %rem3A_871 : vector<16xi32>
      %ne3A_873 = arith.constant 0 : i32
      %ne3A_874 = vector.broadcast %ne3A_873 : i32 to vector<16xi32>
      %ne3A_875 = arith.cmpi ne, %rem3A_872, %ne3A_874 : vector<16xi32>
      %lt3A_876 = arith.constant 0 : i32
      %lt3A_877 = vector.broadcast %lt3A_876 : i32 to vector<16xi32>
      %lt3A_878 = arith.cmpi ult, %rem3A_872, %lt3A_877 : vector<16xi32>
      %lt3A_879 = arith.constant 0 : i32
      %lt3A_880 = arith.cmpi ult, %select_n3A_870, %lt3A_879 : i32
      %ne3A_881 = vector.broadcast %lt3A_880 : i1 to vector<16xi1>
      %ne3A_882 = vector.broadcast %ne3A_881 : vector<16xi1> to vector<16xi1>
      %ne3A_883 = arith.xori %lt3A_878, %ne3A_882 : vector<16xi1>
      %and3A_884 = arith.andi %ne3A_883, %ne3A_875 : vector<16xi1>
      %add3A_885 = vector.broadcast %select_n3A_870 : i32 to vector<16xi32>
      %add3A_886 = arith.addi %rem3A_872, %add3A_885 : vector<16xi32>
      %select_n3A_887 = arith.select %and3A_884, %add3A_886, %rem3A_872 : vector<16xi1>, vector<16xi32>
      %swap3A_888 = arith.constant 0 : i32
      %swap3A_889 = arith.index_cast %swap3A_888 : i32 to index
      %swap3A_890 = arith.constant 96 : index
      %swap3A_891 = tpu.vector_load %arg6[%swap3A_889, %swap3A_890] {strides = array<i32>} : memref<4x128xi32, #tpu.memory_space<vmem>>, vector<1x16xi32>,
      %swap3A_892 = vector.shape_cast %swap3A_891 : vector<1x16xi32> to vector<16xi32>
      %swap3A_893 = vector.shape_cast %select_n3A_887 : vector<16xi32> to vector<1x16xi32>
      tpu.vector_store %arg6[%swap3A_889, %swap3A_890], %swap3A_893 {strides = array<i32>} : memref<4x128xi32, #tpu.memory_space<vmem>>, vector<1x16xi32>,
      %get3A_894 = arith.constant 0 : i32
      %get3A_895 = arith.index_cast %get3A_894 : i32 to index
      %get3A_896 = arith.constant 112 : index
      %get3A_897 = tpu.vector_load %arg5[%get3A_895, %get3A_896] {strides = array<i32>} : memref<4x128xi32, #tpu.memory_space<vmem>>, vector<1x16xi32>,
      %get3A_898 = vector.shape_cast %get3A_897 : vector<1x16xi32> to vector<16xi32>
      %mul3A_899 = arith.constant -1640531535 : i32
      %mul3A_900 = vector.broadcast %mul3A_899 : i32 to vector<16xi32>
      %mul3A_901 = arith.muli %get3A_898, %mul3A_900 : vector<16xi32>
      %jit3A_902 = arith.constant 1000000 : i32
      %eq3A_903 = arith.constant 0 : i32
      %eq3A_904 = arith.cmpi eq, %jit3A_902, %eq3A_903 : i32
      %jit3A_905 = arith.constant 1 : i32
      %select_n3A_906 = arith.select %eq3A_904, %jit3A_905, %jit3A_902 : i32
      %rem3A_907 = vector.broadcast %select_n3A_906 : i32 to vector<16xi32>
      %rem3A_908 = arith.remui %mul3A_901, %rem3A_907 : vector<16xi32>
      %ne3A_909 = arith.constant 0 : i32
      %ne3A_910 = vector.broadcast %ne3A_909 : i32 to vector<16xi32>
      %ne3A_911 = arith.cmpi ne, %rem3A_908, %ne3A_910 : vector<16xi32>
      %lt3A_912 = arith.constant 0 : i32
      %lt3A_913 = vector.broadcast %lt3A_912 : i32 to vector<16xi32>
      %lt3A_914 = arith.cmpi ult, %rem3A_908, %lt3A_913 : vector<16xi32>
      %lt3A_915 = arith.constant 0 : i32
      %lt3A_916 = arith.cmpi ult, %select_n3A_906, %lt3A_915 : i32
      %ne3A_917 = vector.broadcast %lt3A_916 : i1 to vector<16xi1>
      %ne3A_918 = vector.broadcast %ne3A_917 : vector<16xi1> to vector<16xi1>
      %ne3A_919 = arith.xori %lt3A_914, %ne3A_918 : vector<16xi1>
      %and3A_920 = arith.andi %ne3A_919, %ne3A_911 : vector<16xi1>
      %add3A_921 = vector.broadcast %select_n3A_906 : i32 to vector<16xi32>
      %add3A_922 = arith.addi %rem3A_908, %add3A_921 : vector<16xi32>
      %select_n3A_923 = arith.select %and3A_920, %add3A_922, %rem3A_908 : vector<16xi1>, vector<16xi32>
      %swap3A_924 = arith.constant 0 : i32
      %swap3A_925 = arith.index_cast %swap3A_924 : i32 to index
      %swap3A_926 = arith.constant 112 : index
      %swap3A_927 = tpu.vector_load %arg6[%swap3A_925, %swap3A_926] {strides = array<i32>} : memref<4x128xi32, #tpu.memory_space<vmem>>, vector<1x16xi32>,
      %swap3A_928 = vector.shape_cast %swap3A_927 : vector<1x16xi32> to vector<16xi32>
      %swap3A_929 = vector.shape_cast %select_n3A_923 : vector<16xi32> to vector<1x16xi32>
      tpu.vector_store %arg6[%swap3A_925, %swap3A_926], %swap3A_929 {strides = array<i32>} : memref<4x128xi32, #tpu.memory_space<vmem>>, vector<1x16xi32>,
      %dma_start3A_930 = arith.constant 0 : i32
      %dma_start3A_931 = arith.constant 0 : i32
      %dma_start3A_932 = arith.constant 0 : i32
      %dma_start3A_933 = arith.constant 0 : i32
      %dma_start3A_934 = tpu.memref_slice %arg7[%dma_start3A_931, %dma_start3A_932, %dma_start3A_933] : memref<4x104x32xf32, #tpu.memory_space<vmem>> -> memref<1x104x32xf32, #tpu.memory_space<vmem>>
      %dma_start3A_935 = tpu.memref_squeeze %dma_start3A_934 : memref<1x104x32xf32, #tpu.memory_space<vmem>> -> memref<104x32xf32, #tpu.memory_space<vmem>>
      %dma_start3A_936 = arith.constant 0 : i32
      %dma_start3A_937 = tpu.memref_slice %arg6[%dma_start3A_930, %dma_start3A_936] : memref<4x128xi32, #tpu.memory_space<vmem>> -> memref<1x104xi32, #tpu.memory_space<vmem>>
      %dma_start3A_938 = tpu.memref_squeeze %dma_start3A_937 : memref<1x104xi32, #tpu.memory_space<vmem>> -> memref<104xi32, #tpu.memory_space<vmem>>
      %dma_start3A_939 = arith.constant 0 : i32
      %dma_start3A_940 = arith.constant 0 : i32
      %dma_start3A_941 = tpu.memref_slice %arg2[%dma_start3A_939, %dma_start3A_940] : memref<1000000x32xf32, #tpu.memory_space<hbm>> -> memref<1000000x32xf32, #tpu.memory_space<hbm>>
      tpu.enqueue_indirect_dma source(%dma_start3A_941 : memref<1000000x32xf32, #tpu.memory_space<hbm>>) target(%dma_start3A_935 : memref<104x32xf32, #tpu.memory_space<vmem>>) offsets(%dma_start3A_938 : memref<104xi32, #tpu.memory_space<vmem>>) semaphore(%arg12 : memref<!tpu.dma_semaphore, #tpu.memory_space<semaphore_mem>>)
      %gt3A_942 = arith.constant 0 : i32
      %gt3A_943 = arith.cmpi sgt, %add3A_633, %gt3A_942 : i32
      %convert_element_type3A_944 = arith.extui %gt3A_943 : i1 to i32
      %cond3A_945 = arith.constant 0 : i32
      %cond3A_946 = arith.cmpi ne, %convert_element_type3A_944, %cond3A_945 : i32
      scf.if %cond3A_946 {
        %dma_wait3A_2038 = arith.constant 1 : i32
        %dma_wait3A_2039 = arith.constant 1 : i32
        %dma_wait3A_2040 = arith.constant 0 : i32
        %dma_wait3A_2041 = arith.constant 0 : i32
        %dma_wait3A_2042 = tpu.memref_slice %arg7[%dma_wait3A_2039, %dma_wait3A_2040, %dma_wait3A_2041] : memref<4x104x32xf32, #tpu.memory_space<vmem>> -> memref<1x104x32xf32, #tpu.memory_space<vmem>>
        %dma_wait3A_2043 = tpu.memref_squeeze %dma_wait3A_2042 : memref<1x104x32xf32, #tpu.memory_space<vmem>> -> memref<104x32xf32, #tpu.memory_space<vmem>>
        %dma_wait3A_2044 = arith.constant 0 : i32
        %dma_wait3A_2045 = tpu.memref_slice %arg6[%dma_wait3A_2038, %dma_wait3A_2044] : memref<4x128xi32, #tpu.memory_space<vmem>> -> memref<1x104xi32, #tpu.memory_space<vmem>>
        %dma_wait3A_2046 = tpu.memref_squeeze %dma_wait3A_2045 : memref<1x104xi32, #tpu.memory_space<vmem>> -> memref<104xi32, #tpu.memory_space<vmem>>
        %dma_wait3A_2047 = arith.constant 0 : i32
        %dma_wait3A_2048 = arith.constant 0 : i32
        %dma_wait3A_2049 = tpu.memref_slice %arg2[%dma_wait3A_2047, %dma_wait3A_2048] : memref<1000000x32xf32, #tpu.memory_space<hbm>> -> memref<1000000x32xf32, #tpu.memory_space<hbm>>
        tpu.wait_indirect_dma semaphore(%arg13 : memref<!tpu.dma_semaphore, #tpu.memory_space<semaphore_mem>>) src(%dma_wait3A_2049 : memref<1000000x32xf32, #tpu.memory_space<hbm>>) dst(%dma_wait3A_2043 : memref<104x32xf32, #tpu.memory_space<vmem>>)
        %sub3A_2050 = arith.constant 3 : i32
        %sub3A_2051 = arith.subi %add3A_637, %sub3A_2050 : i32
        %mul3A_2052 = arith.constant 4 : i32
        %mul3A_2053 = arith.muli %sub3A_2051, %mul3A_2052 : i32
        %add3A_2054 = arith.addi %mul3A_6, %mul3A_2053 : i32
        %add3A_2055 = arith.constant 0 : i32
        %add3A_2056 = arith.addi %add3A_2054, %add3A_2055 : i32
        %dma_start3A_2057 = arith.constant 1 : i32
        %dma_start3A_2058 = arith.constant 0 : i32
        %dma_start3A_2059 = arith.constant 0 : i32
        %dma_start3A_2060 = tpu.memref_slice %arg7[%dma_start3A_2057, %dma_start3A_2058, %dma_start3A_2059] : memref<4x104x32xf32, #tpu.memory_space<vmem>> -> memref<1x26x32xf32, #tpu.memory_space<vmem>>
        %dma_start3A_2061 = tpu.memref_squeeze %dma_start3A_2060 : memref<1x26x32xf32, #tpu.memory_space<vmem>> -> memref<26x32xf32, #tpu.memory_space<vmem>>
        %dma_start3A_2062 = arith.constant 0 : i32
        %dma_start3A_2063 = arith.constant 0 : i32
        %dma_start3A_2064 = tpu.memref_slice %arg4[%add3A_2056, %dma_start3A_2062, %dma_start3A_2063] : memref<16384x32x128xf32, #tpu.memory_space<hbm>> -> memref<1x26x32xf32, #tpu.memory_space<hbm>>
        %dma_start3A_2065 = tpu.memref_squeeze %dma_start3A_2064 : memref<1x26x32xf32, #tpu.memory_space<hbm>> -> memref<26x32xf32, #tpu.memory_space<hbm>>
        %dma_start3A_2066 = arith.constant 0 : i32
        %dma_start3A_2067 = arith.constant 0 : i32
        %dma_start3A_2068 = tpu.memref_slice %arg4[%add3A_2056, %dma_start3A_2066, %dma_start3A_2067] : memref<16384x32x128xf32, #tpu.memory_space<hbm>> -> memref<1x26x32xf32, #tpu.memory_space<hbm>>
        %dma_start3A_2069 = tpu.memref_squeeze %dma_start3A_2068 : memref<1x26x32xf32, #tpu.memory_space<hbm>> -> memref<26x32xf32, #tpu.memory_space<hbm>>
        %dma_start3A_2070 = arith.constant 0 : i32
        %dma_start3A_2071 = arith.constant 0 : i32
        %dma_start3A_2072 = tpu.memref_slice %arg7[%dma_start3A_2057, %dma_start3A_2070, %dma_start3A_2071] : memref<4x104x32xf32, #tpu.memory_space<vmem>> -> memref<1x26x32xf32, #tpu.memory_space<vmem>>
        %dma_start3A_2073 = tpu.memref_squeeze %dma_start3A_2072 : memref<1x26x32xf32, #tpu.memory_space<vmem>> -> memref<26x32xf32, #tpu.memory_space<vmem>>
        tpu.enqueue_dma source(%dma_start3A_2073 : memref<26x32xf32, #tpu.memory_space<vmem>>) target(%dma_start3A_2069 : memref<26x32xf32, #tpu.memory_space<hbm>>) target_semaphore(%arg17 : memref<!tpu.dma_semaphore, #tpu.memory_space<semaphore_mem>>)
        %mul3A_2074 = arith.constant 4 : i32
        %mul3A_2075 = arith.muli %sub3A_2051, %mul3A_2074 : i32
        %add3A_2076 = arith.addi %mul3A_6, %mul3A_2075 : i32
        %add3A_2077 = arith.constant 1 : i32
        %add3A_2078 = arith.addi %add3A_2076, %add3A_2077 : i32
        %dma_start3A_2079 = arith.constant 1 : i32
        %dma_start3A_2080 = arith.constant 26 : i32
        %dma_start3A_2081 = arith.constant 0 : i32
        %dma_start3A_2082 = tpu.memref_slice %arg7[%dma_start3A_2079, %dma_start3A_2080, %dma_start3A_2081] : memref<4x104x32xf32, #tpu.memory_space<vmem>> -> memref<1x26x32xf32, #tpu.memory_space<vmem>>
        %dma_start3A_2083 = tpu.memref_squeeze %dma_start3A_2082 : memref<1x26x32xf32, #tpu.memory_space<vmem>> -> memref<26x32xf32, #tpu.memory_space<vmem>>
        %dma_start3A_2084 = arith.constant 0 : i32
        %dma_start3A_2085 = arith.constant 0 : i32
        %dma_start3A_2086 = tpu.memref_slice %arg4[%add3A_2078, %dma_start3A_2084, %dma_start3A_2085] : memref<16384x32x128xf32, #tpu.memory_space<hbm>> -> memref<1x26x32xf32, #tpu.memory_space<hbm>>
        %dma_start3A_2087 = tpu.memref_squeeze %dma_start3A_2086 : memref<1x26x32xf32, #tpu.memory_space<hbm>> -> memref<26x32xf32, #tpu.memory_space<hbm>>
        %dma_start3A_2088 = arith.constant 0 : i32
        %dma_start3A_2089 = arith.constant 0 : i32
        %dma_start3A_2090 = tpu.memref_slice %arg4[%add3A_2078, %dma_start3A_2088, %dma_start3A_2089] : memref<16384x32x128xf32, #tpu.memory_space<hbm>> -> memref<1x26x32xf32, #tpu.memory_space<hbm>>
        %dma_start3A_2091 = tpu.memref_squeeze %dma_start3A_2090 : memref<1x26x32xf32, #tpu.memory_space<hbm>> -> memref<26x32xf32, #tpu.memory_space<hbm>>
        %dma_start3A_2092 = arith.constant 26 : i32
        %dma_start3A_2093 = arith.constant 0 : i32
        %dma_start3A_2094 = tpu.memref_slice %arg7[%dma_start3A_2079, %dma_start3A_2092, %dma_start3A_2093] : memref<4x104x32xf32, #tpu.memory_space<vmem>> -> memref<1x26x32xf32, #tpu.memory_space<vmem>>
        %dma_start3A_2095 = tpu.memref_squeeze %dma_start3A_2094 : memref<1x26x32xf32, #tpu.memory_space<vmem>> -> memref<26x32xf32, #tpu.memory_space<vmem>>
        tpu.enqueue_dma source(%dma_start3A_2095 : memref<26x32xf32, #tpu.memory_space<vmem>>) target(%dma_start3A_2091 : memref<26x32xf32, #tpu.memory_space<hbm>>) target_semaphore(%arg17 : memref<!tpu.dma_semaphore, #tpu.memory_space<semaphore_mem>>)
        %mul3A_2096 = arith.constant 4 : i32
        %mul3A_2097 = arith.muli %sub3A_2051, %mul3A_2096 : i32
        %add3A_2098 = arith.addi %mul3A_6, %mul3A_2097 : i32
        %add3A_2099 = arith.constant 2 : i32
        %add3A_2100 = arith.addi %add3A_2098, %add3A_2099 : i32
        %dma_start3A_2101 = arith.constant 1 : i32
        %dma_start3A_2102 = arith.constant 52 : i32
        %dma_start3A_2103 = arith.constant 0 : i32
        %dma_start3A_2104 = tpu.memref_slice %arg7[%dma_start3A_2101, %dma_start3A_2102, %dma_start3A_2103] : memref<4x104x32xf32, #tpu.memory_space<vmem>> -> memref<1x26x32xf32, #tpu.memory_space<vmem>>
        %dma_start3A_2105 = tpu.memref_squeeze %dma_start3A_2104 : memref<1x26x32xf32, #tpu.memory_space<vmem>> -> memref<26x32xf32, #tpu.memory_space<vmem>>
        %dma_start3A_2106 = arith.constant 0 : i32
        %dma_start3A_2107 = arith.constant 0 : i32
        %dma_start3A_2108 = tpu.memref_slice %arg4[%add3A_2100, %dma_start3A_2106, %dma_start3A_2107] : memref<16384x32x128xf32, #tpu.memory_space<hbm>> -> memref<1x26x32xf32, #tpu.memory_space<hbm>>
        %dma_start3A_2109 = tpu.memref_squeeze %dma_start3A_2108 : memref<1x26x32xf32, #tpu.memory_space<hbm>> -> memref<26x32xf32, #tpu.memory_space<hbm>>
        %dma_start3A_2110 = arith.constant 0 : i32
        %dma_start3A_2111 = arith.constant 0 : i32
        %dma_start3A_2112 = tpu.memref_slice %arg4[%add3A_2100, %dma_start3A_2110, %dma_start3A_2111] : memref<16384x32x128xf32, #tpu.memory_space<hbm>> -> memref<1x26x32xf32, #tpu.memory_space<hbm>>
        %dma_start3A_2113 = tpu.memref_squeeze %dma_start3A_2112 : memref<1x26x32xf32, #tpu.memory_space<hbm>> -> memref<26x32xf32, #tpu.memory_space<hbm>>
        %dma_start3A_2114 = arith.constant 52 : i32
        %dma_start3A_2115 = arith.constant 0 : i32
        %dma_start3A_2116 = tpu.memref_slice %arg7[%dma_start3A_2101, %dma_start3A_2114, %dma_start3A_2115] : memref<4x104x32xf32, #tpu.memory_space<vmem>> -> memref<1x26x32xf32, #tpu.memory_space<vmem>>
        %dma_start3A_2117 = tpu.memref_squeeze %dma_start3A_2116 : memref<1x26x32xf32, #tpu.memory_space<vmem>> -> memref<26x32xf32, #tpu.memory_space<vmem>>
        tpu.enqueue_dma source(%dma_start3A_2117 : memref<26x32xf32, #tpu.memory_space<vmem>>) target(%dma_start3A_2113 : memref<26x32xf32, #tpu.memory_space<hbm>>) target_semaphore(%arg17 : memref<!tpu.dma_semaphore, #tpu.memory_space<semaphore_mem>>)
        %mul3A_2118 = arith.constant 4 : i32
        %mul3A_2119 = arith.muli %sub3A_2051, %mul3A_2118 : i32
        %add3A_2120 = arith.addi %mul3A_6, %mul3A_2119 : i32
        %add3A_2121 = arith.constant 3 : i32
        %add3A_2122 = arith.addi %add3A_2120, %add3A_2121 : i32
        %dma_start3A_2123 = arith.constant 1 : i32
        %dma_start3A_2124 = arith.constant 78 : i32
        %dma_start3A_2125 = arith.constant 0 : i32
        %dma_start3A_2126 = tpu.memref_slice %arg7[%dma_start3A_2123, %dma_start3A_2124, %dma_start3A_2125] : memref<4x104x32xf32, #tpu.memory_space<vmem>> -> memref<1x26x32xf32, #tpu.memory_space<vmem>>
        %dma_start3A_2127 = tpu.memref_squeeze %dma_start3A_2126 : memref<1x26x32xf32, #tpu.memory_space<vmem>> -> memref<26x32xf32, #tpu.memory_space<vmem>>
        %dma_start3A_2128 = arith.constant 0 : i32
        %dma_start3A_2129 = arith.constant 0 : i32
        %dma_start3A_2130 = tpu.memref_slice %arg4[%add3A_2122, %dma_start3A_2128, %dma_start3A_2129] : memref<16384x32x128xf32, #tpu.memory_space<hbm>> -> memref<1x26x32xf32, #tpu.memory_space<hbm>>
        %dma_start3A_2131 = tpu.memref_squeeze %dma_start3A_2130 : memref<1x26x32xf32, #tpu.memory_space<hbm>> -> memref<26x32xf32, #tpu.memory_space<hbm>>
        %dma_start3A_2132 = arith.constant 0 : i32
        %dma_start3A_2133 = arith.constant 0 : i32
        %dma_start3A_2134 = tpu.memref_slice %arg4[%add3A_2122, %dma_start3A_2132, %dma_start3A_2133] : memref<16384x32x128xf32, #tpu.memory_space<hbm>> -> memref<1x26x32xf32, #tpu.memory_space<hbm>>
        %dma_start3A_2135 = tpu.memref_squeeze %dma_start3A_2134 : memref<1x26x32xf32, #tpu.memory_space<hbm>> -> memref<26x32xf32, #tpu.memory_space<hbm>>
        %dma_start3A_2136 = arith.constant 78 : i32
        %dma_start3A_2137 = arith.constant 0 : i32
        %dma_start3A_2138 = tpu.memref_slice %arg7[%dma_start3A_2123, %dma_start3A_2136, %dma_start3A_2137] : memref<4x104x32xf32, #tpu.memory_space<vmem>> -> memref<1x26x32xf32, #tpu.memory_space<vmem>>
        %dma_start3A_2139 = tpu.memref_squeeze %dma_start3A_2138 : memref<1x26x32xf32, #tpu.memory_space<vmem>> -> memref<26x32xf32, #tpu.memory_space<vmem>>
        tpu.enqueue_dma source(%dma_start3A_2139 : memref<26x32xf32, #tpu.memory_space<vmem>>) target(%dma_start3A_2135 : memref<26x32xf32, #tpu.memory_space<hbm>>) target_semaphore(%arg17 : memref<!tpu.dma_semaphore, #tpu.memory_space<semaphore_mem>>)
      } else {
      }
      %lt3A_947 = arith.constant 31 : i32
      %lt3A_948 = arith.cmpi slt, %add3A_633, %lt3A_947 : i32
      %convert_element_type3A_949 = arith.extui %lt3A_948 : i1 to i32
      %cond3A_950 = arith.constant 0 : i32
      %cond3A_951 = arith.cmpi ne, %convert_element_type3A_949, %cond3A_950 : i32
      scf.if %cond3A_951 {
        %add3A_2038 = arith.constant 4 : i32
        %add3A_2039 = arith.addi %add3A_637, %add3A_2038 : i32
        %mul3A_2040 = arith.constant 104 : i32
        %mul3A_2041 = arith.muli %add3A_2039, %mul3A_2040 : i32
        %add3A_2042 = arith.addi %mul3A_4, %mul3A_2041 : i32
        %dma_start3A_2043 = arith.constant 0 : i32
        %dma_start3A_2044 = arith.constant 0 : i32
        %dma_start3A_2045 = tpu.memref_slice %arg5[%dma_start3A_2043, %dma_start3A_2044] : memref<4x128xi32, #tpu.memory_space<vmem>> -> memref<1x104xi32, #tpu.memory_space<vmem>>
        %dma_start3A_2046 = tpu.memref_squeeze %dma_start3A_2045 : memref<1x104xi32, #tpu.memory_space<vmem>> -> memref<104xi32, #tpu.memory_space<vmem>>
        %dma_start3A_2047 = tpu.memref_slice %arg3[%add3A_2042] : memref<425984xi32, #tpu.memory_space<hbm>> -> memref<104xi32, #tpu.memory_space<hbm>>
        %dma_start3A_2048 = arith.constant 0 : i32
        %dma_start3A_2049 = tpu.memref_slice %arg5[%dma_start3A_2043, %dma_start3A_2048] : memref<4x128xi32, #tpu.memory_space<vmem>> -> memref<1x104xi32, #tpu.memory_space<vmem>>
        %dma_start3A_2050 = tpu.memref_squeeze %dma_start3A_2049 : memref<1x104xi32, #tpu.memory_space<vmem>> -> memref<104xi32, #tpu.memory_space<vmem>>
        %dma_start3A_2051 = tpu.memref_slice %arg3[%add3A_2042] : memref<425984xi32, #tpu.memory_space<hbm>> -> memref<104xi32, #tpu.memory_space<hbm>>
        tpu.enqueue_dma source(%dma_start3A_2051 : memref<104xi32, #tpu.memory_space<hbm>>) target(%dma_start3A_2050 : memref<104xi32, #tpu.memory_space<vmem>>) target_semaphore(%arg8 : memref<!tpu.dma_semaphore, #tpu.memory_space<semaphore_mem>>)
      } else {
      }
      %mul3A_952 = arith.constant 4 : i32
      %mul3A_953 = arith.muli %add3A_633, %mul3A_952 : i32
      %add3A_954 = arith.constant 1 : i32
      %add3A_955 = arith.addi %mul3A_953, %add3A_954 : i32
      %gt3A_956 = arith.constant 0 : i32
      %gt3A_957 = arith.cmpi sgt, %add3A_633, %gt3A_956 : i32
      %convert_element_type3A_958 = arith.extui %gt3A_957 : i1 to i32
      %cond3A_959 = arith.constant 0 : i32
      %cond3A_960 = arith.cmpi ne, %convert_element_type3A_958, %cond3A_959 : i32
      scf.if %cond3A_960 {
        %dma_wait3A_2038 = arith.constant 1 : i32
        %dma_wait3A_2039 = arith.constant 0 : i32
        %dma_wait3A_2040 = arith.constant 0 : i32
        %dma_wait3A_2041 = arith.constant 0 : i32
        %dma_wait3A_2042 = tpu.memref_slice %arg7[%dma_wait3A_2038, %dma_wait3A_2040, %dma_wait3A_2041] : memref<4x104x32xf32, #tpu.memory_space<vmem>> -> memref<1x26x32xf32, #tpu.memory_space<vmem>>
        %dma_wait3A_2043 = tpu.memref_squeeze %dma_wait3A_2042 : memref<1x26x32xf32, #tpu.memory_space<vmem>> -> memref<26x32xf32, #tpu.memory_space<vmem>>
        %dma_wait3A_2044 = arith.constant 0 : i32
        %dma_wait3A_2045 = arith.constant 0 : i32
        %dma_wait3A_2046 = tpu.memref_slice %arg4[%dma_wait3A_2039, %dma_wait3A_2044, %dma_wait3A_2045] : memref<16384x32x128xf32, #tpu.memory_space<hbm>> -> memref<1x26x32xf32, #tpu.memory_space<hbm>>
        %dma_wait3A_2047 = tpu.memref_squeeze %dma_wait3A_2046 : memref<1x26x32xf32, #tpu.memory_space<hbm>> -> memref<26x32xf32, #tpu.memory_space<hbm>>
        %dma_wait3A_2048 = arith.constant 0 : i32
        %dma_wait3A_2049 = arith.constant 0 : i32
        %dma_wait3A_2050 = tpu.memref_slice %arg4[%dma_wait3A_2039, %dma_wait3A_2048, %dma_wait3A_2049] : memref<16384x32x128xf32, #tpu.memory_space<hbm>> -> memref<1x26x32xf32, #tpu.memory_space<hbm>>
        %dma_wait3A_2051 = tpu.memref_squeeze %dma_wait3A_2050 : memref<1x26x32xf32, #tpu.memory_space<hbm>> -> memref<26x32xf32, #tpu.memory_space<hbm>>
        %dma_wait3A_2052 = arith.constant 0 : i32
        %dma_wait3A_2053 = arith.constant 0 : i32
        %dma_wait3A_2054 = tpu.memref_slice %arg7[%dma_wait3A_2038, %dma_wait3A_2052, %dma_wait3A_2053] : memref<4x104x32xf32, #tpu.memory_space<vmem>> -> memref<1x26x32xf32, #tpu.memory_space<vmem>>
        %dma_wait3A_2055 = tpu.memref_squeeze %dma_wait3A_2054 : memref<1x26x32xf32, #tpu.memory_space<vmem>> -> memref<26x32xf32, #tpu.memory_space<vmem>>
        tpu.wait_dma2 semaphore(%arg17 : memref<!tpu.dma_semaphore, #tpu.memory_space<semaphore_mem>>) src(%dma_wait3A_2055 : memref<26x32xf32, #tpu.memory_space<vmem>>) dst(%dma_wait3A_2051 : memref<26x32xf32, #tpu.memory_space<hbm>>)
        %dma_wait3A_2056 = arith.constant 1 : i32
        %dma_wait3A_2057 = arith.constant 1 : i32
        %dma_wait3A_2058 = arith.constant 26 : i32
        %dma_wait3A_2059 = arith.constant 0 : i32
        %dma_wait3A_2060 = tpu.memref_slice %arg7[%dma_wait3A_2056, %dma_wait3A_2058, %dma_wait3A_2059] : memref<4x104x32xf32, #tpu.memory_space<vmem>> -> memref<1x26x32xf32, #tpu.memory_space<vmem>>
        %dma_wait3A_2061 = tpu.memref_squeeze %dma_wait3A_2060 : memref<1x26x32xf32, #tpu.memory_space<vmem>> -> memref<26x32xf32, #tpu.memory_space<vmem>>
        %dma_wait3A_2062 = arith.constant 0 : i32
        %dma_wait3A_2063 = arith.constant 0 : i32
        %dma_wait3A_2064 = tpu.memref_slice %arg4[%dma_wait3A_2057, %dma_wait3A_2062, %dma_wait3A_2063] : memref<16384x32x128xf32, #tpu.memory_space<hbm>> -> memref<1x26x32xf32, #tpu.memory_space<hbm>>
        %dma_wait3A_2065 = tpu.memref_squeeze %dma_wait3A_2064 : memref<1x26x32xf32, #tpu.memory_space<hbm>> -> memref<26x32xf32, #tpu.memory_space<hbm>>
        %dma_wait3A_2066 = arith.constant 0 : i32
        %dma_wait3A_2067 = arith.constant 0 : i32
        %dma_wait3A_2068 = tpu.memref_slice %arg4[%dma_wait3A_2057, %dma_wait3A_2066, %dma_wait3A_2067] : memref<16384x32x128xf32, #tpu.memory_space<hbm>> -> memref<1x26x32xf32, #tpu.memory_space<hbm>>
        %dma_wait3A_2069 = tpu.memref_squeeze %dma_wait3A_2068 : memref<1x26x32xf32, #tpu.memory_space<hbm>> -> memref<26x32xf32, #tpu.memory_space<hbm>>
        %dma_wait3A_2070 = arith.constant 26 : i32
        %dma_wait3A_2071 = arith.constant 0 : i32
        %dma_wait3A_2072 = tpu.memref_slice %arg7[%dma_wait3A_2056, %dma_wait3A_2070, %dma_wait3A_2071] : memref<4x104x32xf32, #tpu.memory_space<vmem>> -> memref<1x26x32xf32, #tpu.memory_space<vmem>>
        %dma_wait3A_2073 = tpu.memref_squeeze %dma_wait3A_2072 : memref<1x26x32xf32, #tpu.memory_space<vmem>> -> memref<26x32xf32, #tpu.memory_space<vmem>>
        tpu.wait_dma2 semaphore(%arg17 : memref<!tpu.dma_semaphore, #tpu.memory_space<semaphore_mem>>) src(%dma_wait3A_2073 : memref<26x32xf32, #tpu.memory_space<vmem>>) dst(%dma_wait3A_2069 : memref<26x32xf32, #tpu.memory_space<hbm>>)
        %dma_wait3A_2074 = arith.constant 1 : i32
        %dma_wait3A_2075 = arith.constant 2 : i32
        %dma_wait3A_2076 = arith.constant 52 : i32
        %dma_wait3A_2077 = arith.constant 0 : i32
        %dma_wait3A_2078 = tpu.memref_slice %arg7[%dma_wait3A_2074, %dma_wait3A_2076, %dma_wait3A_2077] : memref<4x104x32xf32, #tpu.memory_space<vmem>> -> memref<1x26x32xf32, #tpu.memory_space<vmem>>
        %dma_wait3A_2079 = tpu.memref_squeeze %dma_wait3A_2078 : memref<1x26x32xf32, #tpu.memory_space<vmem>> -> memref<26x32xf32, #tpu.memory_space<vmem>>
        %dma_wait3A_2080 = arith.constant 0 : i32
        %dma_wait3A_2081 = arith.constant 0 : i32
        %dma_wait3A_2082 = tpu.memref_slice %arg4[%dma_wait3A_2075, %dma_wait3A_2080, %dma_wait3A_2081] : memref<16384x32x128xf32, #tpu.memory_space<hbm>> -> memref<1x26x32xf32, #tpu.memory_space<hbm>>
        %dma_wait3A_2083 = tpu.memref_squeeze %dma_wait3A_2082 : memref<1x26x32xf32, #tpu.memory_space<hbm>> -> memref<26x32xf32, #tpu.memory_space<hbm>>
        %dma_wait3A_2084 = arith.constant 0 : i32
        %dma_wait3A_2085 = arith.constant 0 : i32
        %dma_wait3A_2086 = tpu.memref_slice %arg4[%dma_wait3A_2075, %dma_wait3A_2084, %dma_wait3A_2085] : memref<16384x32x128xf32, #tpu.memory_space<hbm>> -> memref<1x26x32xf32, #tpu.memory_space<hbm>>
        %dma_wait3A_2087 = tpu.memref_squeeze %dma_wait3A_2086 : memref<1x26x32xf32, #tpu.memory_space<hbm>> -> memref<26x32xf32, #tpu.memory_space<hbm>>
        %dma_wait3A_2088 = arith.constant 52 : i32
        %dma_wait3A_2089 = arith.constant 0 : i32
        %dma_wait3A_2090 = tpu.memref_slice %arg7[%dma_wait3A_2074, %dma_wait3A_2088, %dma_wait3A_2089] : memref<4x104x32xf32, #tpu.memory_space<vmem>> -> memref<1x26x32xf32, #tpu.memory_space<vmem>>
        %dma_wait3A_2091 = tpu.memref_squeeze %dma_wait3A_2090 : memref<1x26x32xf32, #tpu.memory_space<vmem>> -> memref<26x32xf32, #tpu.memory_space<vmem>>
        tpu.wait_dma2 semaphore(%arg17 : memref<!tpu.dma_semaphore, #tpu.memory_space<semaphore_mem>>) src(%dma_wait3A_2091 : memref<26x32xf32, #tpu.memory_space<vmem>>) dst(%dma_wait3A_2087 : memref<26x32xf32, #tpu.memory_space<hbm>>)
        %dma_wait3A_2092 = arith.constant 1 : i32
        %dma_wait3A_2093 = arith.constant 3 : i32
        %dma_wait3A_2094 = arith.constant 78 : i32
        %dma_wait3A_2095 = arith.constant 0 : i32
        %dma_wait3A_2096 = tpu.memref_slice %arg7[%dma_wait3A_2092, %dma_wait3A_2094, %dma_wait3A_2095] : memref<4x104x32xf32, #tpu.memory_space<vmem>> -> memref<1x26x32xf32, #tpu.memory_space<vmem>>
        %dma_wait3A_2097 = tpu.memref_squeeze %dma_wait3A_2096 : memref<1x26x32xf32, #tpu.memory_space<vmem>> -> memref<26x32xf32, #tpu.memory_space<vmem>>
        %dma_wait3A_2098 = arith.constant 0 : i32
        %dma_wait3A_2099 = arith.constant 0 : i32
        %dma_wait3A_2100 = tpu.memref_slice %arg4[%dma_wait3A_2093, %dma_wait3A_2098, %dma_wait3A_2099] : memref<16384x32x128xf32, #tpu.memory_space<hbm>> -> memref<1x26x32xf32, #tpu.memory_space<hbm>>
        %dma_wait3A_2101 = tpu.memref_squeeze %dma_wait3A_2100 : memref<1x26x32xf32, #tpu.memory_space<hbm>> -> memref<26x32xf32, #tpu.memory_space<hbm>>
        %dma_wait3A_2102 = arith.constant 0 : i32
        %dma_wait3A_2103 = arith.constant 0 : i32
        %dma_wait3A_2104 = tpu.memref_slice %arg4[%dma_wait3A_2093, %dma_wait3A_2102, %dma_wait3A_2103] : memref<16384x32x128xf32, #tpu.memory_space<hbm>> -> memref<1x26x32xf32, #tpu.memory_space<hbm>>
        %dma_wait3A_2105 = tpu.memref_squeeze %dma_wait3A_2104 : memref<1x26x32xf32, #tpu.memory_space<hbm>> -> memref<26x32xf32, #tpu.memory_space<hbm>>
        %dma_wait3A_2106 = arith.constant 78 : i32
        %dma_wait3A_2107 = arith.constant 0 : i32
        %dma_wait3A_2108 = tpu.memref_slice %arg7[%dma_wait3A_2092, %dma_wait3A_2106, %dma_wait3A_2107] : memref<4x104x32xf32, #tpu.memory_space<vmem>> -> memref<1x26x32xf32, #tpu.memory_space<vmem>>
        %dma_wait3A_2109 = tpu.memref_squeeze %dma_wait3A_2108 : memref<1x26x32xf32, #tpu.memory_space<vmem>> -> memref<26x32xf32, #tpu.memory_space<vmem>>
        tpu.wait_dma2 semaphore(%arg17 : memref<!tpu.dma_semaphore, #tpu.memory_space<semaphore_mem>>) src(%dma_wait3A_2109 : memref<26x32xf32, #tpu.memory_space<vmem>>) dst(%dma_wait3A_2105 : memref<26x32xf32, #tpu.memory_space<hbm>>)
      } else {
      }
      %dma_wait3A_961 = arith.constant 1 : i32
      %dma_wait3A_962 = arith.constant 0 : i32
      %dma_wait3A_963 = tpu.memref_slice %arg5[%dma_wait3A_961, %dma_wait3A_962] : memref<4x128xi32, #tpu.memory_space<vmem>> -> memref<1x104xi32, #tpu.memory_space<vmem>>
      %dma_wait3A_964 = tpu.memref_squeeze %dma_wait3A_963 : memref<1x104xi32, #tpu.memory_space<vmem>> -> memref<104xi32, #tpu.memory_space<vmem>>
      %dma_wait3A_965 = arith.constant 0 : i32
      %dma_wait3A_966 = tpu.memref_slice %arg3[%dma_wait3A_965] : memref<425984xi32, #tpu.memory_space<hbm>> -> memref<104xi32, #tpu.memory_space<hbm>>
      %dma_wait3A_967 = arith.constant 0 : i32
      %dma_wait3A_968 = tpu.memref_slice %arg5[%dma_wait3A_961, %dma_wait3A_967] : memref<4x128xi32, #tpu.memory_space<vmem>> -> memref<1x104xi32, #tpu.memory_space<vmem>>
      %dma_wait3A_969 = tpu.memref_squeeze %dma_wait3A_968 : memref<1x104xi32, #tpu.memory_space<vmem>> -> memref<104xi32, #tpu.memory_space<vmem>>
      %dma_wait3A_970 = arith.constant 0 : i32
      %dma_wait3A_971 = tpu.memref_slice %arg3[%dma_wait3A_970] : memref<425984xi32, #tpu.memory_space<hbm>> -> memref<104xi32, #tpu.memory_space<hbm>>
      tpu.wait_dma2 semaphore(%arg9 : memref<!tpu.dma_semaphore, #tpu.memory_space<semaphore_mem>>) src(%dma_wait3A_971 : memref<104xi32, #tpu.memory_space<hbm>>) dst(%dma_wait3A_969 : memref<104xi32, #tpu.memory_space<vmem>>)
      %get3A_972 = arith.constant 1 : i32
      %get3A_973 = arith.index_cast %get3A_972 : i32 to index
      %get3A_974 = arith.constant 0 : index
      %get3A_975 = tpu.vector_load %arg5[%get3A_973, %get3A_974] {strides = array<i32>} : memref<4x128xi32, #tpu.memory_space<vmem>>, vector<1x16xi32>,
      %get3A_976 = vector.shape_cast %get3A_975 : vector<1x16xi32> to vector<16xi32>
      %mul3A_977 = arith.constant -1640531535 : i32
      %mul3A_978 = vector.broadcast %mul3A_977 : i32 to vector<16xi32>
      %mul3A_979 = arith.muli %get3A_976, %mul3A_978 : vector<16xi32>
      %jit3A_980 = arith.constant 1000000 : i32
      %eq3A_981 = arith.constant 0 : i32
      %eq3A_982 = arith.cmpi eq, %jit3A_980, %eq3A_981 : i32
      %jit3A_983 = arith.constant 1 : i32
      %select_n3A_984 = arith.select %eq3A_982, %jit3A_983, %jit3A_980 : i32
      %rem3A_985 = vector.broadcast %select_n3A_984 : i32 to vector<16xi32>
      %rem3A_986 = arith.remui %mul3A_979, %rem3A_985 : vector<16xi32>
      %ne3A_987 = arith.constant 0 : i32
      %ne3A_988 = vector.broadcast %ne3A_987 : i32 to vector<16xi32>
      %ne3A_989 = arith.cmpi ne, %rem3A_986, %ne3A_988 : vector<16xi32>
      %lt3A_990 = arith.constant 0 : i32
      %lt3A_991 = vector.broadcast %lt3A_990 : i32 to vector<16xi32>
      %lt3A_992 = arith.cmpi ult, %rem3A_986, %lt3A_991 : vector<16xi32>
      %lt3A_993 = arith.constant 0 : i32
      %lt3A_994 = arith.cmpi ult, %select_n3A_984, %lt3A_993 : i32
      %ne3A_995 = vector.broadcast %lt3A_994 : i1 to vector<16xi1>
      %ne3A_996 = vector.broadcast %ne3A_995 : vector<16xi1> to vector<16xi1>
      %ne3A_997 = arith.xori %lt3A_992, %ne3A_996 : vector<16xi1>
      %and3A_998 = arith.andi %ne3A_997, %ne3A_989 : vector<16xi1>
      %add3A_999 = vector.broadcast %select_n3A_984 : i32 to vector<16xi32>
      %add3A_1000 = arith.addi %rem3A_986, %add3A_999 : vector<16xi32>
      %select_n3A_1001 = arith.select %and3A_998, %add3A_1000, %rem3A_986 : vector<16xi1>, vector<16xi32>
      %swap3A_1002 = arith.constant 1 : i32
      %swap3A_1003 = arith.index_cast %swap3A_1002 : i32 to index
      %swap3A_1004 = arith.constant 0 : index
      %swap3A_1005 = tpu.vector_load %arg6[%swap3A_1003, %swap3A_1004] {strides = array<i32>} : memref<4x128xi32, #tpu.memory_space<vmem>>, vector<1x16xi32>,
      %swap3A_1006 = vector.shape_cast %swap3A_1005 : vector<1x16xi32> to vector<16xi32>
      %swap3A_1007 = vector.shape_cast %select_n3A_1001 : vector<16xi32> to vector<1x16xi32>
      tpu.vector_store %arg6[%swap3A_1003, %swap3A_1004], %swap3A_1007 {strides = array<i32>} : memref<4x128xi32, #tpu.memory_space<vmem>>, vector<1x16xi32>,
      %get3A_1008 = arith.constant 1 : i32
      %get3A_1009 = arith.index_cast %get3A_1008 : i32 to index
      %get3A_1010 = arith.constant 16 : index
      %get3A_1011 = tpu.vector_load %arg5[%get3A_1009, %get3A_1010] {strides = array<i32>} : memref<4x128xi32, #tpu.memory_space<vmem>>, vector<1x16xi32>,
      %get3A_1012 = vector.shape_cast %get3A_1011 : vector<1x16xi32> to vector<16xi32>
      %mul3A_1013 = arith.constant -1640531535 : i32
      %mul3A_1014 = vector.broadcast %mul3A_1013 : i32 to vector<16xi32>
      %mul3A_1015 = arith.muli %get3A_1012, %mul3A_1014 : vector<16xi32>
      %jit3A_1016 = arith.constant 1000000 : i32
      %eq3A_1017 = arith.constant 0 : i32
      %eq3A_1018 = arith.cmpi eq, %jit3A_1016, %eq3A_1017 : i32
      %jit3A_1019 = arith.constant 1 : i32
      %select_n3A_1020 = arith.select %eq3A_1018, %jit3A_1019, %jit3A_1016 : i32
      %rem3A_1021 = vector.broadcast %select_n3A_1020 : i32 to vector<16xi32>
      %rem3A_1022 = arith.remui %mul3A_1015, %rem3A_1021 : vector<16xi32>
      %ne3A_1023 = arith.constant 0 : i32
      %ne3A_1024 = vector.broadcast %ne3A_1023 : i32 to vector<16xi32>
      %ne3A_1025 = arith.cmpi ne, %rem3A_1022, %ne3A_1024 : vector<16xi32>
      %lt3A_1026 = arith.constant 0 : i32
      %lt3A_1027 = vector.broadcast %lt3A_1026 : i32 to vector<16xi32>
      %lt3A_1028 = arith.cmpi ult, %rem3A_1022, %lt3A_1027 : vector<16xi32>
      %lt3A_1029 = arith.constant 0 : i32
      %lt3A_1030 = arith.cmpi ult, %select_n3A_1020, %lt3A_1029 : i32
      %ne3A_1031 = vector.broadcast %lt3A_1030 : i1 to vector<16xi1>
      %ne3A_1032 = vector.broadcast %ne3A_1031 : vector<16xi1> to vector<16xi1>
      %ne3A_1033 = arith.xori %lt3A_1028, %ne3A_1032 : vector<16xi1>
      %and3A_1034 = arith.andi %ne3A_1033, %ne3A_1025 : vector<16xi1>
      %add3A_1035 = vector.broadcast %select_n3A_1020 : i32 to vector<16xi32>
      %add3A_1036 = arith.addi %rem3A_1022, %add3A_1035 : vector<16xi32>
      %select_n3A_1037 = arith.select %and3A_1034, %add3A_1036, %rem3A_1022 : vector<16xi1>, vector<16xi32>
      %swap3A_1038 = arith.constant 1 : i32
      %swap3A_1039 = arith.index_cast %swap3A_1038 : i32 to index
      %swap3A_1040 = arith.constant 16 : index
      %swap3A_1041 = tpu.vector_load %arg6[%swap3A_1039, %swap3A_1040] {strides = array<i32>} : memref<4x128xi32, #tpu.memory_space<vmem>>, vector<1x16xi32>,
      %swap3A_1042 = vector.shape_cast %swap3A_1041 : vector<1x16xi32> to vector<16xi32>
      %swap3A_1043 = vector.shape_cast %select_n3A_1037 : vector<16xi32> to vector<1x16xi32>
      tpu.vector_store %arg6[%swap3A_1039, %swap3A_1040], %swap3A_1043 {strides = array<i32>} : memref<4x128xi32, #tpu.memory_space<vmem>>, vector<1x16xi32>,
      %get3A_1044 = arith.constant 1 : i32
      %get3A_1045 = arith.index_cast %get3A_1044 : i32 to index
      %get3A_1046 = arith.constant 32 : index
      %get3A_1047 = tpu.vector_load %arg5[%get3A_1045, %get3A_1046] {strides = array<i32>} : memref<4x128xi32, #tpu.memory_space<vmem>>, vector<1x16xi32>,
      %get3A_1048 = vector.shape_cast %get3A_1047 : vector<1x16xi32> to vector<16xi32>
      %mul3A_1049 = arith.constant -1640531535 : i32
      %mul3A_1050 = vector.broadcast %mul3A_1049 : i32 to vector<16xi32>
      %mul3A_1051 = arith.muli %get3A_1048, %mul3A_1050 : vector<16xi32>
      %jit3A_1052 = arith.constant 1000000 : i32
      %eq3A_1053 = arith.constant 0 : i32
      %eq3A_1054 = arith.cmpi eq, %jit3A_1052, %eq3A_1053 : i32
      %jit3A_1055 = arith.constant 1 : i32
      %select_n3A_1056 = arith.select %eq3A_1054, %jit3A_1055, %jit3A_1052 : i32
      %rem3A_1057 = vector.broadcast %select_n3A_1056 : i32 to vector<16xi32>
      %rem3A_1058 = arith.remui %mul3A_1051, %rem3A_1057 : vector<16xi32>
      %ne3A_1059 = arith.constant 0 : i32
      %ne3A_1060 = vector.broadcast %ne3A_1059 : i32 to vector<16xi32>
      %ne3A_1061 = arith.cmpi ne, %rem3A_1058, %ne3A_1060 : vector<16xi32>
      %lt3A_1062 = arith.constant 0 : i32
      %lt3A_1063 = vector.broadcast %lt3A_1062 : i32 to vector<16xi32>
      %lt3A_1064 = arith.cmpi ult, %rem3A_1058, %lt3A_1063 : vector<16xi32>
      %lt3A_1065 = arith.constant 0 : i32
      %lt3A_1066 = arith.cmpi ult, %select_n3A_1056, %lt3A_1065 : i32
      %ne3A_1067 = vector.broadcast %lt3A_1066 : i1 to vector<16xi1>
      %ne3A_1068 = vector.broadcast %ne3A_1067 : vector<16xi1> to vector<16xi1>
      %ne3A_1069 = arith.xori %lt3A_1064, %ne3A_1068 : vector<16xi1>
      %and3A_1070 = arith.andi %ne3A_1069, %ne3A_1061 : vector<16xi1>
      %add3A_1071 = vector.broadcast %select_n3A_1056 : i32 to vector<16xi32>
      %add3A_1072 = arith.addi %rem3A_1058, %add3A_1071 : vector<16xi32>
      %select_n3A_1073 = arith.select %and3A_1070, %add3A_1072, %rem3A_1058 : vector<16xi1>, vector<16xi32>
      %swap3A_1074 = arith.constant 1 : i32
      %swap3A_1075 = arith.index_cast %swap3A_1074 : i32 to index
      %swap3A_1076 = arith.constant 32 : index
      %swap3A_1077 = tpu.vector_load %arg6[%swap3A_1075, %swap3A_1076] {strides = array<i32>} : memref<4x128xi32, #tpu.memory_space<vmem>>, vector<1x16xi32>,
      %swap3A_1078 = vector.shape_cast %swap3A_1077 : vector<1x16xi32> to vector<16xi32>
      %swap3A_1079 = vector.shape_cast %select_n3A_1073 : vector<16xi32> to vector<1x16xi32>
      tpu.vector_store %arg6[%swap3A_1075, %swap3A_1076], %swap3A_1079 {strides = array<i32>} : memref<4x128xi32, #tpu.memory_space<vmem>>, vector<1x16xi32>,
      %get3A_1080 = arith.constant 1 : i32
      %get3A_1081 = arith.index_cast %get3A_1080 : i32 to index
      %get3A_1082 = arith.constant 48 : index
      %get3A_1083 = tpu.vector_load %arg5[%get3A_1081, %get3A_1082] {strides = array<i32>} : memref<4x128xi32, #tpu.memory_space<vmem>>, vector<1x16xi32>,
      %get3A_1084 = vector.shape_cast %get3A_1083 : vector<1x16xi32> to vector<16xi32>
      %mul3A_1085 = arith.constant -1640531535 : i32
      %mul3A_1086 = vector.broadcast %mul3A_1085 : i32 to vector<16xi32>
      %mul3A_1087 = arith.muli %get3A_1084, %mul3A_1086 : vector<16xi32>
      %jit3A_1088 = arith.constant 1000000 : i32
      %eq3A_1089 = arith.constant 0 : i32
      %eq3A_1090 = arith.cmpi eq, %jit3A_1088, %eq3A_1089 : i32
      %jit3A_1091 = arith.constant 1 : i32
      %select_n3A_1092 = arith.select %eq3A_1090, %jit3A_1091, %jit3A_1088 : i32
      %rem3A_1093 = vector.broadcast %select_n3A_1092 : i32 to vector<16xi32>
      %rem3A_1094 = arith.remui %mul3A_1087, %rem3A_1093 : vector<16xi32>
      %ne3A_1095 = arith.constant 0 : i32
      %ne3A_1096 = vector.broadcast %ne3A_1095 : i32 to vector<16xi32>
      %ne3A_1097 = arith.cmpi ne, %rem3A_1094, %ne3A_1096 : vector<16xi32>
      %lt3A_1098 = arith.constant 0 : i32
      %lt3A_1099 = vector.broadcast %lt3A_1098 : i32 to vector<16xi32>
      %lt3A_1100 = arith.cmpi ult, %rem3A_1094, %lt3A_1099 : vector<16xi32>
      %lt3A_1101 = arith.constant 0 : i32
      %lt3A_1102 = arith.cmpi ult, %select_n3A_1092, %lt3A_1101 : i32
      %ne3A_1103 = vector.broadcast %lt3A_1102 : i1 to vector<16xi1>
      %ne3A_1104 = vector.broadcast %ne3A_1103 : vector<16xi1> to vector<16xi1>
      %ne3A_1105 = arith.xori %lt3A_1100, %ne3A_1104 : vector<16xi1>
      %and3A_1106 = arith.andi %ne3A_1105, %ne3A_1097 : vector<16xi1>
      %add3A_1107 = vector.broadcast %select_n3A_1092 : i32 to vector<16xi32>
      %add3A_1108 = arith.addi %rem3A_1094, %add3A_1107 : vector<16xi32>
      %select_n3A_1109 = arith.select %and3A_1106, %add3A_1108, %rem3A_1094 : vector<16xi1>, vector<16xi32>
      %swap3A_1110 = arith.constant 1 : i32
      %swap3A_1111 = arith.index_cast %swap3A_1110 : i32 to index
      %swap3A_1112 = arith.constant 48 : index
      %swap3A_1113 = tpu.vector_load %arg6[%swap3A_1111, %swap3A_1112] {strides = array<i32>} : memref<4x128xi32, #tpu.memory_space<vmem>>, vector<1x16xi32>,
      %swap3A_1114 = vector.shape_cast %swap3A_1113 : vector<1x16xi32> to vector<16xi32>
      %swap3A_1115 = vector.shape_cast %select_n3A_1109 : vector<16xi32> to vector<1x16xi32>
      tpu.vector_store %arg6[%swap3A_1111, %swap3A_1112], %swap3A_1115 {strides = array<i32>} : memref<4x128xi32, #tpu.memory_space<vmem>>, vector<1x16xi32>,
      %get3A_1116 = arith.constant 1 : i32
      %get3A_1117 = arith.index_cast %get3A_1116 : i32 to index
      %get3A_1118 = arith.constant 64 : index
      %get3A_1119 = tpu.vector_load %arg5[%get3A_1117, %get3A_1118] {strides = array<i32>} : memref<4x128xi32, #tpu.memory_space<vmem>>, vector<1x16xi32>,
      %get3A_1120 = vector.shape_cast %get3A_1119 : vector<1x16xi32> to vector<16xi32>
      %mul3A_1121 = arith.constant -1640531535 : i32
      %mul3A_1122 = vector.broadcast %mul3A_1121 : i32 to vector<16xi32>
      %mul3A_1123 = arith.muli %get3A_1120, %mul3A_1122 : vector<16xi32>
      %jit3A_1124 = arith.constant 1000000 : i32
      %eq3A_1125 = arith.constant 0 : i32
      %eq3A_1126 = arith.cmpi eq, %jit3A_1124, %eq3A_1125 : i32
      %jit3A_1127 = arith.constant 1 : i32
      %select_n3A_1128 = arith.select %eq3A_1126, %jit3A_1127, %jit3A_1124 : i32
      %rem3A_1129 = vector.broadcast %select_n3A_1128 : i32 to vector<16xi32>
      %rem3A_1130 = arith.remui %mul3A_1123, %rem3A_1129 : vector<16xi32>
      %ne3A_1131 = arith.constant 0 : i32
      %ne3A_1132 = vector.broadcast %ne3A_1131 : i32 to vector<16xi32>
      %ne3A_1133 = arith.cmpi ne, %rem3A_1130, %ne3A_1132 : vector<16xi32>
      %lt3A_1134 = arith.constant 0 : i32
      %lt3A_1135 = vector.broadcast %lt3A_1134 : i32 to vector<16xi32>
      %lt3A_1136 = arith.cmpi ult, %rem3A_1130, %lt3A_1135 : vector<16xi32>
      %lt3A_1137 = arith.constant 0 : i32
      %lt3A_1138 = arith.cmpi ult, %select_n3A_1128, %lt3A_1137 : i32
      %ne3A_1139 = vector.broadcast %lt3A_1138 : i1 to vector<16xi1>
      %ne3A_1140 = vector.broadcast %ne3A_1139 : vector<16xi1> to vector<16xi1>
      %ne3A_1141 = arith.xori %lt3A_1136, %ne3A_1140 : vector<16xi1>
      %and3A_1142 = arith.andi %ne3A_1141, %ne3A_1133 : vector<16xi1>
      %add3A_1143 = vector.broadcast %select_n3A_1128 : i32 to vector<16xi32>
      %add3A_1144 = arith.addi %rem3A_1130, %add3A_1143 : vector<16xi32>
      %select_n3A_1145 = arith.select %and3A_1142, %add3A_1144, %rem3A_1130 : vector<16xi1>, vector<16xi32>
      %swap3A_1146 = arith.constant 1 : i32
      %swap3A_1147 = arith.index_cast %swap3A_1146 : i32 to index
      %swap3A_1148 = arith.constant 64 : index
      %swap3A_1149 = tpu.vector_load %arg6[%swap3A_1147, %swap3A_1148] {strides = array<i32>} : memref<4x128xi32, #tpu.memory_space<vmem>>, vector<1x16xi32>,
      %swap3A_1150 = vector.shape_cast %swap3A_1149 : vector<1x16xi32> to vector<16xi32>
      %swap3A_1151 = vector.shape_cast %select_n3A_1145 : vector<16xi32> to vector<1x16xi32>
      tpu.vector_store %arg6[%swap3A_1147, %swap3A_1148], %swap3A_1151 {strides = array<i32>} : memref<4x128xi32, #tpu.memory_space<vmem>>, vector<1x16xi32>,
      %get3A_1152 = arith.constant 1 : i32
      %get3A_1153 = arith.index_cast %get3A_1152 : i32 to index
      %get3A_1154 = arith.constant 80 : index
      %get3A_1155 = tpu.vector_load %arg5[%get3A_1153, %get3A_1154] {strides = array<i32>} : memref<4x128xi32, #tpu.memory_space<vmem>>, vector<1x16xi32>,
      %get3A_1156 = vector.shape_cast %get3A_1155 : vector<1x16xi32> to vector<16xi32>
      %mul3A_1157 = arith.constant -1640531535 : i32
      %mul3A_1158 = vector.broadcast %mul3A_1157 : i32 to vector<16xi32>
      %mul3A_1159 = arith.muli %get3A_1156, %mul3A_1158 : vector<16xi32>
      %jit3A_1160 = arith.constant 1000000 : i32
      %eq3A_1161 = arith.constant 0 : i32
      %eq3A_1162 = arith.cmpi eq, %jit3A_1160, %eq3A_1161 : i32
      %jit3A_1163 = arith.constant 1 : i32
      %select_n3A_1164 = arith.select %eq3A_1162, %jit3A_1163, %jit3A_1160 : i32
      %rem3A_1165 = vector.broadcast %select_n3A_1164 : i32 to vector<16xi32>
      %rem3A_1166 = arith.remui %mul3A_1159, %rem3A_1165 : vector<16xi32>
      %ne3A_1167 = arith.constant 0 : i32
      %ne3A_1168 = vector.broadcast %ne3A_1167 : i32 to vector<16xi32>
      %ne3A_1169 = arith.cmpi ne, %rem3A_1166, %ne3A_1168 : vector<16xi32>
      %lt3A_1170 = arith.constant 0 : i32
      %lt3A_1171 = vector.broadcast %lt3A_1170 : i32 to vector<16xi32>
      %lt3A_1172 = arith.cmpi ult, %rem3A_1166, %lt3A_1171 : vector<16xi32>
      %lt3A_1173 = arith.constant 0 : i32
      %lt3A_1174 = arith.cmpi ult, %select_n3A_1164, %lt3A_1173 : i32
      %ne3A_1175 = vector.broadcast %lt3A_1174 : i1 to vector<16xi1>
      %ne3A_1176 = vector.broadcast %ne3A_1175 : vector<16xi1> to vector<16xi1>
      %ne3A_1177 = arith.xori %lt3A_1172, %ne3A_1176 : vector<16xi1>
      %and3A_1178 = arith.andi %ne3A_1177, %ne3A_1169 : vector<16xi1>
      %add3A_1179 = vector.broadcast %select_n3A_1164 : i32 to vector<16xi32>
      %add3A_1180 = arith.addi %rem3A_1166, %add3A_1179 : vector<16xi32>
      %select_n3A_1181 = arith.select %and3A_1178, %add3A_1180, %rem3A_1166 : vector<16xi1>, vector<16xi32>
      %swap3A_1182 = arith.constant 1 : i32
      %swap3A_1183 = arith.index_cast %swap3A_1182 : i32 to index
      %swap3A_1184 = arith.constant 80 : index
      %swap3A_1185 = tpu.vector_load %arg6[%swap3A_1183, %swap3A_1184] {strides = array<i32>} : memref<4x128xi32, #tpu.memory_space<vmem>>, vector<1x16xi32>,
      %swap3A_1186 = vector.shape_cast %swap3A_1185 : vector<1x16xi32> to vector<16xi32>
      %swap3A_1187 = vector.shape_cast %select_n3A_1181 : vector<16xi32> to vector<1x16xi32>
      tpu.vector_store %arg6[%swap3A_1183, %swap3A_1184], %swap3A_1187 {strides = array<i32>} : memref<4x128xi32, #tpu.memory_space<vmem>>, vector<1x16xi32>,
      %get3A_1188 = arith.constant 1 : i32
      %get3A_1189 = arith.index_cast %get3A_1188 : i32 to index
      %get3A_1190 = arith.constant 96 : index
      %get3A_1191 = tpu.vector_load %arg5[%get3A_1189, %get3A_1190] {strides = array<i32>} : memref<4x128xi32, #tpu.memory_space<vmem>>, vector<1x16xi32>,
      %get3A_1192 = vector.shape_cast %get3A_1191 : vector<1x16xi32> to vector<16xi32>
      %mul3A_1193 = arith.constant -1640531535 : i32
      %mul3A_1194 = vector.broadcast %mul3A_1193 : i32 to vector<16xi32>
      %mul3A_1195 = arith.muli %get3A_1192, %mul3A_1194 : vector<16xi32>
      %jit3A_1196 = arith.constant 1000000 : i32
      %eq3A_1197 = arith.constant 0 : i32
      %eq3A_1198 = arith.cmpi eq, %jit3A_1196, %eq3A_1197 : i32
      %jit3A_1199 = arith.constant 1 : i32
      %select_n3A_1200 = arith.select %eq3A_1198, %jit3A_1199, %jit3A_1196 : i32
      %rem3A_1201 = vector.broadcast %select_n3A_1200 : i32 to vector<16xi32>
      %rem3A_1202 = arith.remui %mul3A_1195, %rem3A_1201 : vector<16xi32>
      %ne3A_1203 = arith.constant 0 : i32
      %ne3A_1204 = vector.broadcast %ne3A_1203 : i32 to vector<16xi32>
      %ne3A_1205 = arith.cmpi ne, %rem3A_1202, %ne3A_1204 : vector<16xi32>
      %lt3A_1206 = arith.constant 0 : i32
      %lt3A_1207 = vector.broadcast %lt3A_1206 : i32 to vector<16xi32>
      %lt3A_1208 = arith.cmpi ult, %rem3A_1202, %lt3A_1207 : vector<16xi32>
      %lt3A_1209 = arith.constant 0 : i32
      %lt3A_1210 = arith.cmpi ult, %select_n3A_1200, %lt3A_1209 : i32
      %ne3A_1211 = vector.broadcast %lt3A_1210 : i1 to vector<16xi1>
      %ne3A_1212 = vector.broadcast %ne3A_1211 : vector<16xi1> to vector<16xi1>
      %ne3A_1213 = arith.xori %lt3A_1208, %ne3A_1212 : vector<16xi1>
      %and3A_1214 = arith.andi %ne3A_1213, %ne3A_1205 : vector<16xi1>
      %add3A_1215 = vector.broadcast %select_n3A_1200 : i32 to vector<16xi32>
      %add3A_1216 = arith.addi %rem3A_1202, %add3A_1215 : vector<16xi32>
      %select_n3A_1217 = arith.select %and3A_1214, %add3A_1216, %rem3A_1202 : vector<16xi1>, vector<16xi32>
      %swap3A_1218 = arith.constant 1 : i32
      %swap3A_1219 = arith.index_cast %swap3A_1218 : i32 to index
      %swap3A_1220 = arith.constant 96 : index
      %swap3A_1221 = tpu.vector_load %arg6[%swap3A_1219, %swap3A_1220] {strides = array<i32>} : memref<4x128xi32, #tpu.memory_space<vmem>>, vector<1x16xi32>,
      %swap3A_1222 = vector.shape_cast %swap3A_1221 : vector<1x16xi32> to vector<16xi32>
      %swap3A_1223 = vector.shape_cast %select_n3A_1217 : vector<16xi32> to vector<1x16xi32>
      tpu.vector_store %arg6[%swap3A_1219, %swap3A_1220], %swap3A_1223 {strides = array<i32>} : memref<4x128xi32, #tpu.memory_space<vmem>>, vector<1x16xi32>,
      %get3A_1224 = arith.constant 1 : i32
      %get3A_1225 = arith.index_cast %get3A_1224 : i32 to index
      %get3A_1226 = arith.constant 112 : index
      %get3A_1227 = tpu.vector_load %arg5[%get3A_1225, %get3A_1226] {strides = array<i32>} : memref<4x128xi32, #tpu.memory_space<vmem>>, vector<1x16xi32>,
      %get3A_1228 = vector.shape_cast %get3A_1227 : vector<1x16xi32> to vector<16xi32>
      %mul3A_1229 = arith.constant -1640531535 : i32
      %mul3A_1230 = vector.broadcast %mul3A_1229 : i32 to vector<16xi32>
      %mul3A_1231 = arith.muli %get3A_1228, %mul3A_1230 : vector<16xi32>
      %jit3A_1232 = arith.constant 1000000 : i32
      %eq3A_1233 = arith.constant 0 : i32
      %eq3A_1234 = arith.cmpi eq, %jit3A_1232, %eq3A_1233 : i32
      %jit3A_1235 = arith.constant 1 : i32
      %select_n3A_1236 = arith.select %eq3A_1234, %jit3A_1235, %jit3A_1232 : i32
      %rem3A_1237 = vector.broadcast %select_n3A_1236 : i32 to vector<16xi32>
      %rem3A_1238 = arith.remui %mul3A_1231, %rem3A_1237 : vector<16xi32>
      %ne3A_1239 = arith.constant 0 : i32
      %ne3A_1240 = vector.broadcast %ne3A_1239 : i32 to vector<16xi32>
      %ne3A_1241 = arith.cmpi ne, %rem3A_1238, %ne3A_1240 : vector<16xi32>
      %lt3A_1242 = arith.constant 0 : i32
      %lt3A_1243 = vector.broadcast %lt3A_1242 : i32 to vector<16xi32>
      %lt3A_1244 = arith.cmpi ult, %rem3A_1238, %lt3A_1243 : vector<16xi32>
      %lt3A_1245 = arith.constant 0 : i32
      %lt3A_1246 = arith.cmpi ult, %select_n3A_1236, %lt3A_1245 : i32
      %ne3A_1247 = vector.broadcast %lt3A_1246 : i1 to vector<16xi1>
      %ne3A_1248 = vector.broadcast %ne3A_1247 : vector<16xi1> to vector<16xi1>
      %ne3A_1249 = arith.xori %lt3A_1244, %ne3A_1248 : vector<16xi1>
      %and3A_1250 = arith.andi %ne3A_1249, %ne3A_1241 : vector<16xi1>
      %add3A_1251 = vector.broadcast %select_n3A_1236 : i32 to vector<16xi32>
      %add3A_1252 = arith.addi %rem3A_1238, %add3A_1251 : vector<16xi32>
      %select_n3A_1253 = arith.select %and3A_1250, %add3A_1252, %rem3A_1238 : vector<16xi1>, vector<16xi32>
      %swap3A_1254 = arith.constant 1 : i32
      %swap3A_1255 = arith.index_cast %swap3A_1254 : i32 to index
      %swap3A_1256 = arith.constant 112 : index
      %swap3A_1257 = tpu.vector_load %arg6[%swap3A_1255, %swap3A_1256] {strides = array<i32>} : memref<4x128xi32, #tpu.memory_space<vmem>>, vector<1x16xi32>,
      %swap3A_1258 = vector.shape_cast %swap3A_1257 : vector<1x16xi32> to vector<16xi32>
      %swap3A_1259 = vector.shape_cast %select_n3A_1253 : vector<16xi32> to vector<1x16xi32>
      tpu.vector_store %arg6[%swap3A_1255, %swap3A_1256], %swap3A_1259 {strides = array<i32>} : memref<4x128xi32, #tpu.memory_space<vmem>>, vector<1x16xi32>,
      %dma_start3A_1260 = arith.constant 1 : i32
      %dma_start3A_1261 = arith.constant 1 : i32
      %dma_start3A_1262 = arith.constant 0 : i32
      %dma_start3A_1263 = arith.constant 0 : i32
      %dma_start3A_1264 = tpu.memref_slice %arg7[%dma_start3A_1261, %dma_start3A_1262, %dma_start3A_1263] : memref<4x104x32xf32, #tpu.memory_space<vmem>> -> memref<1x104x32xf32, #tpu.memory_space<vmem>>
      %dma_start3A_1265 = tpu.memref_squeeze %dma_start3A_1264 : memref<1x104x32xf32, #tpu.memory_space<vmem>> -> memref<104x32xf32, #tpu.memory_space<vmem>>
      %dma_start3A_1266 = arith.constant 0 : i32
      %dma_start3A_1267 = tpu.memref_slice %arg6[%dma_start3A_1260, %dma_start3A_1266] : memref<4x128xi32, #tpu.memory_space<vmem>> -> memref<1x104xi32, #tpu.memory_space<vmem>>
      %dma_start3A_1268 = tpu.memref_squeeze %dma_start3A_1267 : memref<1x104xi32, #tpu.memory_space<vmem>> -> memref<104xi32, #tpu.memory_space<vmem>>
      %dma_start3A_1269 = arith.constant 0 : i32
      %dma_start3A_1270 = arith.constant 0 : i32
      %dma_start3A_1271 = tpu.memref_slice %arg2[%dma_start3A_1269, %dma_start3A_1270] : memref<1000000x32xf32, #tpu.memory_space<hbm>> -> memref<1000000x32xf32, #tpu.memory_space<hbm>>
      tpu.enqueue_indirect_dma source(%dma_start3A_1271 : memref<1000000x32xf32, #tpu.memory_space<hbm>>) target(%dma_start3A_1265 : memref<104x32xf32, #tpu.memory_space<vmem>>) offsets(%dma_start3A_1268 : memref<104xi32, #tpu.memory_space<vmem>>) semaphore(%arg13 : memref<!tpu.dma_semaphore, #tpu.memory_space<semaphore_mem>>)
      %gt3A_1272 = arith.constant 0 : i32
      %gt3A_1273 = arith.cmpi sgt, %add3A_633, %gt3A_1272 : i32
      %convert_element_type3A_1274 = arith.extui %gt3A_1273 : i1 to i32
      %cond3A_1275 = arith.constant 0 : i32
      %cond3A_1276 = arith.cmpi ne, %convert_element_type3A_1274, %cond3A_1275 : i32
      scf.if %cond3A_1276 {
        %dma_wait3A_2038 = arith.constant 2 : i32
        %dma_wait3A_2039 = arith.constant 2 : i32
        %dma_wait3A_2040 = arith.constant 0 : i32
        %dma_wait3A_2041 = arith.constant 0 : i32
        %dma_wait3A_2042 = tpu.memref_slice %arg7[%dma_wait3A_2039, %dma_wait3A_2040, %dma_wait3A_2041] : memref<4x104x32xf32, #tpu.memory_space<vmem>> -> memref<1x104x32xf32, #tpu.memory_space<vmem>>
        %dma_wait3A_2043 = tpu.memref_squeeze %dma_wait3A_2042 : memref<1x104x32xf32, #tpu.memory_space<vmem>> -> memref<104x32xf32, #tpu.memory_space<vmem>>
        %dma_wait3A_2044 = arith.constant 0 : i32
        %dma_wait3A_2045 = tpu.memref_slice %arg6[%dma_wait3A_2038, %dma_wait3A_2044] : memref<4x128xi32, #tpu.memory_space<vmem>> -> memref<1x104xi32, #tpu.memory_space<vmem>>
        %dma_wait3A_2046 = tpu.memref_squeeze %dma_wait3A_2045 : memref<1x104xi32, #tpu.memory_space<vmem>> -> memref<104xi32, #tpu.memory_space<vmem>>
        %dma_wait3A_2047 = arith.constant 0 : i32
        %dma_wait3A_2048 = arith.constant 0 : i32
        %dma_wait3A_2049 = tpu.memref_slice %arg2[%dma_wait3A_2047, %dma_wait3A_2048] : memref<1000000x32xf32, #tpu.memory_space<hbm>> -> memref<1000000x32xf32, #tpu.memory_space<hbm>>
        tpu.wait_indirect_dma semaphore(%arg14 : memref<!tpu.dma_semaphore, #tpu.memory_space<semaphore_mem>>) src(%dma_wait3A_2049 : memref<1000000x32xf32, #tpu.memory_space<hbm>>) dst(%dma_wait3A_2043 : memref<104x32xf32, #tpu.memory_space<vmem>>)
        %sub3A_2050 = arith.constant 3 : i32
        %sub3A_2051 = arith.subi %add3A_955, %sub3A_2050 : i32
        %mul3A_2052 = arith.constant 4 : i32
        %mul3A_2053 = arith.muli %sub3A_2051, %mul3A_2052 : i32
        %add3A_2054 = arith.addi %mul3A_6, %mul3A_2053 : i32
        %add3A_2055 = arith.constant 0 : i32
        %add3A_2056 = arith.addi %add3A_2054, %add3A_2055 : i32
        %dma_start3A_2057 = arith.constant 2 : i32
        %dma_start3A_2058 = arith.constant 0 : i32
        %dma_start3A_2059 = arith.constant 0 : i32
        %dma_start3A_2060 = tpu.memref_slice %arg7[%dma_start3A_2057, %dma_start3A_2058, %dma_start3A_2059] : memref<4x104x32xf32, #tpu.memory_space<vmem>> -> memref<1x26x32xf32, #tpu.memory_space<vmem>>
        %dma_start3A_2061 = tpu.memref_squeeze %dma_start3A_2060 : memref<1x26x32xf32, #tpu.memory_space<vmem>> -> memref<26x32xf32, #tpu.memory_space<vmem>>
        %dma_start3A_2062 = arith.constant 0 : i32
        %dma_start3A_2063 = arith.constant 0 : i32
        %dma_start3A_2064 = tpu.memref_slice %arg4[%add3A_2056, %dma_start3A_2062, %dma_start3A_2063] : memref<16384x32x128xf32, #tpu.memory_space<hbm>> -> memref<1x26x32xf32, #tpu.memory_space<hbm>>
        %dma_start3A_2065 = tpu.memref_squeeze %dma_start3A_2064 : memref<1x26x32xf32, #tpu.memory_space<hbm>> -> memref<26x32xf32, #tpu.memory_space<hbm>>
        %dma_start3A_2066 = arith.constant 0 : i32
        %dma_start3A_2067 = arith.constant 0 : i32
        %dma_start3A_2068 = tpu.memref_slice %arg4[%add3A_2056, %dma_start3A_2066, %dma_start3A_2067] : memref<16384x32x128xf32, #tpu.memory_space<hbm>> -> memref<1x26x32xf32, #tpu.memory_space<hbm>>
        %dma_start3A_2069 = tpu.memref_squeeze %dma_start3A_2068 : memref<1x26x32xf32, #tpu.memory_space<hbm>> -> memref<26x32xf32, #tpu.memory_space<hbm>>
        %dma_start3A_2070 = arith.constant 0 : i32
        %dma_start3A_2071 = arith.constant 0 : i32
        %dma_start3A_2072 = tpu.memref_slice %arg7[%dma_start3A_2057, %dma_start3A_2070, %dma_start3A_2071] : memref<4x104x32xf32, #tpu.memory_space<vmem>> -> memref<1x26x32xf32, #tpu.memory_space<vmem>>
        %dma_start3A_2073 = tpu.memref_squeeze %dma_start3A_2072 : memref<1x26x32xf32, #tpu.memory_space<vmem>> -> memref<26x32xf32, #tpu.memory_space<vmem>>
        tpu.enqueue_dma source(%dma_start3A_2073 : memref<26x32xf32, #tpu.memory_space<vmem>>) target(%dma_start3A_2069 : memref<26x32xf32, #tpu.memory_space<hbm>>) target_semaphore(%arg18 : memref<!tpu.dma_semaphore, #tpu.memory_space<semaphore_mem>>)
        %mul3A_2074 = arith.constant 4 : i32
        %mul3A_2075 = arith.muli %sub3A_2051, %mul3A_2074 : i32
        %add3A_2076 = arith.addi %mul3A_6, %mul3A_2075 : i32
        %add3A_2077 = arith.constant 1 : i32
        %add3A_2078 = arith.addi %add3A_2076, %add3A_2077 : i32
        %dma_start3A_2079 = arith.constant 2 : i32
        %dma_start3A_2080 = arith.constant 26 : i32
        %dma_start3A_2081 = arith.constant 0 : i32
        %dma_start3A_2082 = tpu.memref_slice %arg7[%dma_start3A_2079, %dma_start3A_2080, %dma_start3A_2081] : memref<4x104x32xf32, #tpu.memory_space<vmem>> -> memref<1x26x32xf32, #tpu.memory_space<vmem>>
        %dma_start3A_2083 = tpu.memref_squeeze %dma_start3A_2082 : memref<1x26x32xf32, #tpu.memory_space<vmem>> -> memref<26x32xf32, #tpu.memory_space<vmem>>
        %dma_start3A_2084 = arith.constant 0 : i32
        %dma_start3A_2085 = arith.constant 0 : i32
        %dma_start3A_2086 = tpu.memref_slice %arg4[%add3A_2078, %dma_start3A_2084, %dma_start3A_2085] : memref<16384x32x128xf32, #tpu.memory_space<hbm>> -> memref<1x26x32xf32, #tpu.memory_space<hbm>>
        %dma_start3A_2087 = tpu.memref_squeeze %dma_start3A_2086 : memref<1x26x32xf32, #tpu.memory_space<hbm>> -> memref<26x32xf32, #tpu.memory_space<hbm>>
        %dma_start3A_2088 = arith.constant 0 : i32
        %dma_start3A_2089 = arith.constant 0 : i32
        %dma_start3A_2090 = tpu.memref_slice %arg4[%add3A_2078, %dma_start3A_2088, %dma_start3A_2089] : memref<16384x32x128xf32, #tpu.memory_space<hbm>> -> memref<1x26x32xf32, #tpu.memory_space<hbm>>
        %dma_start3A_2091 = tpu.memref_squeeze %dma_start3A_2090 : memref<1x26x32xf32, #tpu.memory_space<hbm>> -> memref<26x32xf32, #tpu.memory_space<hbm>>
        %dma_start3A_2092 = arith.constant 26 : i32
        %dma_start3A_2093 = arith.constant 0 : i32
        %dma_start3A_2094 = tpu.memref_slice %arg7[%dma_start3A_2079, %dma_start3A_2092, %dma_start3A_2093] : memref<4x104x32xf32, #tpu.memory_space<vmem>> -> memref<1x26x32xf32, #tpu.memory_space<vmem>>
        %dma_start3A_2095 = tpu.memref_squeeze %dma_start3A_2094 : memref<1x26x32xf32, #tpu.memory_space<vmem>> -> memref<26x32xf32, #tpu.memory_space<vmem>>
        tpu.enqueue_dma source(%dma_start3A_2095 : memref<26x32xf32, #tpu.memory_space<vmem>>) target(%dma_start3A_2091 : memref<26x32xf32, #tpu.memory_space<hbm>>) target_semaphore(%arg18 : memref<!tpu.dma_semaphore, #tpu.memory_space<semaphore_mem>>)
        %mul3A_2096 = arith.constant 4 : i32
        %mul3A_2097 = arith.muli %sub3A_2051, %mul3A_2096 : i32
        %add3A_2098 = arith.addi %mul3A_6, %mul3A_2097 : i32
        %add3A_2099 = arith.constant 2 : i32
        %add3A_2100 = arith.addi %add3A_2098, %add3A_2099 : i32
        %dma_start3A_2101 = arith.constant 2 : i32
        %dma_start3A_2102 = arith.constant 52 : i32
        %dma_start3A_2103 = arith.constant 0 : i32
        %dma_start3A_2104 = tpu.memref_slice %arg7[%dma_start3A_2101, %dma_start3A_2102, %dma_start3A_2103] : memref<4x104x32xf32, #tpu.memory_space<vmem>> -> memref<1x26x32xf32, #tpu.memory_space<vmem>>
        %dma_start3A_2105 = tpu.memref_squeeze %dma_start3A_2104 : memref<1x26x32xf32, #tpu.memory_space<vmem>> -> memref<26x32xf32, #tpu.memory_space<vmem>>
        %dma_start3A_2106 = arith.constant 0 : i32
        %dma_start3A_2107 = arith.constant 0 : i32
        %dma_start3A_2108 = tpu.memref_slice %arg4[%add3A_2100, %dma_start3A_2106, %dma_start3A_2107] : memref<16384x32x128xf32, #tpu.memory_space<hbm>> -> memref<1x26x32xf32, #tpu.memory_space<hbm>>
        %dma_start3A_2109 = tpu.memref_squeeze %dma_start3A_2108 : memref<1x26x32xf32, #tpu.memory_space<hbm>> -> memref<26x32xf32, #tpu.memory_space<hbm>>
        %dma_start3A_2110 = arith.constant 0 : i32
        %dma_start3A_2111 = arith.constant 0 : i32
        %dma_start3A_2112 = tpu.memref_slice %arg4[%add3A_2100, %dma_start3A_2110, %dma_start3A_2111] : memref<16384x32x128xf32, #tpu.memory_space<hbm>> -> memref<1x26x32xf32, #tpu.memory_space<hbm>>
        %dma_start3A_2113 = tpu.memref_squeeze %dma_start3A_2112 : memref<1x26x32xf32, #tpu.memory_space<hbm>> -> memref<26x32xf32, #tpu.memory_space<hbm>>
        %dma_start3A_2114 = arith.constant 52 : i32
        %dma_start3A_2115 = arith.constant 0 : i32
        %dma_start3A_2116 = tpu.memref_slice %arg7[%dma_start3A_2101, %dma_start3A_2114, %dma_start3A_2115] : memref<4x104x32xf32, #tpu.memory_space<vmem>> -> memref<1x26x32xf32, #tpu.memory_space<vmem>>
        %dma_start3A_2117 = tpu.memref_squeeze %dma_start3A_2116 : memref<1x26x32xf32, #tpu.memory_space<vmem>> -> memref<26x32xf32, #tpu.memory_space<vmem>>
        tpu.enqueue_dma source(%dma_start3A_2117 : memref<26x32xf32, #tpu.memory_space<vmem>>) target(%dma_start3A_2113 : memref<26x32xf32, #tpu.memory_space<hbm>>) target_semaphore(%arg18 : memref<!tpu.dma_semaphore, #tpu.memory_space<semaphore_mem>>)
        %mul3A_2118 = arith.constant 4 : i32
        %mul3A_2119 = arith.muli %sub3A_2051, %mul3A_2118 : i32
        %add3A_2120 = arith.addi %mul3A_6, %mul3A_2119 : i32
        %add3A_2121 = arith.constant 3 : i32
        %add3A_2122 = arith.addi %add3A_2120, %add3A_2121 : i32
        %dma_start3A_2123 = arith.constant 2 : i32
        %dma_start3A_2124 = arith.constant 78 : i32
        %dma_start3A_2125 = arith.constant 0 : i32
        %dma_start3A_2126 = tpu.memref_slice %arg7[%dma_start3A_2123, %dma_start3A_2124, %dma_start3A_2125] : memref<4x104x32xf32, #tpu.memory_space<vmem>> -> memref<1x26x32xf32, #tpu.memory_space<vmem>>
        %dma_start3A_2127 = tpu.memref_squeeze %dma_start3A_2126 : memref<1x26x32xf32, #tpu.memory_space<vmem>> -> memref<26x32xf32, #tpu.memory_space<vmem>>
        %dma_start3A_2128 = arith.constant 0 : i32
        %dma_start3A_2129 = arith.constant 0 : i32
        %dma_start3A_2130 = tpu.memref_slice %arg4[%add3A_2122, %dma_start3A_2128, %dma_start3A_2129] : memref<16384x32x128xf32, #tpu.memory_space<hbm>> -> memref<1x26x32xf32, #tpu.memory_space<hbm>>
        %dma_start3A_2131 = tpu.memref_squeeze %dma_start3A_2130 : memref<1x26x32xf32, #tpu.memory_space<hbm>> -> memref<26x32xf32, #tpu.memory_space<hbm>>
        %dma_start3A_2132 = arith.constant 0 : i32
        %dma_start3A_2133 = arith.constant 0 : i32
        %dma_start3A_2134 = tpu.memref_slice %arg4[%add3A_2122, %dma_start3A_2132, %dma_start3A_2133] : memref<16384x32x128xf32, #tpu.memory_space<hbm>> -> memref<1x26x32xf32, #tpu.memory_space<hbm>>
        %dma_start3A_2135 = tpu.memref_squeeze %dma_start3A_2134 : memref<1x26x32xf32, #tpu.memory_space<hbm>> -> memref<26x32xf32, #tpu.memory_space<hbm>>
        %dma_start3A_2136 = arith.constant 78 : i32
        %dma_start3A_2137 = arith.constant 0 : i32
        %dma_start3A_2138 = tpu.memref_slice %arg7[%dma_start3A_2123, %dma_start3A_2136, %dma_start3A_2137] : memref<4x104x32xf32, #tpu.memory_space<vmem>> -> memref<1x26x32xf32, #tpu.memory_space<vmem>>
        %dma_start3A_2139 = tpu.memref_squeeze %dma_start3A_2138 : memref<1x26x32xf32, #tpu.memory_space<vmem>> -> memref<26x32xf32, #tpu.memory_space<vmem>>
        tpu.enqueue_dma source(%dma_start3A_2139 : memref<26x32xf32, #tpu.memory_space<vmem>>) target(%dma_start3A_2135 : memref<26x32xf32, #tpu.memory_space<hbm>>) target_semaphore(%arg18 : memref<!tpu.dma_semaphore, #tpu.memory_space<semaphore_mem>>)
      } else {
      }
      %lt3A_1277 = arith.constant 31 : i32
      %lt3A_1278 = arith.cmpi slt, %add3A_633, %lt3A_1277 : i32
      %convert_element_type3A_1279 = arith.extui %lt3A_1278 : i1 to i32
      %cond3A_1280 = arith.constant 0 : i32
      %cond3A_1281 = arith.cmpi ne, %convert_element_type3A_1279, %cond3A_1280 : i32
      scf.if %cond3A_1281 {
        %add3A_2038 = arith.constant 4 : i32
        %add3A_2039 = arith.addi %add3A_955, %add3A_2038 : i32
        %mul3A_2040 = arith.constant 104 : i32
        %mul3A_2041 = arith.muli %add3A_2039, %mul3A_2040 : i32
        %add3A_2042 = arith.addi %mul3A_4, %mul3A_2041 : i32
        %dma_start3A_2043 = arith.constant 1 : i32
        %dma_start3A_2044 = arith.constant 0 : i32
        %dma_start3A_2045 = tpu.memref_slice %arg5[%dma_start3A_2043, %dma_start3A_2044] : memref<4x128xi32, #tpu.memory_space<vmem>> -> memref<1x104xi32, #tpu.memory_space<vmem>>
        %dma_start3A_2046 = tpu.memref_squeeze %dma_start3A_2045 : memref<1x104xi32, #tpu.memory_space<vmem>> -> memref<104xi32, #tpu.memory_space<vmem>>
        %dma_start3A_2047 = tpu.memref_slice %arg3[%add3A_2042] : memref<425984xi32, #tpu.memory_space<hbm>> -> memref<104xi32, #tpu.memory_space<hbm>>
        %dma_start3A_2048 = arith.constant 0 : i32
        %dma_start3A_2049 = tpu.memref_slice %arg5[%dma_start3A_2043, %dma_start3A_2048] : memref<4x128xi32, #tpu.memory_space<vmem>> -> memref<1x104xi32, #tpu.memory_space<vmem>>
        %dma_start3A_2050 = tpu.memref_squeeze %dma_start3A_2049 : memref<1x104xi32, #tpu.memory_space<vmem>> -> memref<104xi32, #tpu.memory_space<vmem>>
        %dma_start3A_2051 = tpu.memref_slice %arg3[%add3A_2042] : memref<425984xi32, #tpu.memory_space<hbm>> -> memref<104xi32, #tpu.memory_space<hbm>>
        tpu.enqueue_dma source(%dma_start3A_2051 : memref<104xi32, #tpu.memory_space<hbm>>) target(%dma_start3A_2050 : memref<104xi32, #tpu.memory_space<vmem>>) target_semaphore(%arg9 : memref<!tpu.dma_semaphore, #tpu.memory_space<semaphore_mem>>)
      } else {
      }
      %mul3A_1282 = arith.constant 4 : i32
      %mul3A_1283 = arith.muli %add3A_633, %mul3A_1282 : i32
      %add3A_1284 = arith.constant 2 : i32
      %add3A_1285 = arith.addi %mul3A_1283, %add3A_1284 : i32
      %gt3A_1286 = arith.constant 0 : i32
      %gt3A_1287 = arith.cmpi sgt, %add3A_633, %gt3A_1286 : i32
      %convert_element_type3A_1288 = arith.extui %gt3A_1287 : i1 to i32
      %cond3A_1289 = arith.constant 0 : i32
      %cond3A_1290 = arith.cmpi ne, %convert_element_type3A_1288, %cond3A_1289 : i32
      scf.if %cond3A_1290 {
        %dma_wait3A_2038 = arith.constant 2 : i32
        %dma_wait3A_2039 = arith.constant 0 : i32
        %dma_wait3A_2040 = arith.constant 0 : i32
        %dma_wait3A_2041 = arith.constant 0 : i32
        %dma_wait3A_2042 = tpu.memref_slice %arg7[%dma_wait3A_2038, %dma_wait3A_2040, %dma_wait3A_2041] : memref<4x104x32xf32, #tpu.memory_space<vmem>> -> memref<1x26x32xf32, #tpu.memory_space<vmem>>
        %dma_wait3A_2043 = tpu.memref_squeeze %dma_wait3A_2042 : memref<1x26x32xf32, #tpu.memory_space<vmem>> -> memref<26x32xf32, #tpu.memory_space<vmem>>
        %dma_wait3A_2044 = arith.constant 0 : i32
        %dma_wait3A_2045 = arith.constant 0 : i32
        %dma_wait3A_2046 = tpu.memref_slice %arg4[%dma_wait3A_2039, %dma_wait3A_2044, %dma_wait3A_2045] : memref<16384x32x128xf32, #tpu.memory_space<hbm>> -> memref<1x26x32xf32, #tpu.memory_space<hbm>>
        %dma_wait3A_2047 = tpu.memref_squeeze %dma_wait3A_2046 : memref<1x26x32xf32, #tpu.memory_space<hbm>> -> memref<26x32xf32, #tpu.memory_space<hbm>>
        %dma_wait3A_2048 = arith.constant 0 : i32
        %dma_wait3A_2049 = arith.constant 0 : i32
        %dma_wait3A_2050 = tpu.memref_slice %arg4[%dma_wait3A_2039, %dma_wait3A_2048, %dma_wait3A_2049] : memref<16384x32x128xf32, #tpu.memory_space<hbm>> -> memref<1x26x32xf32, #tpu.memory_space<hbm>>
        %dma_wait3A_2051 = tpu.memref_squeeze %dma_wait3A_2050 : memref<1x26x32xf32, #tpu.memory_space<hbm>> -> memref<26x32xf32, #tpu.memory_space<hbm>>
        %dma_wait3A_2052 = arith.constant 0 : i32
        %dma_wait3A_2053 = arith.constant 0 : i32
        %dma_wait3A_2054 = tpu.memref_slice %arg7[%dma_wait3A_2038, %dma_wait3A_2052, %dma_wait3A_2053] : memref<4x104x32xf32, #tpu.memory_space<vmem>> -> memref<1x26x32xf32, #tpu.memory_space<vmem>>
        %dma_wait3A_2055 = tpu.memref_squeeze %dma_wait3A_2054 : memref<1x26x32xf32, #tpu.memory_space<vmem>> -> memref<26x32xf32, #tpu.memory_space<vmem>>
        tpu.wait_dma2 semaphore(%arg18 : memref<!tpu.dma_semaphore, #tpu.memory_space<semaphore_mem>>) src(%dma_wait3A_2055 : memref<26x32xf32, #tpu.memory_space<vmem>>) dst(%dma_wait3A_2051 : memref<26x32xf32, #tpu.memory_space<hbm>>)
        %dma_wait3A_2056 = arith.constant 2 : i32
        %dma_wait3A_2057 = arith.constant 1 : i32
        %dma_wait3A_2058 = arith.constant 26 : i32
        %dma_wait3A_2059 = arith.constant 0 : i32
        %dma_wait3A_2060 = tpu.memref_slice %arg7[%dma_wait3A_2056, %dma_wait3A_2058, %dma_wait3A_2059] : memref<4x104x32xf32, #tpu.memory_space<vmem>> -> memref<1x26x32xf32, #tpu.memory_space<vmem>>
        %dma_wait3A_2061 = tpu.memref_squeeze %dma_wait3A_2060 : memref<1x26x32xf32, #tpu.memory_space<vmem>> -> memref<26x32xf32, #tpu.memory_space<vmem>>
        %dma_wait3A_2062 = arith.constant 0 : i32
        %dma_wait3A_2063 = arith.constant 0 : i32
        %dma_wait3A_2064 = tpu.memref_slice %arg4[%dma_wait3A_2057, %dma_wait3A_2062, %dma_wait3A_2063] : memref<16384x32x128xf32, #tpu.memory_space<hbm>> -> memref<1x26x32xf32, #tpu.memory_space<hbm>>
        %dma_wait3A_2065 = tpu.memref_squeeze %dma_wait3A_2064 : memref<1x26x32xf32, #tpu.memory_space<hbm>> -> memref<26x32xf32, #tpu.memory_space<hbm>>
        %dma_wait3A_2066 = arith.constant 0 : i32
        %dma_wait3A_2067 = arith.constant 0 : i32
        %dma_wait3A_2068 = tpu.memref_slice %arg4[%dma_wait3A_2057, %dma_wait3A_2066, %dma_wait3A_2067] : memref<16384x32x128xf32, #tpu.memory_space<hbm>> -> memref<1x26x32xf32, #tpu.memory_space<hbm>>
        %dma_wait3A_2069 = tpu.memref_squeeze %dma_wait3A_2068 : memref<1x26x32xf32, #tpu.memory_space<hbm>> -> memref<26x32xf32, #tpu.memory_space<hbm>>
        %dma_wait3A_2070 = arith.constant 26 : i32
        %dma_wait3A_2071 = arith.constant 0 : i32
        %dma_wait3A_2072 = tpu.memref_slice %arg7[%dma_wait3A_2056, %dma_wait3A_2070, %dma_wait3A_2071] : memref<4x104x32xf32, #tpu.memory_space<vmem>> -> memref<1x26x32xf32, #tpu.memory_space<vmem>>
        %dma_wait3A_2073 = tpu.memref_squeeze %dma_wait3A_2072 : memref<1x26x32xf32, #tpu.memory_space<vmem>> -> memref<26x32xf32, #tpu.memory_space<vmem>>
        tpu.wait_dma2 semaphore(%arg18 : memref<!tpu.dma_semaphore, #tpu.memory_space<semaphore_mem>>) src(%dma_wait3A_2073 : memref<26x32xf32, #tpu.memory_space<vmem>>) dst(%dma_wait3A_2069 : memref<26x32xf32, #tpu.memory_space<hbm>>)
        %dma_wait3A_2074 = arith.constant 2 : i32
        %dma_wait3A_2075 = arith.constant 2 : i32
        %dma_wait3A_2076 = arith.constant 52 : i32
        %dma_wait3A_2077 = arith.constant 0 : i32
        %dma_wait3A_2078 = tpu.memref_slice %arg7[%dma_wait3A_2074, %dma_wait3A_2076, %dma_wait3A_2077] : memref<4x104x32xf32, #tpu.memory_space<vmem>> -> memref<1x26x32xf32, #tpu.memory_space<vmem>>
        %dma_wait3A_2079 = tpu.memref_squeeze %dma_wait3A_2078 : memref<1x26x32xf32, #tpu.memory_space<vmem>> -> memref<26x32xf32, #tpu.memory_space<vmem>>
        %dma_wait3A_2080 = arith.constant 0 : i32
        %dma_wait3A_2081 = arith.constant 0 : i32
        %dma_wait3A_2082 = tpu.memref_slice %arg4[%dma_wait3A_2075, %dma_wait3A_2080, %dma_wait3A_2081] : memref<16384x32x128xf32, #tpu.memory_space<hbm>> -> memref<1x26x32xf32, #tpu.memory_space<hbm>>
        %dma_wait3A_2083 = tpu.memref_squeeze %dma_wait3A_2082 : memref<1x26x32xf32, #tpu.memory_space<hbm>> -> memref<26x32xf32, #tpu.memory_space<hbm>>
        %dma_wait3A_2084 = arith.constant 0 : i32
        %dma_wait3A_2085 = arith.constant 0 : i32
        %dma_wait3A_2086 = tpu.memref_slice %arg4[%dma_wait3A_2075, %dma_wait3A_2084, %dma_wait3A_2085] : memref<16384x32x128xf32, #tpu.memory_space<hbm>> -> memref<1x26x32xf32, #tpu.memory_space<hbm>>
        %dma_wait3A_2087 = tpu.memref_squeeze %dma_wait3A_2086 : memref<1x26x32xf32, #tpu.memory_space<hbm>> -> memref<26x32xf32, #tpu.memory_space<hbm>>
        %dma_wait3A_2088 = arith.constant 52 : i32
        %dma_wait3A_2089 = arith.constant 0 : i32
        %dma_wait3A_2090 = tpu.memref_slice %arg7[%dma_wait3A_2074, %dma_wait3A_2088, %dma_wait3A_2089] : memref<4x104x32xf32, #tpu.memory_space<vmem>> -> memref<1x26x32xf32, #tpu.memory_space<vmem>>
        %dma_wait3A_2091 = tpu.memref_squeeze %dma_wait3A_2090 : memref<1x26x32xf32, #tpu.memory_space<vmem>> -> memref<26x32xf32, #tpu.memory_space<vmem>>
        tpu.wait_dma2 semaphore(%arg18 : memref<!tpu.dma_semaphore, #tpu.memory_space<semaphore_mem>>) src(%dma_wait3A_2091 : memref<26x32xf32, #tpu.memory_space<vmem>>) dst(%dma_wait3A_2087 : memref<26x32xf32, #tpu.memory_space<hbm>>)
        %dma_wait3A_2092 = arith.constant 2 : i32
        %dma_wait3A_2093 = arith.constant 3 : i32
        %dma_wait3A_2094 = arith.constant 78 : i32
        %dma_wait3A_2095 = arith.constant 0 : i32
        %dma_wait3A_2096 = tpu.memref_slice %arg7[%dma_wait3A_2092, %dma_wait3A_2094, %dma_wait3A_2095] : memref<4x104x32xf32, #tpu.memory_space<vmem>> -> memref<1x26x32xf32, #tpu.memory_space<vmem>>
        %dma_wait3A_2097 = tpu.memref_squeeze %dma_wait3A_2096 : memref<1x26x32xf32, #tpu.memory_space<vmem>> -> memref<26x32xf32, #tpu.memory_space<vmem>>
        %dma_wait3A_2098 = arith.constant 0 : i32
        %dma_wait3A_2099 = arith.constant 0 : i32
        %dma_wait3A_2100 = tpu.memref_slice %arg4[%dma_wait3A_2093, %dma_wait3A_2098, %dma_wait3A_2099] : memref<16384x32x128xf32, #tpu.memory_space<hbm>> -> memref<1x26x32xf32, #tpu.memory_space<hbm>>
        %dma_wait3A_2101 = tpu.memref_squeeze %dma_wait3A_2100 : memref<1x26x32xf32, #tpu.memory_space<hbm>> -> memref<26x32xf32, #tpu.memory_space<hbm>>
        %dma_wait3A_2102 = arith.constant 0 : i32
        %dma_wait3A_2103 = arith.constant 0 : i32
        %dma_wait3A_2104 = tpu.memref_slice %arg4[%dma_wait3A_2093, %dma_wait3A_2102, %dma_wait3A_2103] : memref<16384x32x128xf32, #tpu.memory_space<hbm>> -> memref<1x26x32xf32, #tpu.memory_space<hbm>>
        %dma_wait3A_2105 = tpu.memref_squeeze %dma_wait3A_2104 : memref<1x26x32xf32, #tpu.memory_space<hbm>> -> memref<26x32xf32, #tpu.memory_space<hbm>>
        %dma_wait3A_2106 = arith.constant 78 : i32
        %dma_wait3A_2107 = arith.constant 0 : i32
        %dma_wait3A_2108 = tpu.memref_slice %arg7[%dma_wait3A_2092, %dma_wait3A_2106, %dma_wait3A_2107] : memref<4x104x32xf32, #tpu.memory_space<vmem>> -> memref<1x26x32xf32, #tpu.memory_space<vmem>>
        %dma_wait3A_2109 = tpu.memref_squeeze %dma_wait3A_2108 : memref<1x26x32xf32, #tpu.memory_space<vmem>> -> memref<26x32xf32, #tpu.memory_space<vmem>>
        tpu.wait_dma2 semaphore(%arg18 : memref<!tpu.dma_semaphore, #tpu.memory_space<semaphore_mem>>) src(%dma_wait3A_2109 : memref<26x32xf32, #tpu.memory_space<vmem>>) dst(%dma_wait3A_2105 : memref<26x32xf32, #tpu.memory_space<hbm>>)
      } else {
      }
      %dma_wait3A_1291 = arith.constant 2 : i32
      %dma_wait3A_1292 = arith.constant 0 : i32
      %dma_wait3A_1293 = tpu.memref_slice %arg5[%dma_wait3A_1291, %dma_wait3A_1292] : memref<4x128xi32, #tpu.memory_space<vmem>> -> memref<1x104xi32, #tpu.memory_space<vmem>>
      %dma_wait3A_1294 = tpu.memref_squeeze %dma_wait3A_1293 : memref<1x104xi32, #tpu.memory_space<vmem>> -> memref<104xi32, #tpu.memory_space<vmem>>
      %dma_wait3A_1295 = arith.constant 0 : i32
      %dma_wait3A_1296 = tpu.memref_slice %arg3[%dma_wait3A_1295] : memref<425984xi32, #tpu.memory_space<hbm>> -> memref<104xi32, #tpu.memory_space<hbm>>
      %dma_wait3A_1297 = arith.constant 0 : i32
      %dma_wait3A_1298 = tpu.memref_slice %arg5[%dma_wait3A_1291, %dma_wait3A_1297] : memref<4x128xi32, #tpu.memory_space<vmem>> -> memref<1x104xi32, #tpu.memory_space<vmem>>
      %dma_wait3A_1299 = tpu.memref_squeeze %dma_wait3A_1298 : memref<1x104xi32, #tpu.memory_space<vmem>> -> memref<104xi32, #tpu.memory_space<vmem>>
      %dma_wait3A_1300 = arith.constant 0 : i32
      %dma_wait3A_1301 = tpu.memref_slice %arg3[%dma_wait3A_1300] : memref<425984xi32, #tpu.memory_space<hbm>> -> memref<104xi32, #tpu.memory_space<hbm>>
      tpu.wait_dma2 semaphore(%arg10 : memref<!tpu.dma_semaphore, #tpu.memory_space<semaphore_mem>>) src(%dma_wait3A_1301 : memref<104xi32, #tpu.memory_space<hbm>>) dst(%dma_wait3A_1299 : memref<104xi32, #tpu.memory_space<vmem>>)
      %get3A_1302 = arith.constant 2 : i32
      %get3A_1303 = arith.index_cast %get3A_1302 : i32 to index
      %get3A_1304 = arith.constant 0 : index
      %get3A_1305 = tpu.vector_load %arg5[%get3A_1303, %get3A_1304] {strides = array<i32>} : memref<4x128xi32, #tpu.memory_space<vmem>>, vector<1x16xi32>,
      %get3A_1306 = vector.shape_cast %get3A_1305 : vector<1x16xi32> to vector<16xi32>
      %mul3A_1307 = arith.constant -1640531535 : i32
      %mul3A_1308 = vector.broadcast %mul3A_1307 : i32 to vector<16xi32>
      %mul3A_1309 = arith.muli %get3A_1306, %mul3A_1308 : vector<16xi32>
      %jit3A_1310 = arith.constant 1000000 : i32
      %eq3A_1311 = arith.constant 0 : i32
      %eq3A_1312 = arith.cmpi eq, %jit3A_1310, %eq3A_1311 : i32
      %jit3A_1313 = arith.constant 1 : i32
      %select_n3A_1314 = arith.select %eq3A_1312, %jit3A_1313, %jit3A_1310 : i32
      %rem3A_1315 = vector.broadcast %select_n3A_1314 : i32 to vector<16xi32>
      %rem3A_1316 = arith.remui %mul3A_1309, %rem3A_1315 : vector<16xi32>
      %ne3A_1317 = arith.constant 0 : i32
      %ne3A_1318 = vector.broadcast %ne3A_1317 : i32 to vector<16xi32>
      %ne3A_1319 = arith.cmpi ne, %rem3A_1316, %ne3A_1318 : vector<16xi32>
      %lt3A_1320 = arith.constant 0 : i32
      %lt3A_1321 = vector.broadcast %lt3A_1320 : i32 to vector<16xi32>
      %lt3A_1322 = arith.cmpi ult, %rem3A_1316, %lt3A_1321 : vector<16xi32>
      %lt3A_1323 = arith.constant 0 : i32
      %lt3A_1324 = arith.cmpi ult, %select_n3A_1314, %lt3A_1323 : i32
      %ne3A_1325 = vector.broadcast %lt3A_1324 : i1 to vector<16xi1>
      %ne3A_1326 = vector.broadcast %ne3A_1325 : vector<16xi1> to vector<16xi1>
      %ne3A_1327 = arith.xori %lt3A_1322, %ne3A_1326 : vector<16xi1>
      %and3A_1328 = arith.andi %ne3A_1327, %ne3A_1319 : vector<16xi1>
      %add3A_1329 = vector.broadcast %select_n3A_1314 : i32 to vector<16xi32>
      %add3A_1330 = arith.addi %rem3A_1316, %add3A_1329 : vector<16xi32>
      %select_n3A_1331 = arith.select %and3A_1328, %add3A_1330, %rem3A_1316 : vector<16xi1>, vector<16xi32>
      %swap3A_1332 = arith.constant 2 : i32
      %swap3A_1333 = arith.index_cast %swap3A_1332 : i32 to index
      %swap3A_1334 = arith.constant 0 : index
      %swap3A_1335 = tpu.vector_load %arg6[%swap3A_1333, %swap3A_1334] {strides = array<i32>} : memref<4x128xi32, #tpu.memory_space<vmem>>, vector<1x16xi32>,
      %swap3A_1336 = vector.shape_cast %swap3A_1335 : vector<1x16xi32> to vector<16xi32>
      %swap3A_1337 = vector.shape_cast %select_n3A_1331 : vector<16xi32> to vector<1x16xi32>
      tpu.vector_store %arg6[%swap3A_1333, %swap3A_1334], %swap3A_1337 {strides = array<i32>} : memref<4x128xi32, #tpu.memory_space<vmem>>, vector<1x16xi32>,
      %get3A_1338 = arith.constant 2 : i32
      %get3A_1339 = arith.index_cast %get3A_1338 : i32 to index
      %get3A_1340 = arith.constant 16 : index
      %get3A_1341 = tpu.vector_load %arg5[%get3A_1339, %get3A_1340] {strides = array<i32>} : memref<4x128xi32, #tpu.memory_space<vmem>>, vector<1x16xi32>,
      %get3A_1342 = vector.shape_cast %get3A_1341 : vector<1x16xi32> to vector<16xi32>
      %mul3A_1343 = arith.constant -1640531535 : i32
      %mul3A_1344 = vector.broadcast %mul3A_1343 : i32 to vector<16xi32>
      %mul3A_1345 = arith.muli %get3A_1342, %mul3A_1344 : vector<16xi32>
      %jit3A_1346 = arith.constant 1000000 : i32
      %eq3A_1347 = arith.constant 0 : i32
      %eq3A_1348 = arith.cmpi eq, %jit3A_1346, %eq3A_1347 : i32
      %jit3A_1349 = arith.constant 1 : i32
      %select_n3A_1350 = arith.select %eq3A_1348, %jit3A_1349, %jit3A_1346 : i32
      %rem3A_1351 = vector.broadcast %select_n3A_1350 : i32 to vector<16xi32>
      %rem3A_1352 = arith.remui %mul3A_1345, %rem3A_1351 : vector<16xi32>
      %ne3A_1353 = arith.constant 0 : i32
      %ne3A_1354 = vector.broadcast %ne3A_1353 : i32 to vector<16xi32>
      %ne3A_1355 = arith.cmpi ne, %rem3A_1352, %ne3A_1354 : vector<16xi32>
      %lt3A_1356 = arith.constant 0 : i32
      %lt3A_1357 = vector.broadcast %lt3A_1356 : i32 to vector<16xi32>
      %lt3A_1358 = arith.cmpi ult, %rem3A_1352, %lt3A_1357 : vector<16xi32>
      %lt3A_1359 = arith.constant 0 : i32
      %lt3A_1360 = arith.cmpi ult, %select_n3A_1350, %lt3A_1359 : i32
      %ne3A_1361 = vector.broadcast %lt3A_1360 : i1 to vector<16xi1>
      %ne3A_1362 = vector.broadcast %ne3A_1361 : vector<16xi1> to vector<16xi1>
      %ne3A_1363 = arith.xori %lt3A_1358, %ne3A_1362 : vector<16xi1>
      %and3A_1364 = arith.andi %ne3A_1363, %ne3A_1355 : vector<16xi1>
      %add3A_1365 = vector.broadcast %select_n3A_1350 : i32 to vector<16xi32>
      %add3A_1366 = arith.addi %rem3A_1352, %add3A_1365 : vector<16xi32>
      %select_n3A_1367 = arith.select %and3A_1364, %add3A_1366, %rem3A_1352 : vector<16xi1>, vector<16xi32>
      %swap3A_1368 = arith.constant 2 : i32
      %swap3A_1369 = arith.index_cast %swap3A_1368 : i32 to index
      %swap3A_1370 = arith.constant 16 : index
      %swap3A_1371 = tpu.vector_load %arg6[%swap3A_1369, %swap3A_1370] {strides = array<i32>} : memref<4x128xi32, #tpu.memory_space<vmem>>, vector<1x16xi32>,
      %swap3A_1372 = vector.shape_cast %swap3A_1371 : vector<1x16xi32> to vector<16xi32>
      %swap3A_1373 = vector.shape_cast %select_n3A_1367 : vector<16xi32> to vector<1x16xi32>
      tpu.vector_store %arg6[%swap3A_1369, %swap3A_1370], %swap3A_1373 {strides = array<i32>} : memref<4x128xi32, #tpu.memory_space<vmem>>, vector<1x16xi32>,
      %get3A_1374 = arith.constant 2 : i32
      %get3A_1375 = arith.index_cast %get3A_1374 : i32 to index
      %get3A_1376 = arith.constant 32 : index
      %get3A_1377 = tpu.vector_load %arg5[%get3A_1375, %get3A_1376] {strides = array<i32>} : memref<4x128xi32, #tpu.memory_space<vmem>>, vector<1x16xi32>,
      %get3A_1378 = vector.shape_cast %get3A_1377 : vector<1x16xi32> to vector<16xi32>
      %mul3A_1379 = arith.constant -1640531535 : i32
      %mul3A_1380 = vector.broadcast %mul3A_1379 : i32 to vector<16xi32>
      %mul3A_1381 = arith.muli %get3A_1378, %mul3A_1380 : vector<16xi32>
      %jit3A_1382 = arith.constant 1000000 : i32
      %eq3A_1383 = arith.constant 0 : i32
      %eq3A_1384 = arith.cmpi eq, %jit3A_1382, %eq3A_1383 : i32
      %jit3A_1385 = arith.constant 1 : i32
      %select_n3A_1386 = arith.select %eq3A_1384, %jit3A_1385, %jit3A_1382 : i32
      %rem3A_1387 = vector.broadcast %select_n3A_1386 : i32 to vector<16xi32>
      %rem3A_1388 = arith.remui %mul3A_1381, %rem3A_1387 : vector<16xi32>
      %ne3A_1389 = arith.constant 0 : i32
      %ne3A_1390 = vector.broadcast %ne3A_1389 : i32 to vector<16xi32>
      %ne3A_1391 = arith.cmpi ne, %rem3A_1388, %ne3A_1390 : vector<16xi32>
      %lt3A_1392 = arith.constant 0 : i32
      %lt3A_1393 = vector.broadcast %lt3A_1392 : i32 to vector<16xi32>
      %lt3A_1394 = arith.cmpi ult, %rem3A_1388, %lt3A_1393 : vector<16xi32>
      %lt3A_1395 = arith.constant 0 : i32
      %lt3A_1396 = arith.cmpi ult, %select_n3A_1386, %lt3A_1395 : i32
      %ne3A_1397 = vector.broadcast %lt3A_1396 : i1 to vector<16xi1>
      %ne3A_1398 = vector.broadcast %ne3A_1397 : vector<16xi1> to vector<16xi1>
      %ne3A_1399 = arith.xori %lt3A_1394, %ne3A_1398 : vector<16xi1>
      %and3A_1400 = arith.andi %ne3A_1399, %ne3A_1391 : vector<16xi1>
      %add3A_1401 = vector.broadcast %select_n3A_1386 : i32 to vector<16xi32>
      %add3A_1402 = arith.addi %rem3A_1388, %add3A_1401 : vector<16xi32>
      %select_n3A_1403 = arith.select %and3A_1400, %add3A_1402, %rem3A_1388 : vector<16xi1>, vector<16xi32>
      %swap3A_1404 = arith.constant 2 : i32
      %swap3A_1405 = arith.index_cast %swap3A_1404 : i32 to index
      %swap3A_1406 = arith.constant 32 : index
      %swap3A_1407 = tpu.vector_load %arg6[%swap3A_1405, %swap3A_1406] {strides = array<i32>} : memref<4x128xi32, #tpu.memory_space<vmem>>, vector<1x16xi32>,
      %swap3A_1408 = vector.shape_cast %swap3A_1407 : vector<1x16xi32> to vector<16xi32>
      %swap3A_1409 = vector.shape_cast %select_n3A_1403 : vector<16xi32> to vector<1x16xi32>
      tpu.vector_store %arg6[%swap3A_1405, %swap3A_1406], %swap3A_1409 {strides = array<i32>} : memref<4x128xi32, #tpu.memory_space<vmem>>, vector<1x16xi32>,
      %get3A_1410 = arith.constant 2 : i32
      %get3A_1411 = arith.index_cast %get3A_1410 : i32 to index
      %get3A_1412 = arith.constant 48 : index
      %get3A_1413 = tpu.vector_load %arg5[%get3A_1411, %get3A_1412] {strides = array<i32>} : memref<4x128xi32, #tpu.memory_space<vmem>>, vector<1x16xi32>,
      %get3A_1414 = vector.shape_cast %get3A_1413 : vector<1x16xi32> to vector<16xi32>
      %mul3A_1415 = arith.constant -1640531535 : i32
      %mul3A_1416 = vector.broadcast %mul3A_1415 : i32 to vector<16xi32>
      %mul3A_1417 = arith.muli %get3A_1414, %mul3A_1416 : vector<16xi32>
      %jit3A_1418 = arith.constant 1000000 : i32
      %eq3A_1419 = arith.constant 0 : i32
      %eq3A_1420 = arith.cmpi eq, %jit3A_1418, %eq3A_1419 : i32
      %jit3A_1421 = arith.constant 1 : i32
      %select_n3A_1422 = arith.select %eq3A_1420, %jit3A_1421, %jit3A_1418 : i32
      %rem3A_1423 = vector.broadcast %select_n3A_1422 : i32 to vector<16xi32>
      %rem3A_1424 = arith.remui %mul3A_1417, %rem3A_1423 : vector<16xi32>
      %ne3A_1425 = arith.constant 0 : i32
      %ne3A_1426 = vector.broadcast %ne3A_1425 : i32 to vector<16xi32>
      %ne3A_1427 = arith.cmpi ne, %rem3A_1424, %ne3A_1426 : vector<16xi32>
      %lt3A_1428 = arith.constant 0 : i32
      %lt3A_1429 = vector.broadcast %lt3A_1428 : i32 to vector<16xi32>
      %lt3A_1430 = arith.cmpi ult, %rem3A_1424, %lt3A_1429 : vector<16xi32>
      %lt3A_1431 = arith.constant 0 : i32
      %lt3A_1432 = arith.cmpi ult, %select_n3A_1422, %lt3A_1431 : i32
      %ne3A_1433 = vector.broadcast %lt3A_1432 : i1 to vector<16xi1>
      %ne3A_1434 = vector.broadcast %ne3A_1433 : vector<16xi1> to vector<16xi1>
      %ne3A_1435 = arith.xori %lt3A_1430, %ne3A_1434 : vector<16xi1>
      %and3A_1436 = arith.andi %ne3A_1435, %ne3A_1427 : vector<16xi1>
      %add3A_1437 = vector.broadcast %select_n3A_1422 : i32 to vector<16xi32>
      %add3A_1438 = arith.addi %rem3A_1424, %add3A_1437 : vector<16xi32>
      %select_n3A_1439 = arith.select %and3A_1436, %add3A_1438, %rem3A_1424 : vector<16xi1>, vector<16xi32>
      %swap3A_1440 = arith.constant 2 : i32
      %swap3A_1441 = arith.index_cast %swap3A_1440 : i32 to index
      %swap3A_1442 = arith.constant 48 : index
      %swap3A_1443 = tpu.vector_load %arg6[%swap3A_1441, %swap3A_1442] {strides = array<i32>} : memref<4x128xi32, #tpu.memory_space<vmem>>, vector<1x16xi32>,
      %swap3A_1444 = vector.shape_cast %swap3A_1443 : vector<1x16xi32> to vector<16xi32>
      %swap3A_1445 = vector.shape_cast %select_n3A_1439 : vector<16xi32> to vector<1x16xi32>
      tpu.vector_store %arg6[%swap3A_1441, %swap3A_1442], %swap3A_1445 {strides = array<i32>} : memref<4x128xi32, #tpu.memory_space<vmem>>, vector<1x16xi32>,
      %get3A_1446 = arith.constant 2 : i32
      %get3A_1447 = arith.index_cast %get3A_1446 : i32 to index
      %get3A_1448 = arith.constant 64 : index
      %get3A_1449 = tpu.vector_load %arg5[%get3A_1447, %get3A_1448] {strides = array<i32>} : memref<4x128xi32, #tpu.memory_space<vmem>>, vector<1x16xi32>,
      %get3A_1450 = vector.shape_cast %get3A_1449 : vector<1x16xi32> to vector<16xi32>
      %mul3A_1451 = arith.constant -1640531535 : i32
      %mul3A_1452 = vector.broadcast %mul3A_1451 : i32 to vector<16xi32>
      %mul3A_1453 = arith.muli %get3A_1450, %mul3A_1452 : vector<16xi32>
      %jit3A_1454 = arith.constant 1000000 : i32
      %eq3A_1455 = arith.constant 0 : i32
      %eq3A_1456 = arith.cmpi eq, %jit3A_1454, %eq3A_1455 : i32
      %jit3A_1457 = arith.constant 1 : i32
      %select_n3A_1458 = arith.select %eq3A_1456, %jit3A_1457, %jit3A_1454 : i32
      %rem3A_1459 = vector.broadcast %select_n3A_1458 : i32 to vector<16xi32>
      %rem3A_1460 = arith.remui %mul3A_1453, %rem3A_1459 : vector<16xi32>
      %ne3A_1461 = arith.constant 0 : i32
      %ne3A_1462 = vector.broadcast %ne3A_1461 : i32 to vector<16xi32>
      %ne3A_1463 = arith.cmpi ne, %rem3A_1460, %ne3A_1462 : vector<16xi32>
      %lt3A_1464 = arith.constant 0 : i32
      %lt3A_1465 = vector.broadcast %lt3A_1464 : i32 to vector<16xi32>
      %lt3A_1466 = arith.cmpi ult, %rem3A_1460, %lt3A_1465 : vector<16xi32>
      %lt3A_1467 = arith.constant 0 : i32
      %lt3A_1468 = arith.cmpi ult, %select_n3A_1458, %lt3A_1467 : i32
      %ne3A_1469 = vector.broadcast %lt3A_1468 : i1 to vector<16xi1>
      %ne3A_1470 = vector.broadcast %ne3A_1469 : vector<16xi1> to vector<16xi1>
      %ne3A_1471 = arith.xori %lt3A_1466, %ne3A_1470 : vector<16xi1>
      %and3A_1472 = arith.andi %ne3A_1471, %ne3A_1463 : vector<16xi1>
      %add3A_1473 = vector.broadcast %select_n3A_1458 : i32 to vector<16xi32>
      %add3A_1474 = arith.addi %rem3A_1460, %add3A_1473 : vector<16xi32>
      %select_n3A_1475 = arith.select %and3A_1472, %add3A_1474, %rem3A_1460 : vector<16xi1>, vector<16xi32>
      %swap3A_1476 = arith.constant 2 : i32
      %swap3A_1477 = arith.index_cast %swap3A_1476 : i32 to index
      %swap3A_1478 = arith.constant 64 : index
      %swap3A_1479 = tpu.vector_load %arg6[%swap3A_1477, %swap3A_1478] {strides = array<i32>} : memref<4x128xi32, #tpu.memory_space<vmem>>, vector<1x16xi32>,
      %swap3A_1480 = vector.shape_cast %swap3A_1479 : vector<1x16xi32> to vector<16xi32>
      %swap3A_1481 = vector.shape_cast %select_n3A_1475 : vector<16xi32> to vector<1x16xi32>
      tpu.vector_store %arg6[%swap3A_1477, %swap3A_1478], %swap3A_1481 {strides = array<i32>} : memref<4x128xi32, #tpu.memory_space<vmem>>, vector<1x16xi32>,
      %get3A_1482 = arith.constant 2 : i32
      %get3A_1483 = arith.index_cast %get3A_1482 : i32 to index
      %get3A_1484 = arith.constant 80 : index
      %get3A_1485 = tpu.vector_load %arg5[%get3A_1483, %get3A_1484] {strides = array<i32>} : memref<4x128xi32, #tpu.memory_space<vmem>>, vector<1x16xi32>,
      %get3A_1486 = vector.shape_cast %get3A_1485 : vector<1x16xi32> to vector<16xi32>
      %mul3A_1487 = arith.constant -1640531535 : i32
      %mul3A_1488 = vector.broadcast %mul3A_1487 : i32 to vector<16xi32>
      %mul3A_1489 = arith.muli %get3A_1486, %mul3A_1488 : vector<16xi32>
      %jit3A_1490 = arith.constant 1000000 : i32
      %eq3A_1491 = arith.constant 0 : i32
      %eq3A_1492 = arith.cmpi eq, %jit3A_1490, %eq3A_1491 : i32
      %jit3A_1493 = arith.constant 1 : i32
      %select_n3A_1494 = arith.select %eq3A_1492, %jit3A_1493, %jit3A_1490 : i32
      %rem3A_1495 = vector.broadcast %select_n3A_1494 : i32 to vector<16xi32>
      %rem3A_1496 = arith.remui %mul3A_1489, %rem3A_1495 : vector<16xi32>
      %ne3A_1497 = arith.constant 0 : i32
      %ne3A_1498 = vector.broadcast %ne3A_1497 : i32 to vector<16xi32>
      %ne3A_1499 = arith.cmpi ne, %rem3A_1496, %ne3A_1498 : vector<16xi32>
      %lt3A_1500 = arith.constant 0 : i32
      %lt3A_1501 = vector.broadcast %lt3A_1500 : i32 to vector<16xi32>
      %lt3A_1502 = arith.cmpi ult, %rem3A_1496, %lt3A_1501 : vector<16xi32>
      %lt3A_1503 = arith.constant 0 : i32
      %lt3A_1504 = arith.cmpi ult, %select_n3A_1494, %lt3A_1503 : i32
      %ne3A_1505 = vector.broadcast %lt3A_1504 : i1 to vector<16xi1>
      %ne3A_1506 = vector.broadcast %ne3A_1505 : vector<16xi1> to vector<16xi1>
      %ne3A_1507 = arith.xori %lt3A_1502, %ne3A_1506 : vector<16xi1>
      %and3A_1508 = arith.andi %ne3A_1507, %ne3A_1499 : vector<16xi1>
      %add3A_1509 = vector.broadcast %select_n3A_1494 : i32 to vector<16xi32>
      %add3A_1510 = arith.addi %rem3A_1496, %add3A_1509 : vector<16xi32>
      %select_n3A_1511 = arith.select %and3A_1508, %add3A_1510, %rem3A_1496 : vector<16xi1>, vector<16xi32>
      %swap3A_1512 = arith.constant 2 : i32
      %swap3A_1513 = arith.index_cast %swap3A_1512 : i32 to index
      %swap3A_1514 = arith.constant 80 : index
      %swap3A_1515 = tpu.vector_load %arg6[%swap3A_1513, %swap3A_1514] {strides = array<i32>} : memref<4x128xi32, #tpu.memory_space<vmem>>, vector<1x16xi32>,
      %swap3A_1516 = vector.shape_cast %swap3A_1515 : vector<1x16xi32> to vector<16xi32>
      %swap3A_1517 = vector.shape_cast %select_n3A_1511 : vector<16xi32> to vector<1x16xi32>
      tpu.vector_store %arg6[%swap3A_1513, %swap3A_1514], %swap3A_1517 {strides = array<i32>} : memref<4x128xi32, #tpu.memory_space<vmem>>, vector<1x16xi32>,
      %get3A_1518 = arith.constant 2 : i32
      %get3A_1519 = arith.index_cast %get3A_1518 : i32 to index
      %get3A_1520 = arith.constant 96 : index
      %get3A_1521 = tpu.vector_load %arg5[%get3A_1519, %get3A_1520] {strides = array<i32>} : memref<4x128xi32, #tpu.memory_space<vmem>>, vector<1x16xi32>,
      %get3A_1522 = vector.shape_cast %get3A_1521 : vector<1x16xi32> to vector<16xi32>
      %mul3A_1523 = arith.constant -1640531535 : i32
      %mul3A_1524 = vector.broadcast %mul3A_1523 : i32 to vector<16xi32>
      %mul3A_1525 = arith.muli %get3A_1522, %mul3A_1524 : vector<16xi32>
      %jit3A_1526 = arith.constant 1000000 : i32
      %eq3A_1527 = arith.constant 0 : i32
      %eq3A_1528 = arith.cmpi eq, %jit3A_1526, %eq3A_1527 : i32
      %jit3A_1529 = arith.constant 1 : i32
      %select_n3A_1530 = arith.select %eq3A_1528, %jit3A_1529, %jit3A_1526 : i32
      %rem3A_1531 = vector.broadcast %select_n3A_1530 : i32 to vector<16xi32>
      %rem3A_1532 = arith.remui %mul3A_1525, %rem3A_1531 : vector<16xi32>
      %ne3A_1533 = arith.constant 0 : i32
      %ne3A_1534 = vector.broadcast %ne3A_1533 : i32 to vector<16xi32>
      %ne3A_1535 = arith.cmpi ne, %rem3A_1532, %ne3A_1534 : vector<16xi32>
      %lt3A_1536 = arith.constant 0 : i32
      %lt3A_1537 = vector.broadcast %lt3A_1536 : i32 to vector<16xi32>
      %lt3A_1538 = arith.cmpi ult, %rem3A_1532, %lt3A_1537 : vector<16xi32>
      %lt3A_1539 = arith.constant 0 : i32
      %lt3A_1540 = arith.cmpi ult, %select_n3A_1530, %lt3A_1539 : i32
      %ne3A_1541 = vector.broadcast %lt3A_1540 : i1 to vector<16xi1>
      %ne3A_1542 = vector.broadcast %ne3A_1541 : vector<16xi1> to vector<16xi1>
      %ne3A_1543 = arith.xori %lt3A_1538, %ne3A_1542 : vector<16xi1>
      %and3A_1544 = arith.andi %ne3A_1543, %ne3A_1535 : vector<16xi1>
      %add3A_1545 = vector.broadcast %select_n3A_1530 : i32 to vector<16xi32>
      %add3A_1546 = arith.addi %rem3A_1532, %add3A_1545 : vector<16xi32>
      %select_n3A_1547 = arith.select %and3A_1544, %add3A_1546, %rem3A_1532 : vector<16xi1>, vector<16xi32>
      %swap3A_1548 = arith.constant 2 : i32
      %swap3A_1549 = arith.index_cast %swap3A_1548 : i32 to index
      %swap3A_1550 = arith.constant 96 : index
      %swap3A_1551 = tpu.vector_load %arg6[%swap3A_1549, %swap3A_1550] {strides = array<i32>} : memref<4x128xi32, #tpu.memory_space<vmem>>, vector<1x16xi32>,
      %swap3A_1552 = vector.shape_cast %swap3A_1551 : vector<1x16xi32> to vector<16xi32>
      %swap3A_1553 = vector.shape_cast %select_n3A_1547 : vector<16xi32> to vector<1x16xi32>
      tpu.vector_store %arg6[%swap3A_1549, %swap3A_1550], %swap3A_1553 {strides = array<i32>} : memref<4x128xi32, #tpu.memory_space<vmem>>, vector<1x16xi32>,
      %get3A_1554 = arith.constant 2 : i32
      %get3A_1555 = arith.index_cast %get3A_1554 : i32 to index
      %get3A_1556 = arith.constant 112 : index
      %get3A_1557 = tpu.vector_load %arg5[%get3A_1555, %get3A_1556] {strides = array<i32>} : memref<4x128xi32, #tpu.memory_space<vmem>>, vector<1x16xi32>,
      %get3A_1558 = vector.shape_cast %get3A_1557 : vector<1x16xi32> to vector<16xi32>
      %mul3A_1559 = arith.constant -1640531535 : i32
      %mul3A_1560 = vector.broadcast %mul3A_1559 : i32 to vector<16xi32>
      %mul3A_1561 = arith.muli %get3A_1558, %mul3A_1560 : vector<16xi32>
      %jit3A_1562 = arith.constant 1000000 : i32
      %eq3A_1563 = arith.constant 0 : i32
      %eq3A_1564 = arith.cmpi eq, %jit3A_1562, %eq3A_1563 : i32
      %jit3A_1565 = arith.constant 1 : i32
      %select_n3A_1566 = arith.select %eq3A_1564, %jit3A_1565, %jit3A_1562 : i32
      %rem3A_1567 = vector.broadcast %select_n3A_1566 : i32 to vector<16xi32>
      %rem3A_1568 = arith.remui %mul3A_1561, %rem3A_1567 : vector<16xi32>
      %ne3A_1569 = arith.constant 0 : i32
      %ne3A_1570 = vector.broadcast %ne3A_1569 : i32 to vector<16xi32>
      %ne3A_1571 = arith.cmpi ne, %rem3A_1568, %ne3A_1570 : vector<16xi32>
      %lt3A_1572 = arith.constant 0 : i32
      %lt3A_1573 = vector.broadcast %lt3A_1572 : i32 to vector<16xi32>
      %lt3A_1574 = arith.cmpi ult, %rem3A_1568, %lt3A_1573 : vector<16xi32>
      %lt3A_1575 = arith.constant 0 : i32
      %lt3A_1576 = arith.cmpi ult, %select_n3A_1566, %lt3A_1575 : i32
      %ne3A_1577 = vector.broadcast %lt3A_1576 : i1 to vector<16xi1>
      %ne3A_1578 = vector.broadcast %ne3A_1577 : vector<16xi1> to vector<16xi1>
      %ne3A_1579 = arith.xori %lt3A_1574, %ne3A_1578 : vector<16xi1>
      %and3A_1580 = arith.andi %ne3A_1579, %ne3A_1571 : vector<16xi1>
      %add3A_1581 = vector.broadcast %select_n3A_1566 : i32 to vector<16xi32>
      %add3A_1582 = arith.addi %rem3A_1568, %add3A_1581 : vector<16xi32>
      %select_n3A_1583 = arith.select %and3A_1580, %add3A_1582, %rem3A_1568 : vector<16xi1>, vector<16xi32>
      %swap3A_1584 = arith.constant 2 : i32
      %swap3A_1585 = arith.index_cast %swap3A_1584 : i32 to index
      %swap3A_1586 = arith.constant 112 : index
      %swap3A_1587 = tpu.vector_load %arg6[%swap3A_1585, %swap3A_1586] {strides = array<i32>} : memref<4x128xi32, #tpu.memory_space<vmem>>, vector<1x16xi32>,
      %swap3A_1588 = vector.shape_cast %swap3A_1587 : vector<1x16xi32> to vector<16xi32>
      %swap3A_1589 = vector.shape_cast %select_n3A_1583 : vector<16xi32> to vector<1x16xi32>
      tpu.vector_store %arg6[%swap3A_1585, %swap3A_1586], %swap3A_1589 {strides = array<i32>} : memref<4x128xi32, #tpu.memory_space<vmem>>, vector<1x16xi32>,
      %dma_start3A_1590 = arith.constant 2 : i32
      %dma_start3A_1591 = arith.constant 2 : i32
      %dma_start3A_1592 = arith.constant 0 : i32
      %dma_start3A_1593 = arith.constant 0 : i32
      %dma_start3A_1594 = tpu.memref_slice %arg7[%dma_start3A_1591, %dma_start3A_1592, %dma_start3A_1593] : memref<4x104x32xf32, #tpu.memory_space<vmem>> -> memref<1x104x32xf32, #tpu.memory_space<vmem>>
      %dma_start3A_1595 = tpu.memref_squeeze %dma_start3A_1594 : memref<1x104x32xf32, #tpu.memory_space<vmem>> -> memref<104x32xf32, #tpu.memory_space<vmem>>
      %dma_start3A_1596 = arith.constant 0 : i32
      %dma_start3A_1597 = tpu.memref_slice %arg6[%dma_start3A_1590, %dma_start3A_1596] : memref<4x128xi32, #tpu.memory_space<vmem>> -> memref<1x104xi32, #tpu.memory_space<vmem>>
      %dma_start3A_1598 = tpu.memref_squeeze %dma_start3A_1597 : memref<1x104xi32, #tpu.memory_space<vmem>> -> memref<104xi32, #tpu.memory_space<vmem>>
      %dma_start3A_1599 = arith.constant 0 : i32
      %dma_start3A_1600 = arith.constant 0 : i32
      %dma_start3A_1601 = tpu.memref_slice %arg2[%dma_start3A_1599, %dma_start3A_1600] : memref<1000000x32xf32, #tpu.memory_space<hbm>> -> memref<1000000x32xf32, #tpu.memory_space<hbm>>
      tpu.enqueue_indirect_dma source(%dma_start3A_1601 : memref<1000000x32xf32, #tpu.memory_space<hbm>>) target(%dma_start3A_1595 : memref<104x32xf32, #tpu.memory_space<vmem>>) offsets(%dma_start3A_1598 : memref<104xi32, #tpu.memory_space<vmem>>) semaphore(%arg14 : memref<!tpu.dma_semaphore, #tpu.memory_space<semaphore_mem>>)
      %gt3A_1602 = arith.constant 0 : i32
      %gt3A_1603 = arith.cmpi sgt, %add3A_633, %gt3A_1602 : i32
      %convert_element_type3A_1604 = arith.extui %gt3A_1603 : i1 to i32
      %cond3A_1605 = arith.constant 0 : i32
      %cond3A_1606 = arith.cmpi ne, %convert_element_type3A_1604, %cond3A_1605 : i32
      scf.if %cond3A_1606 {
        %dma_wait3A_2038 = arith.constant 3 : i32
        %dma_wait3A_2039 = arith.constant 3 : i32
        %dma_wait3A_2040 = arith.constant 0 : i32
        %dma_wait3A_2041 = arith.constant 0 : i32
        %dma_wait3A_2042 = tpu.memref_slice %arg7[%dma_wait3A_2039, %dma_wait3A_2040, %dma_wait3A_2041] : memref<4x104x32xf32, #tpu.memory_space<vmem>> -> memref<1x104x32xf32, #tpu.memory_space<vmem>>
        %dma_wait3A_2043 = tpu.memref_squeeze %dma_wait3A_2042 : memref<1x104x32xf32, #tpu.memory_space<vmem>> -> memref<104x32xf32, #tpu.memory_space<vmem>>
        %dma_wait3A_2044 = arith.constant 0 : i32
        %dma_wait3A_2045 = tpu.memref_slice %arg6[%dma_wait3A_2038, %dma_wait3A_2044] : memref<4x128xi32, #tpu.memory_space<vmem>> -> memref<1x104xi32, #tpu.memory_space<vmem>>
        %dma_wait3A_2046 = tpu.memref_squeeze %dma_wait3A_2045 : memref<1x104xi32, #tpu.memory_space<vmem>> -> memref<104xi32, #tpu.memory_space<vmem>>
        %dma_wait3A_2047 = arith.constant 0 : i32
        %dma_wait3A_2048 = arith.constant 0 : i32
        %dma_wait3A_2049 = tpu.memref_slice %arg2[%dma_wait3A_2047, %dma_wait3A_2048] : memref<1000000x32xf32, #tpu.memory_space<hbm>> -> memref<1000000x32xf32, #tpu.memory_space<hbm>>
        tpu.wait_indirect_dma semaphore(%arg15 : memref<!tpu.dma_semaphore, #tpu.memory_space<semaphore_mem>>) src(%dma_wait3A_2049 : memref<1000000x32xf32, #tpu.memory_space<hbm>>) dst(%dma_wait3A_2043 : memref<104x32xf32, #tpu.memory_space<vmem>>)
        %sub3A_2050 = arith.constant 3 : i32
        %sub3A_2051 = arith.subi %add3A_1285, %sub3A_2050 : i32
        %mul3A_2052 = arith.constant 4 : i32
        %mul3A_2053 = arith.muli %sub3A_2051, %mul3A_2052 : i32
        %add3A_2054 = arith.addi %mul3A_6, %mul3A_2053 : i32
        %add3A_2055 = arith.constant 0 : i32
        %add3A_2056 = arith.addi %add3A_2054, %add3A_2055 : i32
        %dma_start3A_2057 = arith.constant 3 : i32
        %dma_start3A_2058 = arith.constant 0 : i32
        %dma_start3A_2059 = arith.constant 0 : i32
        %dma_start3A_2060 = tpu.memref_slice %arg7[%dma_start3A_2057, %dma_start3A_2058, %dma_start3A_2059] : memref<4x104x32xf32, #tpu.memory_space<vmem>> -> memref<1x26x32xf32, #tpu.memory_space<vmem>>
        %dma_start3A_2061 = tpu.memref_squeeze %dma_start3A_2060 : memref<1x26x32xf32, #tpu.memory_space<vmem>> -> memref<26x32xf32, #tpu.memory_space<vmem>>
        %dma_start3A_2062 = arith.constant 0 : i32
        %dma_start3A_2063 = arith.constant 0 : i32
        %dma_start3A_2064 = tpu.memref_slice %arg4[%add3A_2056, %dma_start3A_2062, %dma_start3A_2063] : memref<16384x32x128xf32, #tpu.memory_space<hbm>> -> memref<1x26x32xf32, #tpu.memory_space<hbm>>
        %dma_start3A_2065 = tpu.memref_squeeze %dma_start3A_2064 : memref<1x26x32xf32, #tpu.memory_space<hbm>> -> memref<26x32xf32, #tpu.memory_space<hbm>>
        %dma_start3A_2066 = arith.constant 0 : i32
        %dma_start3A_2067 = arith.constant 0 : i32
        %dma_start3A_2068 = tpu.memref_slice %arg4[%add3A_2056, %dma_start3A_2066, %dma_start3A_2067] : memref<16384x32x128xf32, #tpu.memory_space<hbm>> -> memref<1x26x32xf32, #tpu.memory_space<hbm>>
        %dma_start3A_2069 = tpu.memref_squeeze %dma_start3A_2068 : memref<1x26x32xf32, #tpu.memory_space<hbm>> -> memref<26x32xf32, #tpu.memory_space<hbm>>
        %dma_start3A_2070 = arith.constant 0 : i32
        %dma_start3A_2071 = arith.constant 0 : i32
        %dma_start3A_2072 = tpu.memref_slice %arg7[%dma_start3A_2057, %dma_start3A_2070, %dma_start3A_2071] : memref<4x104x32xf32, #tpu.memory_space<vmem>> -> memref<1x26x32xf32, #tpu.memory_space<vmem>>
        %dma_start3A_2073 = tpu.memref_squeeze %dma_start3A_2072 : memref<1x26x32xf32, #tpu.memory_space<vmem>> -> memref<26x32xf32, #tpu.memory_space<vmem>>
        tpu.enqueue_dma source(%dma_start3A_2073 : memref<26x32xf32, #tpu.memory_space<vmem>>) target(%dma_start3A_2069 : memref<26x32xf32, #tpu.memory_space<hbm>>) target_semaphore(%arg19 : memref<!tpu.dma_semaphore, #tpu.memory_space<semaphore_mem>>)
        %mul3A_2074 = arith.constant 4 : i32
        %mul3A_2075 = arith.muli %sub3A_2051, %mul3A_2074 : i32
        %add3A_2076 = arith.addi %mul3A_6, %mul3A_2075 : i32
        %add3A_2077 = arith.constant 1 : i32
        %add3A_2078 = arith.addi %add3A_2076, %add3A_2077 : i32
        %dma_start3A_2079 = arith.constant 3 : i32
        %dma_start3A_2080 = arith.constant 26 : i32
        %dma_start3A_2081 = arith.constant 0 : i32
        %dma_start3A_2082 = tpu.memref_slice %arg7[%dma_start3A_2079, %dma_start3A_2080, %dma_start3A_2081] : memref<4x104x32xf32, #tpu.memory_space<vmem>> -> memref<1x26x32xf32, #tpu.memory_space<vmem>>
        %dma_start3A_2083 = tpu.memref_squeeze %dma_start3A_2082 : memref<1x26x32xf32, #tpu.memory_space<vmem>> -> memref<26x32xf32, #tpu.memory_space<vmem>>
        %dma_start3A_2084 = arith.constant 0 : i32
        %dma_start3A_2085 = arith.constant 0 : i32
        %dma_start3A_2086 = tpu.memref_slice %arg4[%add3A_2078, %dma_start3A_2084, %dma_start3A_2085] : memref<16384x32x128xf32, #tpu.memory_space<hbm>> -> memref<1x26x32xf32, #tpu.memory_space<hbm>>
        %dma_start3A_2087 = tpu.memref_squeeze %dma_start3A_2086 : memref<1x26x32xf32, #tpu.memory_space<hbm>> -> memref<26x32xf32, #tpu.memory_space<hbm>>
        %dma_start3A_2088 = arith.constant 0 : i32
        %dma_start3A_2089 = arith.constant 0 : i32
        %dma_start3A_2090 = tpu.memref_slice %arg4[%add3A_2078, %dma_start3A_2088, %dma_start3A_2089] : memref<16384x32x128xf32, #tpu.memory_space<hbm>> -> memref<1x26x32xf32, #tpu.memory_space<hbm>>
        %dma_start3A_2091 = tpu.memref_squeeze %dma_start3A_2090 : memref<1x26x32xf32, #tpu.memory_space<hbm>> -> memref<26x32xf32, #tpu.memory_space<hbm>>
        %dma_start3A_2092 = arith.constant 26 : i32
        %dma_start3A_2093 = arith.constant 0 : i32
        %dma_start3A_2094 = tpu.memref_slice %arg7[%dma_start3A_2079, %dma_start3A_2092, %dma_start3A_2093] : memref<4x104x32xf32, #tpu.memory_space<vmem>> -> memref<1x26x32xf32, #tpu.memory_space<vmem>>
        %dma_start3A_2095 = tpu.memref_squeeze %dma_start3A_2094 : memref<1x26x32xf32, #tpu.memory_space<vmem>> -> memref<26x32xf32, #tpu.memory_space<vmem>>
        tpu.enqueue_dma source(%dma_start3A_2095 : memref<26x32xf32, #tpu.memory_space<vmem>>) target(%dma_start3A_2091 : memref<26x32xf32, #tpu.memory_space<hbm>>) target_semaphore(%arg19 : memref<!tpu.dma_semaphore, #tpu.memory_space<semaphore_mem>>)
        %mul3A_2096 = arith.constant 4 : i32
        %mul3A_2097 = arith.muli %sub3A_2051, %mul3A_2096 : i32
        %add3A_2098 = arith.addi %mul3A_6, %mul3A_2097 : i32
        %add3A_2099 = arith.constant 2 : i32
        %add3A_2100 = arith.addi %add3A_2098, %add3A_2099 : i32
        %dma_start3A_2101 = arith.constant 3 : i32
        %dma_start3A_2102 = arith.constant 52 : i32
        %dma_start3A_2103 = arith.constant 0 : i32
        %dma_start3A_2104 = tpu.memref_slice %arg7[%dma_start3A_2101, %dma_start3A_2102, %dma_start3A_2103] : memref<4x104x32xf32, #tpu.memory_space<vmem>> -> memref<1x26x32xf32, #tpu.memory_space<vmem>>
        %dma_start3A_2105 = tpu.memref_squeeze %dma_start3A_2104 : memref<1x26x32xf32, #tpu.memory_space<vmem>> -> memref<26x32xf32, #tpu.memory_space<vmem>>
        %dma_start3A_2106 = arith.constant 0 : i32
        %dma_start3A_2107 = arith.constant 0 : i32
        %dma_start3A_2108 = tpu.memref_slice %arg4[%add3A_2100, %dma_start3A_2106, %dma_start3A_2107] : memref<16384x32x128xf32, #tpu.memory_space<hbm>> -> memref<1x26x32xf32, #tpu.memory_space<hbm>>
        %dma_start3A_2109 = tpu.memref_squeeze %dma_start3A_2108 : memref<1x26x32xf32, #tpu.memory_space<hbm>> -> memref<26x32xf32, #tpu.memory_space<hbm>>
        %dma_start3A_2110 = arith.constant 0 : i32
        %dma_start3A_2111 = arith.constant 0 : i32
        %dma_start3A_2112 = tpu.memref_slice %arg4[%add3A_2100, %dma_start3A_2110, %dma_start3A_2111] : memref<16384x32x128xf32, #tpu.memory_space<hbm>> -> memref<1x26x32xf32, #tpu.memory_space<hbm>>
        %dma_start3A_2113 = tpu.memref_squeeze %dma_start3A_2112 : memref<1x26x32xf32, #tpu.memory_space<hbm>> -> memref<26x32xf32, #tpu.memory_space<hbm>>
        %dma_start3A_2114 = arith.constant 52 : i32
        %dma_start3A_2115 = arith.constant 0 : i32
        %dma_start3A_2116 = tpu.memref_slice %arg7[%dma_start3A_2101, %dma_start3A_2114, %dma_start3A_2115] : memref<4x104x32xf32, #tpu.memory_space<vmem>> -> memref<1x26x32xf32, #tpu.memory_space<vmem>>
        %dma_start3A_2117 = tpu.memref_squeeze %dma_start3A_2116 : memref<1x26x32xf32, #tpu.memory_space<vmem>> -> memref<26x32xf32, #tpu.memory_space<vmem>>
        tpu.enqueue_dma source(%dma_start3A_2117 : memref<26x32xf32, #tpu.memory_space<vmem>>) target(%dma_start3A_2113 : memref<26x32xf32, #tpu.memory_space<hbm>>) target_semaphore(%arg19 : memref<!tpu.dma_semaphore, #tpu.memory_space<semaphore_mem>>)
        %mul3A_2118 = arith.constant 4 : i32
        %mul3A_2119 = arith.muli %sub3A_2051, %mul3A_2118 : i32
        %add3A_2120 = arith.addi %mul3A_6, %mul3A_2119 : i32
        %add3A_2121 = arith.constant 3 : i32
        %add3A_2122 = arith.addi %add3A_2120, %add3A_2121 : i32
        %dma_start3A_2123 = arith.constant 3 : i32
        %dma_start3A_2124 = arith.constant 78 : i32
        %dma_start3A_2125 = arith.constant 0 : i32
        %dma_start3A_2126 = tpu.memref_slice %arg7[%dma_start3A_2123, %dma_start3A_2124, %dma_start3A_2125] : memref<4x104x32xf32, #tpu.memory_space<vmem>> -> memref<1x26x32xf32, #tpu.memory_space<vmem>>
        %dma_start3A_2127 = tpu.memref_squeeze %dma_start3A_2126 : memref<1x26x32xf32, #tpu.memory_space<vmem>> -> memref<26x32xf32, #tpu.memory_space<vmem>>
        %dma_start3A_2128 = arith.constant 0 : i32
        %dma_start3A_2129 = arith.constant 0 : i32
        %dma_start3A_2130 = tpu.memref_slice %arg4[%add3A_2122, %dma_start3A_2128, %dma_start3A_2129] : memref<16384x32x128xf32, #tpu.memory_space<hbm>> -> memref<1x26x32xf32, #tpu.memory_space<hbm>>
        %dma_start3A_2131 = tpu.memref_squeeze %dma_start3A_2130 : memref<1x26x32xf32, #tpu.memory_space<hbm>> -> memref<26x32xf32, #tpu.memory_space<hbm>>
        %dma_start3A_2132 = arith.constant 0 : i32
        %dma_start3A_2133 = arith.constant 0 : i32
        %dma_start3A_2134 = tpu.memref_slice %arg4[%add3A_2122, %dma_start3A_2132, %dma_start3A_2133] : memref<16384x32x128xf32, #tpu.memory_space<hbm>> -> memref<1x26x32xf32, #tpu.memory_space<hbm>>
        %dma_start3A_2135 = tpu.memref_squeeze %dma_start3A_2134 : memref<1x26x32xf32, #tpu.memory_space<hbm>> -> memref<26x32xf32, #tpu.memory_space<hbm>>
        %dma_start3A_2136 = arith.constant 78 : i32
        %dma_start3A_2137 = arith.constant 0 : i32
        %dma_start3A_2138 = tpu.memref_slice %arg7[%dma_start3A_2123, %dma_start3A_2136, %dma_start3A_2137] : memref<4x104x32xf32, #tpu.memory_space<vmem>> -> memref<1x26x32xf32, #tpu.memory_space<vmem>>
        %dma_start3A_2139 = tpu.memref_squeeze %dma_start3A_2138 : memref<1x26x32xf32, #tpu.memory_space<vmem>> -> memref<26x32xf32, #tpu.memory_space<vmem>>
        tpu.enqueue_dma source(%dma_start3A_2139 : memref<26x32xf32, #tpu.memory_space<vmem>>) target(%dma_start3A_2135 : memref<26x32xf32, #tpu.memory_space<hbm>>) target_semaphore(%arg19 : memref<!tpu.dma_semaphore, #tpu.memory_space<semaphore_mem>>)
      } else {
      }
      %lt3A_1607 = arith.constant 31 : i32
      %lt3A_1608 = arith.cmpi slt, %add3A_633, %lt3A_1607 : i32
      %convert_element_type3A_1609 = arith.extui %lt3A_1608 : i1 to i32
      %cond3A_1610 = arith.constant 0 : i32
      %cond3A_1611 = arith.cmpi ne, %convert_element_type3A_1609, %cond3A_1610 : i32
      scf.if %cond3A_1611 {
        %add3A_2038 = arith.constant 4 : i32
        %add3A_2039 = arith.addi %add3A_1285, %add3A_2038 : i32
        %mul3A_2040 = arith.constant 104 : i32
        %mul3A_2041 = arith.muli %add3A_2039, %mul3A_2040 : i32
        %add3A_2042 = arith.addi %mul3A_4, %mul3A_2041 : i32
        %dma_start3A_2043 = arith.constant 2 : i32
        %dma_start3A_2044 = arith.constant 0 : i32
        %dma_start3A_2045 = tpu.memref_slice %arg5[%dma_start3A_2043, %dma_start3A_2044] : memref<4x128xi32, #tpu.memory_space<vmem>> -> memref<1x104xi32, #tpu.memory_space<vmem>>
        %dma_start3A_2046 = tpu.memref_squeeze %dma_start3A_2045 : memref<1x104xi32, #tpu.memory_space<vmem>> -> memref<104xi32, #tpu.memory_space<vmem>>
        %dma_start3A_2047 = tpu.memref_slice %arg3[%add3A_2042] : memref<425984xi32, #tpu.memory_space<hbm>> -> memref<104xi32, #tpu.memory_space<hbm>>
        %dma_start3A_2048 = arith.constant 0 : i32
        %dma_start3A_2049 = tpu.memref_slice %arg5[%dma_start3A_2043, %dma_start3A_2048] : memref<4x128xi32, #tpu.memory_space<vmem>> -> memref<1x104xi32, #tpu.memory_space<vmem>>
        %dma_start3A_2050 = tpu.memref_squeeze %dma_start3A_2049 : memref<1x104xi32, #tpu.memory_space<vmem>> -> memref<104xi32, #tpu.memory_space<vmem>>
        %dma_start3A_2051 = tpu.memref_slice %arg3[%add3A_2042] : memref<425984xi32, #tpu.memory_space<hbm>> -> memref<104xi32, #tpu.memory_space<hbm>>
        tpu.enqueue_dma source(%dma_start3A_2051 : memref<104xi32, #tpu.memory_space<hbm>>) target(%dma_start3A_2050 : memref<104xi32, #tpu.memory_space<vmem>>) target_semaphore(%arg10 : memref<!tpu.dma_semaphore, #tpu.memory_space<semaphore_mem>>)
      } else {
      }
      %mul3A_1612 = arith.constant 4 : i32
      %mul3A_1613 = arith.muli %add3A_633, %mul3A_1612 : i32
      %add3A_1614 = arith.constant 3 : i32
      %add3A_1615 = arith.addi %mul3A_1613, %add3A_1614 : i32
      %gt3A_1616 = arith.constant 0 : i32
      %gt3A_1617 = arith.cmpi sgt, %add3A_633, %gt3A_1616 : i32
      %convert_element_type3A_1618 = arith.extui %gt3A_1617 : i1 to i32
      %cond3A_1619 = arith.constant 0 : i32
      %cond3A_1620 = arith.cmpi ne, %convert_element_type3A_1618, %cond3A_1619 : i32
      scf.if %cond3A_1620 {
        %dma_wait3A_2038 = arith.constant 3 : i32
        %dma_wait3A_2039 = arith.constant 0 : i32
        %dma_wait3A_2040 = arith.constant 0 : i32
        %dma_wait3A_2041 = arith.constant 0 : i32
        %dma_wait3A_2042 = tpu.memref_slice %arg7[%dma_wait3A_2038, %dma_wait3A_2040, %dma_wait3A_2041] : memref<4x104x32xf32, #tpu.memory_space<vmem>> -> memref<1x26x32xf32, #tpu.memory_space<vmem>>
        %dma_wait3A_2043 = tpu.memref_squeeze %dma_wait3A_2042 : memref<1x26x32xf32, #tpu.memory_space<vmem>> -> memref<26x32xf32, #tpu.memory_space<vmem>>
        %dma_wait3A_2044 = arith.constant 0 : i32
        %dma_wait3A_2045 = arith.constant 0 : i32
        %dma_wait3A_2046 = tpu.memref_slice %arg4[%dma_wait3A_2039, %dma_wait3A_2044, %dma_wait3A_2045] : memref<16384x32x128xf32, #tpu.memory_space<hbm>> -> memref<1x26x32xf32, #tpu.memory_space<hbm>>
        %dma_wait3A_2047 = tpu.memref_squeeze %dma_wait3A_2046 : memref<1x26x32xf32, #tpu.memory_space<hbm>> -> memref<26x32xf32, #tpu.memory_space<hbm>>
        %dma_wait3A_2048 = arith.constant 0 : i32
        %dma_wait3A_2049 = arith.constant 0 : i32
        %dma_wait3A_2050 = tpu.memref_slice %arg4[%dma_wait3A_2039, %dma_wait3A_2048, %dma_wait3A_2049] : memref<16384x32x128xf32, #tpu.memory_space<hbm>> -> memref<1x26x32xf32, #tpu.memory_space<hbm>>
        %dma_wait3A_2051 = tpu.memref_squeeze %dma_wait3A_2050 : memref<1x26x32xf32, #tpu.memory_space<hbm>> -> memref<26x32xf32, #tpu.memory_space<hbm>>
        %dma_wait3A_2052 = arith.constant 0 : i32
        %dma_wait3A_2053 = arith.constant 0 : i32
        %dma_wait3A_2054 = tpu.memref_slice %arg7[%dma_wait3A_2038, %dma_wait3A_2052, %dma_wait3A_2053] : memref<4x104x32xf32, #tpu.memory_space<vmem>> -> memref<1x26x32xf32, #tpu.memory_space<vmem>>
        %dma_wait3A_2055 = tpu.memref_squeeze %dma_wait3A_2054 : memref<1x26x32xf32, #tpu.memory_space<vmem>> -> memref<26x32xf32, #tpu.memory_space<vmem>>
        tpu.wait_dma2 semaphore(%arg19 : memref<!tpu.dma_semaphore, #tpu.memory_space<semaphore_mem>>) src(%dma_wait3A_2055 : memref<26x32xf32, #tpu.memory_space<vmem>>) dst(%dma_wait3A_2051 : memref<26x32xf32, #tpu.memory_space<hbm>>)
        %dma_wait3A_2056 = arith.constant 3 : i32
        %dma_wait3A_2057 = arith.constant 1 : i32
        %dma_wait3A_2058 = arith.constant 26 : i32
        %dma_wait3A_2059 = arith.constant 0 : i32
        %dma_wait3A_2060 = tpu.memref_slice %arg7[%dma_wait3A_2056, %dma_wait3A_2058, %dma_wait3A_2059] : memref<4x104x32xf32, #tpu.memory_space<vmem>> -> memref<1x26x32xf32, #tpu.memory_space<vmem>>
        %dma_wait3A_2061 = tpu.memref_squeeze %dma_wait3A_2060 : memref<1x26x32xf32, #tpu.memory_space<vmem>> -> memref<26x32xf32, #tpu.memory_space<vmem>>
        %dma_wait3A_2062 = arith.constant 0 : i32
        %dma_wait3A_2063 = arith.constant 0 : i32
        %dma_wait3A_2064 = tpu.memref_slice %arg4[%dma_wait3A_2057, %dma_wait3A_2062, %dma_wait3A_2063] : memref<16384x32x128xf32, #tpu.memory_space<hbm>> -> memref<1x26x32xf32, #tpu.memory_space<hbm>>
        %dma_wait3A_2065 = tpu.memref_squeeze %dma_wait3A_2064 : memref<1x26x32xf32, #tpu.memory_space<hbm>> -> memref<26x32xf32, #tpu.memory_space<hbm>>
        %dma_wait3A_2066 = arith.constant 0 : i32
        %dma_wait3A_2067 = arith.constant 0 : i32
        %dma_wait3A_2068 = tpu.memref_slice %arg4[%dma_wait3A_2057, %dma_wait3A_2066, %dma_wait3A_2067] : memref<16384x32x128xf32, #tpu.memory_space<hbm>> -> memref<1x26x32xf32, #tpu.memory_space<hbm>>
        %dma_wait3A_2069 = tpu.memref_squeeze %dma_wait3A_2068 : memref<1x26x32xf32, #tpu.memory_space<hbm>> -> memref<26x32xf32, #tpu.memory_space<hbm>>
        %dma_wait3A_2070 = arith.constant 26 : i32
        %dma_wait3A_2071 = arith.constant 0 : i32
        %dma_wait3A_2072 = tpu.memref_slice %arg7[%dma_wait3A_2056, %dma_wait3A_2070, %dma_wait3A_2071] : memref<4x104x32xf32, #tpu.memory_space<vmem>> -> memref<1x26x32xf32, #tpu.memory_space<vmem>>
        %dma_wait3A_2073 = tpu.memref_squeeze %dma_wait3A_2072 : memref<1x26x32xf32, #tpu.memory_space<vmem>> -> memref<26x32xf32, #tpu.memory_space<vmem>>
        tpu.wait_dma2 semaphore(%arg19 : memref<!tpu.dma_semaphore, #tpu.memory_space<semaphore_mem>>) src(%dma_wait3A_2073 : memref<26x32xf32, #tpu.memory_space<vmem>>) dst(%dma_wait3A_2069 : memref<26x32xf32, #tpu.memory_space<hbm>>)
        %dma_wait3A_2074 = arith.constant 3 : i32
        %dma_wait3A_2075 = arith.constant 2 : i32
        %dma_wait3A_2076 = arith.constant 52 : i32
        %dma_wait3A_2077 = arith.constant 0 : i32
        %dma_wait3A_2078 = tpu.memref_slice %arg7[%dma_wait3A_2074, %dma_wait3A_2076, %dma_wait3A_2077] : memref<4x104x32xf32, #tpu.memory_space<vmem>> -> memref<1x26x32xf32, #tpu.memory_space<vmem>>
        %dma_wait3A_2079 = tpu.memref_squeeze %dma_wait3A_2078 : memref<1x26x32xf32, #tpu.memory_space<vmem>> -> memref<26x32xf32, #tpu.memory_space<vmem>>
        %dma_wait3A_2080 = arith.constant 0 : i32
        %dma_wait3A_2081 = arith.constant 0 : i32
        %dma_wait3A_2082 = tpu.memref_slice %arg4[%dma_wait3A_2075, %dma_wait3A_2080, %dma_wait3A_2081] : memref<16384x32x128xf32, #tpu.memory_space<hbm>> -> memref<1x26x32xf32, #tpu.memory_space<hbm>>
        %dma_wait3A_2083 = tpu.memref_squeeze %dma_wait3A_2082 : memref<1x26x32xf32, #tpu.memory_space<hbm>> -> memref<26x32xf32, #tpu.memory_space<hbm>>
        %dma_wait3A_2084 = arith.constant 0 : i32
        %dma_wait3A_2085 = arith.constant 0 : i32
        %dma_wait3A_2086 = tpu.memref_slice %arg4[%dma_wait3A_2075, %dma_wait3A_2084, %dma_wait3A_2085] : memref<16384x32x128xf32, #tpu.memory_space<hbm>> -> memref<1x26x32xf32, #tpu.memory_space<hbm>>
        %dma_wait3A_2087 = tpu.memref_squeeze %dma_wait3A_2086 : memref<1x26x32xf32, #tpu.memory_space<hbm>> -> memref<26x32xf32, #tpu.memory_space<hbm>>
        %dma_wait3A_2088 = arith.constant 52 : i32
        %dma_wait3A_2089 = arith.constant 0 : i32
        %dma_wait3A_2090 = tpu.memref_slice %arg7[%dma_wait3A_2074, %dma_wait3A_2088, %dma_wait3A_2089] : memref<4x104x32xf32, #tpu.memory_space<vmem>> -> memref<1x26x32xf32, #tpu.memory_space<vmem>>
        %dma_wait3A_2091 = tpu.memref_squeeze %dma_wait3A_2090 : memref<1x26x32xf32, #tpu.memory_space<vmem>> -> memref<26x32xf32, #tpu.memory_space<vmem>>
        tpu.wait_dma2 semaphore(%arg19 : memref<!tpu.dma_semaphore, #tpu.memory_space<semaphore_mem>>) src(%dma_wait3A_2091 : memref<26x32xf32, #tpu.memory_space<vmem>>) dst(%dma_wait3A_2087 : memref<26x32xf32, #tpu.memory_space<hbm>>)
        %dma_wait3A_2092 = arith.constant 3 : i32
        %dma_wait3A_2093 = arith.constant 3 : i32
        %dma_wait3A_2094 = arith.constant 78 : i32
        %dma_wait3A_2095 = arith.constant 0 : i32
        %dma_wait3A_2096 = tpu.memref_slice %arg7[%dma_wait3A_2092, %dma_wait3A_2094, %dma_wait3A_2095] : memref<4x104x32xf32, #tpu.memory_space<vmem>> -> memref<1x26x32xf32, #tpu.memory_space<vmem>>
        %dma_wait3A_2097 = tpu.memref_squeeze %dma_wait3A_2096 : memref<1x26x32xf32, #tpu.memory_space<vmem>> -> memref<26x32xf32, #tpu.memory_space<vmem>>
        %dma_wait3A_2098 = arith.constant 0 : i32
        %dma_wait3A_2099 = arith.constant 0 : i32
        %dma_wait3A_2100 = tpu.memref_slice %arg4[%dma_wait3A_2093, %dma_wait3A_2098, %dma_wait3A_2099] : memref<16384x32x128xf32, #tpu.memory_space<hbm>> -> memref<1x26x32xf32, #tpu.memory_space<hbm>>
        %dma_wait3A_2101 = tpu.memref_squeeze %dma_wait3A_2100 : memref<1x26x32xf32, #tpu.memory_space<hbm>> -> memref<26x32xf32, #tpu.memory_space<hbm>>
        %dma_wait3A_2102 = arith.constant 0 : i32
        %dma_wait3A_2103 = arith.constant 0 : i32
        %dma_wait3A_2104 = tpu.memref_slice %arg4[%dma_wait3A_2093, %dma_wait3A_2102, %dma_wait3A_2103] : memref<16384x32x128xf32, #tpu.memory_space<hbm>> -> memref<1x26x32xf32, #tpu.memory_space<hbm>>
        %dma_wait3A_2105 = tpu.memref_squeeze %dma_wait3A_2104 : memref<1x26x32xf32, #tpu.memory_space<hbm>> -> memref<26x32xf32, #tpu.memory_space<hbm>>
        %dma_wait3A_2106 = arith.constant 78 : i32
        %dma_wait3A_2107 = arith.constant 0 : i32
        %dma_wait3A_2108 = tpu.memref_slice %arg7[%dma_wait3A_2092, %dma_wait3A_2106, %dma_wait3A_2107] : memref<4x104x32xf32, #tpu.memory_space<vmem>> -> memref<1x26x32xf32, #tpu.memory_space<vmem>>
        %dma_wait3A_2109 = tpu.memref_squeeze %dma_wait3A_2108 : memref<1x26x32xf32, #tpu.memory_space<vmem>> -> memref<26x32xf32, #tpu.memory_space<vmem>>
        tpu.wait_dma2 semaphore(%arg19 : memref<!tpu.dma_semaphore, #tpu.memory_space<semaphore_mem>>) src(%dma_wait3A_2109 : memref<26x32xf32, #tpu.memory_space<vmem>>) dst(%dma_wait3A_2105 : memref<26x32xf32, #tpu.memory_space<hbm>>)
      } else {
      }
      %dma_wait3A_1621 = arith.constant 3 : i32
      %dma_wait3A_1622 = arith.constant 0 : i32
      %dma_wait3A_1623 = tpu.memref_slice %arg5[%dma_wait3A_1621, %dma_wait3A_1622] : memref<4x128xi32, #tpu.memory_space<vmem>> -> memref<1x104xi32, #tpu.memory_space<vmem>>
      %dma_wait3A_1624 = tpu.memref_squeeze %dma_wait3A_1623 : memref<1x104xi32, #tpu.memory_space<vmem>> -> memref<104xi32, #tpu.memory_space<vmem>>
      %dma_wait3A_1625 = arith.constant 0 : i32
      %dma_wait3A_1626 = tpu.memref_slice %arg3[%dma_wait3A_1625] : memref<425984xi32, #tpu.memory_space<hbm>> -> memref<104xi32, #tpu.memory_space<hbm>>
      %dma_wait3A_1627 = arith.constant 0 : i32
      %dma_wait3A_1628 = tpu.memref_slice %arg5[%dma_wait3A_1621, %dma_wait3A_1627] : memref<4x128xi32, #tpu.memory_space<vmem>> -> memref<1x104xi32, #tpu.memory_space<vmem>>
      %dma_wait3A_1629 = tpu.memref_squeeze %dma_wait3A_1628 : memref<1x104xi32, #tpu.memory_space<vmem>> -> memref<104xi32, #tpu.memory_space<vmem>>
      %dma_wait3A_1630 = arith.constant 0 : i32
      %dma_wait3A_1631 = tpu.memref_slice %arg3[%dma_wait3A_1630] : memref<425984xi32, #tpu.memory_space<hbm>> -> memref<104xi32, #tpu.memory_space<hbm>>
      tpu.wait_dma2 semaphore(%arg11 : memref<!tpu.dma_semaphore, #tpu.memory_space<semaphore_mem>>) src(%dma_wait3A_1631 : memref<104xi32, #tpu.memory_space<hbm>>) dst(%dma_wait3A_1629 : memref<104xi32, #tpu.memory_space<vmem>>)
      %get3A_1632 = arith.constant 3 : i32
      %get3A_1633 = arith.index_cast %get3A_1632 : i32 to index
      %get3A_1634 = arith.constant 0 : index
      %get3A_1635 = tpu.vector_load %arg5[%get3A_1633, %get3A_1634] {strides = array<i32>} : memref<4x128xi32, #tpu.memory_space<vmem>>, vector<1x16xi32>,
      %get3A_1636 = vector.shape_cast %get3A_1635 : vector<1x16xi32> to vector<16xi32>
      %mul3A_1637 = arith.constant -1640531535 : i32
      %mul3A_1638 = vector.broadcast %mul3A_1637 : i32 to vector<16xi32>
      %mul3A_1639 = arith.muli %get3A_1636, %mul3A_1638 : vector<16xi32>
      %jit3A_1640 = arith.constant 1000000 : i32
      %eq3A_1641 = arith.constant 0 : i32
      %eq3A_1642 = arith.cmpi eq, %jit3A_1640, %eq3A_1641 : i32
      %jit3A_1643 = arith.constant 1 : i32
      %select_n3A_1644 = arith.select %eq3A_1642, %jit3A_1643, %jit3A_1640 : i32
      %rem3A_1645 = vector.broadcast %select_n3A_1644 : i32 to vector<16xi32>
      %rem3A_1646 = arith.remui %mul3A_1639, %rem3A_1645 : vector<16xi32>
      %ne3A_1647 = arith.constant 0 : i32
      %ne3A_1648 = vector.broadcast %ne3A_1647 : i32 to vector<16xi32>
      %ne3A_1649 = arith.cmpi ne, %rem3A_1646, %ne3A_1648 : vector<16xi32>
      %lt3A_1650 = arith.constant 0 : i32
      %lt3A_1651 = vector.broadcast %lt3A_1650 : i32 to vector<16xi32>
      %lt3A_1652 = arith.cmpi ult, %rem3A_1646, %lt3A_1651 : vector<16xi32>
      %lt3A_1653 = arith.constant 0 : i32
      %lt3A_1654 = arith.cmpi ult, %select_n3A_1644, %lt3A_1653 : i32
      %ne3A_1655 = vector.broadcast %lt3A_1654 : i1 to vector<16xi1>
      %ne3A_1656 = vector.broadcast %ne3A_1655 : vector<16xi1> to vector<16xi1>
      %ne3A_1657 = arith.xori %lt3A_1652, %ne3A_1656 : vector<16xi1>
      %and3A_1658 = arith.andi %ne3A_1657, %ne3A_1649 : vector<16xi1>
      %add3A_1659 = vector.broadcast %select_n3A_1644 : i32 to vector<16xi32>
      %add3A_1660 = arith.addi %rem3A_1646, %add3A_1659 : vector<16xi32>
      %select_n3A_1661 = arith.select %and3A_1658, %add3A_1660, %rem3A_1646 : vector<16xi1>, vector<16xi32>
      %swap3A_1662 = arith.constant 3 : i32
      %swap3A_1663 = arith.index_cast %swap3A_1662 : i32 to index
      %swap3A_1664 = arith.constant 0 : index
      %swap3A_1665 = tpu.vector_load %arg6[%swap3A_1663, %swap3A_1664] {strides = array<i32>} : memref<4x128xi32, #tpu.memory_space<vmem>>, vector<1x16xi32>,
      %swap3A_1666 = vector.shape_cast %swap3A_1665 : vector<1x16xi32> to vector<16xi32>
      %swap3A_1667 = vector.shape_cast %select_n3A_1661 : vector<16xi32> to vector<1x16xi32>
      tpu.vector_store %arg6[%swap3A_1663, %swap3A_1664], %swap3A_1667 {strides = array<i32>} : memref<4x128xi32, #tpu.memory_space<vmem>>, vector<1x16xi32>,
      %get3A_1668 = arith.constant 3 : i32
      %get3A_1669 = arith.index_cast %get3A_1668 : i32 to index
      %get3A_1670 = arith.constant 16 : index
      %get3A_1671 = tpu.vector_load %arg5[%get3A_1669, %get3A_1670] {strides = array<i32>} : memref<4x128xi32, #tpu.memory_space<vmem>>, vector<1x16xi32>,
      %get3A_1672 = vector.shape_cast %get3A_1671 : vector<1x16xi32> to vector<16xi32>
      %mul3A_1673 = arith.constant -1640531535 : i32
      %mul3A_1674 = vector.broadcast %mul3A_1673 : i32 to vector<16xi32>
      %mul3A_1675 = arith.muli %get3A_1672, %mul3A_1674 : vector<16xi32>
      %jit3A_1676 = arith.constant 1000000 : i32
      %eq3A_1677 = arith.constant 0 : i32
      %eq3A_1678 = arith.cmpi eq, %jit3A_1676, %eq3A_1677 : i32
      %jit3A_1679 = arith.constant 1 : i32
      %select_n3A_1680 = arith.select %eq3A_1678, %jit3A_1679, %jit3A_1676 : i32
      %rem3A_1681 = vector.broadcast %select_n3A_1680 : i32 to vector<16xi32>
      %rem3A_1682 = arith.remui %mul3A_1675, %rem3A_1681 : vector<16xi32>
      %ne3A_1683 = arith.constant 0 : i32
      %ne3A_1684 = vector.broadcast %ne3A_1683 : i32 to vector<16xi32>
      %ne3A_1685 = arith.cmpi ne, %rem3A_1682, %ne3A_1684 : vector<16xi32>
      %lt3A_1686 = arith.constant 0 : i32
      %lt3A_1687 = vector.broadcast %lt3A_1686 : i32 to vector<16xi32>
      %lt3A_1688 = arith.cmpi ult, %rem3A_1682, %lt3A_1687 : vector<16xi32>
      %lt3A_1689 = arith.constant 0 : i32
      %lt3A_1690 = arith.cmpi ult, %select_n3A_1680, %lt3A_1689 : i32
      %ne3A_1691 = vector.broadcast %lt3A_1690 : i1 to vector<16xi1>
      %ne3A_1692 = vector.broadcast %ne3A_1691 : vector<16xi1> to vector<16xi1>
      %ne3A_1693 = arith.xori %lt3A_1688, %ne3A_1692 : vector<16xi1>
      %and3A_1694 = arith.andi %ne3A_1693, %ne3A_1685 : vector<16xi1>
      %add3A_1695 = vector.broadcast %select_n3A_1680 : i32 to vector<16xi32>
      %add3A_1696 = arith.addi %rem3A_1682, %add3A_1695 : vector<16xi32>
      %select_n3A_1697 = arith.select %and3A_1694, %add3A_1696, %rem3A_1682 : vector<16xi1>, vector<16xi32>
      %swap3A_1698 = arith.constant 3 : i32
      %swap3A_1699 = arith.index_cast %swap3A_1698 : i32 to index
      %swap3A_1700 = arith.constant 16 : index
      %swap3A_1701 = tpu.vector_load %arg6[%swap3A_1699, %swap3A_1700] {strides = array<i32>} : memref<4x128xi32, #tpu.memory_space<vmem>>, vector<1x16xi32>,
      %swap3A_1702 = vector.shape_cast %swap3A_1701 : vector<1x16xi32> to vector<16xi32>
      %swap3A_1703 = vector.shape_cast %select_n3A_1697 : vector<16xi32> to vector<1x16xi32>
      tpu.vector_store %arg6[%swap3A_1699, %swap3A_1700], %swap3A_1703 {strides = array<i32>} : memref<4x128xi32, #tpu.memory_space<vmem>>, vector<1x16xi32>,
      %get3A_1704 = arith.constant 3 : i32
      %get3A_1705 = arith.index_cast %get3A_1704 : i32 to index
      %get3A_1706 = arith.constant 32 : index
      %get3A_1707 = tpu.vector_load %arg5[%get3A_1705, %get3A_1706] {strides = array<i32>} : memref<4x128xi32, #tpu.memory_space<vmem>>, vector<1x16xi32>,
      %get3A_1708 = vector.shape_cast %get3A_1707 : vector<1x16xi32> to vector<16xi32>
      %mul3A_1709 = arith.constant -1640531535 : i32
      %mul3A_1710 = vector.broadcast %mul3A_1709 : i32 to vector<16xi32>
      %mul3A_1711 = arith.muli %get3A_1708, %mul3A_1710 : vector<16xi32>
      %jit3A_1712 = arith.constant 1000000 : i32
      %eq3A_1713 = arith.constant 0 : i32
      %eq3A_1714 = arith.cmpi eq, %jit3A_1712, %eq3A_1713 : i32
      %jit3A_1715 = arith.constant 1 : i32
      %select_n3A_1716 = arith.select %eq3A_1714, %jit3A_1715, %jit3A_1712 : i32
      %rem3A_1717 = vector.broadcast %select_n3A_1716 : i32 to vector<16xi32>
      %rem3A_1718 = arith.remui %mul3A_1711, %rem3A_1717 : vector<16xi32>
      %ne3A_1719 = arith.constant 0 : i32
      %ne3A_1720 = vector.broadcast %ne3A_1719 : i32 to vector<16xi32>
      %ne3A_1721 = arith.cmpi ne, %rem3A_1718, %ne3A_1720 : vector<16xi32>
      %lt3A_1722 = arith.constant 0 : i32
      %lt3A_1723 = vector.broadcast %lt3A_1722 : i32 to vector<16xi32>
      %lt3A_1724 = arith.cmpi ult, %rem3A_1718, %lt3A_1723 : vector<16xi32>
      %lt3A_1725 = arith.constant 0 : i32
      %lt3A_1726 = arith.cmpi ult, %select_n3A_1716, %lt3A_1725 : i32
      %ne3A_1727 = vector.broadcast %lt3A_1726 : i1 to vector<16xi1>
      %ne3A_1728 = vector.broadcast %ne3A_1727 : vector<16xi1> to vector<16xi1>
      %ne3A_1729 = arith.xori %lt3A_1724, %ne3A_1728 : vector<16xi1>
      %and3A_1730 = arith.andi %ne3A_1729, %ne3A_1721 : vector<16xi1>
      %add3A_1731 = vector.broadcast %select_n3A_1716 : i32 to vector<16xi32>
      %add3A_1732 = arith.addi %rem3A_1718, %add3A_1731 : vector<16xi32>
      %select_n3A_1733 = arith.select %and3A_1730, %add3A_1732, %rem3A_1718 : vector<16xi1>, vector<16xi32>
      %swap3A_1734 = arith.constant 3 : i32
      %swap3A_1735 = arith.index_cast %swap3A_1734 : i32 to index
      %swap3A_1736 = arith.constant 32 : index
      %swap3A_1737 = tpu.vector_load %arg6[%swap3A_1735, %swap3A_1736] {strides = array<i32>} : memref<4x128xi32, #tpu.memory_space<vmem>>, vector<1x16xi32>,
      %swap3A_1738 = vector.shape_cast %swap3A_1737 : vector<1x16xi32> to vector<16xi32>
      %swap3A_1739 = vector.shape_cast %select_n3A_1733 : vector<16xi32> to vector<1x16xi32>
      tpu.vector_store %arg6[%swap3A_1735, %swap3A_1736], %swap3A_1739 {strides = array<i32>} : memref<4x128xi32, #tpu.memory_space<vmem>>, vector<1x16xi32>,
      %get3A_1740 = arith.constant 3 : i32
      %get3A_1741 = arith.index_cast %get3A_1740 : i32 to index
      %get3A_1742 = arith.constant 48 : index
      %get3A_1743 = tpu.vector_load %arg5[%get3A_1741, %get3A_1742] {strides = array<i32>} : memref<4x128xi32, #tpu.memory_space<vmem>>, vector<1x16xi32>,
      %get3A_1744 = vector.shape_cast %get3A_1743 : vector<1x16xi32> to vector<16xi32>
      %mul3A_1745 = arith.constant -1640531535 : i32
      %mul3A_1746 = vector.broadcast %mul3A_1745 : i32 to vector<16xi32>
      %mul3A_1747 = arith.muli %get3A_1744, %mul3A_1746 : vector<16xi32>
      %jit3A_1748 = arith.constant 1000000 : i32
      %eq3A_1749 = arith.constant 0 : i32
      %eq3A_1750 = arith.cmpi eq, %jit3A_1748, %eq3A_1749 : i32
      %jit3A_1751 = arith.constant 1 : i32
      %select_n3A_1752 = arith.select %eq3A_1750, %jit3A_1751, %jit3A_1748 : i32
      %rem3A_1753 = vector.broadcast %select_n3A_1752 : i32 to vector<16xi32>
      %rem3A_1754 = arith.remui %mul3A_1747, %rem3A_1753 : vector<16xi32>
      %ne3A_1755 = arith.constant 0 : i32
      %ne3A_1756 = vector.broadcast %ne3A_1755 : i32 to vector<16xi32>
      %ne3A_1757 = arith.cmpi ne, %rem3A_1754, %ne3A_1756 : vector<16xi32>
      %lt3A_1758 = arith.constant 0 : i32
      %lt3A_1759 = vector.broadcast %lt3A_1758 : i32 to vector<16xi32>
      %lt3A_1760 = arith.cmpi ult, %rem3A_1754, %lt3A_1759 : vector<16xi32>
      %lt3A_1761 = arith.constant 0 : i32
      %lt3A_1762 = arith.cmpi ult, %select_n3A_1752, %lt3A_1761 : i32
      %ne3A_1763 = vector.broadcast %lt3A_1762 : i1 to vector<16xi1>
      %ne3A_1764 = vector.broadcast %ne3A_1763 : vector<16xi1> to vector<16xi1>
      %ne3A_1765 = arith.xori %lt3A_1760, %ne3A_1764 : vector<16xi1>
      %and3A_1766 = arith.andi %ne3A_1765, %ne3A_1757 : vector<16xi1>
      %add3A_1767 = vector.broadcast %select_n3A_1752 : i32 to vector<16xi32>
      %add3A_1768 = arith.addi %rem3A_1754, %add3A_1767 : vector<16xi32>
      %select_n3A_1769 = arith.select %and3A_1766, %add3A_1768, %rem3A_1754 : vector<16xi1>, vector<16xi32>
      %swap3A_1770 = arith.constant 3 : i32
      %swap3A_1771 = arith.index_cast %swap3A_1770 : i32 to index
      %swap3A_1772 = arith.constant 48 : index
      %swap3A_1773 = tpu.vector_load %arg6[%swap3A_1771, %swap3A_1772] {strides = array<i32>} : memref<4x128xi32, #tpu.memory_space<vmem>>, vector<1x16xi32>,
      %swap3A_1774 = vector.shape_cast %swap3A_1773 : vector<1x16xi32> to vector<16xi32>
      %swap3A_1775 = vector.shape_cast %select_n3A_1769 : vector<16xi32> to vector<1x16xi32>
      tpu.vector_store %arg6[%swap3A_1771, %swap3A_1772], %swap3A_1775 {strides = array<i32>} : memref<4x128xi32, #tpu.memory_space<vmem>>, vector<1x16xi32>,
      %get3A_1776 = arith.constant 3 : i32
      %get3A_1777 = arith.index_cast %get3A_1776 : i32 to index
      %get3A_1778 = arith.constant 64 : index
      %get3A_1779 = tpu.vector_load %arg5[%get3A_1777, %get3A_1778] {strides = array<i32>} : memref<4x128xi32, #tpu.memory_space<vmem>>, vector<1x16xi32>,
      %get3A_1780 = vector.shape_cast %get3A_1779 : vector<1x16xi32> to vector<16xi32>
      %mul3A_1781 = arith.constant -1640531535 : i32
      %mul3A_1782 = vector.broadcast %mul3A_1781 : i32 to vector<16xi32>
      %mul3A_1783 = arith.muli %get3A_1780, %mul3A_1782 : vector<16xi32>
      %jit3A_1784 = arith.constant 1000000 : i32
      %eq3A_1785 = arith.constant 0 : i32
      %eq3A_1786 = arith.cmpi eq, %jit3A_1784, %eq3A_1785 : i32
      %jit3A_1787 = arith.constant 1 : i32
      %select_n3A_1788 = arith.select %eq3A_1786, %jit3A_1787, %jit3A_1784 : i32
      %rem3A_1789 = vector.broadcast %select_n3A_1788 : i32 to vector<16xi32>
      %rem3A_1790 = arith.remui %mul3A_1783, %rem3A_1789 : vector<16xi32>
      %ne3A_1791 = arith.constant 0 : i32
      %ne3A_1792 = vector.broadcast %ne3A_1791 : i32 to vector<16xi32>
      %ne3A_1793 = arith.cmpi ne, %rem3A_1790, %ne3A_1792 : vector<16xi32>
      %lt3A_1794 = arith.constant 0 : i32
      %lt3A_1795 = vector.broadcast %lt3A_1794 : i32 to vector<16xi32>
      %lt3A_1796 = arith.cmpi ult, %rem3A_1790, %lt3A_1795 : vector<16xi32>
      %lt3A_1797 = arith.constant 0 : i32
      %lt3A_1798 = arith.cmpi ult, %select_n3A_1788, %lt3A_1797 : i32
      %ne3A_1799 = vector.broadcast %lt3A_1798 : i1 to vector<16xi1>
      %ne3A_1800 = vector.broadcast %ne3A_1799 : vector<16xi1> to vector<16xi1>
      %ne3A_1801 = arith.xori %lt3A_1796, %ne3A_1800 : vector<16xi1>
      %and3A_1802 = arith.andi %ne3A_1801, %ne3A_1793 : vector<16xi1>
      %add3A_1803 = vector.broadcast %select_n3A_1788 : i32 to vector<16xi32>
      %add3A_1804 = arith.addi %rem3A_1790, %add3A_1803 : vector<16xi32>
      %select_n3A_1805 = arith.select %and3A_1802, %add3A_1804, %rem3A_1790 : vector<16xi1>, vector<16xi32>
      %swap3A_1806 = arith.constant 3 : i32
      %swap3A_1807 = arith.index_cast %swap3A_1806 : i32 to index
      %swap3A_1808 = arith.constant 64 : index
      %swap3A_1809 = tpu.vector_load %arg6[%swap3A_1807, %swap3A_1808] {strides = array<i32>} : memref<4x128xi32, #tpu.memory_space<vmem>>, vector<1x16xi32>,
      %swap3A_1810 = vector.shape_cast %swap3A_1809 : vector<1x16xi32> to vector<16xi32>
      %swap3A_1811 = vector.shape_cast %select_n3A_1805 : vector<16xi32> to vector<1x16xi32>
      tpu.vector_store %arg6[%swap3A_1807, %swap3A_1808], %swap3A_1811 {strides = array<i32>} : memref<4x128xi32, #tpu.memory_space<vmem>>, vector<1x16xi32>,
      %get3A_1812 = arith.constant 3 : i32
      %get3A_1813 = arith.index_cast %get3A_1812 : i32 to index
      %get3A_1814 = arith.constant 80 : index
      %get3A_1815 = tpu.vector_load %arg5[%get3A_1813, %get3A_1814] {strides = array<i32>} : memref<4x128xi32, #tpu.memory_space<vmem>>, vector<1x16xi32>,
      %get3A_1816 = vector.shape_cast %get3A_1815 : vector<1x16xi32> to vector<16xi32>
      %mul3A_1817 = arith.constant -1640531535 : i32
      %mul3A_1818 = vector.broadcast %mul3A_1817 : i32 to vector<16xi32>
      %mul3A_1819 = arith.muli %get3A_1816, %mul3A_1818 : vector<16xi32>
      %jit3A_1820 = arith.constant 1000000 : i32
      %eq3A_1821 = arith.constant 0 : i32
      %eq3A_1822 = arith.cmpi eq, %jit3A_1820, %eq3A_1821 : i32
      %jit3A_1823 = arith.constant 1 : i32
      %select_n3A_1824 = arith.select %eq3A_1822, %jit3A_1823, %jit3A_1820 : i32
      %rem3A_1825 = vector.broadcast %select_n3A_1824 : i32 to vector<16xi32>
      %rem3A_1826 = arith.remui %mul3A_1819, %rem3A_1825 : vector<16xi32>
      %ne3A_1827 = arith.constant 0 : i32
      %ne3A_1828 = vector.broadcast %ne3A_1827 : i32 to vector<16xi32>
      %ne3A_1829 = arith.cmpi ne, %rem3A_1826, %ne3A_1828 : vector<16xi32>
      %lt3A_1830 = arith.constant 0 : i32
      %lt3A_1831 = vector.broadcast %lt3A_1830 : i32 to vector<16xi32>
      %lt3A_1832 = arith.cmpi ult, %rem3A_1826, %lt3A_1831 : vector<16xi32>
      %lt3A_1833 = arith.constant 0 : i32
      %lt3A_1834 = arith.cmpi ult, %select_n3A_1824, %lt3A_1833 : i32
      %ne3A_1835 = vector.broadcast %lt3A_1834 : i1 to vector<16xi1>
      %ne3A_1836 = vector.broadcast %ne3A_1835 : vector<16xi1> to vector<16xi1>
      %ne3A_1837 = arith.xori %lt3A_1832, %ne3A_1836 : vector<16xi1>
      %and3A_1838 = arith.andi %ne3A_1837, %ne3A_1829 : vector<16xi1>
      %add3A_1839 = vector.broadcast %select_n3A_1824 : i32 to vector<16xi32>
      %add3A_1840 = arith.addi %rem3A_1826, %add3A_1839 : vector<16xi32>
      %select_n3A_1841 = arith.select %and3A_1838, %add3A_1840, %rem3A_1826 : vector<16xi1>, vector<16xi32>
      %swap3A_1842 = arith.constant 3 : i32
      %swap3A_1843 = arith.index_cast %swap3A_1842 : i32 to index
      %swap3A_1844 = arith.constant 80 : index
      %swap3A_1845 = tpu.vector_load %arg6[%swap3A_1843, %swap3A_1844] {strides = array<i32>} : memref<4x128xi32, #tpu.memory_space<vmem>>, vector<1x16xi32>,
      %swap3A_1846 = vector.shape_cast %swap3A_1845 : vector<1x16xi32> to vector<16xi32>
      %swap3A_1847 = vector.shape_cast %select_n3A_1841 : vector<16xi32> to vector<1x16xi32>
      tpu.vector_store %arg6[%swap3A_1843, %swap3A_1844], %swap3A_1847 {strides = array<i32>} : memref<4x128xi32, #tpu.memory_space<vmem>>, vector<1x16xi32>,
      %get3A_1848 = arith.constant 3 : i32
      %get3A_1849 = arith.index_cast %get3A_1848 : i32 to index
      %get3A_1850 = arith.constant 96 : index
      %get3A_1851 = tpu.vector_load %arg5[%get3A_1849, %get3A_1850] {strides = array<i32>} : memref<4x128xi32, #tpu.memory_space<vmem>>, vector<1x16xi32>,
      %get3A_1852 = vector.shape_cast %get3A_1851 : vector<1x16xi32> to vector<16xi32>
      %mul3A_1853 = arith.constant -1640531535 : i32
      %mul3A_1854 = vector.broadcast %mul3A_1853 : i32 to vector<16xi32>
      %mul3A_1855 = arith.muli %get3A_1852, %mul3A_1854 : vector<16xi32>
      %jit3A_1856 = arith.constant 1000000 : i32
      %eq3A_1857 = arith.constant 0 : i32
      %eq3A_1858 = arith.cmpi eq, %jit3A_1856, %eq3A_1857 : i32
      %jit3A_1859 = arith.constant 1 : i32
      %select_n3A_1860 = arith.select %eq3A_1858, %jit3A_1859, %jit3A_1856 : i32
      %rem3A_1861 = vector.broadcast %select_n3A_1860 : i32 to vector<16xi32>
      %rem3A_1862 = arith.remui %mul3A_1855, %rem3A_1861 : vector<16xi32>
      %ne3A_1863 = arith.constant 0 : i32
      %ne3A_1864 = vector.broadcast %ne3A_1863 : i32 to vector<16xi32>
      %ne3A_1865 = arith.cmpi ne, %rem3A_1862, %ne3A_1864 : vector<16xi32>
      %lt3A_1866 = arith.constant 0 : i32
      %lt3A_1867 = vector.broadcast %lt3A_1866 : i32 to vector<16xi32>
      %lt3A_1868 = arith.cmpi ult, %rem3A_1862, %lt3A_1867 : vector<16xi32>
      %lt3A_1869 = arith.constant 0 : i32
      %lt3A_1870 = arith.cmpi ult, %select_n3A_1860, %lt3A_1869 : i32
      %ne3A_1871 = vector.broadcast %lt3A_1870 : i1 to vector<16xi1>
      %ne3A_1872 = vector.broadcast %ne3A_1871 : vector<16xi1> to vector<16xi1>
      %ne3A_1873 = arith.xori %lt3A_1868, %ne3A_1872 : vector<16xi1>
      %and3A_1874 = arith.andi %ne3A_1873, %ne3A_1865 : vector<16xi1>
      %add3A_1875 = vector.broadcast %select_n3A_1860 : i32 to vector<16xi32>
      %add3A_1876 = arith.addi %rem3A_1862, %add3A_1875 : vector<16xi32>
      %select_n3A_1877 = arith.select %and3A_1874, %add3A_1876, %rem3A_1862 : vector<16xi1>, vector<16xi32>
      %swap3A_1878 = arith.constant 3 : i32
      %swap3A_1879 = arith.index_cast %swap3A_1878 : i32 to index
      %swap3A_1880 = arith.constant 96 : index
      %swap3A_1881 = tpu.vector_load %arg6[%swap3A_1879, %swap3A_1880] {strides = array<i32>} : memref<4x128xi32, #tpu.memory_space<vmem>>, vector<1x16xi32>,
      %swap3A_1882 = vector.shape_cast %swap3A_1881 : vector<1x16xi32> to vector<16xi32>
      %swap3A_1883 = vector.shape_cast %select_n3A_1877 : vector<16xi32> to vector<1x16xi32>
      tpu.vector_store %arg6[%swap3A_1879, %swap3A_1880], %swap3A_1883 {strides = array<i32>} : memref<4x128xi32, #tpu.memory_space<vmem>>, vector<1x16xi32>,
      %get3A_1884 = arith.constant 3 : i32
      %get3A_1885 = arith.index_cast %get3A_1884 : i32 to index
      %get3A_1886 = arith.constant 112 : index
      %get3A_1887 = tpu.vector_load %arg5[%get3A_1885, %get3A_1886] {strides = array<i32>} : memref<4x128xi32, #tpu.memory_space<vmem>>, vector<1x16xi32>,
      %get3A_1888 = vector.shape_cast %get3A_1887 : vector<1x16xi32> to vector<16xi32>
      %mul3A_1889 = arith.constant -1640531535 : i32
      %mul3A_1890 = vector.broadcast %mul3A_1889 : i32 to vector<16xi32>
      %mul3A_1891 = arith.muli %get3A_1888, %mul3A_1890 : vector<16xi32>
      %jit3A_1892 = arith.constant 1000000 : i32
      %eq3A_1893 = arith.constant 0 : i32
      %eq3A_1894 = arith.cmpi eq, %jit3A_1892, %eq3A_1893 : i32
      %jit3A_1895 = arith.constant 1 : i32
      %select_n3A_1896 = arith.select %eq3A_1894, %jit3A_1895, %jit3A_1892 : i32
      %rem3A_1897 = vector.broadcast %select_n3A_1896 : i32 to vector<16xi32>
      %rem3A_1898 = arith.remui %mul3A_1891, %rem3A_1897 : vector<16xi32>
      %ne3A_1899 = arith.constant 0 : i32
      %ne3A_1900 = vector.broadcast %ne3A_1899 : i32 to vector<16xi32>
      %ne3A_1901 = arith.cmpi ne, %rem3A_1898, %ne3A_1900 : vector<16xi32>
      %lt3A_1902 = arith.constant 0 : i32
      %lt3A_1903 = vector.broadcast %lt3A_1902 : i32 to vector<16xi32>
      %lt3A_1904 = arith.cmpi ult, %rem3A_1898, %lt3A_1903 : vector<16xi32>
      %lt3A_1905 = arith.constant 0 : i32
      %lt3A_1906 = arith.cmpi ult, %select_n3A_1896, %lt3A_1905 : i32
      %ne3A_1907 = vector.broadcast %lt3A_1906 : i1 to vector<16xi1>
      %ne3A_1908 = vector.broadcast %ne3A_1907 : vector<16xi1> to vector<16xi1>
      %ne3A_1909 = arith.xori %lt3A_1904, %ne3A_1908 : vector<16xi1>
      %and3A_1910 = arith.andi %ne3A_1909, %ne3A_1901 : vector<16xi1>
      %add3A_1911 = vector.broadcast %select_n3A_1896 : i32 to vector<16xi32>
      %add3A_1912 = arith.addi %rem3A_1898, %add3A_1911 : vector<16xi32>
      %select_n3A_1913 = arith.select %and3A_1910, %add3A_1912, %rem3A_1898 : vector<16xi1>, vector<16xi32>
      %swap3A_1914 = arith.constant 3 : i32
      %swap3A_1915 = arith.index_cast %swap3A_1914 : i32 to index
      %swap3A_1916 = arith.constant 112 : index
      %swap3A_1917 = tpu.vector_load %arg6[%swap3A_1915, %swap3A_1916] {strides = array<i32>} : memref<4x128xi32, #tpu.memory_space<vmem>>, vector<1x16xi32>,
      %swap3A_1918 = vector.shape_cast %swap3A_1917 : vector<1x16xi32> to vector<16xi32>
      %swap3A_1919 = vector.shape_cast %select_n3A_1913 : vector<16xi32> to vector<1x16xi32>
      tpu.vector_store %arg6[%swap3A_1915, %swap3A_1916], %swap3A_1919 {strides = array<i32>} : memref<4x128xi32, #tpu.memory_space<vmem>>, vector<1x16xi32>,
      %dma_start3A_1920 = arith.constant 3 : i32
      %dma_start3A_1921 = arith.constant 3 : i32
      %dma_start3A_1922 = arith.constant 0 : i32
      %dma_start3A_1923 = arith.constant 0 : i32
      %dma_start3A_1924 = tpu.memref_slice %arg7[%dma_start3A_1921, %dma_start3A_1922, %dma_start3A_1923] : memref<4x104x32xf32, #tpu.memory_space<vmem>> -> memref<1x104x32xf32, #tpu.memory_space<vmem>>
      %dma_start3A_1925 = tpu.memref_squeeze %dma_start3A_1924 : memref<1x104x32xf32, #tpu.memory_space<vmem>> -> memref<104x32xf32, #tpu.memory_space<vmem>>
      %dma_start3A_1926 = arith.constant 0 : i32
      %dma_start3A_1927 = tpu.memref_slice %arg6[%dma_start3A_1920, %dma_start3A_1926] : memref<4x128xi32, #tpu.memory_space<vmem>> -> memref<1x104xi32, #tpu.memory_space<vmem>>
      %dma_start3A_1928 = tpu.memref_squeeze %dma_start3A_1927 : memref<1x104xi32, #tpu.memory_space<vmem>> -> memref<104xi32, #tpu.memory_space<vmem>>
      %dma_start3A_1929 = arith.constant 0 : i32
      %dma_start3A_1930 = arith.constant 0 : i32
      %dma_start3A_1931 = tpu.memref_slice %arg2[%dma_start3A_1929, %dma_start3A_1930] : memref<1000000x32xf32, #tpu.memory_space<hbm>> -> memref<1000000x32xf32, #tpu.memory_space<hbm>>
      tpu.enqueue_indirect_dma source(%dma_start3A_1931 : memref<1000000x32xf32, #tpu.memory_space<hbm>>) target(%dma_start3A_1925 : memref<104x32xf32, #tpu.memory_space<vmem>>) offsets(%dma_start3A_1928 : memref<104xi32, #tpu.memory_space<vmem>>) semaphore(%arg15 : memref<!tpu.dma_semaphore, #tpu.memory_space<semaphore_mem>>)
      %dma_wait3A_1932 = arith.constant 0 : i32
      %dma_wait3A_1933 = arith.constant 0 : i32
      %dma_wait3A_1934 = arith.constant 0 : i32
      %dma_wait3A_1935 = arith.constant 0 : i32
      %dma_wait3A_1936 = tpu.memref_slice %arg7[%dma_wait3A_1933, %dma_wait3A_1934, %dma_wait3A_1935] : memref<4x104x32xf32, #tpu.memory_space<vmem>> -> memref<1x104x32xf32, #tpu.memory_space<vmem>>
      %dma_wait3A_1937 = tpu.memref_squeeze %dma_wait3A_1936 : memref<1x104x32xf32, #tpu.memory_space<vmem>> -> memref<104x32xf32, #tpu.memory_space<vmem>>
      %dma_wait3A_1938 = arith.constant 0 : i32
      %dma_wait3A_1939 = tpu.memref_slice %arg6[%dma_wait3A_1932, %dma_wait3A_1938] : memref<4x128xi32, #tpu.memory_space<vmem>> -> memref<1x104xi32, #tpu.memory_space<vmem>>
      %dma_wait3A_1940 = tpu.memref_squeeze %dma_wait3A_1939 : memref<1x104xi32, #tpu.memory_space<vmem>> -> memref<104xi32, #tpu.memory_space<vmem>>
      %dma_wait3A_1941 = arith.constant 0 : i32
      %dma_wait3A_1942 = arith.constant 0 : i32
      %dma_wait3A_1943 = tpu.memref_slice %arg2[%dma_wait3A_1941, %dma_wait3A_1942] : memref<1000000x32xf32, #tpu.memory_space<hbm>> -> memref<1000000x32xf32, #tpu.memory_space<hbm>>
      tpu.wait_indirect_dma semaphore(%arg12 : memref<!tpu.dma_semaphore, #tpu.memory_space<semaphore_mem>>) src(%dma_wait3A_1943 : memref<1000000x32xf32, #tpu.memory_space<hbm>>) dst(%dma_wait3A_1937 : memref<104x32xf32, #tpu.memory_space<vmem>>)
      %sub3A = arith.constant 3 : i32
      %sub3A_1944 = arith.subi %add3A_1615, %sub3A : i32
      %mul3A_1945 = arith.constant 4 : i32
      %mul3A_1946 = arith.muli %sub3A_1944, %mul3A_1945 : i32
      %add3A_1947 = arith.addi %mul3A_6, %mul3A_1946 : i32
      %add3A_1948 = arith.constant 0 : i32
      %add3A_1949 = arith.addi %add3A_1947, %add3A_1948 : i32
      %dma_start3A_1950 = arith.constant 0 : i32
      %dma_start3A_1951 = arith.constant 0 : i32
      %dma_start3A_1952 = arith.constant 0 : i32
      %dma_start3A_1953 = tpu.memref_slice %arg7[%dma_start3A_1950, %dma_start3A_1951, %dma_start3A_1952] : memref<4x104x32xf32, #tpu.memory_space<vmem>> -> memref<1x26x32xf32, #tpu.memory_space<vmem>>
      %dma_start3A_1954 = tpu.memref_squeeze %dma_start3A_1953 : memref<1x26x32xf32, #tpu.memory_space<vmem>> -> memref<26x32xf32, #tpu.memory_space<vmem>>
      %dma_start3A_1955 = arith.constant 0 : i32
      %dma_start3A_1956 = arith.constant 0 : i32
      %dma_start3A_1957 = tpu.memref_slice %arg4[%add3A_1949, %dma_start3A_1955, %dma_start3A_1956] : memref<16384x32x128xf32, #tpu.memory_space<hbm>> -> memref<1x26x32xf32, #tpu.memory_space<hbm>>
      %dma_start3A_1958 = tpu.memref_squeeze %dma_start3A_1957 : memref<1x26x32xf32, #tpu.memory_space<hbm>> -> memref<26x32xf32, #tpu.memory_space<hbm>>
      %dma_start3A_1959 = arith.constant 0 : i32
      %dma_start3A_1960 = arith.constant 0 : i32
      %dma_start3A_1961 = tpu.memref_slice %arg4[%add3A_1949, %dma_start3A_1959, %dma_start3A_1960] : memref<16384x32x128xf32, #tpu.memory_space<hbm>> -> memref<1x26x32xf32, #tpu.memory_space<hbm>>
      %dma_start3A_1962 = tpu.memref_squeeze %dma_start3A_1961 : memref<1x26x32xf32, #tpu.memory_space<hbm>> -> memref<26x32xf32, #tpu.memory_space<hbm>>
      %dma_start3A_1963 = arith.constant 0 : i32
      %dma_start3A_1964 = arith.constant 0 : i32
      %dma_start3A_1965 = tpu.memref_slice %arg7[%dma_start3A_1950, %dma_start3A_1963, %dma_start3A_1964] : memref<4x104x32xf32, #tpu.memory_space<vmem>> -> memref<1x26x32xf32, #tpu.memory_space<vmem>>
      %dma_start3A_1966 = tpu.memref_squeeze %dma_start3A_1965 : memref<1x26x32xf32, #tpu.memory_space<vmem>> -> memref<26x32xf32, #tpu.memory_space<vmem>>
      tpu.enqueue_dma source(%dma_start3A_1966 : memref<26x32xf32, #tpu.memory_space<vmem>>) target(%dma_start3A_1962 : memref<26x32xf32, #tpu.memory_space<hbm>>) target_semaphore(%arg16 : memref<!tpu.dma_semaphore, #tpu.memory_space<semaphore_mem>>)
      %mul3A_1967 = arith.constant 4 : i32
      %mul3A_1968 = arith.muli %sub3A_1944, %mul3A_1967 : i32
      %add3A_1969 = arith.addi %mul3A_6, %mul3A_1968 : i32
      %add3A_1970 = arith.constant 1 : i32
      %add3A_1971 = arith.addi %add3A_1969, %add3A_1970 : i32
      %dma_start3A_1972 = arith.constant 0 : i32
      %dma_start3A_1973 = arith.constant 26 : i32
      %dma_start3A_1974 = arith.constant 0 : i32
      %dma_start3A_1975 = tpu.memref_slice %arg7[%dma_start3A_1972, %dma_start3A_1973, %dma_start3A_1974] : memref<4x104x32xf32, #tpu.memory_space<vmem>> -> memref<1x26x32xf32, #tpu.memory_space<vmem>>
      %dma_start3A_1976 = tpu.memref_squeeze %dma_start3A_1975 : memref<1x26x32xf32, #tpu.memory_space<vmem>> -> memref<26x32xf32, #tpu.memory_space<vmem>>
      %dma_start3A_1977 = arith.constant 0 : i32
      %dma_start3A_1978 = arith.constant 0 : i32
      %dma_start3A_1979 = tpu.memref_slice %arg4[%add3A_1971, %dma_start3A_1977, %dma_start3A_1978] : memref<16384x32x128xf32, #tpu.memory_space<hbm>> -> memref<1x26x32xf32, #tpu.memory_space<hbm>>
      %dma_start3A_1980 = tpu.memref_squeeze %dma_start3A_1979 : memref<1x26x32xf32, #tpu.memory_space<hbm>> -> memref<26x32xf32, #tpu.memory_space<hbm>>
      %dma_start3A_1981 = arith.constant 0 : i32
      %dma_start3A_1982 = arith.constant 0 : i32
      %dma_start3A_1983 = tpu.memref_slice %arg4[%add3A_1971, %dma_start3A_1981, %dma_start3A_1982] : memref<16384x32x128xf32, #tpu.memory_space<hbm>> -> memref<1x26x32xf32, #tpu.memory_space<hbm>>
      %dma_start3A_1984 = tpu.memref_squeeze %dma_start3A_1983 : memref<1x26x32xf32, #tpu.memory_space<hbm>> -> memref<26x32xf32, #tpu.memory_space<hbm>>
      %dma_start3A_1985 = arith.constant 26 : i32
      %dma_start3A_1986 = arith.constant 0 : i32
      %dma_start3A_1987 = tpu.memref_slice %arg7[%dma_start3A_1972, %dma_start3A_1985, %dma_start3A_1986] : memref<4x104x32xf32, #tpu.memory_space<vmem>> -> memref<1x26x32xf32, #tpu.memory_space<vmem>>
      %dma_start3A_1988 = tpu.memref_squeeze %dma_start3A_1987 : memref<1x26x32xf32, #tpu.memory_space<vmem>> -> memref<26x32xf32, #tpu.memory_space<vmem>>
      tpu.enqueue_dma source(%dma_start3A_1988 : memref<26x32xf32, #tpu.memory_space<vmem>>) target(%dma_start3A_1984 : memref<26x32xf32, #tpu.memory_space<hbm>>) target_semaphore(%arg16 : memref<!tpu.dma_semaphore, #tpu.memory_space<semaphore_mem>>)
      %mul3A_1989 = arith.constant 4 : i32
      %mul3A_1990 = arith.muli %sub3A_1944, %mul3A_1989 : i32
      %add3A_1991 = arith.addi %mul3A_6, %mul3A_1990 : i32
      %add3A_1992 = arith.constant 2 : i32
      %add3A_1993 = arith.addi %add3A_1991, %add3A_1992 : i32
      %dma_start3A_1994 = arith.constant 0 : i32
      %dma_start3A_1995 = arith.constant 52 : i32
      %dma_start3A_1996 = arith.constant 0 : i32
      %dma_start3A_1997 = tpu.memref_slice %arg7[%dma_start3A_1994, %dma_start3A_1995, %dma_start3A_1996] : memref<4x104x32xf32, #tpu.memory_space<vmem>> -> memref<1x26x32xf32, #tpu.memory_space<vmem>>
      %dma_start3A_1998 = tpu.memref_squeeze %dma_start3A_1997 : memref<1x26x32xf32, #tpu.memory_space<vmem>> -> memref<26x32xf32, #tpu.memory_space<vmem>>
      %dma_start3A_1999 = arith.constant 0 : i32
      %dma_start3A_2000 = arith.constant 0 : i32
      %dma_start3A_2001 = tpu.memref_slice %arg4[%add3A_1993, %dma_start3A_1999, %dma_start3A_2000] : memref<16384x32x128xf32, #tpu.memory_space<hbm>> -> memref<1x26x32xf32, #tpu.memory_space<hbm>>
      %dma_start3A_2002 = tpu.memref_squeeze %dma_start3A_2001 : memref<1x26x32xf32, #tpu.memory_space<hbm>> -> memref<26x32xf32, #tpu.memory_space<hbm>>
      %dma_start3A_2003 = arith.constant 0 : i32
      %dma_start3A_2004 = arith.constant 0 : i32
      %dma_start3A_2005 = tpu.memref_slice %arg4[%add3A_1993, %dma_start3A_2003, %dma_start3A_2004] : memref<16384x32x128xf32, #tpu.memory_space<hbm>> -> memref<1x26x32xf32, #tpu.memory_space<hbm>>
      %dma_start3A_2006 = tpu.memref_squeeze %dma_start3A_2005 : memref<1x26x32xf32, #tpu.memory_space<hbm>> -> memref<26x32xf32, #tpu.memory_space<hbm>>
      %dma_start3A_2007 = arith.constant 52 : i32
      %dma_start3A_2008 = arith.constant 0 : i32
      %dma_start3A_2009 = tpu.memref_slice %arg7[%dma_start3A_1994, %dma_start3A_2007, %dma_start3A_2008] : memref<4x104x32xf32, #tpu.memory_space<vmem>> -> memref<1x26x32xf32, #tpu.memory_space<vmem>>
      %dma_start3A_2010 = tpu.memref_squeeze %dma_start3A_2009 : memref<1x26x32xf32, #tpu.memory_space<vmem>> -> memref<26x32xf32, #tpu.memory_space<vmem>>
      tpu.enqueue_dma source(%dma_start3A_2010 : memref<26x32xf32, #tpu.memory_space<vmem>>) target(%dma_start3A_2006 : memref<26x32xf32, #tpu.memory_space<hbm>>) target_semaphore(%arg16 : memref<!tpu.dma_semaphore, #tpu.memory_space<semaphore_mem>>)
      %mul3A_2011 = arith.constant 4 : i32
      %mul3A_2012 = arith.muli %sub3A_1944, %mul3A_2011 : i32
      %add3A_2013 = arith.addi %mul3A_6, %mul3A_2012 : i32
      %add3A_2014 = arith.constant 3 : i32
      %add3A_2015 = arith.addi %add3A_2013, %add3A_2014 : i32
      %dma_start3A_2016 = arith.constant 0 : i32
      %dma_start3A_2017 = arith.constant 78 : i32
      %dma_start3A_2018 = arith.constant 0 : i32
      %dma_start3A_2019 = tpu.memref_slice %arg7[%dma_start3A_2016, %dma_start3A_2017, %dma_start3A_2018] : memref<4x104x32xf32, #tpu.memory_space<vmem>> -> memref<1x26x32xf32, #tpu.memory_space<vmem>>
      %dma_start3A_2020 = tpu.memref_squeeze %dma_start3A_2019 : memref<1x26x32xf32, #tpu.memory_space<vmem>> -> memref<26x32xf32, #tpu.memory_space<vmem>>
      %dma_start3A_2021 = arith.constant 0 : i32
      %dma_start3A_2022 = arith.constant 0 : i32
      %dma_start3A_2023 = tpu.memref_slice %arg4[%add3A_2015, %dma_start3A_2021, %dma_start3A_2022] : memref<16384x32x128xf32, #tpu.memory_space<hbm>> -> memref<1x26x32xf32, #tpu.memory_space<hbm>>
      %dma_start3A_2024 = tpu.memref_squeeze %dma_start3A_2023 : memref<1x26x32xf32, #tpu.memory_space<hbm>> -> memref<26x32xf32, #tpu.memory_space<hbm>>
      %dma_start3A_2025 = arith.constant 0 : i32
      %dma_start3A_2026 = arith.constant 0 : i32
      %dma_start3A_2027 = tpu.memref_slice %arg4[%add3A_2015, %dma_start3A_2025, %dma_start3A_2026] : memref<16384x32x128xf32, #tpu.memory_space<hbm>> -> memref<1x26x32xf32, #tpu.memory_space<hbm>>
      %dma_start3A_2028 = tpu.memref_squeeze %dma_start3A_2027 : memref<1x26x32xf32, #tpu.memory_space<hbm>> -> memref<26x32xf32, #tpu.memory_space<hbm>>
      %dma_start3A_2029 = arith.constant 78 : i32
      %dma_start3A_2030 = arith.constant 0 : i32
      %dma_start3A_2031 = tpu.memref_slice %arg7[%dma_start3A_2016, %dma_start3A_2029, %dma_start3A_2030] : memref<4x104x32xf32, #tpu.memory_space<vmem>> -> memref<1x26x32xf32, #tpu.memory_space<vmem>>
      %dma_start3A_2032 = tpu.memref_squeeze %dma_start3A_2031 : memref<1x26x32xf32, #tpu.memory_space<vmem>> -> memref<26x32xf32, #tpu.memory_space<vmem>>
      tpu.enqueue_dma source(%dma_start3A_2032 : memref<26x32xf32, #tpu.memory_space<vmem>>) target(%dma_start3A_2028 : memref<26x32xf32, #tpu.memory_space<hbm>>) target_semaphore(%arg16 : memref<!tpu.dma_semaphore, #tpu.memory_space<semaphore_mem>>)
      %lt3A_2033 = arith.constant 31 : i32
      %lt3A_2034 = arith.cmpi slt, %add3A_633, %lt3A_2033 : i32
      %convert_element_type3A_2035 = arith.extui %lt3A_2034 : i1 to i32
      %cond3A_2036 = arith.constant 0 : i32
      %cond3A_2037 = arith.cmpi ne, %convert_element_type3A_2035, %cond3A_2036 : i32
      scf.if %cond3A_2037 {
        %add3A_2038 = arith.constant 4 : i32
        %add3A_2039 = arith.addi %add3A_1615, %add3A_2038 : i32
        %mul3A_2040 = arith.constant 104 : i32
        %mul3A_2041 = arith.muli %add3A_2039, %mul3A_2040 : i32
        %add3A_2042 = arith.addi %mul3A_4, %mul3A_2041 : i32
        %dma_start3A_2043 = arith.constant 3 : i32
        %dma_start3A_2044 = arith.constant 0 : i32
        %dma_start3A_2045 = tpu.memref_slice %arg5[%dma_start3A_2043, %dma_start3A_2044] : memref<4x128xi32, #tpu.memory_space<vmem>> -> memref<1x104xi32, #tpu.memory_space<vmem>>
        %dma_start3A_2046 = tpu.memref_squeeze %dma_start3A_2045 : memref<1x104xi32, #tpu.memory_space<vmem>> -> memref<104xi32, #tpu.memory_space<vmem>>
        %dma_start3A_2047 = tpu.memref_slice %arg3[%add3A_2042] : memref<425984xi32, #tpu.memory_space<hbm>> -> memref<104xi32, #tpu.memory_space<hbm>>
        %dma_start3A_2048 = arith.constant 0 : i32
        %dma_start3A_2049 = tpu.memref_slice %arg5[%dma_start3A_2043, %dma_start3A_2048] : memref<4x128xi32, #tpu.memory_space<vmem>> -> memref<1x104xi32, #tpu.memory_space<vmem>>
        %dma_start3A_2050 = tpu.memref_squeeze %dma_start3A_2049 : memref<1x104xi32, #tpu.memory_space<vmem>> -> memref<104xi32, #tpu.memory_space<vmem>>
        %dma_start3A_2051 = tpu.memref_slice %arg3[%add3A_2042] : memref<425984xi32, #tpu.memory_space<hbm>> -> memref<104xi32, #tpu.memory_space<hbm>>
        tpu.enqueue_dma source(%dma_start3A_2051 : memref<104xi32, #tpu.memory_space<hbm>>) target(%dma_start3A_2050 : memref<104xi32, #tpu.memory_space<vmem>>) target_semaphore(%arg11 : memref<!tpu.dma_semaphore, #tpu.memory_space<semaphore_mem>>)
      } else {
      }
    }
    %scan3A_53 = arith.constant 32 : i32
    %dma_wait3A = arith.constant 1 : i32
    %dma_wait3A_54 = arith.constant 1 : i32
    %dma_wait3A_55 = arith.constant 0 : i32
    %dma_wait3A_56 = arith.constant 0 : i32
    %dma_wait3A_57 = tpu.memref_slice %arg7[%dma_wait3A_54, %dma_wait3A_55, %dma_wait3A_56] : memref<4x104x32xf32, #tpu.memory_space<vmem>> -> memref<1x104x32xf32, #tpu.memory_space<vmem>>
    %dma_wait3A_58 = tpu.memref_squeeze %dma_wait3A_57 : memref<1x104x32xf32, #tpu.memory_space<vmem>> -> memref<104x32xf32, #tpu.memory_space<vmem>>
    %dma_wait3A_59 = arith.constant 0 : i32
    %dma_wait3A_60 = tpu.memref_slice %arg6[%dma_wait3A, %dma_wait3A_59] : memref<4x128xi32, #tpu.memory_space<vmem>> -> memref<1x104xi32, #tpu.memory_space<vmem>>
    %dma_wait3A_61 = tpu.memref_squeeze %dma_wait3A_60 : memref<1x104xi32, #tpu.memory_space<vmem>> -> memref<104xi32, #tpu.memory_space<vmem>>
    %dma_wait3A_62 = arith.constant 0 : i32
    %dma_wait3A_63 = arith.constant 0 : i32
    %dma_wait3A_64 = tpu.memref_slice %arg2[%dma_wait3A_62, %dma_wait3A_63] : memref<1000000x32xf32, #tpu.memory_space<hbm>> -> memref<1000000x32xf32, #tpu.memory_space<hbm>>
    tpu.wait_indirect_dma semaphore(%arg13 : memref<!tpu.dma_semaphore, #tpu.memory_space<semaphore_mem>>) src(%dma_wait3A_64 : memref<1000000x32xf32, #tpu.memory_space<hbm>>) dst(%dma_wait3A_58 : memref<104x32xf32, #tpu.memory_space<vmem>>)
    %add3A_65 = arith.constant 500 : i32
    %add3A_66 = arith.addi %mul3A_6, %add3A_65 : i32
    %add3A_67 = arith.constant 0 : i32
    %add3A_68 = arith.addi %add3A_66, %add3A_67 : i32
    %dma_start3A_69 = arith.constant 1 : i32
    %dma_start3A_70 = arith.constant 0 : i32
    %dma_start3A_71 = arith.constant 0 : i32
    %dma_start3A_72 = tpu.memref_slice %arg7[%dma_start3A_69, %dma_start3A_70, %dma_start3A_71] : memref<4x104x32xf32, #tpu.memory_space<vmem>> -> memref<1x26x32xf32, #tpu.memory_space<vmem>>
    %dma_start3A_73 = tpu.memref_squeeze %dma_start3A_72 : memref<1x26x32xf32, #tpu.memory_space<vmem>> -> memref<26x32xf32, #tpu.memory_space<vmem>>
    %dma_start3A_74 = arith.constant 0 : i32
    %dma_start3A_75 = arith.constant 0 : i32
    %dma_start3A_76 = tpu.memref_slice %arg4[%add3A_68, %dma_start3A_74, %dma_start3A_75] : memref<16384x32x128xf32, #tpu.memory_space<hbm>> -> memref<1x26x32xf32, #tpu.memory_space<hbm>>
    %dma_start3A_77 = tpu.memref_squeeze %dma_start3A_76 : memref<1x26x32xf32, #tpu.memory_space<hbm>> -> memref<26x32xf32, #tpu.memory_space<hbm>>
    %dma_start3A_78 = arith.constant 0 : i32
    %dma_start3A_79 = arith.constant 0 : i32
    %dma_start3A_80 = tpu.memref_slice %arg4[%add3A_68, %dma_start3A_78, %dma_start3A_79] : memref<16384x32x128xf32, #tpu.memory_space<hbm>> -> memref<1x26x32xf32, #tpu.memory_space<hbm>>
    %dma_start3A_81 = tpu.memref_squeeze %dma_start3A_80 : memref<1x26x32xf32, #tpu.memory_space<hbm>> -> memref<26x32xf32, #tpu.memory_space<hbm>>
    %dma_start3A_82 = arith.constant 0 : i32
    %dma_start3A_83 = arith.constant 0 : i32
    %dma_start3A_84 = tpu.memref_slice %arg7[%dma_start3A_69, %dma_start3A_82, %dma_start3A_83] : memref<4x104x32xf32, #tpu.memory_space<vmem>> -> memref<1x26x32xf32, #tpu.memory_space<vmem>>
    %dma_start3A_85 = tpu.memref_squeeze %dma_start3A_84 : memref<1x26x32xf32, #tpu.memory_space<vmem>> -> memref<26x32xf32, #tpu.memory_space<vmem>>
    tpu.enqueue_dma source(%dma_start3A_85 : memref<26x32xf32, #tpu.memory_space<vmem>>) target(%dma_start3A_81 : memref<26x32xf32, #tpu.memory_space<hbm>>) target_semaphore(%arg17 : memref<!tpu.dma_semaphore, #tpu.memory_space<semaphore_mem>>)
    %add3A_86 = arith.constant 500 : i32
    %add3A_87 = arith.addi %mul3A_6, %add3A_86 : i32
    %add3A_88 = arith.constant 1 : i32
    %add3A_89 = arith.addi %add3A_87, %add3A_88 : i32
    %dma_start3A_90 = arith.constant 1 : i32
    %dma_start3A_91 = arith.constant 26 : i32
    %dma_start3A_92 = arith.constant 0 : i32
    %dma_start3A_93 = tpu.memref_slice %arg7[%dma_start3A_90, %dma_start3A_91, %dma_start3A_92] : memref<4x104x32xf32, #tpu.memory_space<vmem>> -> memref<1x26x32xf32, #tpu.memory_space<vmem>>
    %dma_start3A_94 = tpu.memref_squeeze %dma_start3A_93 : memref<1x26x32xf32, #tpu.memory_space<vmem>> -> memref<26x32xf32, #tpu.memory_space<vmem>>
    %dma_start3A_95 = arith.constant 0 : i32
    %dma_start3A_96 = arith.constant 0 : i32
    %dma_start3A_97 = tpu.memref_slice %arg4[%add3A_89, %dma_start3A_95, %dma_start3A_96] : memref<16384x32x128xf32, #tpu.memory_space<hbm>> -> memref<1x26x32xf32, #tpu.memory_space<hbm>>
    %dma_start3A_98 = tpu.memref_squeeze %dma_start3A_97 : memref<1x26x32xf32, #tpu.memory_space<hbm>> -> memref<26x32xf32, #tpu.memory_space<hbm>>
    %dma_start3A_99 = arith.constant 0 : i32
    %dma_start3A_100 = arith.constant 0 : i32
    %dma_start3A_101 = tpu.memref_slice %arg4[%add3A_89, %dma_start3A_99, %dma_start3A_100] : memref<16384x32x128xf32, #tpu.memory_space<hbm>> -> memref<1x26x32xf32, #tpu.memory_space<hbm>>
    %dma_start3A_102 = tpu.memref_squeeze %dma_start3A_101 : memref<1x26x32xf32, #tpu.memory_space<hbm>> -> memref<26x32xf32, #tpu.memory_space<hbm>>
    %dma_start3A_103 = arith.constant 26 : i32
    %dma_start3A_104 = arith.constant 0 : i32
    %dma_start3A_105 = tpu.memref_slice %arg7[%dma_start3A_90, %dma_start3A_103, %dma_start3A_104] : memref<4x104x32xf32, #tpu.memory_space<vmem>> -> memref<1x26x32xf32, #tpu.memory_space<vmem>>
    %dma_start3A_106 = tpu.memref_squeeze %dma_start3A_105 : memref<1x26x32xf32, #tpu.memory_space<vmem>> -> memref<26x32xf32, #tpu.memory_space<vmem>>
    tpu.enqueue_dma source(%dma_start3A_106 : memref<26x32xf32, #tpu.memory_space<vmem>>) target(%dma_start3A_102 : memref<26x32xf32, #tpu.memory_space<hbm>>) target_semaphore(%arg17 : memref<!tpu.dma_semaphore, #tpu.memory_space<semaphore_mem>>)
    %add3A_107 = arith.constant 500 : i32
    %add3A_108 = arith.addi %mul3A_6, %add3A_107 : i32
    %add3A_109 = arith.constant 2 : i32
    %add3A_110 = arith.addi %add3A_108, %add3A_109 : i32
    %dma_start3A_111 = arith.constant 1 : i32
    %dma_start3A_112 = arith.constant 52 : i32
    %dma_start3A_113 = arith.constant 0 : i32
    %dma_start3A_114 = tpu.memref_slice %arg7[%dma_start3A_111, %dma_start3A_112, %dma_start3A_113] : memref<4x104x32xf32, #tpu.memory_space<vmem>> -> memref<1x26x32xf32, #tpu.memory_space<vmem>>
    %dma_start3A_115 = tpu.memref_squeeze %dma_start3A_114 : memref<1x26x32xf32, #tpu.memory_space<vmem>> -> memref<26x32xf32, #tpu.memory_space<vmem>>
    %dma_start3A_116 = arith.constant 0 : i32
    %dma_start3A_117 = arith.constant 0 : i32
    %dma_start3A_118 = tpu.memref_slice %arg4[%add3A_110, %dma_start3A_116, %dma_start3A_117] : memref<16384x32x128xf32, #tpu.memory_space<hbm>> -> memref<1x26x32xf32, #tpu.memory_space<hbm>>
    %dma_start3A_119 = tpu.memref_squeeze %dma_start3A_118 : memref<1x26x32xf32, #tpu.memory_space<hbm>> -> memref<26x32xf32, #tpu.memory_space<hbm>>
    %dma_start3A_120 = arith.constant 0 : i32
    %dma_start3A_121 = arith.constant 0 : i32
    %dma_start3A_122 = tpu.memref_slice %arg4[%add3A_110, %dma_start3A_120, %dma_start3A_121] : memref<16384x32x128xf32, #tpu.memory_space<hbm>> -> memref<1x26x32xf32, #tpu.memory_space<hbm>>
    %dma_start3A_123 = tpu.memref_squeeze %dma_start3A_122 : memref<1x26x32xf32, #tpu.memory_space<hbm>> -> memref<26x32xf32, #tpu.memory_space<hbm>>
    %dma_start3A_124 = arith.constant 52 : i32
    %dma_start3A_125 = arith.constant 0 : i32
    %dma_start3A_126 = tpu.memref_slice %arg7[%dma_start3A_111, %dma_start3A_124, %dma_start3A_125] : memref<4x104x32xf32, #tpu.memory_space<vmem>> -> memref<1x26x32xf32, #tpu.memory_space<vmem>>
    %dma_start3A_127 = tpu.memref_squeeze %dma_start3A_126 : memref<1x26x32xf32, #tpu.memory_space<vmem>> -> memref<26x32xf32, #tpu.memory_space<vmem>>
    tpu.enqueue_dma source(%dma_start3A_127 : memref<26x32xf32, #tpu.memory_space<vmem>>) target(%dma_start3A_123 : memref<26x32xf32, #tpu.memory_space<hbm>>) target_semaphore(%arg17 : memref<!tpu.dma_semaphore, #tpu.memory_space<semaphore_mem>>)
    %add3A_128 = arith.constant 500 : i32
    %add3A_129 = arith.addi %mul3A_6, %add3A_128 : i32
    %add3A_130 = arith.constant 3 : i32
    %add3A_131 = arith.addi %add3A_129, %add3A_130 : i32
    %dma_start3A_132 = arith.constant 1 : i32
    %dma_start3A_133 = arith.constant 78 : i32
    %dma_start3A_134 = arith.constant 0 : i32
    %dma_start3A_135 = tpu.memref_slice %arg7[%dma_start3A_132, %dma_start3A_133, %dma_start3A_134] : memref<4x104x32xf32, #tpu.memory_space<vmem>> -> memref<1x26x32xf32, #tpu.memory_space<vmem>>
    %dma_start3A_136 = tpu.memref_squeeze %dma_start3A_135 : memref<1x26x32xf32, #tpu.memory_space<vmem>> -> memref<26x32xf32, #tpu.memory_space<vmem>>
    %dma_start3A_137 = arith.constant 0 : i32
    %dma_start3A_138 = arith.constant 0 : i32
    %dma_start3A_139 = tpu.memref_slice %arg4[%add3A_131, %dma_start3A_137, %dma_start3A_138] : memref<16384x32x128xf32, #tpu.memory_space<hbm>> -> memref<1x26x32xf32, #tpu.memory_space<hbm>>
    %dma_start3A_140 = tpu.memref_squeeze %dma_start3A_139 : memref<1x26x32xf32, #tpu.memory_space<hbm>> -> memref<26x32xf32, #tpu.memory_space<hbm>>
    %dma_start3A_141 = arith.constant 0 : i32
    %dma_start3A_142 = arith.constant 0 : i32
    %dma_start3A_143 = tpu.memref_slice %arg4[%add3A_131, %dma_start3A_141, %dma_start3A_142] : memref<16384x32x128xf32, #tpu.memory_space<hbm>> -> memref<1x26x32xf32, #tpu.memory_space<hbm>>
    %dma_start3A_144 = tpu.memref_squeeze %dma_start3A_143 : memref<1x26x32xf32, #tpu.memory_space<hbm>> -> memref<26x32xf32, #tpu.memory_space<hbm>>
    %dma_start3A_145 = arith.constant 78 : i32
    %dma_start3A_146 = arith.constant 0 : i32
    %dma_start3A_147 = tpu.memref_slice %arg7[%dma_start3A_132, %dma_start3A_145, %dma_start3A_146] : memref<4x104x32xf32, #tpu.memory_space<vmem>> -> memref<1x26x32xf32, #tpu.memory_space<vmem>>
    %dma_start3A_148 = tpu.memref_squeeze %dma_start3A_147 : memref<1x26x32xf32, #tpu.memory_space<vmem>> -> memref<26x32xf32, #tpu.memory_space<vmem>>
    tpu.enqueue_dma source(%dma_start3A_148 : memref<26x32xf32, #tpu.memory_space<vmem>>) target(%dma_start3A_144 : memref<26x32xf32, #tpu.memory_space<hbm>>) target_semaphore(%arg17 : memref<!tpu.dma_semaphore, #tpu.memory_space<semaphore_mem>>)
    %dma_wait3A_149 = arith.constant 2 : i32
    %dma_wait3A_150 = arith.constant 2 : i32
    %dma_wait3A_151 = arith.constant 0 : i32
    %dma_wait3A_152 = arith.constant 0 : i32
    %dma_wait3A_153 = tpu.memref_slice %arg7[%dma_wait3A_150, %dma_wait3A_151, %dma_wait3A_152] : memref<4x104x32xf32, #tpu.memory_space<vmem>> -> memref<1x104x32xf32, #tpu.memory_space<vmem>>
    %dma_wait3A_154 = tpu.memref_squeeze %dma_wait3A_153 : memref<1x104x32xf32, #tpu.memory_space<vmem>> -> memref<104x32xf32, #tpu.memory_space<vmem>>
    %dma_wait3A_155 = arith.constant 0 : i32
    %dma_wait3A_156 = tpu.memref_slice %arg6[%dma_wait3A_149, %dma_wait3A_155] : memref<4x128xi32, #tpu.memory_space<vmem>> -> memref<1x104xi32, #tpu.memory_space<vmem>>
    %dma_wait3A_157 = tpu.memref_squeeze %dma_wait3A_156 : memref<1x104xi32, #tpu.memory_space<vmem>> -> memref<104xi32, #tpu.memory_space<vmem>>
    %dma_wait3A_158 = arith.constant 0 : i32
    %dma_wait3A_159 = arith.constant 0 : i32
    %dma_wait3A_160 = tpu.memref_slice %arg2[%dma_wait3A_158, %dma_wait3A_159] : memref<1000000x32xf32, #tpu.memory_space<hbm>> -> memref<1000000x32xf32, #tpu.memory_space<hbm>>
    tpu.wait_indirect_dma semaphore(%arg14 : memref<!tpu.dma_semaphore, #tpu.memory_space<semaphore_mem>>) src(%dma_wait3A_160 : memref<1000000x32xf32, #tpu.memory_space<hbm>>) dst(%dma_wait3A_154 : memref<104x32xf32, #tpu.memory_space<vmem>>)
    %add3A_161 = arith.constant 504 : i32
    %add3A_162 = arith.addi %mul3A_6, %add3A_161 : i32
    %add3A_163 = arith.constant 0 : i32
    %add3A_164 = arith.addi %add3A_162, %add3A_163 : i32
    %dma_start3A_165 = arith.constant 2 : i32
    %dma_start3A_166 = arith.constant 0 : i32
    %dma_start3A_167 = arith.constant 0 : i32
    %dma_start3A_168 = tpu.memref_slice %arg7[%dma_start3A_165, %dma_start3A_166, %dma_start3A_167] : memref<4x104x32xf32, #tpu.memory_space<vmem>> -> memref<1x26x32xf32, #tpu.memory_space<vmem>>
    %dma_start3A_169 = tpu.memref_squeeze %dma_start3A_168 : memref<1x26x32xf32, #tpu.memory_space<vmem>> -> memref<26x32xf32, #tpu.memory_space<vmem>>
    %dma_start3A_170 = arith.constant 0 : i32
    %dma_start3A_171 = arith.constant 0 : i32
    %dma_start3A_172 = tpu.memref_slice %arg4[%add3A_164, %dma_start3A_170, %dma_start3A_171] : memref<16384x32x128xf32, #tpu.memory_space<hbm>> -> memref<1x26x32xf32, #tpu.memory_space<hbm>>
    %dma_start3A_173 = tpu.memref_squeeze %dma_start3A_172 : memref<1x26x32xf32, #tpu.memory_space<hbm>> -> memref<26x32xf32, #tpu.memory_space<hbm>>
    %dma_start3A_174 = arith.constant 0 : i32
    %dma_start3A_175 = arith.constant 0 : i32
    %dma_start3A_176 = tpu.memref_slice %arg4[%add3A_164, %dma_start3A_174, %dma_start3A_175] : memref<16384x32x128xf32, #tpu.memory_space<hbm>> -> memref<1x26x32xf32, #tpu.memory_space<hbm>>
    %dma_start3A_177 = tpu.memref_squeeze %dma_start3A_176 : memref<1x26x32xf32, #tpu.memory_space<hbm>> -> memref<26x32xf32, #tpu.memory_space<hbm>>
    %dma_start3A_178 = arith.constant 0 : i32
    %dma_start3A_179 = arith.constant 0 : i32
    %dma_start3A_180 = tpu.memref_slice %arg7[%dma_start3A_165, %dma_start3A_178, %dma_start3A_179] : memref<4x104x32xf32, #tpu.memory_space<vmem>> -> memref<1x26x32xf32, #tpu.memory_space<vmem>>
    %dma_start3A_181 = tpu.memref_squeeze %dma_start3A_180 : memref<1x26x32xf32, #tpu.memory_space<vmem>> -> memref<26x32xf32, #tpu.memory_space<vmem>>
    tpu.enqueue_dma source(%dma_start3A_181 : memref<26x32xf32, #tpu.memory_space<vmem>>) target(%dma_start3A_177 : memref<26x32xf32, #tpu.memory_space<hbm>>) target_semaphore(%arg18 : memref<!tpu.dma_semaphore, #tpu.memory_space<semaphore_mem>>)
    %add3A_182 = arith.constant 504 : i32
    %add3A_183 = arith.addi %mul3A_6, %add3A_182 : i32
    %add3A_184 = arith.constant 1 : i32
    %add3A_185 = arith.addi %add3A_183, %add3A_184 : i32
    %dma_start3A_186 = arith.constant 2 : i32
    %dma_start3A_187 = arith.constant 26 : i32
    %dma_start3A_188 = arith.constant 0 : i32
    %dma_start3A_189 = tpu.memref_slice %arg7[%dma_start3A_186, %dma_start3A_187, %dma_start3A_188] : memref<4x104x32xf32, #tpu.memory_space<vmem>> -> memref<1x26x32xf32, #tpu.memory_space<vmem>>
    %dma_start3A_190 = tpu.memref_squeeze %dma_start3A_189 : memref<1x26x32xf32, #tpu.memory_space<vmem>> -> memref<26x32xf32, #tpu.memory_space<vmem>>
    %dma_start3A_191 = arith.constant 0 : i32
    %dma_start3A_192 = arith.constant 0 : i32
    %dma_start3A_193 = tpu.memref_slice %arg4[%add3A_185, %dma_start3A_191, %dma_start3A_192] : memref<16384x32x128xf32, #tpu.memory_space<hbm>> -> memref<1x26x32xf32, #tpu.memory_space<hbm>>
    %dma_start3A_194 = tpu.memref_squeeze %dma_start3A_193 : memref<1x26x32xf32, #tpu.memory_space<hbm>> -> memref<26x32xf32, #tpu.memory_space<hbm>>
    %dma_start3A_195 = arith.constant 0 : i32
    %dma_start3A_196 = arith.constant 0 : i32
    %dma_start3A_197 = tpu.memref_slice %arg4[%add3A_185, %dma_start3A_195, %dma_start3A_196] : memref<16384x32x128xf32, #tpu.memory_space<hbm>> -> memref<1x26x32xf32, #tpu.memory_space<hbm>>
    %dma_start3A_198 = tpu.memref_squeeze %dma_start3A_197 : memref<1x26x32xf32, #tpu.memory_space<hbm>> -> memref<26x32xf32, #tpu.memory_space<hbm>>
    %dma_start3A_199 = arith.constant 26 : i32
    %dma_start3A_200 = arith.constant 0 : i32
    %dma_start3A_201 = tpu.memref_slice %arg7[%dma_start3A_186, %dma_start3A_199, %dma_start3A_200] : memref<4x104x32xf32, #tpu.memory_space<vmem>> -> memref<1x26x32xf32, #tpu.memory_space<vmem>>
    %dma_start3A_202 = tpu.memref_squeeze %dma_start3A_201 : memref<1x26x32xf32, #tpu.memory_space<vmem>> -> memref<26x32xf32, #tpu.memory_space<vmem>>
    tpu.enqueue_dma source(%dma_start3A_202 : memref<26x32xf32, #tpu.memory_space<vmem>>) target(%dma_start3A_198 : memref<26x32xf32, #tpu.memory_space<hbm>>) target_semaphore(%arg18 : memref<!tpu.dma_semaphore, #tpu.memory_space<semaphore_mem>>)
    %add3A_203 = arith.constant 504 : i32
    %add3A_204 = arith.addi %mul3A_6, %add3A_203 : i32
    %add3A_205 = arith.constant 2 : i32
    %add3A_206 = arith.addi %add3A_204, %add3A_205 : i32
    %dma_start3A_207 = arith.constant 2 : i32
    %dma_start3A_208 = arith.constant 52 : i32
    %dma_start3A_209 = arith.constant 0 : i32
    %dma_start3A_210 = tpu.memref_slice %arg7[%dma_start3A_207, %dma_start3A_208, %dma_start3A_209] : memref<4x104x32xf32, #tpu.memory_space<vmem>> -> memref<1x26x32xf32, #tpu.memory_space<vmem>>
    %dma_start3A_211 = tpu.memref_squeeze %dma_start3A_210 : memref<1x26x32xf32, #tpu.memory_space<vmem>> -> memref<26x32xf32, #tpu.memory_space<vmem>>
    %dma_start3A_212 = arith.constant 0 : i32
    %dma_start3A_213 = arith.constant 0 : i32
    %dma_start3A_214 = tpu.memref_slice %arg4[%add3A_206, %dma_start3A_212, %dma_start3A_213] : memref<16384x32x128xf32, #tpu.memory_space<hbm>> -> memref<1x26x32xf32, #tpu.memory_space<hbm>>
    %dma_start3A_215 = tpu.memref_squeeze %dma_start3A_214 : memref<1x26x32xf32, #tpu.memory_space<hbm>> -> memref<26x32xf32, #tpu.memory_space<hbm>>
    %dma_start3A_216 = arith.constant 0 : i32
    %dma_start3A_217 = arith.constant 0 : i32
    %dma_start3A_218 = tpu.memref_slice %arg4[%add3A_206, %dma_start3A_216, %dma_start3A_217] : memref<16384x32x128xf32, #tpu.memory_space<hbm>> -> memref<1x26x32xf32, #tpu.memory_space<hbm>>
    %dma_start3A_219 = tpu.memref_squeeze %dma_start3A_218 : memref<1x26x32xf32, #tpu.memory_space<hbm>> -> memref<26x32xf32, #tpu.memory_space<hbm>>
    %dma_start3A_220 = arith.constant 52 : i32
    %dma_start3A_221 = arith.constant 0 : i32
    %dma_start3A_222 = tpu.memref_slice %arg7[%dma_start3A_207, %dma_start3A_220, %dma_start3A_221] : memref<4x104x32xf32, #tpu.memory_space<vmem>> -> memref<1x26x32xf32, #tpu.memory_space<vmem>>
    %dma_start3A_223 = tpu.memref_squeeze %dma_start3A_222 : memref<1x26x32xf32, #tpu.memory_space<vmem>> -> memref<26x32xf32, #tpu.memory_space<vmem>>
    tpu.enqueue_dma source(%dma_start3A_223 : memref<26x32xf32, #tpu.memory_space<vmem>>) target(%dma_start3A_219 : memref<26x32xf32, #tpu.memory_space<hbm>>) target_semaphore(%arg18 : memref<!tpu.dma_semaphore, #tpu.memory_space<semaphore_mem>>)
    %add3A_224 = arith.constant 504 : i32
    %add3A_225 = arith.addi %mul3A_6, %add3A_224 : i32
    %add3A_226 = arith.constant 3 : i32
    %add3A_227 = arith.addi %add3A_225, %add3A_226 : i32
    %dma_start3A_228 = arith.constant 2 : i32
    %dma_start3A_229 = arith.constant 78 : i32
    %dma_start3A_230 = arith.constant 0 : i32
    %dma_start3A_231 = tpu.memref_slice %arg7[%dma_start3A_228, %dma_start3A_229, %dma_start3A_230] : memref<4x104x32xf32, #tpu.memory_space<vmem>> -> memref<1x26x32xf32, #tpu.memory_space<vmem>>
    %dma_start3A_232 = tpu.memref_squeeze %dma_start3A_231 : memref<1x26x32xf32, #tpu.memory_space<vmem>> -> memref<26x32xf32, #tpu.memory_space<vmem>>
    %dma_start3A_233 = arith.constant 0 : i32
    %dma_start3A_234 = arith.constant 0 : i32
    %dma_start3A_235 = tpu.memref_slice %arg4[%add3A_227, %dma_start3A_233, %dma_start3A_234] : memref<16384x32x128xf32, #tpu.memory_space<hbm>> -> memref<1x26x32xf32, #tpu.memory_space<hbm>>
    %dma_start3A_236 = tpu.memref_squeeze %dma_start3A_235 : memref<1x26x32xf32, #tpu.memory_space<hbm>> -> memref<26x32xf32, #tpu.memory_space<hbm>>
    %dma_start3A_237 = arith.constant 0 : i32
    %dma_start3A_238 = arith.constant 0 : i32
    %dma_start3A_239 = tpu.memref_slice %arg4[%add3A_227, %dma_start3A_237, %dma_start3A_238] : memref<16384x32x128xf32, #tpu.memory_space<hbm>> -> memref<1x26x32xf32, #tpu.memory_space<hbm>>
    %dma_start3A_240 = tpu.memref_squeeze %dma_start3A_239 : memref<1x26x32xf32, #tpu.memory_space<hbm>> -> memref<26x32xf32, #tpu.memory_space<hbm>>
    %dma_start3A_241 = arith.constant 78 : i32
    %dma_start3A_242 = arith.constant 0 : i32
    %dma_start3A_243 = tpu.memref_slice %arg7[%dma_start3A_228, %dma_start3A_241, %dma_start3A_242] : memref<4x104x32xf32, #tpu.memory_space<vmem>> -> memref<1x26x32xf32, #tpu.memory_space<vmem>>
    %dma_start3A_244 = tpu.memref_squeeze %dma_start3A_243 : memref<1x26x32xf32, #tpu.memory_space<vmem>> -> memref<26x32xf32, #tpu.memory_space<vmem>>
    tpu.enqueue_dma source(%dma_start3A_244 : memref<26x32xf32, #tpu.memory_space<vmem>>) target(%dma_start3A_240 : memref<26x32xf32, #tpu.memory_space<hbm>>) target_semaphore(%arg18 : memref<!tpu.dma_semaphore, #tpu.memory_space<semaphore_mem>>)
    %dma_wait3A_245 = arith.constant 3 : i32
    %dma_wait3A_246 = arith.constant 3 : i32
    %dma_wait3A_247 = arith.constant 0 : i32
    %dma_wait3A_248 = arith.constant 0 : i32
    %dma_wait3A_249 = tpu.memref_slice %arg7[%dma_wait3A_246, %dma_wait3A_247, %dma_wait3A_248] : memref<4x104x32xf32, #tpu.memory_space<vmem>> -> memref<1x104x32xf32, #tpu.memory_space<vmem>>
    %dma_wait3A_250 = tpu.memref_squeeze %dma_wait3A_249 : memref<1x104x32xf32, #tpu.memory_space<vmem>> -> memref<104x32xf32, #tpu.memory_space<vmem>>
    %dma_wait3A_251 = arith.constant 0 : i32
    %dma_wait3A_252 = tpu.memref_slice %arg6[%dma_wait3A_245, %dma_wait3A_251] : memref<4x128xi32, #tpu.memory_space<vmem>> -> memref<1x104xi32, #tpu.memory_space<vmem>>
    %dma_wait3A_253 = tpu.memref_squeeze %dma_wait3A_252 : memref<1x104xi32, #tpu.memory_space<vmem>> -> memref<104xi32, #tpu.memory_space<vmem>>
    %dma_wait3A_254 = arith.constant 0 : i32
    %dma_wait3A_255 = arith.constant 0 : i32
    %dma_wait3A_256 = tpu.memref_slice %arg2[%dma_wait3A_254, %dma_wait3A_255] : memref<1000000x32xf32, #tpu.memory_space<hbm>> -> memref<1000000x32xf32, #tpu.memory_space<hbm>>
    tpu.wait_indirect_dma semaphore(%arg15 : memref<!tpu.dma_semaphore, #tpu.memory_space<semaphore_mem>>) src(%dma_wait3A_256 : memref<1000000x32xf32, #tpu.memory_space<hbm>>) dst(%dma_wait3A_250 : memref<104x32xf32, #tpu.memory_space<vmem>>)
    %add3A_257 = arith.constant 508 : i32
    %add3A_258 = arith.addi %mul3A_6, %add3A_257 : i32
    %add3A_259 = arith.constant 0 : i32
    %add3A_260 = arith.addi %add3A_258, %add3A_259 : i32
    %dma_start3A_261 = arith.constant 3 : i32
    %dma_start3A_262 = arith.constant 0 : i32
    %dma_start3A_263 = arith.constant 0 : i32
    %dma_start3A_264 = tpu.memref_slice %arg7[%dma_start3A_261, %dma_start3A_262, %dma_start3A_263] : memref<4x104x32xf32, #tpu.memory_space<vmem>> -> memref<1x26x32xf32, #tpu.memory_space<vmem>>
    %dma_start3A_265 = tpu.memref_squeeze %dma_start3A_264 : memref<1x26x32xf32, #tpu.memory_space<vmem>> -> memref<26x32xf32, #tpu.memory_space<vmem>>
    %dma_start3A_266 = arith.constant 0 : i32
    %dma_start3A_267 = arith.constant 0 : i32
    %dma_start3A_268 = tpu.memref_slice %arg4[%add3A_260, %dma_start3A_266, %dma_start3A_267] : memref<16384x32x128xf32, #tpu.memory_space<hbm>> -> memref<1x26x32xf32, #tpu.memory_space<hbm>>
    %dma_start3A_269 = tpu.memref_squeeze %dma_start3A_268 : memref<1x26x32xf32, #tpu.memory_space<hbm>> -> memref<26x32xf32, #tpu.memory_space<hbm>>
    %dma_start3A_270 = arith.constant 0 : i32
    %dma_start3A_271 = arith.constant 0 : i32
    %dma_start3A_272 = tpu.memref_slice %arg4[%add3A_260, %dma_start3A_270, %dma_start3A_271] : memref<16384x32x128xf32, #tpu.memory_space<hbm>> -> memref<1x26x32xf32, #tpu.memory_space<hbm>>
    %dma_start3A_273 = tpu.memref_squeeze %dma_start3A_272 : memref<1x26x32xf32, #tpu.memory_space<hbm>> -> memref<26x32xf32, #tpu.memory_space<hbm>>
    %dma_start3A_274 = arith.constant 0 : i32
    %dma_start3A_275 = arith.constant 0 : i32
    %dma_start3A_276 = tpu.memref_slice %arg7[%dma_start3A_261, %dma_start3A_274, %dma_start3A_275] : memref<4x104x32xf32, #tpu.memory_space<vmem>> -> memref<1x26x32xf32, #tpu.memory_space<vmem>>
    %dma_start3A_277 = tpu.memref_squeeze %dma_start3A_276 : memref<1x26x32xf32, #tpu.memory_space<vmem>> -> memref<26x32xf32, #tpu.memory_space<vmem>>
    tpu.enqueue_dma source(%dma_start3A_277 : memref<26x32xf32, #tpu.memory_space<vmem>>) target(%dma_start3A_273 : memref<26x32xf32, #tpu.memory_space<hbm>>) target_semaphore(%arg19 : memref<!tpu.dma_semaphore, #tpu.memory_space<semaphore_mem>>)
    %add3A_278 = arith.constant 508 : i32
    %add3A_279 = arith.addi %mul3A_6, %add3A_278 : i32
    %add3A_280 = arith.constant 1 : i32
    %add3A_281 = arith.addi %add3A_279, %add3A_280 : i32
    %dma_start3A_282 = arith.constant 3 : i32
    %dma_start3A_283 = arith.constant 26 : i32
    %dma_start3A_284 = arith.constant 0 : i32
    %dma_start3A_285 = tpu.memref_slice %arg7[%dma_start3A_282, %dma_start3A_283, %dma_start3A_284] : memref<4x104x32xf32, #tpu.memory_space<vmem>> -> memref<1x26x32xf32, #tpu.memory_space<vmem>>
    %dma_start3A_286 = tpu.memref_squeeze %dma_start3A_285 : memref<1x26x32xf32, #tpu.memory_space<vmem>> -> memref<26x32xf32, #tpu.memory_space<vmem>>
    %dma_start3A_287 = arith.constant 0 : i32
    %dma_start3A_288 = arith.constant 0 : i32
    %dma_start3A_289 = tpu.memref_slice %arg4[%add3A_281, %dma_start3A_287, %dma_start3A_288] : memref<16384x32x128xf32, #tpu.memory_space<hbm>> -> memref<1x26x32xf32, #tpu.memory_space<hbm>>
    %dma_start3A_290 = tpu.memref_squeeze %dma_start3A_289 : memref<1x26x32xf32, #tpu.memory_space<hbm>> -> memref<26x32xf32, #tpu.memory_space<hbm>>
    %dma_start3A_291 = arith.constant 0 : i32
    %dma_start3A_292 = arith.constant 0 : i32
    %dma_start3A_293 = tpu.memref_slice %arg4[%add3A_281, %dma_start3A_291, %dma_start3A_292] : memref<16384x32x128xf32, #tpu.memory_space<hbm>> -> memref<1x26x32xf32, #tpu.memory_space<hbm>>
    %dma_start3A_294 = tpu.memref_squeeze %dma_start3A_293 : memref<1x26x32xf32, #tpu.memory_space<hbm>> -> memref<26x32xf32, #tpu.memory_space<hbm>>
    %dma_start3A_295 = arith.constant 26 : i32
    %dma_start3A_296 = arith.constant 0 : i32
    %dma_start3A_297 = tpu.memref_slice %arg7[%dma_start3A_282, %dma_start3A_295, %dma_start3A_296] : memref<4x104x32xf32, #tpu.memory_space<vmem>> -> memref<1x26x32xf32, #tpu.memory_space<vmem>>
    %dma_start3A_298 = tpu.memref_squeeze %dma_start3A_297 : memref<1x26x32xf32, #tpu.memory_space<vmem>> -> memref<26x32xf32, #tpu.memory_space<vmem>>
    tpu.enqueue_dma source(%dma_start3A_298 : memref<26x32xf32, #tpu.memory_space<vmem>>) target(%dma_start3A_294 : memref<26x32xf32, #tpu.memory_space<hbm>>) target_semaphore(%arg19 : memref<!tpu.dma_semaphore, #tpu.memory_space<semaphore_mem>>)
    %add3A_299 = arith.constant 508 : i32
    %add3A_300 = arith.addi %mul3A_6, %add3A_299 : i32
    %add3A_301 = arith.constant 2 : i32
    %add3A_302 = arith.addi %add3A_300, %add3A_301 : i32
    %dma_start3A_303 = arith.constant 3 : i32
    %dma_start3A_304 = arith.constant 52 : i32
    %dma_start3A_305 = arith.constant 0 : i32
    %dma_start3A_306 = tpu.memref_slice %arg7[%dma_start3A_303, %dma_start3A_304, %dma_start3A_305] : memref<4x104x32xf32, #tpu.memory_space<vmem>> -> memref<1x26x32xf32, #tpu.memory_space<vmem>>
    %dma_start3A_307 = tpu.memref_squeeze %dma_start3A_306 : memref<1x26x32xf32, #tpu.memory_space<vmem>> -> memref<26x32xf32, #tpu.memory_space<vmem>>
    %dma_start3A_308 = arith.constant 0 : i32
    %dma_start3A_309 = arith.constant 0 : i32
    %dma_start3A_310 = tpu.memref_slice %arg4[%add3A_302, %dma_start3A_308, %dma_start3A_309] : memref<16384x32x128xf32, #tpu.memory_space<hbm>> -> memref<1x26x32xf32, #tpu.memory_space<hbm>>
    %dma_start3A_311 = tpu.memref_squeeze %dma_start3A_310 : memref<1x26x32xf32, #tpu.memory_space<hbm>> -> memref<26x32xf32, #tpu.memory_space<hbm>>
    %dma_start3A_312 = arith.constant 0 : i32
    %dma_start3A_313 = arith.constant 0 : i32
    %dma_start3A_314 = tpu.memref_slice %arg4[%add3A_302, %dma_start3A_312, %dma_start3A_313] : memref<16384x32x128xf32, #tpu.memory_space<hbm>> -> memref<1x26x32xf32, #tpu.memory_space<hbm>>
    %dma_start3A_315 = tpu.memref_squeeze %dma_start3A_314 : memref<1x26x32xf32, #tpu.memory_space<hbm>> -> memref<26x32xf32, #tpu.memory_space<hbm>>
    %dma_start3A_316 = arith.constant 52 : i32
    %dma_start3A_317 = arith.constant 0 : i32
    %dma_start3A_318 = tpu.memref_slice %arg7[%dma_start3A_303, %dma_start3A_316, %dma_start3A_317] : memref<4x104x32xf32, #tpu.memory_space<vmem>> -> memref<1x26x32xf32, #tpu.memory_space<vmem>>
    %dma_start3A_319 = tpu.memref_squeeze %dma_start3A_318 : memref<1x26x32xf32, #tpu.memory_space<vmem>> -> memref<26x32xf32, #tpu.memory_space<vmem>>
    tpu.enqueue_dma source(%dma_start3A_319 : memref<26x32xf32, #tpu.memory_space<vmem>>) target(%dma_start3A_315 : memref<26x32xf32, #tpu.memory_space<hbm>>) target_semaphore(%arg19 : memref<!tpu.dma_semaphore, #tpu.memory_space<semaphore_mem>>)
    %add3A_320 = arith.constant 508 : i32
    %add3A_321 = arith.addi %mul3A_6, %add3A_320 : i32
    %add3A_322 = arith.constant 3 : i32
    %add3A_323 = arith.addi %add3A_321, %add3A_322 : i32
    %dma_start3A_324 = arith.constant 3 : i32
    %dma_start3A_325 = arith.constant 78 : i32
    %dma_start3A_326 = arith.constant 0 : i32
    %dma_start3A_327 = tpu.memref_slice %arg7[%dma_start3A_324, %dma_start3A_325, %dma_start3A_326] : memref<4x104x32xf32, #tpu.memory_space<vmem>> -> memref<1x26x32xf32, #tpu.memory_space<vmem>>
    %dma_start3A_328 = tpu.memref_squeeze %dma_start3A_327 : memref<1x26x32xf32, #tpu.memory_space<vmem>> -> memref<26x32xf32, #tpu.memory_space<vmem>>
    %dma_start3A_329 = arith.constant 0 : i32
    %dma_start3A_330 = arith.constant 0 : i32
    %dma_start3A_331 = tpu.memref_slice %arg4[%add3A_323, %dma_start3A_329, %dma_start3A_330] : memref<16384x32x128xf32, #tpu.memory_space<hbm>> -> memref<1x26x32xf32, #tpu.memory_space<hbm>>
    %dma_start3A_332 = tpu.memref_squeeze %dma_start3A_331 : memref<1x26x32xf32, #tpu.memory_space<hbm>> -> memref<26x32xf32, #tpu.memory_space<hbm>>
    %dma_start3A_333 = arith.constant 0 : i32
    %dma_start3A_334 = arith.constant 0 : i32
    %dma_start3A_335 = tpu.memref_slice %arg4[%add3A_323, %dma_start3A_333, %dma_start3A_334] : memref<16384x32x128xf32, #tpu.memory_space<hbm>> -> memref<1x26x32xf32, #tpu.memory_space<hbm>>
    %dma_start3A_336 = tpu.memref_squeeze %dma_start3A_335 : memref<1x26x32xf32, #tpu.memory_space<hbm>> -> memref<26x32xf32, #tpu.memory_space<hbm>>
    %dma_start3A_337 = arith.constant 78 : i32
    %dma_start3A_338 = arith.constant 0 : i32
    %dma_start3A_339 = tpu.memref_slice %arg7[%dma_start3A_324, %dma_start3A_337, %dma_start3A_338] : memref<4x104x32xf32, #tpu.memory_space<vmem>> -> memref<1x26x32xf32, #tpu.memory_space<vmem>>
    %dma_start3A_340 = tpu.memref_squeeze %dma_start3A_339 : memref<1x26x32xf32, #tpu.memory_space<vmem>> -> memref<26x32xf32, #tpu.memory_space<vmem>>
    tpu.enqueue_dma source(%dma_start3A_340 : memref<26x32xf32, #tpu.memory_space<vmem>>) target(%dma_start3A_336 : memref<26x32xf32, #tpu.memory_space<hbm>>) target_semaphore(%arg19 : memref<!tpu.dma_semaphore, #tpu.memory_space<semaphore_mem>>)
    %dma_wait3A_341 = arith.constant 0 : i32
    %dma_wait3A_342 = arith.constant 0 : i32
    %dma_wait3A_343 = arith.constant 0 : i32
    %dma_wait3A_344 = arith.constant 0 : i32
    %dma_wait3A_345 = tpu.memref_slice %arg7[%dma_wait3A_341, %dma_wait3A_343, %dma_wait3A_344] : memref<4x104x32xf32, #tpu.memory_space<vmem>> -> memref<1x26x32xf32, #tpu.memory_space<vmem>>
    %dma_wait3A_346 = tpu.memref_squeeze %dma_wait3A_345 : memref<1x26x32xf32, #tpu.memory_space<vmem>> -> memref<26x32xf32, #tpu.memory_space<vmem>>
    %dma_wait3A_347 = arith.constant 0 : i32
    %dma_wait3A_348 = arith.constant 0 : i32
    %dma_wait3A_349 = tpu.memref_slice %arg4[%dma_wait3A_342, %dma_wait3A_347, %dma_wait3A_348] : memref<16384x32x128xf32, #tpu.memory_space<hbm>> -> memref<1x26x32xf32, #tpu.memory_space<hbm>>
    %dma_wait3A_350 = tpu.memref_squeeze %dma_wait3A_349 : memref<1x26x32xf32, #tpu.memory_space<hbm>> -> memref<26x32xf32, #tpu.memory_space<hbm>>
    %dma_wait3A_351 = arith.constant 0 : i32
    %dma_wait3A_352 = arith.constant 0 : i32
    %dma_wait3A_353 = tpu.memref_slice %arg4[%dma_wait3A_342, %dma_wait3A_351, %dma_wait3A_352] : memref<16384x32x128xf32, #tpu.memory_space<hbm>> -> memref<1x26x32xf32, #tpu.memory_space<hbm>>
    %dma_wait3A_354 = tpu.memref_squeeze %dma_wait3A_353 : memref<1x26x32xf32, #tpu.memory_space<hbm>> -> memref<26x32xf32, #tpu.memory_space<hbm>>
    %dma_wait3A_355 = arith.constant 0 : i32
    %dma_wait3A_356 = arith.constant 0 : i32
    %dma_wait3A_357 = tpu.memref_slice %arg7[%dma_wait3A_341, %dma_wait3A_355, %dma_wait3A_356] : memref<4x104x32xf32, #tpu.memory_space<vmem>> -> memref<1x26x32xf32, #tpu.memory_space<vmem>>
    %dma_wait3A_358 = tpu.memref_squeeze %dma_wait3A_357 : memref<1x26x32xf32, #tpu.memory_space<vmem>> -> memref<26x32xf32, #tpu.memory_space<vmem>>
    tpu.wait_dma2 semaphore(%arg16 : memref<!tpu.dma_semaphore, #tpu.memory_space<semaphore_mem>>) src(%dma_wait3A_358 : memref<26x32xf32, #tpu.memory_space<vmem>>) dst(%dma_wait3A_354 : memref<26x32xf32, #tpu.memory_space<hbm>>)
    %dma_wait3A_359 = arith.constant 0 : i32
    %dma_wait3A_360 = arith.constant 1 : i32
    %dma_wait3A_361 = arith.constant 26 : i32
    %dma_wait3A_362 = arith.constant 0 : i32
    %dma_wait3A_363 = tpu.memref_slice %arg7[%dma_wait3A_359, %dma_wait3A_361, %dma_wait3A_362] : memref<4x104x32xf32, #tpu.memory_space<vmem>> -> memref<1x26x32xf32, #tpu.memory_space<vmem>>
    %dma_wait3A_364 = tpu.memref_squeeze %dma_wait3A_363 : memref<1x26x32xf32, #tpu.memory_space<vmem>> -> memref<26x32xf32, #tpu.memory_space<vmem>>
    %dma_wait3A_365 = arith.constant 0 : i32
    %dma_wait3A_366 = arith.constant 0 : i32
    %dma_wait3A_367 = tpu.memref_slice %arg4[%dma_wait3A_360, %dma_wait3A_365, %dma_wait3A_366] : memref<16384x32x128xf32, #tpu.memory_space<hbm>> -> memref<1x26x32xf32, #tpu.memory_space<hbm>>
    %dma_wait3A_368 = tpu.memref_squeeze %dma_wait3A_367 : memref<1x26x32xf32, #tpu.memory_space<hbm>> -> memref<26x32xf32, #tpu.memory_space<hbm>>
    %dma_wait3A_369 = arith.constant 0 : i32
    %dma_wait3A_370 = arith.constant 0 : i32
    %dma_wait3A_371 = tpu.memref_slice %arg4[%dma_wait3A_360, %dma_wait3A_369, %dma_wait3A_370] : memref<16384x32x128xf32, #tpu.memory_space<hbm>> -> memref<1x26x32xf32, #tpu.memory_space<hbm>>
    %dma_wait3A_372 = tpu.memref_squeeze %dma_wait3A_371 : memref<1x26x32xf32, #tpu.memory_space<hbm>> -> memref<26x32xf32, #tpu.memory_space<hbm>>
    %dma_wait3A_373 = arith.constant 26 : i32
    %dma_wait3A_374 = arith.constant 0 : i32
    %dma_wait3A_375 = tpu.memref_slice %arg7[%dma_wait3A_359, %dma_wait3A_373, %dma_wait3A_374] : memref<4x104x32xf32, #tpu.memory_space<vmem>> -> memref<1x26x32xf32, #tpu.memory_space<vmem>>
    %dma_wait3A_376 = tpu.memref_squeeze %dma_wait3A_375 : memref<1x26x32xf32, #tpu.memory_space<vmem>> -> memref<26x32xf32, #tpu.memory_space<vmem>>
    tpu.wait_dma2 semaphore(%arg16 : memref<!tpu.dma_semaphore, #tpu.memory_space<semaphore_mem>>) src(%dma_wait3A_376 : memref<26x32xf32, #tpu.memory_space<vmem>>) dst(%dma_wait3A_372 : memref<26x32xf32, #tpu.memory_space<hbm>>)
    %dma_wait3A_377 = arith.constant 0 : i32
    %dma_wait3A_378 = arith.constant 2 : i32
    %dma_wait3A_379 = arith.constant 52 : i32
    %dma_wait3A_380 = arith.constant 0 : i32
    %dma_wait3A_381 = tpu.memref_slice %arg7[%dma_wait3A_377, %dma_wait3A_379, %dma_wait3A_380] : memref<4x104x32xf32, #tpu.memory_space<vmem>> -> memref<1x26x32xf32, #tpu.memory_space<vmem>>
    %dma_wait3A_382 = tpu.memref_squeeze %dma_wait3A_381 : memref<1x26x32xf32, #tpu.memory_space<vmem>> -> memref<26x32xf32, #tpu.memory_space<vmem>>
    %dma_wait3A_383 = arith.constant 0 : i32
    %dma_wait3A_384 = arith.constant 0 : i32
    %dma_wait3A_385 = tpu.memref_slice %arg4[%dma_wait3A_378, %dma_wait3A_383, %dma_wait3A_384] : memref<16384x32x128xf32, #tpu.memory_space<hbm>> -> memref<1x26x32xf32, #tpu.memory_space<hbm>>
    %dma_wait3A_386 = tpu.memref_squeeze %dma_wait3A_385 : memref<1x26x32xf32, #tpu.memory_space<hbm>> -> memref<26x32xf32, #tpu.memory_space<hbm>>
    %dma_wait3A_387 = arith.constant 0 : i32
    %dma_wait3A_388 = arith.constant 0 : i32
    %dma_wait3A_389 = tpu.memref_slice %arg4[%dma_wait3A_378, %dma_wait3A_387, %dma_wait3A_388] : memref<16384x32x128xf32, #tpu.memory_space<hbm>> -> memref<1x26x32xf32, #tpu.memory_space<hbm>>
    %dma_wait3A_390 = tpu.memref_squeeze %dma_wait3A_389 : memref<1x26x32xf32, #tpu.memory_space<hbm>> -> memref<26x32xf32, #tpu.memory_space<hbm>>
    %dma_wait3A_391 = arith.constant 52 : i32
    %dma_wait3A_392 = arith.constant 0 : i32
    %dma_wait3A_393 = tpu.memref_slice %arg7[%dma_wait3A_377, %dma_wait3A_391, %dma_wait3A_392] : memref<4x104x32xf32, #tpu.memory_space<vmem>> -> memref<1x26x32xf32, #tpu.memory_space<vmem>>
    %dma_wait3A_394 = tpu.memref_squeeze %dma_wait3A_393 : memref<1x26x32xf32, #tpu.memory_space<vmem>> -> memref<26x32xf32, #tpu.memory_space<vmem>>
    tpu.wait_dma2 semaphore(%arg16 : memref<!tpu.dma_semaphore, #tpu.memory_space<semaphore_mem>>) src(%dma_wait3A_394 : memref<26x32xf32, #tpu.memory_space<vmem>>) dst(%dma_wait3A_390 : memref<26x32xf32, #tpu.memory_space<hbm>>)
    %dma_wait3A_395 = arith.constant 0 : i32
    %dma_wait3A_396 = arith.constant 3 : i32
    %dma_wait3A_397 = arith.constant 78 : i32
    %dma_wait3A_398 = arith.constant 0 : i32
    %dma_wait3A_399 = tpu.memref_slice %arg7[%dma_wait3A_395, %dma_wait3A_397, %dma_wait3A_398] : memref<4x104x32xf32, #tpu.memory_space<vmem>> -> memref<1x26x32xf32, #tpu.memory_space<vmem>>
    %dma_wait3A_400 = tpu.memref_squeeze %dma_wait3A_399 : memref<1x26x32xf32, #tpu.memory_space<vmem>> -> memref<26x32xf32, #tpu.memory_space<vmem>>
    %dma_wait3A_401 = arith.constant 0 : i32
    %dma_wait3A_402 = arith.constant 0 : i32
    %dma_wait3A_403 = tpu.memref_slice %arg4[%dma_wait3A_396, %dma_wait3A_401, %dma_wait3A_402] : memref<16384x32x128xf32, #tpu.memory_space<hbm>> -> memref<1x26x32xf32, #tpu.memory_space<hbm>>
    %dma_wait3A_404 = tpu.memref_squeeze %dma_wait3A_403 : memref<1x26x32xf32, #tpu.memory_space<hbm>> -> memref<26x32xf32, #tpu.memory_space<hbm>>
    %dma_wait3A_405 = arith.constant 0 : i32
    %dma_wait3A_406 = arith.constant 0 : i32
    %dma_wait3A_407 = tpu.memref_slice %arg4[%dma_wait3A_396, %dma_wait3A_405, %dma_wait3A_406] : memref<16384x32x128xf32, #tpu.memory_space<hbm>> -> memref<1x26x32xf32, #tpu.memory_space<hbm>>
    %dma_wait3A_408 = tpu.memref_squeeze %dma_wait3A_407 : memref<1x26x32xf32, #tpu.memory_space<hbm>> -> memref<26x32xf32, #tpu.memory_space<hbm>>
    %dma_wait3A_409 = arith.constant 78 : i32
    %dma_wait3A_410 = arith.constant 0 : i32
    %dma_wait3A_411 = tpu.memref_slice %arg7[%dma_wait3A_395, %dma_wait3A_409, %dma_wait3A_410] : memref<4x104x32xf32, #tpu.memory_space<vmem>> -> memref<1x26x32xf32, #tpu.memory_space<vmem>>
    %dma_wait3A_412 = tpu.memref_squeeze %dma_wait3A_411 : memref<1x26x32xf32, #tpu.memory_space<vmem>> -> memref<26x32xf32, #tpu.memory_space<vmem>>
    tpu.wait_dma2 semaphore(%arg16 : memref<!tpu.dma_semaphore, #tpu.memory_space<semaphore_mem>>) src(%dma_wait3A_412 : memref<26x32xf32, #tpu.memory_space<vmem>>) dst(%dma_wait3A_408 : memref<26x32xf32, #tpu.memory_space<hbm>>)
    %dma_wait3A_413 = arith.constant 1 : i32
    %dma_wait3A_414 = arith.constant 0 : i32
    %dma_wait3A_415 = arith.constant 0 : i32
    %dma_wait3A_416 = arith.constant 0 : i32
    %dma_wait3A_417 = tpu.memref_slice %arg7[%dma_wait3A_413, %dma_wait3A_415, %dma_wait3A_416] : memref<4x104x32xf32, #tpu.memory_space<vmem>> -> memref<1x26x32xf32, #tpu.memory_space<vmem>>
    %dma_wait3A_418 = tpu.memref_squeeze %dma_wait3A_417 : memref<1x26x32xf32, #tpu.memory_space<vmem>> -> memref<26x32xf32, #tpu.memory_space<vmem>>
    %dma_wait3A_419 = arith.constant 0 : i32
    %dma_wait3A_420 = arith.constant 0 : i32
    %dma_wait3A_421 = tpu.memref_slice %arg4[%dma_wait3A_414, %dma_wait3A_419, %dma_wait3A_420] : memref<16384x32x128xf32, #tpu.memory_space<hbm>> -> memref<1x26x32xf32, #tpu.memory_space<hbm>>
    %dma_wait3A_422 = tpu.memref_squeeze %dma_wait3A_421 : memref<1x26x32xf32, #tpu.memory_space<hbm>> -> memref<26x32xf32, #tpu.memory_space<hbm>>
    %dma_wait3A_423 = arith.constant 0 : i32
    %dma_wait3A_424 = arith.constant 0 : i32
    %dma_wait3A_425 = tpu.memref_slice %arg4[%dma_wait3A_414, %dma_wait3A_423, %dma_wait3A_424] : memref<16384x32x128xf32, #tpu.memory_space<hbm>> -> memref<1x26x32xf32, #tpu.memory_space<hbm>>
    %dma_wait3A_426 = tpu.memref_squeeze %dma_wait3A_425 : memref<1x26x32xf32, #tpu.memory_space<hbm>> -> memref<26x32xf32, #tpu.memory_space<hbm>>
    %dma_wait3A_427 = arith.constant 0 : i32
    %dma_wait3A_428 = arith.constant 0 : i32
    %dma_wait3A_429 = tpu.memref_slice %arg7[%dma_wait3A_413, %dma_wait3A_427, %dma_wait3A_428] : memref<4x104x32xf32, #tpu.memory_space<vmem>> -> memref<1x26x32xf32, #tpu.memory_space<vmem>>
    %dma_wait3A_430 = tpu.memref_squeeze %dma_wait3A_429 : memref<1x26x32xf32, #tpu.memory_space<vmem>> -> memref<26x32xf32, #tpu.memory_space<vmem>>
    tpu.wait_dma2 semaphore(%arg17 : memref<!tpu.dma_semaphore, #tpu.memory_space<semaphore_mem>>) src(%dma_wait3A_430 : memref<26x32xf32, #tpu.memory_space<vmem>>) dst(%dma_wait3A_426 : memref<26x32xf32, #tpu.memory_space<hbm>>)
    %dma_wait3A_431 = arith.constant 1 : i32
    %dma_wait3A_432 = arith.constant 1 : i32
    %dma_wait3A_433 = arith.constant 26 : i32
    %dma_wait3A_434 = arith.constant 0 : i32
    %dma_wait3A_435 = tpu.memref_slice %arg7[%dma_wait3A_431, %dma_wait3A_433, %dma_wait3A_434] : memref<4x104x32xf32, #tpu.memory_space<vmem>> -> memref<1x26x32xf32, #tpu.memory_space<vmem>>
    %dma_wait3A_436 = tpu.memref_squeeze %dma_wait3A_435 : memref<1x26x32xf32, #tpu.memory_space<vmem>> -> memref<26x32xf32, #tpu.memory_space<vmem>>
    %dma_wait3A_437 = arith.constant 0 : i32
    %dma_wait3A_438 = arith.constant 0 : i32
    %dma_wait3A_439 = tpu.memref_slice %arg4[%dma_wait3A_432, %dma_wait3A_437, %dma_wait3A_438] : memref<16384x32x128xf32, #tpu.memory_space<hbm>> -> memref<1x26x32xf32, #tpu.memory_space<hbm>>
    %dma_wait3A_440 = tpu.memref_squeeze %dma_wait3A_439 : memref<1x26x32xf32, #tpu.memory_space<hbm>> -> memref<26x32xf32, #tpu.memory_space<hbm>>
    %dma_wait3A_441 = arith.constant 0 : i32
    %dma_wait3A_442 = arith.constant 0 : i32
    %dma_wait3A_443 = tpu.memref_slice %arg4[%dma_wait3A_432, %dma_wait3A_441, %dma_wait3A_442] : memref<16384x32x128xf32, #tpu.memory_space<hbm>> -> memref<1x26x32xf32, #tpu.memory_space<hbm>>
    %dma_wait3A_444 = tpu.memref_squeeze %dma_wait3A_443 : memref<1x26x32xf32, #tpu.memory_space<hbm>> -> memref<26x32xf32, #tpu.memory_space<hbm>>
    %dma_wait3A_445 = arith.constant 26 : i32
    %dma_wait3A_446 = arith.constant 0 : i32
    %dma_wait3A_447 = tpu.memref_slice %arg7[%dma_wait3A_431, %dma_wait3A_445, %dma_wait3A_446] : memref<4x104x32xf32, #tpu.memory_space<vmem>> -> memref<1x26x32xf32, #tpu.memory_space<vmem>>
    %dma_wait3A_448 = tpu.memref_squeeze %dma_wait3A_447 : memref<1x26x32xf32, #tpu.memory_space<vmem>> -> memref<26x32xf32, #tpu.memory_space<vmem>>
    tpu.wait_dma2 semaphore(%arg17 : memref<!tpu.dma_semaphore, #tpu.memory_space<semaphore_mem>>) src(%dma_wait3A_448 : memref<26x32xf32, #tpu.memory_space<vmem>>) dst(%dma_wait3A_444 : memref<26x32xf32, #tpu.memory_space<hbm>>)
    %dma_wait3A_449 = arith.constant 1 : i32
    %dma_wait3A_450 = arith.constant 2 : i32
    %dma_wait3A_451 = arith.constant 52 : i32
    %dma_wait3A_452 = arith.constant 0 : i32
    %dma_wait3A_453 = tpu.memref_slice %arg7[%dma_wait3A_449, %dma_wait3A_451, %dma_wait3A_452] : memref<4x104x32xf32, #tpu.memory_space<vmem>> -> memref<1x26x32xf32, #tpu.memory_space<vmem>>
    %dma_wait3A_454 = tpu.memref_squeeze %dma_wait3A_453 : memref<1x26x32xf32, #tpu.memory_space<vmem>> -> memref<26x32xf32, #tpu.memory_space<vmem>>
    %dma_wait3A_455 = arith.constant 0 : i32
    %dma_wait3A_456 = arith.constant 0 : i32
    %dma_wait3A_457 = tpu.memref_slice %arg4[%dma_wait3A_450, %dma_wait3A_455, %dma_wait3A_456] : memref<16384x32x128xf32, #tpu.memory_space<hbm>> -> memref<1x26x32xf32, #tpu.memory_space<hbm>>
    %dma_wait3A_458 = tpu.memref_squeeze %dma_wait3A_457 : memref<1x26x32xf32, #tpu.memory_space<hbm>> -> memref<26x32xf32, #tpu.memory_space<hbm>>
    %dma_wait3A_459 = arith.constant 0 : i32
    %dma_wait3A_460 = arith.constant 0 : i32
    %dma_wait3A_461 = tpu.memref_slice %arg4[%dma_wait3A_450, %dma_wait3A_459, %dma_wait3A_460] : memref<16384x32x128xf32, #tpu.memory_space<hbm>> -> memref<1x26x32xf32, #tpu.memory_space<hbm>>
    %dma_wait3A_462 = tpu.memref_squeeze %dma_wait3A_461 : memref<1x26x32xf32, #tpu.memory_space<hbm>> -> memref<26x32xf32, #tpu.memory_space<hbm>>
    %dma_wait3A_463 = arith.constant 52 : i32
    %dma_wait3A_464 = arith.constant 0 : i32
    %dma_wait3A_465 = tpu.memref_slice %arg7[%dma_wait3A_449, %dma_wait3A_463, %dma_wait3A_464] : memref<4x104x32xf32, #tpu.memory_space<vmem>> -> memref<1x26x32xf32, #tpu.memory_space<vmem>>
    %dma_wait3A_466 = tpu.memref_squeeze %dma_wait3A_465 : memref<1x26x32xf32, #tpu.memory_space<vmem>> -> memref<26x32xf32, #tpu.memory_space<vmem>>
    tpu.wait_dma2 semaphore(%arg17 : memref<!tpu.dma_semaphore, #tpu.memory_space<semaphore_mem>>) src(%dma_wait3A_466 : memref<26x32xf32, #tpu.memory_space<vmem>>) dst(%dma_wait3A_462 : memref<26x32xf32, #tpu.memory_space<hbm>>)
    %dma_wait3A_467 = arith.constant 1 : i32
    %dma_wait3A_468 = arith.constant 3 : i32
    %dma_wait3A_469 = arith.constant 78 : i32
    %dma_wait3A_470 = arith.constant 0 : i32
    %dma_wait3A_471 = tpu.memref_slice %arg7[%dma_wait3A_467, %dma_wait3A_469, %dma_wait3A_470] : memref<4x104x32xf32, #tpu.memory_space<vmem>> -> memref<1x26x32xf32, #tpu.memory_space<vmem>>
    %dma_wait3A_472 = tpu.memref_squeeze %dma_wait3A_471 : memref<1x26x32xf32, #tpu.memory_space<vmem>> -> memref<26x32xf32, #tpu.memory_space<vmem>>
    %dma_wait3A_473 = arith.constant 0 : i32
    %dma_wait3A_474 = arith.constant 0 : i32
    %dma_wait3A_475 = tpu.memref_slice %arg4[%dma_wait3A_468, %dma_wait3A_473, %dma_wait3A_474] : memref<16384x32x128xf32, #tpu.memory_space<hbm>> -> memref<1x26x32xf32, #tpu.memory_space<hbm>>
    %dma_wait3A_476 = tpu.memref_squeeze %dma_wait3A_475 : memref<1x26x32xf32, #tpu.memory_space<hbm>> -> memref<26x32xf32, #tpu.memory_space<hbm>>
    %dma_wait3A_477 = arith.constant 0 : i32
    %dma_wait3A_478 = arith.constant 0 : i32
    %dma_wait3A_479 = tpu.memref_slice %arg4[%dma_wait3A_468, %dma_wait3A_477, %dma_wait3A_478] : memref<16384x32x128xf32, #tpu.memory_space<hbm>> -> memref<1x26x32xf32, #tpu.memory_space<hbm>>
    %dma_wait3A_480 = tpu.memref_squeeze %dma_wait3A_479 : memref<1x26x32xf32, #tpu.memory_space<hbm>> -> memref<26x32xf32, #tpu.memory_space<hbm>>
    %dma_wait3A_481 = arith.constant 78 : i32
    %dma_wait3A_482 = arith.constant 0 : i32
    %dma_wait3A_483 = tpu.memref_slice %arg7[%dma_wait3A_467, %dma_wait3A_481, %dma_wait3A_482] : memref<4x104x32xf32, #tpu.memory_space<vmem>> -> memref<1x26x32xf32, #tpu.memory_space<vmem>>
    %dma_wait3A_484 = tpu.memref_squeeze %dma_wait3A_483 : memref<1x26x32xf32, #tpu.memory_space<vmem>> -> memref<26x32xf32, #tpu.memory_space<vmem>>
    tpu.wait_dma2 semaphore(%arg17 : memref<!tpu.dma_semaphore, #tpu.memory_space<semaphore_mem>>) src(%dma_wait3A_484 : memref<26x32xf32, #tpu.memory_space<vmem>>) dst(%dma_wait3A_480 : memref<26x32xf32, #tpu.memory_space<hbm>>)
    %dma_wait3A_485 = arith.constant 2 : i32
    %dma_wait3A_486 = arith.constant 0 : i32
    %dma_wait3A_487 = arith.constant 0 : i32
    %dma_wait3A_488 = arith.constant 0 : i32
    %dma_wait3A_489 = tpu.memref_slice %arg7[%dma_wait3A_485, %dma_wait3A_487, %dma_wait3A_488] : memref<4x104x32xf32, #tpu.memory_space<vmem>> -> memref<1x26x32xf32, #tpu.memory_space<vmem>>
    %dma_wait3A_490 = tpu.memref_squeeze %dma_wait3A_489 : memref<1x26x32xf32, #tpu.memory_space<vmem>> -> memref<26x32xf32, #tpu.memory_space<vmem>>
    %dma_wait3A_491 = arith.constant 0 : i32
    %dma_wait3A_492 = arith.constant 0 : i32
    %dma_wait3A_493 = tpu.memref_slice %arg4[%dma_wait3A_486, %dma_wait3A_491, %dma_wait3A_492] : memref<16384x32x128xf32, #tpu.memory_space<hbm>> -> memref<1x26x32xf32, #tpu.memory_space<hbm>>
    %dma_wait3A_494 = tpu.memref_squeeze %dma_wait3A_493 : memref<1x26x32xf32, #tpu.memory_space<hbm>> -> memref<26x32xf32, #tpu.memory_space<hbm>>
    %dma_wait3A_495 = arith.constant 0 : i32
    %dma_wait3A_496 = arith.constant 0 : i32
    %dma_wait3A_497 = tpu.memref_slice %arg4[%dma_wait3A_486, %dma_wait3A_495, %dma_wait3A_496] : memref<16384x32x128xf32, #tpu.memory_space<hbm>> -> memref<1x26x32xf32, #tpu.memory_space<hbm>>
    %dma_wait3A_498 = tpu.memref_squeeze %dma_wait3A_497 : memref<1x26x32xf32, #tpu.memory_space<hbm>> -> memref<26x32xf32, #tpu.memory_space<hbm>>
    %dma_wait3A_499 = arith.constant 0 : i32
    %dma_wait3A_500 = arith.constant 0 : i32
    %dma_wait3A_501 = tpu.memref_slice %arg7[%dma_wait3A_485, %dma_wait3A_499, %dma_wait3A_500] : memref<4x104x32xf32, #tpu.memory_space<vmem>> -> memref<1x26x32xf32, #tpu.memory_space<vmem>>
    %dma_wait3A_502 = tpu.memref_squeeze %dma_wait3A_501 : memref<1x26x32xf32, #tpu.memory_space<vmem>> -> memref<26x32xf32, #tpu.memory_space<vmem>>
    tpu.wait_dma2 semaphore(%arg18 : memref<!tpu.dma_semaphore, #tpu.memory_space<semaphore_mem>>) src(%dma_wait3A_502 : memref<26x32xf32, #tpu.memory_space<vmem>>) dst(%dma_wait3A_498 : memref<26x32xf32, #tpu.memory_space<hbm>>)
    %dma_wait3A_503 = arith.constant 2 : i32
    %dma_wait3A_504 = arith.constant 1 : i32
    %dma_wait3A_505 = arith.constant 26 : i32
    %dma_wait3A_506 = arith.constant 0 : i32
    %dma_wait3A_507 = tpu.memref_slice %arg7[%dma_wait3A_503, %dma_wait3A_505, %dma_wait3A_506] : memref<4x104x32xf32, #tpu.memory_space<vmem>> -> memref<1x26x32xf32, #tpu.memory_space<vmem>>
    %dma_wait3A_508 = tpu.memref_squeeze %dma_wait3A_507 : memref<1x26x32xf32, #tpu.memory_space<vmem>> -> memref<26x32xf32, #tpu.memory_space<vmem>>
    %dma_wait3A_509 = arith.constant 0 : i32
    %dma_wait3A_510 = arith.constant 0 : i32
    %dma_wait3A_511 = tpu.memref_slice %arg4[%dma_wait3A_504, %dma_wait3A_509, %dma_wait3A_510] : memref<16384x32x128xf32, #tpu.memory_space<hbm>> -> memref<1x26x32xf32, #tpu.memory_space<hbm>>
    %dma_wait3A_512 = tpu.memref_squeeze %dma_wait3A_511 : memref<1x26x32xf32, #tpu.memory_space<hbm>> -> memref<26x32xf32, #tpu.memory_space<hbm>>
    %dma_wait3A_513 = arith.constant 0 : i32
    %dma_wait3A_514 = arith.constant 0 : i32
    %dma_wait3A_515 = tpu.memref_slice %arg4[%dma_wait3A_504, %dma_wait3A_513, %dma_wait3A_514] : memref<16384x32x128xf32, #tpu.memory_space<hbm>> -> memref<1x26x32xf32, #tpu.memory_space<hbm>>
    %dma_wait3A_516 = tpu.memref_squeeze %dma_wait3A_515 : memref<1x26x32xf32, #tpu.memory_space<hbm>> -> memref<26x32xf32, #tpu.memory_space<hbm>>
    %dma_wait3A_517 = arith.constant 26 : i32
    %dma_wait3A_518 = arith.constant 0 : i32
    %dma_wait3A_519 = tpu.memref_slice %arg7[%dma_wait3A_503, %dma_wait3A_517, %dma_wait3A_518] : memref<4x104x32xf32, #tpu.memory_space<vmem>> -> memref<1x26x32xf32, #tpu.memory_space<vmem>>
    %dma_wait3A_520 = tpu.memref_squeeze %dma_wait3A_519 : memref<1x26x32xf32, #tpu.memory_space<vmem>> -> memref<26x32xf32, #tpu.memory_space<vmem>>
    tpu.wait_dma2 semaphore(%arg18 : memref<!tpu.dma_semaphore, #tpu.memory_space<semaphore_mem>>) src(%dma_wait3A_520 : memref<26x32xf32, #tpu.memory_space<vmem>>) dst(%dma_wait3A_516 : memref<26x32xf32, #tpu.memory_space<hbm>>)
    %dma_wait3A_521 = arith.constant 2 : i32
    %dma_wait3A_522 = arith.constant 2 : i32
    %dma_wait3A_523 = arith.constant 52 : i32
    %dma_wait3A_524 = arith.constant 0 : i32
    %dma_wait3A_525 = tpu.memref_slice %arg7[%dma_wait3A_521, %dma_wait3A_523, %dma_wait3A_524] : memref<4x104x32xf32, #tpu.memory_space<vmem>> -> memref<1x26x32xf32, #tpu.memory_space<vmem>>
    %dma_wait3A_526 = tpu.memref_squeeze %dma_wait3A_525 : memref<1x26x32xf32, #tpu.memory_space<vmem>> -> memref<26x32xf32, #tpu.memory_space<vmem>>
    %dma_wait3A_527 = arith.constant 0 : i32
    %dma_wait3A_528 = arith.constant 0 : i32
    %dma_wait3A_529 = tpu.memref_slice %arg4[%dma_wait3A_522, %dma_wait3A_527, %dma_wait3A_528] : memref<16384x32x128xf32, #tpu.memory_space<hbm>> -> memref<1x26x32xf32, #tpu.memory_space<hbm>>
    %dma_wait3A_530 = tpu.memref_squeeze %dma_wait3A_529 : memref<1x26x32xf32, #tpu.memory_space<hbm>> -> memref<26x32xf32, #tpu.memory_space<hbm>>
    %dma_wait3A_531 = arith.constant 0 : i32
    %dma_wait3A_532 = arith.constant 0 : i32
    %dma_wait3A_533 = tpu.memref_slice %arg4[%dma_wait3A_522, %dma_wait3A_531, %dma_wait3A_532] : memref<16384x32x128xf32, #tpu.memory_space<hbm>> -> memref<1x26x32xf32, #tpu.memory_space<hbm>>
    %dma_wait3A_534 = tpu.memref_squeeze %dma_wait3A_533 : memref<1x26x32xf32, #tpu.memory_space<hbm>> -> memref<26x32xf32, #tpu.memory_space<hbm>>
    %dma_wait3A_535 = arith.constant 52 : i32
    %dma_wait3A_536 = arith.constant 0 : i32
    %dma_wait3A_537 = tpu.memref_slice %arg7[%dma_wait3A_521, %dma_wait3A_535, %dma_wait3A_536] : memref<4x104x32xf32, #tpu.memory_space<vmem>> -> memref<1x26x32xf32, #tpu.memory_space<vmem>>
    %dma_wait3A_538 = tpu.memref_squeeze %dma_wait3A_537 : memref<1x26x32xf32, #tpu.memory_space<vmem>> -> memref<26x32xf32, #tpu.memory_space<vmem>>
    tpu.wait_dma2 semaphore(%arg18 : memref<!tpu.dma_semaphore, #tpu.memory_space<semaphore_mem>>) src(%dma_wait3A_538 : memref<26x32xf32, #tpu.memory_space<vmem>>) dst(%dma_wait3A_534 : memref<26x32xf32, #tpu.memory_space<hbm>>)
    %dma_wait3A_539 = arith.constant 2 : i32
    %dma_wait3A_540 = arith.constant 3 : i32
    %dma_wait3A_541 = arith.constant 78 : i32
    %dma_wait3A_542 = arith.constant 0 : i32
    %dma_wait3A_543 = tpu.memref_slice %arg7[%dma_wait3A_539, %dma_wait3A_541, %dma_wait3A_542] : memref<4x104x32xf32, #tpu.memory_space<vmem>> -> memref<1x26x32xf32, #tpu.memory_space<vmem>>
    %dma_wait3A_544 = tpu.memref_squeeze %dma_wait3A_543 : memref<1x26x32xf32, #tpu.memory_space<vmem>> -> memref<26x32xf32, #tpu.memory_space<vmem>>
    %dma_wait3A_545 = arith.constant 0 : i32
    %dma_wait3A_546 = arith.constant 0 : i32
    %dma_wait3A_547 = tpu.memref_slice %arg4[%dma_wait3A_540, %dma_wait3A_545, %dma_wait3A_546] : memref<16384x32x128xf32, #tpu.memory_space<hbm>> -> memref<1x26x32xf32, #tpu.memory_space<hbm>>
    %dma_wait3A_548 = tpu.memref_squeeze %dma_wait3A_547 : memref<1x26x32xf32, #tpu.memory_space<hbm>> -> memref<26x32xf32, #tpu.memory_space<hbm>>
    %dma_wait3A_549 = arith.constant 0 : i32
    %dma_wait3A_550 = arith.constant 0 : i32
    %dma_wait3A_551 = tpu.memref_slice %arg4[%dma_wait3A_540, %dma_wait3A_549, %dma_wait3A_550] : memref<16384x32x128xf32, #tpu.memory_space<hbm>> -> memref<1x26x32xf32, #tpu.memory_space<hbm>>
    %dma_wait3A_552 = tpu.memref_squeeze %dma_wait3A_551 : memref<1x26x32xf32, #tpu.memory_space<hbm>> -> memref<26x32xf32, #tpu.memory_space<hbm>>
    %dma_wait3A_553 = arith.constant 78 : i32
    %dma_wait3A_554 = arith.constant 0 : i32
    %dma_wait3A_555 = tpu.memref_slice %arg7[%dma_wait3A_539, %dma_wait3A_553, %dma_wait3A_554] : memref<4x104x32xf32, #tpu.memory_space<vmem>> -> memref<1x26x32xf32, #tpu.memory_space<vmem>>
    %dma_wait3A_556 = tpu.memref_squeeze %dma_wait3A_555 : memref<1x26x32xf32, #tpu.memory_space<vmem>> -> memref<26x32xf32, #tpu.memory_space<vmem>>
    tpu.wait_dma2 semaphore(%arg18 : memref<!tpu.dma_semaphore, #tpu.memory_space<semaphore_mem>>) src(%dma_wait3A_556 : memref<26x32xf32, #tpu.memory_space<vmem>>) dst(%dma_wait3A_552 : memref<26x32xf32, #tpu.memory_space<hbm>>)
    %dma_wait3A_557 = arith.constant 3 : i32
    %dma_wait3A_558 = arith.constant 0 : i32
    %dma_wait3A_559 = arith.constant 0 : i32
    %dma_wait3A_560 = arith.constant 0 : i32
    %dma_wait3A_561 = tpu.memref_slice %arg7[%dma_wait3A_557, %dma_wait3A_559, %dma_wait3A_560] : memref<4x104x32xf32, #tpu.memory_space<vmem>> -> memref<1x26x32xf32, #tpu.memory_space<vmem>>
    %dma_wait3A_562 = tpu.memref_squeeze %dma_wait3A_561 : memref<1x26x32xf32, #tpu.memory_space<vmem>> -> memref<26x32xf32, #tpu.memory_space<vmem>>
    %dma_wait3A_563 = arith.constant 0 : i32
    %dma_wait3A_564 = arith.constant 0 : i32
    %dma_wait3A_565 = tpu.memref_slice %arg4[%dma_wait3A_558, %dma_wait3A_563, %dma_wait3A_564] : memref<16384x32x128xf32, #tpu.memory_space<hbm>> -> memref<1x26x32xf32, #tpu.memory_space<hbm>>
    %dma_wait3A_566 = tpu.memref_squeeze %dma_wait3A_565 : memref<1x26x32xf32, #tpu.memory_space<hbm>> -> memref<26x32xf32, #tpu.memory_space<hbm>>
    %dma_wait3A_567 = arith.constant 0 : i32
    %dma_wait3A_568 = arith.constant 0 : i32
    %dma_wait3A_569 = tpu.memref_slice %arg4[%dma_wait3A_558, %dma_wait3A_567, %dma_wait3A_568] : memref<16384x32x128xf32, #tpu.memory_space<hbm>> -> memref<1x26x32xf32, #tpu.memory_space<hbm>>
    %dma_wait3A_570 = tpu.memref_squeeze %dma_wait3A_569 : memref<1x26x32xf32, #tpu.memory_space<hbm>> -> memref<26x32xf32, #tpu.memory_space<hbm>>
    %dma_wait3A_571 = arith.constant 0 : i32
    %dma_wait3A_572 = arith.constant 0 : i32
    %dma_wait3A_573 = tpu.memref_slice %arg7[%dma_wait3A_557, %dma_wait3A_571, %dma_wait3A_572] : memref<4x104x32xf32, #tpu.memory_space<vmem>> -> memref<1x26x32xf32, #tpu.memory_space<vmem>>
    %dma_wait3A_574 = tpu.memref_squeeze %dma_wait3A_573 : memref<1x26x32xf32, #tpu.memory_space<vmem>> -> memref<26x32xf32, #tpu.memory_space<vmem>>
    tpu.wait_dma2 semaphore(%arg19 : memref<!tpu.dma_semaphore, #tpu.memory_space<semaphore_mem>>) src(%dma_wait3A_574 : memref<26x32xf32, #tpu.memory_space<vmem>>) dst(%dma_wait3A_570 : memref<26x32xf32, #tpu.memory_space<hbm>>)
    %dma_wait3A_575 = arith.constant 3 : i32
    %dma_wait3A_576 = arith.constant 1 : i32
    %dma_wait3A_577 = arith.constant 26 : i32
    %dma_wait3A_578 = arith.constant 0 : i32
    %dma_wait3A_579 = tpu.memref_slice %arg7[%dma_wait3A_575, %dma_wait3A_577, %dma_wait3A_578] : memref<4x104x32xf32, #tpu.memory_space<vmem>> -> memref<1x26x32xf32, #tpu.memory_space<vmem>>
    %dma_wait3A_580 = tpu.memref_squeeze %dma_wait3A_579 : memref<1x26x32xf32, #tpu.memory_space<vmem>> -> memref<26x32xf32, #tpu.memory_space<vmem>>
    %dma_wait3A_581 = arith.constant 0 : i32
    %dma_wait3A_582 = arith.constant 0 : i32
    %dma_wait3A_583 = tpu.memref_slice %arg4[%dma_wait3A_576, %dma_wait3A_581, %dma_wait3A_582] : memref<16384x32x128xf32, #tpu.memory_space<hbm>> -> memref<1x26x32xf32, #tpu.memory_space<hbm>>
    %dma_wait3A_584 = tpu.memref_squeeze %dma_wait3A_583 : memref<1x26x32xf32, #tpu.memory_space<hbm>> -> memref<26x32xf32, #tpu.memory_space<hbm>>
    %dma_wait3A_585 = arith.constant 0 : i32
    %dma_wait3A_586 = arith.constant 0 : i32
    %dma_wait3A_587 = tpu.memref_slice %arg4[%dma_wait3A_576, %dma_wait3A_585, %dma_wait3A_586] : memref<16384x32x128xf32, #tpu.memory_space<hbm>> -> memref<1x26x32xf32, #tpu.memory_space<hbm>>
    %dma_wait3A_588 = tpu.memref_squeeze %dma_wait3A_587 : memref<1x26x32xf32, #tpu.memory_space<hbm>> -> memref<26x32xf32, #tpu.memory_space<hbm>>
    %dma_wait3A_589 = arith.constant 26 : i32
    %dma_wait3A_590 = arith.constant 0 : i32
    %dma_wait3A_591 = tpu.memref_slice %arg7[%dma_wait3A_575, %dma_wait3A_589, %dma_wait3A_590] : memref<4x104x32xf32, #tpu.memory_space<vmem>> -> memref<1x26x32xf32, #tpu.memory_space<vmem>>
    %dma_wait3A_592 = tpu.memref_squeeze %dma_wait3A_591 : memref<1x26x32xf32, #tpu.memory_space<vmem>> -> memref<26x32xf32, #tpu.memory_space<vmem>>
    tpu.wait_dma2 semaphore(%arg19 : memref<!tpu.dma_semaphore, #tpu.memory_space<semaphore_mem>>) src(%dma_wait3A_592 : memref<26x32xf32, #tpu.memory_space<vmem>>) dst(%dma_wait3A_588 : memref<26x32xf32, #tpu.memory_space<hbm>>)
    %dma_wait3A_593 = arith.constant 3 : i32
    %dma_wait3A_594 = arith.constant 2 : i32
    %dma_wait3A_595 = arith.constant 52 : i32
    %dma_wait3A_596 = arith.constant 0 : i32
    %dma_wait3A_597 = tpu.memref_slice %arg7[%dma_wait3A_593, %dma_wait3A_595, %dma_wait3A_596] : memref<4x104x32xf32, #tpu.memory_space<vmem>> -> memref<1x26x32xf32, #tpu.memory_space<vmem>>
    %dma_wait3A_598 = tpu.memref_squeeze %dma_wait3A_597 : memref<1x26x32xf32, #tpu.memory_space<vmem>> -> memref<26x32xf32, #tpu.memory_space<vmem>>
    %dma_wait3A_599 = arith.constant 0 : i32
    %dma_wait3A_600 = arith.constant 0 : i32
    %dma_wait3A_601 = tpu.memref_slice %arg4[%dma_wait3A_594, %dma_wait3A_599, %dma_wait3A_600] : memref<16384x32x128xf32, #tpu.memory_space<hbm>> -> memref<1x26x32xf32, #tpu.memory_space<hbm>>
    %dma_wait3A_602 = tpu.memref_squeeze %dma_wait3A_601 : memref<1x26x32xf32, #tpu.memory_space<hbm>> -> memref<26x32xf32, #tpu.memory_space<hbm>>
    %dma_wait3A_603 = arith.constant 0 : i32
    %dma_wait3A_604 = arith.constant 0 : i32
    %dma_wait3A_605 = tpu.memref_slice %arg4[%dma_wait3A_594, %dma_wait3A_603, %dma_wait3A_604] : memref<16384x32x128xf32, #tpu.memory_space<hbm>> -> memref<1x26x32xf32, #tpu.memory_space<hbm>>
    %dma_wait3A_606 = tpu.memref_squeeze %dma_wait3A_605 : memref<1x26x32xf32, #tpu.memory_space<hbm>> -> memref<26x32xf32, #tpu.memory_space<hbm>>
    %dma_wait3A_607 = arith.constant 52 : i32
    %dma_wait3A_608 = arith.constant 0 : i32
    %dma_wait3A_609 = tpu.memref_slice %arg7[%dma_wait3A_593, %dma_wait3A_607, %dma_wait3A_608] : memref<4x104x32xf32, #tpu.memory_space<vmem>> -> memref<1x26x32xf32, #tpu.memory_space<vmem>>
    %dma_wait3A_610 = tpu.memref_squeeze %dma_wait3A_609 : memref<1x26x32xf32, #tpu.memory_space<vmem>> -> memref<26x32xf32, #tpu.memory_space<vmem>>
    tpu.wait_dma2 semaphore(%arg19 : memref<!tpu.dma_semaphore, #tpu.memory_space<semaphore_mem>>) src(%dma_wait3A_610 : memref<26x32xf32, #tpu.memory_space<vmem>>) dst(%dma_wait3A_606 : memref<26x32xf32, #tpu.memory_space<hbm>>)
    %dma_wait3A_611 = arith.constant 3 : i32
    %dma_wait3A_612 = arith.constant 3 : i32
    %dma_wait3A_613 = arith.constant 78 : i32
    %dma_wait3A_614 = arith.constant 0 : i32
    %dma_wait3A_615 = tpu.memref_slice %arg7[%dma_wait3A_611, %dma_wait3A_613, %dma_wait3A_614] : memref<4x104x32xf32, #tpu.memory_space<vmem>> -> memref<1x26x32xf32, #tpu.memory_space<vmem>>
    %dma_wait3A_616 = tpu.memref_squeeze %dma_wait3A_615 : memref<1x26x32xf32, #tpu.memory_space<vmem>> -> memref<26x32xf32, #tpu.memory_space<vmem>>
    %dma_wait3A_617 = arith.constant 0 : i32
    %dma_wait3A_618 = arith.constant 0 : i32
    %dma_wait3A_619 = tpu.memref_slice %arg4[%dma_wait3A_612, %dma_wait3A_617, %dma_wait3A_618] : memref<16384x32x128xf32, #tpu.memory_space<hbm>> -> memref<1x26x32xf32, #tpu.memory_space<hbm>>
    %dma_wait3A_620 = tpu.memref_squeeze %dma_wait3A_619 : memref<1x26x32xf32, #tpu.memory_space<hbm>> -> memref<26x32xf32, #tpu.memory_space<hbm>>
    %dma_wait3A_621 = arith.constant 0 : i32
    %dma_wait3A_622 = arith.constant 0 : i32
    %dma_wait3A_623 = tpu.memref_slice %arg4[%dma_wait3A_612, %dma_wait3A_621, %dma_wait3A_622] : memref<16384x32x128xf32, #tpu.memory_space<hbm>> -> memref<1x26x32xf32, #tpu.memory_space<hbm>>
    %dma_wait3A_624 = tpu.memref_squeeze %dma_wait3A_623 : memref<1x26x32xf32, #tpu.memory_space<hbm>> -> memref<26x32xf32, #tpu.memory_space<hbm>>
    %dma_wait3A_625 = arith.constant 78 : i32
    %dma_wait3A_626 = arith.constant 0 : i32
    %dma_wait3A_627 = tpu.memref_slice %arg7[%dma_wait3A_611, %dma_wait3A_625, %dma_wait3A_626] : memref<4x104x32xf32, #tpu.memory_space<vmem>> -> memref<1x26x32xf32, #tpu.memory_space<vmem>>
    %dma_wait3A_628 = tpu.memref_squeeze %dma_wait3A_627 : memref<1x26x32xf32, #tpu.memory_space<vmem>> -> memref<26x32xf32, #tpu.memory_space<vmem>>
    tpu.wait_dma2 semaphore(%arg19 : memref<!tpu.dma_semaphore, #tpu.memory_space<semaphore_mem>>) src(%dma_wait3A_628 : memref<26x32xf32, #tpu.memory_space<vmem>>) dst(%dma_wait3A_624 : memref<26x32xf32, #tpu.memory_space<hbm>>)
    return
  }
}

</mosaic_0001>

<sc_bundles>
// kernel: kernel.3.cloned.1.call-start
scs
__scs_entry_jumppad:
0x0: {  	(pc) =	sbr.rel $0x88, $3  }
0x1: {  	(tag) =	ssettag $0x0;
	lr =	simm.s32 $0x1  }
0x2: {  	[smem:$0x3F9F] =	sst lr;
	_ =	strace $0xD0000000  }
0x3: {  	_ = 	snop  }
0x4: {  	_ = 	snop  }
0x5: {  	_ = 	snop  }
0x6: {  	_ = 	snop  }
0x7: {  	_ = 	snop  }
__scs_overlays_trampoline_lowered:
0x8: {  	[smem:$0x3FAE] =	sst s0  }
0x9: {  	[smem:$0x3FAF] =	sst s1  }
0xa: {  	[smem:$0x3FB0] =	sst s2  }
0xb: {  	[smem:$0x3FB1] =	sst s3  }
0xc: {  	[smem:$0x3FB2] =	sst s4  }
0xd: {  	[smem:$0x3FB3] =	sst s5  }
0xe: {  	[smem:$0x3FB4] =	sst s6  }
0xf: {  	[smem:$0x3FB5] =	sst s7  }
0x10: {  	[smem:$0x3FB6] =	sst s8  }
0x11: {  	[smem:$0x3FB7] =	sst s9;
	s0 =	simm.s32 @!p0 $0x0  }
0x12: {  	s1 =	sld [smem:$0x3F9D];
	s0 =	simm.s32 @p0 $0x1  }
0x13: {  	[smem:$0x3FB8] =	sst s0;
	s0 =	simm.s32 @!p1 $0x0  }
0x14: {  	s2 =	sld [smem:$0x3F9C];
	s0 =	simm.s32 @p1 $0x1  }
0x15: {  	[smem:$0x3FB9] =	sst s0;
	s0 =	simm.s32 @!p2 $0x0  }
0x16: {  	s3 =	sld [smem:$0x3FDB];
	s0 =	simm.s32 @p2 $0x1  }
0x17: {  	s4 =	simm.s32 $0x1BF5;
	[smem:$0x3FBB] =	sst s0  }
0x18: {  	s0 =	sld [smem:$0x3F9E];
	_ =	swait.ge [sflag:s4], $0x0  }
0x19: {  	s7 =	sld [smem:$0x3F9F]  }
0x1a: {  	s8 =	sadd.s32 $0xFFFFE003, lr  }
0x1b: {  	s9 =	sadd.s32 $0xFFFFFEF7, lr;
	s5 =	simm.s32 $0xFFFFFFFF;
	p2 =	slt.u32 s8, $0xFFFFF086  }
0x1c: {  	p1 =	slt.u32 s9, $0xF7A;
	s5 =	simm.s32 @!p2 $0x0  }
0x1d: {  	s5 =	simm.s32 @p1 $0x1;
	p0 =	seq.s32 s7, s2  }
0x1e: {  	s7 =	smul.u32 @!p0 $0xF7A, s2;
	p2 =	seq.s32 @!p0 s5, $0x0  }
0x1f: {  	s9 =	smul.u32 $0xF7A, s1;
	s8 =	simm.s32 @!p0 $0x1BF5;
	p2 =	por !p2, p0  }
0x20: {  	[sflag:s8] =	ssyncset.s32 @!p0 $0xFFFFF086;
	s6 =	sadd.s32 @!p0 s3, s7;
	s7 =	simm.s32 @!p0 $0x108  }
0x21: {  	s3 =	sadd.s32 s3, s9;
	s6 =	sadd.s32 @!p0 $0x88, s6;
	s7 =	simm.s32 @p2 $0x1082  }
0x22: {  	[simem:s7], [sflag:s8] =	dma.local @!p0 [hbm:s6], $0xF7A  }
0x23: {  	s9 =	sor.u32 $0xD0000000, s2;
	s6 =	simm.s32 $0x108;
	_ =	swait.ge @!p0 [sflag:s8], $0x0  }
0x24: {  	s3 =	sadd.s32 $0x88, s3;
	s6 =	simm.s32 @!p1 $0x1082;
	[sflag:s4] =	ssyncset.s32 $0xFFFFF086  }
0x25: {  	[simem:s6], [sflag:s4] =	dma.local [hbm:s3], $0xF7A  }
0x26: {  	[smem:$0x3F9F] =	sst s1;
	(tag) =	ssettag s2;
	_ =	strace s9  }
0x27: {  	s1 =	sld [smem:$0x3FAF]  }
0x28: {  	s2 =	sld [smem:$0x3FB0]  }
0x29: {  	s4 =	sld [smem:$0x3FB2]  }
0x2a: {  	p0 =	seq.s32 s5, $0x0;
	s5 =	sld [smem:$0x3FB3]  }
0x2b: {  	s6 =	sld [smem:$0x3FB4]  }
0x2c: {  	s7 =	sld [smem:$0x3FB5]  }
0x2d: {  	s3 =	simm.s32 $0x108;
	s8 =	sld [smem:$0x3FB6]  }
0x2e: {  	s3 =	simm.s32 @!p0 $0x1082;
	s9 =	sld [smem:$0x3FB7]  }
0x2f: {  	lr =	sadd.s32 s0, s3;
	s0 =	sld [smem:$0x3FAE]  }
0x30: {  	s3 =	sld [smem:$0x3FB1]  }
0x31: {  	[smem:$0x3FBA] =	sst s10  }
0x32: {  	s10 =	sld [smem:$0x3FB8];
	_ =	sdelay $0x3  }
0x33: {  	p0 =	seq.s32 s10, $0x1;
	s10 =	sld [smem:$0x3FBA];
	_ =	sdelay $0x3  }
0x34: {  	[smem:$0x3FBA] =	sst s10  }
0x35: {  	s10 =	sld [smem:$0x3FB9];
	_ =	sdelay $0x3  }
0x36: {  	p1 =	seq.s32 s10, $0x1;
	s10 =	sld [smem:$0x3FBA];
	_ =	sdelay $0x3  }
0x37: {  	[smem:$0x3FBA] =	sst s10  }
0x38: {  	s10 =	sld [smem:$0x3FBB]  }
0x39: {  	_ = 	snop;
	(pc) =	sbr.ind lr, $3  }
0x3a: {  	_ = 	snop  }
0x3b: {  	_ = 	snop  }
0x3c: {  	p2 =	seq.s32 s10, $0x1;
	s10 =	sld [smem:$0x3FBA]  }
0x3d: {  	_ =	shalt  }
0x3e: {  	_ =	shalt  }
0x3f: {  	_ =	shalt  }
0x40: {  	_ =	shalt  }
0x41: {  	_ =	shalt  }
0x42: {  	_ =	shalt  }
0x43: {  	_ =	shalt  }
0x44: {  	_ =	shalt  }
0x45: {  	_ =	shalt  }
0x46: {  	_ =	shalt  }
0x47: {  	_ =	shalt  }
0x48: {  	_ =	shalt  }
0x49: {  	_ =	shalt  }
0x4a: {  	_ =	shalt  }
0x4b: {  	_ =	shalt  }
0x4c: {  	_ =	shalt  }
0x4d: {  	_ =	shalt  }
0x4e: {  	_ =	shalt  }
0x4f: {  	_ =	shalt  }
0x50: {  	_ =	shalt  }
0x51: {  	_ =	shalt  }
0x52: {  	_ =	shalt  }
0x53: {  	_ =	shalt  }
0x54: {  	_ =	shalt  }
0x55: {  	_ =	shalt  }
0x56: {  	_ =	shalt  }
0x57: {  	_ =	shalt  }
0x58: {  	_ =	shalt  }
0x59: {  	_ =	shalt  }
0x5a: {  	_ =	shalt  }
0x5b: {  	_ =	shalt  }
0x5c: {  	_ =	shalt  }
0x5d: {  	_ =	shalt  }
0x5e: {  	_ =	shalt  }
0x5f: {  	_ =	shalt  }
0x60: {  	_ =	shalt  }
0x61: {  	_ =	shalt  }
0x62: {  	_ =	shalt  }
0x63: {  	_ =	shalt  }
0x64: {  	_ =	shalt  }
0x65: {  	_ =	shalt  }
0x66: {  	_ =	shalt  }
0x67: {  	_ =	shalt  }
0x68: {  	_ =	shalt  }
0x69: {  	_ =	shalt  }
0x6a: {  	_ =	shalt  }
0x6b: {  	_ =	shalt  }
0x6c: {  	_ =	shalt  }
0x6d: {  	_ =	shalt  }
0x6e: {  	_ =	shalt  }
0x6f: {  	_ =	shalt  }
0x70: {  	_ =	shalt  }
0x71: {  	_ =	shalt  }
0x72: {  	_ =	shalt  }
0x73: {  	_ =	shalt  }
0x74: {  	_ =	shalt  }
0x75: {  	_ =	shalt  }
0x76: {  	_ =	shalt  }
0x77: {  	_ =	shalt  }
0x78: {  	_ =	shalt  }
0x79: {  	_ =	shalt  }
0x7a: {  	_ =	shalt  }
0x7b: {  	_ =	shalt  }
0x7c: {  	_ =	shalt  }
0x7d: {  	_ =	shalt  }
0x7e: {  	_ =	shalt  }
0x7f: {  	_ =	shalt  }
0x80: {  	_ =	shalt  }
0x81: {  	_ =	shalt  }
0x82: {  	_ =	shalt  }
0x83: {  	_ =	shalt  }
0x84: {  	_ =	shalt  }
0x85: {  	_ =	shalt  }
0x86: {  	_ =	shalt  }
0x87: {  	_ =	shalt  }
.Lfunc_end0:
.L_simem_size_0:
called_computation.1_lowered:
.L_overlay_start_0:
0x88: {  	s2 =	sld [smem:$0x3FD9]  }
0x89: {  	s3 =	sld [smem:$0x3FFE];
	_ =	sdelay $0x1  }
0x8a: {  	s1 =	srdreg.scid  }
0x8b: {  	s0 =	sand.u32 $0x1, s1  }
0x8c: {  	s17 =	sshll.u32 s0, $0xA;
	s2 =	sadd.s32 s3, s2  }
0x8d: {  	s2 =	sadd.s32 s2, s17  }
0x8e: {  	[smem:$0x3FC6] =	sst s2  }
0x8f: {  	_ = 	snop  }
0x90: {  	s2 =	sld [smem:$0x3FD0];
	(tm) =	ssettm $0x1  }
0x91: {  	s18 =	sld [smem:$0x3FFB];
	_ =	sdelay $0x3  }
0x92: {  	_ =	strace s18  }
0x93: {  	s3 =	sld [smem:$0x3FFC];
	_ =	sdelay $0x3  }
0x94: {  	_ =	strace s3  }
0x95: {  	s3 =	sld [smem:$0x3FFD];
	_ =	sdelay $0x3  }
0x96: {  	_ =	strace s3  }
0x97: {  	_ =	strace $0x8FFFFFFF  }
0x98: {  	s19 =	sld [smem:$0x3FDB];
	_ =	sdelay $0x1  }
0x99: {  	s4 =	simm.s32 $_scs_section_size  }
0x9a: {  	s5 =	simm.s32 $_size__tile_overlayer_lowered;
	s6 =	simm.s32 $_tile_overlayer_lowered  }
0x9b: {  	s22 =	simm.s32 $0x1BFF;
	s21 =	sshll.u32 s6, $0x1;
	s3 =	sadd.s32 s4, s19  }
0x9c: {  	s7 =	simm.s32 $0x0;
	s20 =	sshll.u32 s5, $0x1;
	s5 =	sadd.s32 s21, s3  }
0x9d: {  	[timem:s7], [sflag:s22] =	dma.local [hbm:s5], s20  }
0x9e: {  	_ =	swait.ge [sflag:s22], s20  }
0x9f: {  	s4 =	ssub.s32 $0x0, s20;
	[sflag:s22] =	ssyncset.done $0x0  }
0xa0: {  	[sflag:s22] =	ssyncadd.s32 s4;
	_ =	sdelay $0x1  }
0xa1: {  	s23 =	simm.s32 $0x1B8B  }
0xa2: {  	_ =	swait.ge [sflag:s23], $0x1  }
0xa3: {  	[sflag:s23] =	ssyncset.done $0x0  }
0xa4: {  	s25 =	simm.s32 $0x1B8E;
	s24 =	sld [smem:$0x3FFE];
	[sflag:s23] =	ssyncadd.s32 $0xFFFFFFFF  }
0xa5: {  	s26 =	simm.s32 $execute0_lowered;
	[smem:$0x3FD2] =	sst s25  }
0xa6: {  	s5 =	sshll.u32 s26, $0x1;
	_ =	strace $0x80000046;
	[dreg:$0x1] =	wrdreg $0xFFFFFFFF  }
0xa7: {  	s28 =	simm.s32 $_size_execute0_lowered;
	s3 =	sadd.s32 s3, s5;
	[dreg:$0x0] =	wrdreg $0x0  }
0xa8: {  	s5 =	sshll.u32 s28, $0x1;
	[dreg:$0x2] =	wrdreg s3  }
0xa9: {  	[dreg:$0x3] =	wrdreg s5  }
0xaa: {  	[dreg:$0x4] =	wrdreg $0xC0  }
0xab: {  	_ =	task [dreg:s7], $0x5FFFF  }
0xac: {  	[dreg:$0x1] =	wrdreg $0xFFFFFFFF  }
0xad: {  	[dreg:$0x0] =	wrdreg $0x60  }
0xae: {  	[dreg:$0x2] =	wrdreg s24  }
0xaf: {  	[dreg:$0x3] =	wrdreg s2  }
0xb0: {  	[dreg:$0x4] =	wrdreg $0x9  }
0xb1: {  	_ =	task.clear_ibuf [dreg:s7], $0x5FFFF;
	_ =	strace $0x90000046  }
0xb2: {  	s29 =	simm.s32 $0x9;
	_ =	strace $0x80000048  }
0xb3: {  	_ =	swait.ge [sflag:s29], $0x1  }
0xb4: {  	[sflag:s29] =	ssyncadd.s32 $0xFFFFFFFF  }
0xb5: {  	_ =	strace $0x90000048  }
0xb6: {  	_ =	sfence  }
0xb7: {  	s30 =	sld [smem:$0x0];
	_ =	sdelay $0x2  }
0xb8: {  	s31 =	sshll.u32 s1, $0xD;
	s1 =	sshrl.u32 s1, $0x2  }
0xb9: {  	s3 =	sand.u32 $0x4000, s31;
	s1 =	sadd.s32 s1, s30  }
0xba: {  	s0 =	sor.u32 s3, s0;
	s1 =	sshll.u32 s1, $0x11  }
0xbb: {  	s0 =	sor.u32 s1, s0  }
0xbc: {  	s0 =	sadd.s32 $0x8F2B, s0  }
0xbd: {  	[sflag:s0] =	ssyncadd.remote.s32 $0x1  }
0xbe: {  	_ =	sfence.sel $0xFFFF  }
0xbf: {  	[dreg:$0x0] =	wrdreg $0xFFFFFFFF;
	(pc) =	sbr.abs _section_cstart, $3  }
0xc0: {  	[dreg:$0x1] =	wrdreg $0xFFFFFFFF  }
0xc1: {  	_ =	task.clear_ibuf [dreg:s7], $0x2FFFF;
	_ =	strace $0x9FFFFFFF  }
0xc2: {  	(tm) =	ssettm $0x7FFFFFFF  }
0xc3: {  	_ =	shalt  }
tec
execute0_lowered:
.L_overlay_start_1:
0x0: {  	(tag) =	ssettag $0x1  }
0x1: {  	s0 =	rddreg [dreg:$0x0];
	s1 =	srdreg.scid  }
0x2: {  	s11 =	stileid.u32;
	s2 =	rddreg [dreg:$0x1]  }
0x3: {  	s4 =	simm.s32 $0x0;
	s15 =	simm.s32 $0x200;
	s16 =	simm.s32 $0x280  }
0x4: {  	s18 =	simm.s32 $0x300;
	s1 =	sand.u32 $0x1, s1;
	s3 =	sshll.u32 s11, $0x1  }
0x5: {  	[smem:$0x7FF] =	sst s4;
	s4 =	sadd.s32 $0xA00, s0;
	s5 =	sor.u32 s1, s3  }
0x6: {  	_ =	strace $0x80000047;
	s3 =	sadd.s32 $0xF42E00, s0;
	[dreg:$0x5] =	wrdreg s15  }
0x7: {  	s7 =	ssub.s32 $0x2, s1;
	[dreg:$0x6] =	wrdreg s16;
	s6 =	smul.u32 $0x3400, s5  }
0x8: {  	[dreg:$0x7] =	wrdreg s18;
	s8 =	sshrl.u32 s7, $0x1;
	s5 =	sshll.u32 s5, $0x12  }
0x9: {  	s9 =	ssub.s32 s7, s8;
	s7 =	sadd.s32 $0xE00, s0;
	s6 =	sshrl.u32 s6, $0x3  }
0xa: {  	s8 =	sadd.s32 $0x1000, s0;
	s13 =	sadd.s32 s2, s6;
	s6 =	sadd.s32 $0xC00, s0  }
0xb: {  	s0 =	sadd.s32 s5, s4;
	s10 =	sadd.s32 $0x34, s13;
	[dreg:$0xc] =	wrdreg s13  }
0xc: {  	s5 =	sadd.s32 $0x3E800, s0;
	[dreg:$0x3] =	wrdreg s10  }
0xd: {  	s19 =	sadd.s32 $0x3EA00, s0;
	[dreg:$0xd] =	wrdreg s5  }
0xe: {  	s21 =	sadd.s32 $0x3EC00, s0;
	[dreg:$0xe] =	wrdreg s19  }
0xf: {  	s20 =	smul.u32 $0x6800, s11;
	s22 =	sadd.s32 $0x3EE00, s0;
	[dreg:$0xf] =	wrdreg s21  }
0x10: {  	s11 =	sshll.u32 s11, $0x13;
	s12 =	sadd.s32 $0x3F000, s0;
	[dreg:$0x10] =	wrdreg s22  }
0x11: {  	s23 =	smul.u32 $0x3400, s1;
	s24 =	sadd.s32 $0x3F200, s0;
	[dreg:$0x11] =	wrdreg s12  }
0x12: {  	s1 =	sshll.u32 s1, $0x12;
	s25 =	sadd.s32 $0x3F400, s0;
	[dreg:$0x12] =	wrdreg s24  }
0x13: {  	s17 =	sor.u32 s1, s11;
	s26 =	sadd.s32 $0x3F600, s0;
	[dreg:$0x13] =	wrdreg s25  }
0x14: {  	[dreg:$0x14] =	wrdreg s26;
	s12 =	sadd.s32 s4, s17  }
0x15: {  	s19 =	simm.s32 $0x380;
	[dreg:$0x4] =	wrdreg s12  }
0x16: {  	s5 =	sadd.s32 s23, s20;
	s20 =	simm.s32 $0x740;
	[dreg:$0x8] =	wrdreg s19  }
0x17: {  	s31 =	simm.s32 $0x80;
	s22 =	sadd.s32 $0x3F800, s0;
	[dreg:$0x9] =	wrdreg s20  }
0x18: {  	s15 =	simm.s32 $0x2B00;
	s21 =	simm.s32 $0xA80;
	[dreg:$0x19] =	wrdreg s22  }
0x19: {  	s16 =	simm.s32 $0x5;
	s23 =	simm.s32 $0xDC0;
	[dreg:$0xa] =	wrdreg s21  }
0x1a: {  	s18 =	simm.s32 $0x20;
	s24 =	sadd.s32 $0x3FA00, s0;
	[dreg:$0xb] =	wrdreg s23  }
0x1b: {  	s25 =	sadd.s32 $0x3FC00, s0;
	s0 =	sadd.s32 $0x3FE00, s0;
	[dreg:$0x1a] =	wrdreg s24  }
0x1c: {  	s26 =	smax.u32 s9, $0x1;
	s9 =	simm.s32 $0x400;
	[dreg:$0x1b] =	wrdreg s25  }
0x1d: {  	s10 =	sor.u32 $0x1A0, s5;
	s28 =	sor.u32 $0x208, s5;
	[dreg:$0x1c] =	wrdreg s0  }
0x1e: {  	s14 =	sor.u32 $0x270, s5;
	s5 =	sor.u32 $0x2D8, s5;
	[dreg:$0x1d] =	wrdreg s26  }
0x1f: {  	s29 =	sshrl.u32 s10, $0x3;
	s30 =	sshrl.u32 s28, $0x3;
	s28 =	sadd.s32 $0xD, s13  }
0x20: {  	s0 =	simm.s32 $0x68;
	s1 =	sadd.s32 s29, s2;
	[dreg:$0x1e] =	wrdreg s28  }
0x21: {  	s10 =	sshrl.u32 s14, $0x3;
	s11 =	sadd.s32 s30, s2;
	[dreg:$0x15] =	wrdreg s1  }
0x22: {  	s5 =	sshrl.u32 s5, $0x3;
	s10 =	sadd.s32 s10, s2;
	[dreg:$0x16] =	wrdreg s11  }
0x23: {  	s12 =	simm.s32 $0x3;
	s2 =	sadd.s32 s5, s2;
	[dreg:$0x17] =	wrdreg s10  }
0x24: {  	s25 =	simm.s32 $0xC;
	s29 =	sadd.s32 $0x1A, s13;
	[dreg:$0x18] =	wrdreg s2  }
0x25: {  	s26 =	simm.s32 $0x0;
	s30 =	sadd.s32 $0x27, s13;
	[dreg:$0x1f] =	wrdreg s29  }
0x26: {  	s14 =	simm.s32 $0x4;
	s13 =	simm.s32 $0x1E00;
	[smem:$0x7FD] =	sst s30  }
0x27: {  	s1 =	simm.s32 $0x1;
	s10 =	simm.s32 $0x2;
	s11 =	simm.s32 $0x1100  }
.LBB2_1:
0x28: {  	s5 =	rddreg [dreg:$0xc]  }
0x29: {  	s21 =	rddreg [dreg:$0x1e]  }
0x2a: {  	s22 =	rddreg [dreg:$0x1f]  }
0x2b: {  	s23 =	sld [smem:$0x7FD]  }
0x2c: {  	s2 =	simm.s32 $0x0;
	s28 =	rddreg [dreg:$0x18]  }
0x2d: {  	[tilespmem:s2], [sflag:$0x1] =	stream.linear.gather [hbm4b:s5+s2], $0x68, $0x38;
	[tilespmem:$0x3800] =	vst v63  }
0x2e: {  	s29 =	rddreg [dreg:$0x17]  }
0x2f: {  	[tilespmem:s31], [sflag:$0x2] =	stream.linear.gather [hbm4b:s21+s2], $0x68, $0x38;
	[tilespmem:$0x3800] =	vst v63  }
0x30: {  	s19 =	simm.s32 $0x100;
	s30 =	rddreg [dreg:$0x16]  }
0x31: {  	[tilespmem:s19], [sflag:$0x3] =	stream.linear.gather [hbm4b:s22+s2], $0x68, $0x38;
	[tilespmem:$0x3800] =	vst v63  }
0x32: {  	s24 =	simm.s32 $0x180;
	s5 =	rddreg [dreg:$0x15];
	s19 =	simm.s32 $0x0  }
0x33: {  	[tilespmem:s24], [sflag:$0x4] =	stream.linear.gather [hbm4b:s23+s2], $0x68, $0x38;
	[tilespmem:$0x3800] =	vst v63  }
.LBB2_2:
0x34: {  	p0 =	seq.s32 s19, $0x0  }
0x35: {  	s2 =	simm.s32 @!p0 $0x9  }
0x36: {  	_ =	swait.ge @!p0 [sflag:s2], $0x340  }
0x37: {  	[sflag:s2] =	ssyncset.done @!p0 $0x0  }
0x38: {  	[sflag:s2] =	ssyncadd.s32 @!p0 $0xFFFFFCC0  }
0x39: {  	_ =	swait.ge @!p0 [sflag:s2], $0x340  }
0x3a: {  	[sflag:s2] =	ssyncset.done @!p0 $0x0  }
0x3b: {  	[sflag:s2] =	ssyncadd.s32 @!p0 $0xFFFFFCC0  }
0x3c: {  	_ =	swait.ge @!p0 [sflag:s2], $0x340  }
0x3d: {  	[sflag:s2] =	ssyncset.done @!p0 $0x0  }
0x3e: {  	[sflag:s2] =	ssyncadd.s32 @!p0 $0xFFFFFCC0  }
0x3f: {  	_ =	swait.ge @!p0 [sflag:s2], $0x340  }
0x40: {  	[sflag:s2] =	ssyncset.done @!p0 $0x0  }
0x41: {  	[sflag:s2] =	ssyncadd.s32 @!p0 $0xFFFFFCC0  }
0x42: {  	_ =	swait.ge [sflag:s1], $0x68  }
0x43: {  	[sflag:s1] =	ssyncset.done $0x0  }
0x44: {  	[sflag:s1] =	ssyncadd.s32 $0xFFFFFF98  }
0x45: {  	v0 =	vld [tilespmem:$0x0]  }
0x46: {  	v1 =	vld [tilespmem:$0x10]  }
0x47: {  	v2 =	vld [tilespmem:$0x20]  }
0x48: {  	v3 =	vld [tilespmem:$0x30]  }
0x49: {  	v5 =	vld [tilespmem:$0x40]  }
0x4a: {  	v7 =	vld [tilespmem:$0x50];
	v0 =	vmul.u32 $0x9E3779B1, v0  }
0x4b: {  	v9 =	vld [tilespmem:$0x60];
	v1 =	vmul.u32 $0x9E3779B1, v1  }
0x4c: {  	v10 =	vld [tilespmem:$0x70];
	v2 =	vmul.u32 $0x9E3779B1, v2;
	v4 =	vmulhi.u32 $0x431BDE83, v0  }
0x4d: {  	v3 =	vmul.u32 $0x9E3779B1, v3;
	v6 =	vmulhi.u32 $0x431BDE83, v1  }
0x4e: {  	v5 =	vmul.u32 $0x9E3779B1, v5;
	v8 =	vmulhi.u32 $0x431BDE83, v2  }
0x4f: {  	v7 =	vmul.u32 $0x9E3779B1, v7;
	v60 =	vmulhi.u32 $0x431BDE83, v3  }
0x50: {  	v62 =	vmul.u32 $0x9E3779B1, v9;
	v61 =	vmulhi.u32 $0x431BDE83, v5  }
0x51: {  	v10 =	vmul.u32 $0x9E3779B1, v10;
	v63 =	vmulhi.u32 $0x431BDE83, v7;
	v4 =	vshrl.u32 v4, $0x12  }
0x52: {  	v13 =	vmulhi.u32 $0x431BDE83, v62;
	v6 =	vshrl.u32 v6, $0x12;
	v4 =	vmul.u32 $0xF4240, v4  }
0x53: {  	v16 =	vmulhi.u32 $0x431BDE83, v10;
	v8 =	vshrl.u32 v8, $0x12;
	v6 =	vmul.u32 $0xF4240, v6  }
0x54: {  	v15 =	vshrl.u32 v63, $0x12;
	v59 =	vmul.u32 $0xF4240, v8;
	v0 =	vsub.s32 v0, v4  }
0x55: {  	v18 =	vshrl.u32 v13, $0x12;
	v17 =	vmul.u32 $0xF4240, v15;
	v1 =	vsub.s32 v1, v6;
	[tilespmem:$0x200] =	vst v0  }
0x56: {  	v21 =	vshrl.u32 v16, $0x12;
	v20 =	vmul.u32 $0xF4240, v18;
	v2 =	vsub.s32 v2, v59;
	[tilespmem:$0x210] =	vst v1  }
0x57: {  	v23 =	vmul.u32 $0xF4240, v21;
	v6 =	vshrl.u32 v60, $0x12;
	v22 =	vsub.s32 v7, v17;
	[tilespmem:$0x220] =	vst v2  }
0x58: {  	v4 =	vshrl.u32 v61, $0x12;
	v24 =	vsub.s32 v62, v20;
	v12 =	vmul.u32 $0xF4240, v6;
	[tilespmem:$0x250] =	vst v22  }
0x59: {  	v25 =	vsub.s32 v10, v23;
	v14 =	vmul.u32 $0xF4240, v4;
	[tilespmem:$0x260] =	vst v24  }
0x5a: {  	[tilespmem:$0x270] =	vst v25;
	v0 =	vsub.s32 v3, v12  }
0x5b: {  	v19 =	vsub.s32 v5, v14;
	[tilespmem:$0x230] =	vst v0  }
0x5c: {  	s22 =	rddreg [dreg:$0x5];
	[tilespmem:$0x240] =	vst v19  }
0x5d: {  	[tilespmem:s9], [sflag:$0x5] =	stream.indirect.gather [hbm4b:s3+s0], $0x20, s22, s0, $0xb8;
	[tilespmem:$0x3800] =	vst v63  }
0x5e: {  	s2 =	simm.s32 @p0 $0x0;
	s20 =	rddreg [dreg:$0x3]  }
0x5f: {  	[tilespmem:s2], [sflag:$0x1] =	stream.linear.gather @p0 [hbm4b:s20+s2], $0x68, $0x38;
	[tilespmem:$0x3800] =	vst v63  }
0x60: {  	s20 =	simm.s32 @!p0 $0x6;
	s2 =	sadd.s32 @!p0 s19, s17  }
0x61: {  	s24 =	simm.s32 @!p0 $0x1100;
	_ =	swait.ge @!p0 [sflag:s20], $0xD00;
	s21 =	sadd.s32 @!p0 $0x1FFFE800, s2  }
0x62: {  	s22 =	simm.s32 @!p0 $0x80;
	[sflag:s20] =	ssyncset.done @!p0 $0x0;
	s21 =	sand.u32 @!p0 $0x1FFFE800, s21  }
0x63: {  	[sflag:s20] =	ssyncadd.s32 @!p0 $0xFFFFF300;
	s23 =	sadd.s32 @!p0 s4, s21;
	s20 =	simm.s32 @!p0 $0x20  }
0x64: {  	[hbm4b:s23+s20] =	stream.strided.scatter @!p0 [tilespmem:s24], [sflag:$0xA], $0x340, s22, s20, $0x38;
	[tilespmem:$0x3800] =	vst v63  }
0x65: {  	s23 =	sadd.s32 @!p0 s21, s6;
	s24 =	simm.s32 @!p0 $0x1440  }
0x66: {  	[hbm4b:s23+s20] =	stream.strided.scatter @!p0 [tilespmem:s24], [sflag:$0xA], $0x340, s22, s20, $0x38;
	[tilespmem:$0x3800] =	vst v63  }
0x67: {  	p2 =	seq.s32 @!p0 s19, $0x3E000;
	s23 =	sadd.s32 @!p0 s21, s7;
	s24 =	simm.s32 @!p0 $0x1780  }
0x68: {  	[hbm4b:s23+s20] =	stream.strided.scatter @!p0 [tilespmem:s24], [sflag:$0xA], $0x340, s22, s20, $0x38;
	[tilespmem:$0x3800] =	vst v63  }
0x69: {  	p1 =	por p2, p0;
	s21 =	sadd.s32 @!p0 s21, s8;
	s23 =	simm.s32 @!p0 $0x1AC0  }
0x6a: {  	[hbm4b:s21+s20] =	stream.strided.scatter @!p0 [tilespmem:s23], [sflag:$0xA], $0x340, s22, s20, $0x38;
	[tilespmem:$0x3800] =	vst v63  }
0x6b: {  	s21 =	simm.s32 @!p1 $0x0  }
0x6c: {  	[tilespmem:s21], [sflag:$0x1] =	stream.linear.gather @!p1 [hbm4b:s5+s21], $0x68, $0x38;
	[tilespmem:$0x3800] =	vst v63  }
0x6d: {  	s21 =	simm.s32 @!p0 $0xA  }
0x6e: {  	_ =	swait.ge @!p0 [sflag:s21], $0x340  }
0x6f: {  	[sflag:s21] =	ssyncset.done @!p0 $0x0  }
0x70: {  	[sflag:s21] =	ssyncadd.s32 @!p0 $0xFFFFFCC0  }
0x71: {  	_ =	swait.ge @!p0 [sflag:s21], $0x340  }
0x72: {  	[sflag:s21] =	ssyncset.done @!p0 $0x0  }
0x73: {  	[sflag:s21] =	ssyncadd.s32 @!p0 $0xFFFFFCC0  }
0x74: {  	_ =	swait.ge @!p0 [sflag:s21], $0x340  }
0x75: {  	[sflag:s21] =	ssyncset.done @!p0 $0x0  }
0x76: {  	[sflag:s21] =	ssyncadd.s32 @!p0 $0xFFFFFCC0  }
0x77: {  	_ =	swait.ge @!p0 [sflag:s21], $0x340  }
0x78: {  	[sflag:s21] =	ssyncset.done @!p0 $0x0  }
0x79: {  	[sflag:s21] =	ssyncadd.s32 @!p0 $0xFFFFFCC0  }
0x7a: {  	_ =	swait.ge [sflag:s10], $0x68  }
0x7b: {  	[sflag:s10] =	ssyncset.done $0x0  }
0x7c: {  	[sflag:s10] =	ssyncadd.s32 $0xFFFFFF98  }
0x7d: {  	v26 =	vld [tilespmem:$0x80]  }
0x7e: {  	v27 =	vld [tilespmem:$0x90]  }
0x7f: {  	v28 =	vld [tilespmem:$0xA0]  }
0x80: {  	v29 =	vld [tilespmem:$0xB0]  }
0x81: {  	v31 =	vld [tilespmem:$0xC0]  }
0x82: {  	v33 =	vld [tilespmem:$0xD0];
	v0 =	vmul.u32 $0x9E3779B1, v26  }
0x83: {  	v35 =	vld [tilespmem:$0xE0];
	v1 =	vmul.u32 $0x9E3779B1, v27  }
0x84: {  	v36 =	vld [tilespmem:$0xF0];
	v2 =	vmul.u32 $0x9E3779B1, v28;
	v30 =	vmulhi.u32 $0x431BDE83, v0  }
0x85: {  	v3 =	vmul.u32 $0x9E3779B1, v29;
	v32 =	vmulhi.u32 $0x431BDE83, v1  }
0x86: {  	v5 =	vmul.u32 $0x9E3779B1, v31;
	v34 =	vmulhi.u32 $0x431BDE83, v2  }
0x87: {  	v7 =	vmul.u32 $0x9E3779B1, v33;
	v38 =	vmulhi.u32 $0x431BDE83, v3  }
0x88: {  	v40 =	vmul.u32 $0x9E3779B1, v35;
	v39 =	vmulhi.u32 $0x431BDE83, v5  }
0x89: {  	v10 =	vmul.u32 $0x9E3779B1, v36;
	v41 =	vmulhi.u32 $0x431BDE83, v7;
	v4 =	vshrl.u32 v30, $0x12  }
0x8a: {  	v43 =	vmulhi.u32 $0x431BDE83, v40;
	v6 =	vshrl.u32 v32, $0x12;
	v4 =	vmul.u32 $0xF4240, v4  }
0x8b: {  	v46 =	vmulhi.u32 $0x431BDE83, v10;
	v8 =	vshrl.u32 v34, $0x12;
	v6 =	vmul.u32 $0xF4240, v6  }
0x8c: {  	v45 =	vshrl.u32 v41, $0x12;
	v37 =	vmul.u32 $0xF4240, v8;
	v0 =	vsub.s32 v0, v4  }
0x8d: {  	v48 =	vshrl.u32 v43, $0x12;
	v47 =	vmul.u32 $0xF4240, v45;
	v1 =	vsub.s32 v1, v6;
	[tilespmem:$0x280] =	vst v0  }
0x8e: {  	v51 =	vshrl.u32 v46, $0x12;
	v50 =	vmul.u32 $0xF4240, v48;
	v2 =	vsub.s32 v2, v37;
	[tilespmem:$0x290] =	vst v1  }
0x8f: {  	v53 =	vmul.u32 $0xF4240, v51;
	v6 =	vshrl.u32 v38, $0x12;
	v52 =	vsub.s32 v7, v47;
	[tilespmem:$0x2A0] =	vst v2  }
0x90: {  	v4 =	vshrl.u32 v39, $0x12;
	v54 =	vsub.s32 v40, v50;
	v42 =	vmul.u32 $0xF4240, v6;
	[tilespmem:$0x2D0] =	vst v52  }
0x91: {  	v55 =	vsub.s32 v10, v53;
	v44 =	vmul.u32 $0xF4240, v4;
	[tilespmem:$0x2E0] =	vst v54  }
0x92: {  	[tilespmem:$0x2F0] =	vst v55;
	v0 =	vsub.s32 v3, v42  }
0x93: {  	v49 =	vsub.s32 v5, v44;
	[tilespmem:$0x2B0] =	vst v0  }
0x94: {  	s21 =	simm.s32 @!p0 $0x7;
	s23 =	rddreg [dreg:$0x6];
	[tilespmem:$0x2C0] =	vst v49  }
0x95: {  	[tilespmem:s11], [sflag:$0x6] =	stream.indirect.gather [hbm4b:s3+s0], $0x20, s23, s0, $0xb8;
	[tilespmem:$0x3800] =	vst v63  }
0x96: {  	s23 =	sadd.s32 @!p0 $0x1FFFF000, s2;
	_ =	swait.ge @!p0 [sflag:s21], $0xD00  }
0x97: {  	s23 =	sand.u32 @!p0 $0x1FFFF000, s23;
	[sflag:s21] =	ssyncset.done @!p0 $0x0  }
0x98: {  	s24 =	simm.s32 @!p0 $0x1E00;
	[sflag:s21] =	ssyncadd.s32 @!p0 $0xFFFFF300;
	s21 =	sadd.s32 @!p0 s4, s23  }
0x99: {  	[hbm4b:s21+s20] =	stream.strided.scatter @!p0 [tilespmem:s24], [sflag:$0xB], $0x340, s22, s20, $0x38;
	[tilespmem:$0x3800] =	vst v63  }
0x9a: {  	s21 =	sadd.s32 @!p0 s23, s6;
	s24 =	simm.s32 @!p0 $0x2140  }
0x9b: {  	[hbm4b:s21+s20] =	stream.strided.scatter @!p0 [tilespmem:s24], [sflag:$0xB], $0x340, s22, s20, $0x38;
	[tilespmem:$0x3800] =	vst v63  }
0x9c: {  	p1 =	por @p0 $0x0, $0x0;
	s21 =	sadd.s32 @!p0 s23, s7;
	s24 =	simm.s32 @!p0 $0x2480  }
0x9d: {  	[hbm4b:s21+s20] =	stream.strided.scatter @!p0 [tilespmem:s24], [sflag:$0xB], $0x340, s22, s20, $0x38;
	[tilespmem:$0x3800] =	vst v63  }
0x9e: {  	p1 =	por @!p0 p2, p2;
	s21 =	sadd.s32 @!p0 s23, s8;
	s23 =	simm.s32 @!p0 $0x27C0  }
0x9f: {  	[hbm4b:s21+s20] =	stream.strided.scatter @!p0 [tilespmem:s23], [sflag:$0xB], $0x340, s22, s20, $0x38;
	[tilespmem:$0x3800] =	vst v63  }
0xa0: {  	s21 =	simm.s32 @!p1 $0x0;
	s23 =	simm.s32 @!p1 $0x80  }
0xa1: {  	[tilespmem:s23], [sflag:$0x2] =	stream.linear.gather @!p1 [hbm4b:s30+s21], $0x68, $0x38;
	[tilespmem:$0x3800] =	vst v63  }
0xa2: {  	s23 =	simm.s32 @!p0 $0xB  }
0xa3: {  	_ =	swait.ge @!p0 [sflag:s23], $0x340  }
0xa4: {  	[sflag:s23] =	ssyncset.done @!p0 $0x0  }
0xa5: {  	[sflag:s23] =	ssyncadd.s32 @!p0 $0xFFFFFCC0  }
0xa6: {  	_ =	swait.ge @!p0 [sflag:s23], $0x340  }
0xa7: {  	[sflag:s23] =	ssyncset.done @!p0 $0x0  }
0xa8: {  	[sflag:s23] =	ssyncadd.s32 @!p0 $0xFFFFFCC0  }
0xa9: {  	_ =	swait.ge @!p0 [sflag:s23], $0x340  }
0xaa: {  	[sflag:s23] =	ssyncset.done @!p0 $0x0  }
0xab: {  	[sflag:s23] =	ssyncadd.s32 @!p0 $0xFFFFFCC0  }
0xac: {  	_ =	swait.ge @!p0 [sflag:s23], $0x340  }
0xad: {  	[sflag:s23] =	ssyncset.done @!p0 $0x0  }
0xae: {  	[sflag:s23] =	ssyncadd.s32 @!p0 $0xFFFFFCC0  }
0xaf: {  	_ =	swait.ge [sflag:s12], $0x68  }
0xb0: {  	[sflag:s12] =	ssyncset.done $0x0  }
0xb1: {  	[sflag:s12] =	ssyncadd.s32 $0xFFFFFF98  }
0xb2: {  	v56 =	vld [tilespmem:$0x100]  }
0xb3: {  	v57 =	vld [tilespmem:$0x110]  }
0xb4: {  	v58 =	vld [tilespmem:$0x120]  }
0xb5: {  	v59 =	vld [tilespmem:$0x130]  }
0xb6: {  	v61 =	vld [tilespmem:$0x140]  }
0xb7: {  	v63 =	vld [tilespmem:$0x150];
	v0 =	vmul.u32 $0x9E3779B1, v56  }
0xb8: {  	v13 =	vld [tilespmem:$0x160];
	v1 =	vmul.u32 $0x9E3779B1, v57  }
0xb9: {  	v14 =	vld [tilespmem:$0x170];
	v2 =	vmul.u32 $0x9E3779B1, v58;
	v60 =	vmulhi.u32 $0x431BDE83, v0  }
0xba: {  	v3 =	vmul.u32 $0x9E3779B1, v59;
	v62 =	vmulhi.u32 $0x431BDE83, v1  }
0xbb: {  	v5 =	vmul.u32 $0x9E3779B1, v61;
	v12 =	vmulhi.u32 $0x431BDE83, v2  }
0xbc: {  	v7 =	vmul.u32 $0x9E3779B1, v63;
	v16 =	vmulhi.u32 $0x431BDE83, v3  }
0xbd: {  	v18 =	vmul.u32 $0x9E3779B1, v13;
	v17 =	vmulhi.u32 $0x431BDE83, v5  }
0xbe: {  	v10 =	vmul.u32 $0x9E3779B1, v14;
	v19 =	vmulhi.u32 $0x431BDE83, v7;
	v4 =	vshrl.u32 v60, $0x12  }
0xbf: {  	v21 =	vmulhi.u32 $0x431BDE83, v18;
	v6 =	vshrl.u32 v62, $0x12;
	v4 =	vmul.u32 $0xF4240, v4  }
0xc0: {  	v24 =	vmulhi.u32 $0x431BDE83, v10;
	v8 =	vshrl.u32 v12, $0x12;
	v6 =	vmul.u32 $0xF4240, v6  }
0xc1: {  	v23 =	vshrl.u32 v19, $0x12;
	v15 =	vmul.u32 $0xF4240, v8;
	v0 =	vsub.s32 v0, v4  }
0xc2: {  	v26 =	vshrl.u32 v21, $0x12;
	v25 =	vmul.u32 $0xF4240, v23;
	v1 =	vsub.s32 v1, v6;
	[tilespmem:$0x300] =	vst v0  }
0xc3: {  	v29 =	vshrl.u32 v24, $0x12;
	v28 =	vmul.u32 $0xF4240, v26;
	v2 =	vsub.s32 v2, v15;
	[tilespmem:$0x310] =	vst v1  }
0xc4: {  	v31 =	vmul.u32 $0xF4240, v29;
	v6 =	vshrl.u32 v16, $0x12;
	v30 =	vsub.s32 v7, v25;
	[tilespmem:$0x320] =	vst v2  }
0xc5: {  	v4 =	vshrl.u32 v17, $0x12;
	v32 =	vsub.s32 v18, v28;
	v20 =	vmul.u32 $0xF4240, v6;
	[tilespmem:$0x350] =	vst v30  }
0xc6: {  	v33 =	vsub.s32 v10, v31;
	v22 =	vmul.u32 $0xF4240, v4;
	[tilespmem:$0x360] =	vst v32  }
0xc7: {  	[tilespmem:$0x370] =	vst v33;
	v0 =	vsub.s32 v3, v20  }
0xc8: {  	v27 =	vsub.s32 v5, v22;
	[tilespmem:$0x330] =	vst v0  }
0xc9: {  	s23 =	simm.s32 @!p0 $0x8;
	s24 =	rddreg [dreg:$0x7];
	[tilespmem:$0x340] =	vst v27  }
0xca: {  	[tilespmem:s13], [sflag:$0x7] =	stream.indirect.gather [hbm4b:s3+s0], $0x20, s24, s0, $0xb8;
	[tilespmem:$0x3800] =	vst v63  }
0xcb: {  	s2 =	sadd.s32 @!p0 $0x1FFFF800, s2;
	_ =	swait.ge @!p0 [sflag:s23], $0xD00  }
0xcc: {  	s2 =	sand.u32 @!p0 $0x1FFFF800, s2;
	[sflag:s23] =	ssyncset.done @!p0 $0x0  }
0xcd: {  	s24 =	simm.s32 @!p0 $0x2B00;
	[sflag:s23] =	ssyncadd.s32 @!p0 $0xFFFFF300;
	s23 =	sadd.s32 @!p0 s4, s2  }
0xce: {  	[hbm4b:s23+s20] =	stream.strided.scatter @!p0 [tilespmem:s24], [sflag:$0xC], $0x340, s22, s20, $0x38;
	[tilespmem:$0x3800] =	vst v63  }
0xcf: {  	s23 =	sadd.s32 @!p0 s2, s6;
	s24 =	simm.s32 @!p0 $0x2E40  }
0xd0: {  	[hbm4b:s23+s20] =	stream.strided.scatter @!p0 [tilespmem:s24], [sflag:$0xC], $0x340, s22, s20, $0x38;
	[tilespmem:$0x3800] =	vst v63  }
0xd1: {  	s23 =	sadd.s32 @!p0 s2, s7;
	s24 =	simm.s32 @!p0 $0x3180  }
0xd2: {  	[hbm4b:s23+s20] =	stream.strided.scatter @!p0 [tilespmem:s24], [sflag:$0xC], $0x340, s22, s20, $0x38;
	[tilespmem:$0x3800] =	vst v63  }
0xd3: {  	s2 =	sadd.s32 @!p0 s2, s8;
	s23 =	simm.s32 @!p0 $0x34C0  }
0xd4: {  	[hbm4b:s2+s20] =	stream.strided.scatter @!p0 [tilespmem:s23], [sflag:$0xC], $0x340, s22, s20, $0x38;
	[tilespmem:$0x3800] =	vst v63  }
0xd5: {  	s2 =	simm.s32 @!p1 $0x100  }
0xd6: {  	[tilespmem:s2], [sflag:$0x3] =	stream.linear.gather @!p1 [hbm4b:s29+s21], $0x68, $0x38;
	[tilespmem:$0x3800] =	vst v63  }
0xd7: {  	s2 =	simm.s32 @!p0 $0xC  }
0xd8: {  	_ =	swait.ge @!p0 [sflag:s2], $0x340  }
0xd9: {  	[sflag:s2] =	ssyncset.done @!p0 $0x0  }
0xda: {  	[sflag:s2] =	ssyncadd.s32 @!p0 $0xFFFFFCC0  }
0xdb: {  	_ =	swait.ge @!p0 [sflag:s2], $0x340  }
0xdc: {  	[sflag:s2] =	ssyncset.done @!p0 $0x0  }
0xdd: {  	[sflag:s2] =	ssyncadd.s32 @!p0 $0xFFFFFCC0  }
0xde: {  	_ =	swait.ge @!p0 [sflag:s2], $0x340  }
0xdf: {  	[sflag:s2] =	ssyncset.done @!p0 $0x0  }
0xe0: {  	[sflag:s2] =	ssyncadd.s32 @!p0 $0xFFFFFCC0  }
0xe1: {  	_ =	swait.ge @!p0 [sflag:s2], $0x340  }
0xe2: {  	[sflag:s2] =	ssyncset.done @!p0 $0x0  }
0xe3: {  	[sflag:s2] =	ssyncadd.s32 @!p0 $0xFFFFFCC0  }
0xe4: {  	_ =	swait.ge [sflag:s14], $0x68  }
0xe5: {  	[sflag:s14] =	ssyncset.done $0x0  }
0xe6: {  	[sflag:s14] =	ssyncadd.s32 $0xFFFFFF98  }
0xe7: {  	v34 =	vld [tilespmem:$0x180]  }
0xe8: {  	v35 =	vld [tilespmem:$0x190]  }
0xe9: {  	v36 =	vld [tilespmem:$0x1A0]  }
0xea: {  	v37 =	vld [tilespmem:$0x1B0]  }
0xeb: {  	v39 =	vld [tilespmem:$0x1C0]  }
0xec: {  	v41 =	vld [tilespmem:$0x1D0];
	v0 =	vmul.u32 $0x9E3779B1, v34  }
0xed: {  	v43 =	vld [tilespmem:$0x1E0];
	v1 =	vmul.u32 $0x9E3779B1, v35  }
0xee: {  	v44 =	vld [tilespmem:$0x1F0];
	v2 =	vmul.u32 $0x9E3779B1, v36;
	v38 =	vmulhi.u32 $0x431BDE83, v0  }
0xef: {  	v3 =	vmul.u32 $0x9E3779B1, v37;
	v40 =	vmulhi.u32 $0x431BDE83, v1  }
0xf0: {  	v5 =	vmul.u32 $0x9E3779B1, v39;
	v42 =	vmulhi.u32 $0x431BDE83, v2  }
0xf1: {  	v7 =	vmul.u32 $0x9E3779B1, v41;
	v46 =	vmulhi.u32 $0x431BDE83, v3  }
0xf2: {  	v48 =	vmul.u32 $0x9E3779B1, v43;
	v47 =	vmulhi.u32 $0x431BDE83, v5  }
0xf3: {  	v10 =	vmul.u32 $0x9E3779B1, v44;
	v49 =	vmulhi.u32 $0x431BDE83, v7;
	v4 =	vshrl.u32 v38, $0x12  }
0xf4: {  	v51 =	vmulhi.u32 $0x431BDE83, v48;
	v6 =	vshrl.u32 v40, $0x12;
	v4 =	vmul.u32 $0xF4240, v4  }
0xf5: {  	v54 =	vmulhi.u32 $0x431BDE83, v10;
	v8 =	vshrl.u32 v42, $0x12;
	v6 =	vmul.u32 $0xF4240, v6  }
0xf6: {  	v53 =	vshrl.u32 v49, $0x12;
	v45 =	vmul.u32 $0xF4240, v8;
	v0 =	vsub.s32 v0, v4  }
0xf7: {  	v56 =	vshrl.u32 v51, $0x12;
	v55 =	vmul.u32 $0xF4240, v53;
	v1 =	vsub.s32 v1, v6;
	[tilespmem:$0x380] =	vst v0  }
0xf8: {  	v59 =	vshrl.u32 v54, $0x12;
	v58 =	vmul.u32 $0xF4240, v56;
	v2 =	vsub.s32 v2, v45;
	[tilespmem:$0x390] =	vst v1  }
0xf9: {  	v61 =	vmul.u32 $0xF4240, v59;
	v6 =	vshrl.u32 v46, $0x12;
	v60 =	vsub.s32 v7, v55;
	[tilespmem:$0x3A0] =	vst v2  }
0xfa: {  	v4 =	vshrl.u32 v47, $0x12;
	v62 =	vsub.s32 v48, v58;
	v50 =	vmul.u32 $0xF4240, v6;
	[tilespmem:$0x3D0] =	vst v60  }
0xfb: {  	v63 =	vsub.s32 v10, v61;
	v52 =	vmul.u32 $0xF4240, v4;
	[tilespmem:$0x3E0] =	vst v62  }
0xfc: {  	[tilespmem:$0x3F0] =	vst v63;
	v0 =	vsub.s32 v3, v50  }
0xfd: {  	v57 =	vsub.s32 v5, v52;
	[tilespmem:$0x3B0] =	vst v0  }
0xfe: {  	s24 =	rddreg [dreg:$0x8];
	[tilespmem:$0x3C0] =	vst v57  }
0xff: {  	[tilespmem:s15], [sflag:$0x8] =	stream.indirect.gather [hbm4b:s3+s0], $0x20, s24, s0, $0xb8;
	[tilespmem:$0x3800] =	vst v63  }
0x100: {  	_ =	swait.ge [sflag:s16], $0xD00  }
0x101: {  	s20 =	rddreg [dreg:$0x4];
	[sflag:s16] =	ssyncset.done $0x0  }
0x102: {  	[sflag:s16] =	ssyncadd.s32 $0xFFFFF300;
	s2 =	sadd.s32 s19, s20  }
0x103: {  	[hbm4b:s2+s18] =	stream.strided.scatter [tilespmem:s9], [sflag:$0x9], $0x340, s31, s18, $0x38;
	[tilespmem:$0x3800] =	vst v63  }
0x104: {  	s22 =	rddreg [dreg:$0x9];
	s19 =	sadd.s32 $0x2000, s19;
	s24 =	sadd.s32 $0x200, s2  }
0x105: {  	[hbm4b:s24+s18] =	stream.strided.scatter [tilespmem:s22], [sflag:$0x9], $0x340, s31, s18, $0x38;
	[tilespmem:$0x3800] =	vst v63  }
0x106: {  	s23 =	rddreg [dreg:$0xa];
	p0 =	sne.s32 s19, $0x40000;
	s22 =	sadd.s32 $0x400, s2  }
0x107: {  	[hbm4b:s22+s18] =	stream.strided.scatter [tilespmem:s23], [sflag:$0x9], $0x340, s31, s18, $0x38;
	[tilespmem:$0x3800] =	vst v63  }
.Ltmp0:
0x108: {  	s24 =	rddreg [dreg:$0xb];
	s2 =	sadd.s32 $0x600, s2;
	(pc) =	sbr.rel @p0 .LBB2_2-.Ltmp0, $4  }
0x109: {  	[hbm4b:s2+s18] =	stream.strided.scatter [tilespmem:s24], [sflag:$0x9], $0x340, s31, s18, $0x38;
	[tilespmem:$0x3800] =	vst v63  }
0x10a: {  	s5 =	sadd.s32 $0x34, s5;
	s2 =	simm.s32 @!p1 $0x180  }
0x10b: {  	[tilespmem:s2], [sflag:$0x4] =	stream.linear.gather @!p1 [hbm4b:s28+s21], $0x68, $0x38;
	[tilespmem:$0x3800] =	vst v63  }
0x10c: {  	s30 =	sadd.s32 $0x34, s30;
	s29 =	sadd.s32 $0x34, s29;
	s28 =	sadd.s32 $0x34, s28  }
0x10d: {  	s2 =	simm.s32 $0x6  }
0x10e: {  	_ =	swait.ge [sflag:s2], $0xD00  }
0x10f: {  	[sflag:s2] =	ssyncset.done $0x0  }
0x110: {  	s22 =	rddreg [dreg:$0xd];
	[sflag:s2] =	ssyncadd.s32 $0xFFFFF300  }
0x111: {  	[hbm4b:s22+s18] =	stream.strided.scatter [tilespmem:s11], [sflag:$0xA], $0x340, s31, s18, $0x38;
	[tilespmem:$0x3800] =	vst v63  }
0x112: {  	s5 =	simm.s32 $0x1440;
	s23 =	rddreg [dreg:$0xe]  }
0x113: {  	[hbm4b:s23+s18] =	stream.strided.scatter [tilespmem:s5], [sflag:$0xA], $0x340, s31, s18, $0x38;
	[tilespmem:$0x3800] =	vst v63  }
0x114: {  	s28 =	simm.s32 $0x1780;
	s24 =	rddreg [dreg:$0xf]  }
0x115: {  	[hbm4b:s24+s18] =	stream.strided.scatter [tilespmem:s28], [sflag:$0xA], $0x340, s31, s18, $0x38;
	[tilespmem:$0x3800] =	vst v63  }
0x116: {  	s30 =	simm.s32 $0x1AC0;
	s29 =	rddreg [dreg:$0x10];
	s5 =	simm.s32 $0x7  }
0x117: {  	[hbm4b:s29+s18] =	stream.strided.scatter [tilespmem:s30], [sflag:$0xA], $0x340, s31, s18, $0x38;
	[tilespmem:$0x3800] =	vst v63  }
0x118: {  	_ =	swait.ge [sflag:s5], $0xD00  }
0x119: {  	[sflag:s5] =	ssyncset.done $0x0  }
0x11a: {  	s19 =	rddreg [dreg:$0x11];
	[sflag:s5] =	ssyncadd.s32 $0xFFFFF300  }
0x11b: {  	[hbm4b:s19+s18] =	stream.strided.scatter [tilespmem:s13], [sflag:$0xB], $0x340, s31, s18, $0x38;
	[tilespmem:$0x3800] =	vst v63  }
0x11c: {  	s21 =	simm.s32 $0x2140;
	s20 =	rddreg [dreg:$0x12]  }
0x11d: {  	[hbm4b:s20+s18] =	stream.strided.scatter [tilespmem:s21], [sflag:$0xB], $0x340, s31, s18, $0x38;
	[tilespmem:$0x3800] =	vst v63  }
0x11e: {  	s23 =	simm.s32 $0x2480;
	s22 =	rddreg [dreg:$0x13]  }
0x11f: {  	[hbm4b:s22+s18] =	stream.strided.scatter [tilespmem:s23], [sflag:$0xB], $0x340, s31, s18, $0x38;
	[tilespmem:$0x3800] =	vst v63  }
0x120: {  	s28 =	simm.s32 $0x27C0;
	s29 =	simm.s32 $0x8;
	s24 =	rddreg [dreg:$0x14]  }
0x121: {  	[hbm4b:s24+s18] =	stream.strided.scatter [tilespmem:s28], [sflag:$0xB], $0x340, s31, s18, $0x38;
	[tilespmem:$0x3800] =	vst v63  }
0x122: {  	_ =	swait.ge [sflag:s29], $0xD00  }
0x123: {  	[sflag:s29] =	ssyncset.done $0x0  }
0x124: {  	s30 =	rddreg [dreg:$0x19];
	[sflag:s29] =	ssyncadd.s32 $0xFFFFF300  }
0x125: {  	[hbm4b:s30+s18] =	stream.strided.scatter [tilespmem:s15], [sflag:$0xC], $0x340, s31, s18, $0x38;
	[tilespmem:$0x3800] =	vst v63  }
0x126: {  	s19 =	simm.s32 $0x2E40;
	s5 =	rddreg [dreg:$0x1a]  }
0x127: {  	[hbm4b:s5+s18] =	stream.strided.scatter [tilespmem:s19], [sflag:$0xC], $0x340, s31, s18, $0x38;
	[tilespmem:$0x3800] =	vst v63  }
0x128: {  	s21 =	simm.s32 $0x3180;
	s20 =	rddreg [dreg:$0x1b]  }
0x129: {  	[hbm4b:s20+s18] =	stream.strided.scatter [tilespmem:s21], [sflag:$0xC], $0x340, s31, s18, $0x38;
	[tilespmem:$0x3800] =	vst v63  }
0x12a: {  	s23 =	simm.s32 $0x34C0;
	s24 =	simm.s32 $0x9;
	s22 =	rddreg [dreg:$0x1c]  }
0x12b: {  	[hbm4b:s22+s18] =	stream.strided.scatter [tilespmem:s23], [sflag:$0xC], $0x340, s31, s18, $0x38;
	[tilespmem:$0x3800] =	vst v63  }
0x12c: {  	_ =	swait.ge [sflag:s24], $0x340  }
0x12d: {  	[sflag:s24] =	ssyncset.done $0x0  }
0x12e: {  	[sflag:s24] =	ssyncadd.s32 $0xFFFFFCC0  }
0x12f: {  	_ =	swait.ge [sflag:s24], $0x340  }
0x130: {  	[sflag:s24] =	ssyncset.done $0x0  }
0x131: {  	[sflag:s24] =	ssyncadd.s32 $0xFFFFFCC0  }
0x132: {  	_ =	swait.ge [sflag:s24], $0x340  }
0x133: {  	[sflag:s24] =	ssyncset.done $0x0  }
0x134: {  	[sflag:s24] =	ssyncadd.s32 $0xFFFFFCC0  }
0x135: {  	_ =	swait.ge [sflag:s24], $0x340  }
0x136: {  	[sflag:s24] =	ssyncset.done $0x0  }
0x137: {  	s28 =	simm.s32 $0xA;
	[sflag:s24] =	ssyncadd.s32 $0xFFFFFCC0  }
0x138: {  	_ =	swait.ge [sflag:s28], $0x340  }
0x139: {  	[sflag:s28] =	ssyncset.done $0x0  }
0x13a: {  	[sflag:s28] =	ssyncadd.s32 $0xFFFFFCC0  }
0x13b: {  	_ =	swait.ge [sflag:s28], $0x340  }
0x13c: {  	[sflag:s28] =	ssyncset.done $0x0  }
0x13d: {  	[sflag:s28] =	ssyncadd.s32 $0xFFFFFCC0  }
0x13e: {  	_ =	swait.ge [sflag:s28], $0x340  }
0x13f: {  	[sflag:s28] =	ssyncset.done $0x0  }
0x140: {  	[sflag:s28] =	ssyncadd.s32 $0xFFFFFCC0  }
0x141: {  	_ =	swait.ge [sflag:s28], $0x340  }
0x142: {  	[sflag:s28] =	ssyncset.done $0x0  }
0x143: {  	s29 =	simm.s32 $0xB;
	[sflag:s28] =	ssyncadd.s32 $0xFFFFFCC0  }
0x144: {  	_ =	swait.ge [sflag:s29], $0x340  }
0x145: {  	[sflag:s29] =	ssyncset.done $0x0  }
0x146: {  	[sflag:s29] =	ssyncadd.s32 $0xFFFFFCC0  }
0x147: {  	_ =	swait.ge [sflag:s29], $0x340  }
0x148: {  	[sflag:s29] =	ssyncset.done $0x0  }
0x149: {  	[sflag:s29] =	ssyncadd.s32 $0xFFFFFCC0  }
0x14a: {  	_ =	swait.ge [sflag:s29], $0x340  }
0x14b: {  	[sflag:s29] =	ssyncset.done $0x0  }
0x14c: {  	[sflag:s29] =	ssyncadd.s32 $0xFFFFFCC0  }
0x14d: {  	_ =	swait.ge [sflag:s29], $0x340  }
0x14e: {  	[sflag:s29] =	ssyncset.done $0x0  }
0x14f: {  	[sflag:s29] =	ssyncadd.s32 $0xFFFFFCC0  }
0x150: {  	_ =	swait.ge [sflag:s25], $0x340  }
0x151: {  	[sflag:s25] =	ssyncset.done $0x0  }
0x152: {  	[sflag:s25] =	ssyncadd.s32 $0xFFFFFCC0  }
0x153: {  	_ =	swait.ge [sflag:s25], $0x340  }
0x154: {  	[sflag:s25] =	ssyncset.done $0x0  }
0x155: {  	[sflag:s25] =	ssyncadd.s32 $0xFFFFFCC0  }
0x156: {  	_ =	swait.ge [sflag:s25], $0x340  }
0x157: {  	[sflag:s25] =	ssyncset.done $0x0  }
0x158: {  	[sflag:s25] =	ssyncadd.s32 $0xFFFFFCC0  }
0x159: {  	_ =	swait.ge [sflag:s25], $0x340  }
0x15a: {  	s26 =	sadd.s32 $0x1, s26;
	s30 =	rddreg [dreg:$0x1d]  }
0x15b: {  	p0 =	sne.s32 s26, s30  }
.Ltmp1:
0x15c: {  	_ = 	snop;
	(pc) =	sbr.rel @p0 .LBB2_1-.Ltmp1, $3  }
0x15d: {  	_ =	sdelay $0x1  }
0x15e: {  	[sflag:s25] =	ssyncset.done $0x0  }
0x15f: {  	[sflag:s25] =	ssyncadd.s32 $0xFFFFFCC0  }
0x160: {  	_ =	sfence.sel $0x180000  }
0x161: {  	[bflag:$0x0] =	sbarrier.arrive $0xFFFF  }
0x162: {  	_ =	strace $0x90000047  }
0x163: {  	s0 =	stileid.u32;
	[bflag:$0x2] =	sbarrier.arrive $0xFFFF  }
0x164: {  	p0 =	sne.s32 s0, $0x0;
	s0 =	rddreg [dreg:$0x2]  }
0x165: {  	s0 =	sadd.s32 @!p0 $0x100000, s0  }
0x166: {  	[sflag:s0] =	ssyncadd.tile.s32 @!p0 $0x1;
	_ =	shalt  }
.Lfunc_end2:
_tile_overlayer_lowered:
.L_overlay_start_2:
0x167: {  	(tag) =	ssettag $0x2  }
0x168: {  	s0 =	rddreg [dreg:$0x0];
	s2 =	stileid.u32  }
0x169: {  	s1 =	rddreg [dreg:$0x1];
	p0 =	sne.s32 s2, $0x0  }
0x16a: {  	s3 =	rddreg [dreg:$0x2];
	[bflag:$0x3] =	sbarrier.arrive $0xFFFF;
	s2 =	simm.s32 @!p0 $0x1C0D  }
0x16b: {  	[timem:s3], [sflag:s2] =	dma.local @!p0 [hbm:s0], s1  }
0x16c: {  	s0 =	simm.s32 @!p0 $0xD  }
0x16d: {  	_ =	swait.ge @!p0 [sflag:s0], s1  }
0x16e: {  	s1 =	ssub.s32 @!p0 $0x0, s1;
	[sflag:s0] =	ssyncset.done @!p0 $0x0  }
0x16f: {  	[sflag:s0] =	ssyncadd.s32 @!p0 s1  }
0x170: {  	[bflag:$0x3] =	sbarrier.arrive $0xFFFF  }
0x171: {  	_ =	shalt  }

// kernel: sparse-core-data-format-call.cloned.1.call-start
scs
called_computation_lowered:
.L_overlay_start_0:
0x0: {  	s2 =	sld [smem:$0x3FD9]  }
0x1: {  	s3 =	sld [smem:$0x3FFE];
	_ =	sdelay $0x1  }
0x2: {  	s1 =	srdreg.scid  }
0x3: {  	s0 =	sand.u32 $0x1, s1  }
0x4: {  	s18 =	sshll.u32 s0, $0xA;
	s2 =	sadd.s32 s3, s2  }
0x5: {  	s2 =	sadd.s32 s2, s18  }
0x6: {  	[smem:$0x3FC6] =	sst s2  }
0x7: {  	_ = 	snop  }
0x8: {  	s2 =	sld [smem:$0x3FD0];
	(tm) =	ssettm $0x1  }
0x9: {  	s19 =	sld [smem:$0x3FFB];
	_ =	sdelay $0x3  }
0xa: {  	_ =	strace s19  }
0xb: {  	s3 =	sld [smem:$0x3FFC];
	_ =	sdelay $0x3  }
0xc: {  	_ =	strace s3  }
0xd: {  	s3 =	sld [smem:$0x3FFD];
	_ =	sdelay $0x3  }
0xe: {  	_ =	strace s3  }
0xf: {  	_ =	strace $0x8FFFFFFF  }
0x10: {  	s20 =	sld [smem:$0x3FDB];
	_ =	sdelay $0x1  }
0x11: {  	s4 =	simm.s32 $_scs_section_size  }
0x12: {  	s5 =	simm.s32 $_size__tile_overlayer_lowered;
	s6 =	simm.s32 $_tile_overlayer_lowered  }
0x13: {  	s23 =	simm.s32 $0x1BFF;
	s22 =	sshll.u32 s6, $0x1;
	s3 =	sadd.s32 s4, s20  }
0x14: {  	s7 =	simm.s32 $0x0;
	s21 =	sshll.u32 s5, $0x1;
	s5 =	sadd.s32 s22, s3  }
0x15: {  	[timem:s7], [sflag:s23] =	dma.local [hbm:s5], s21  }
0x16: {  	_ =	swait.ge [sflag:s23], s21  }
0x17: {  	s4 =	ssub.s32 $0x0, s21;
	[sflag:s23] =	ssyncset.done $0x0  }
0x18: {  	[sflag:s23] =	ssyncadd.s32 s4;
	_ =	sdelay $0x1  }
0x19: {  	s24 =	simm.s32 $0x1B8B  }
0x1a: {  	_ =	swait.ge [sflag:s24], $0x1  }
0x1b: {  	[sflag:s24] =	ssyncset.done $0x0  }
0x1c: {  	s26 =	simm.s32 $0x1B8E;
	s25 =	sld [smem:$0x3FFE];
	[sflag:s24] =	ssyncadd.s32 $0xFFFFFFFF  }
0x1d: {  	s27 =	simm.s32 $execute0_lowered;
	[smem:$0x3FD2] =	sst s26  }
0x1e: {  	s5 =	sshll.u32 s27, $0x1;
	_ =	strace $0x80000049;
	[dreg:$0x1] =	wrdreg $0xFFFFFFFF  }
0x1f: {  	s28 =	simm.s32 $_size_execute0_lowered;
	s3 =	sadd.s32 s3, s5;
	[dreg:$0x0] =	wrdreg $0x0  }
0x20: {  	s5 =	sshll.u32 s28, $0x1;
	[dreg:$0x2] =	wrdreg s3  }
0x21: {  	[dreg:$0x3] =	wrdreg s5  }
0x22: {  	[dreg:$0x4] =	wrdreg $0xC0  }
0x23: {  	_ =	task [dreg:s7], $0x5FFFF  }
0x24: {  	[dreg:$0x1] =	wrdreg $0xFFFFFFFF  }
0x25: {  	[dreg:$0x0] =	wrdreg $0x60  }
0x26: {  	[dreg:$0x2] =	wrdreg s25  }
0x27: {  	[dreg:$0x3] =	wrdreg s2  }
0x28: {  	[dreg:$0x4] =	wrdreg $0x9  }
0x29: {  	_ =	task.clear_ibuf [dreg:s7], $0x5FFFF;
	_ =	strace $0x90000049  }
0x2a: {  	s29 =	simm.s32 $0x9;
	_ =	strace $0x8000004B  }
0x2b: {  	_ =	swait.ge [sflag:s29], $0x1  }
0x2c: {  	[sflag:s29] =	ssyncadd.s32 $0xFFFFFFFF  }
0x2d: {  	_ =	strace $0x9000004B  }
0x2e: {  	_ =	sfence  }
0x2f: {  	s30 =	sld [smem:$0x0];
	_ =	sdelay $0x2  }
0x30: {  	s31 =	sshll.u32 s1, $0xD;
	s1 =	sshrl.u32 s1, $0x2  }
0x31: {  	s3 =	sand.u32 $0x4000, s31;
	s1 =	sadd.s32 s1, s30  }
0x32: {  	s0 =	sor.u32 s3, s0;
	s1 =	sshll.u32 s1, $0x11  }
0x33: {  	s0 =	sor.u32 s1, s0  }
0x34: {  	s0 =	sadd.s32 $0x8F2B, s0  }
0x35: {  	[sflag:s0] =	ssyncadd.remote.s32 $0x1  }
0x36: {  	_ =	sfence.sel $0xFFFF  }
0x37: {  	[dreg:$0x0] =	wrdreg $0xFFFFFFFF;
	(pc) =	sbr.abs _section_cstart, $3  }
0x38: {  	[dreg:$0x1] =	wrdreg $0xFFFFFFFF  }
0x39: {  	_ =	task.clear_ibuf [dreg:s7], $0x2FFFF;
	_ =	strace $0x9FFFFFFF  }
0x3a: {  	(tm) =	ssettm $0x7FFFFFFF  }
0x3b: {  	_ =	shalt  }
tec
execute0_lowered:
.L_overlay_start_1:
0x0: {  	(tag) =	ssettag $0x1  }
0x1: {  	s0 =	srdreg.scid  }
0x2: {  	s1 =	sshll.u32 s0, $0x4  }
0x3: {  	s0 =	stileid.u32;
	s1 =	sand.u32 $0x10, s1  }
0x4: {  	s1 =	sor.u32 s0, s1  }
0x5: {  	s6 =	rddreg [dreg:$0x0];
	s4 =	simm.s32 $0x1;
	s2 =	sshll.u32 s1, $0x7  }
0x6: {  	s7 =	simm.s32 $0x2;
	s12 =	simm.s32 $0x0;
	s1 =	ssub.s32 $0x4000, s2  }
0x7: {  	s8 =	simm.s32 $0x20000;
	s13 =	simm.s32 $0x0;
	s3 =	sand.u32 $0xF80, s1  }
0x8: {  	s9 =	simm.s32 $0x0;
	s5 =	sshrl.u32 s1, $0xC;
	p0 =	sne.s32 s3, $0x0  }
.Ltmp0:
0x9: {  	s1 =	rddreg [dreg:$0x2];
	s4 =	simm.s32 @!p0 $0x0;
	(pc) =	sbr.rel .LBB1_1-.Ltmp0, $4  }
0xa: {  	s11 =	simm.s32 $0x0;
	s3 =	rddreg [dreg:$0x1];
	s5 =	sadd.s32 s4, s5  }
0xb: {  	_ =	strace $0x8000004A;
	s4 =	simm.s32 $0x1;
	s5 =	smul.u32 $0x1A, s5  }
0xc: {  	s6 =	sadd.s32 $0xA00, s6;
	s10 =	smov.u32 s2;
	[sflag:s4] =	ssyncpa.u1 $0x0  }
0xd: {  	p0 =	por $0x0, $0x0;
	[sflag:s7] =	ssyncpa.u1 $0x0;
	s7 =	sor.u32 $0x1, s5  }
.LBB1_4:
0xe: {  	s16 =	sshll.u32 s13, $0x3;
	s17 =	sand.u32 $0x78, s13  }
0xf: {  	s30 =	sand.u32 $0xF800, s13;
	s12 =	sshll.u32 s12, $0x10;
	s16 =	sand.u32 $0x3C00, s16  }
0x10: {  	s31 =	sand.u32 $0x7, s13;
	s16 =	sor.u32 s17, s16;
	s17 =	sadd.s32 s3, s30  }
0x11: {  	s13 =	sshll.u32 s31, $0x12;
	s16 =	sshrl.u32 s16, $0x3;
	s12 =	sadd.s32 s12, s17  }
0x12: {  	[tilespmem:s15+$0x0 ss:$0x81] =	vst.msk $0xffff, v0;
	s13 =	sor.u32 $0x400, s13;
	s12 =	sadd.s32 s16, s12  }
0x13: {  	[hbm4b:s12+s13] =	stream.strided.scatter [tilespmem:s14], [sflag:$0x2], $0x1000, s8, s13, $0x20;
	[tilespmem:$0x4040] =	vst v63  }
.LBB1_5:
0x14: {  	s14 =	sadd.s32 $0x1, s9  }
0x15: {  	s12 =	sadd.s32 $0x1000, s10;
	s16 =	smov.u32 s10;
	p2 =	sgt.s32 s14, $0x19  }
0x16: {  	s16 =	smov.u32 @p2 s12  }
0x17: {  	s14 =	simm.s32 @p2 $0x0;
	p2 =	sgt.s32 s16, $0x3FFF  }
0x18: {  	s16 =	smov.u32 @p2 s2;
	p2 =	sne.s32 s11, s7  }
.Ltmp1:
0x19: {  	p1 =	slt.u32 s11, $0x2;
	(pc) =	sbr.rel @!p2 .LBB1_6-.Ltmp1, $4  }
0x1a: {  	s15 =	simm.s32 @!p1 $0x2  }
0x1b: {  	s13 =	smov.u32 s10;
	p0 =	por !p0, !p0;
	_ =	swait.ge @!p1 [sflag:s15], $0x1000  }
0x1c: {  	s12 =	smov.u32 s9;
	[sflag:s15] =	ssyncset.done @!p1 $0x0;
	s9 =	smov.u32 s14  }
0x1d: {  	s11 =	sadd.s32 $0x1, s11;
	[sflag:s15] =	ssyncadd.s32 @!p1 $0xFFFFF000;
	s10 =	smov.u32 s16  }
.LBB1_1:
0x1e: {  	p1 =	sge.u32 s11, s5  }
0x1f: {  	s31 =	sadd.s32 $0xFFFFFFFF, s11;
	s14 =	sxor.u32 @!p1 $0xFFFFFFFF, s11  }
0x20: {  	s15 =	sshll.u32 @!p1 s10, $0x9;
	s16 =	sshll.u32 @!p1 s9, $0x4;
	s17 =	simm.s32 @!p1 $0x1000  }
0x21: {  	s14 =	sshll.u32 @!p1 s14, $0xC;
	s16 =	sand.u32 @!p1 $0x1F0, s16;
	s15 =	sadd.s32 @!p1 s6, s15  }
0x22: {  	s14 =	sand.u32 @!p1 $0x1000, s14;
	s15 =	sadd.s32 @!p1 s16, s15;
	s16 =	simm.s32 @!p1 $0x20  }
0x23: {  	[tilespmem:s14], [sflag:$0x1] =	stream.strided.gather @!p1 [hbm4b:s15+s16], $0x1000, s17, s16, $0x38;
	[tilespmem:$0x4040] =	vst v63  }
0x24: {  	p1 =	sge.u32 s31, s5  }
.Ltmp2:
0x25: {  	_ = 	snop;
	(pc) =	sbr.rel @p1 .LBB1_5-.Ltmp2, $1  }
0x26: {  	_ =	sdelay $0x3  }
0x27: {  	s14 =	simm.s32 $0x1  }
0x28: {  	_ =	swait.ge [sflag:s4], $0x1000;
	s14 =	simm.s32 @!p0 $0x0  }
0x29: {  	[sflag:s4] =	ssyncset.done $0x0;
	s15 =	sshll.u32 s14, $0xC  }
0x2a: {  	[sflag:s4] =	ssyncadd.s32 $0xFFFFF000;
	s18 =	sor.u32 $0x10, s15  }
0x2b: {  	s14 =	smul.u32 $0x4080, s14;
	v1 =	vld [tilespmem:s18+$0x0]  }
0x2c: {  	s30 =	sand.u32 $0x1, s11;
	v0 =	vld [tilespmem:s18+$0xFFFFFFF0]  }
0x2d: {  	s15 =	smul.u32 $0x4080, s30;
	s14 =	sshrl.u32 s14, $0x2  }
0x2e: {  	s16 =	sor.u32 $0x2000, s14  }
0x2f: {  	s31 =	sshrl.u32 s15, $0x2;
	s15 =	sadd.s32 $0x0, s16  }
0x30: {  	s17 =	simm.s32 $0x4;
	s18 =	sadd.s32 $0x20, s18;
	s14 =	sor.u32 $0x2000, s31;
	[tilespmem:s15+$0x810 ss:$0x81] =	vst.msk $0xffff, v1  }
.LBB1_3:
0x31: {  	v1 =	vld [tilespmem:s18+$0x0];
	p1 =	sne.s32 s17, $0x1FC;
	[tilespmem:s15+$0x0 ss:$0x81] =	vst.msk $0xffff, v0;
	s15 =	smov.u32 s17;
	s17 =	sadd.s32 $0x4, s17  }
.Ltmp3:
0x32: {  	v0 =	vld [tilespmem:s18+$0xFFFFFFF0];
	(pc) =	sbr.rel @p1 .LBB1_3-.Ltmp3, $4  }
0x33: {  	_ = 	snop  }
0x34: {  	s15 =	sshra.s32 s15, $0x2  }
0x35: {  	s15 =	sadd.s32 s15, s16  }
0x36: {  	s18 =	sadd.s32 $0x20, s18;
	[tilespmem:s15+$0x810 ss:$0x81] =	vst.msk $0xffff, v1  }
.Ltmp4:
0x37: {  	_ = 	snop;
	(pc) =	sbr.rel .LBB1_4-.Ltmp4, $1  }
0x38: {  	_ =	sdelay $0x3  }
.LBB1_6:
0x39: {  	_ =	sfence.sel $0x180000  }
0x3a: {  	s2 =	simm.s32 $0x1;
	[bflag:$0x0] =	sbarrier.arrive $0xFFFF  }
0x3b: {  	s31 =	simm.s32 $0x2;
	[sflag:s2] =	ssyncpa.u1 $0x1  }
0x3c: {  	[sflag:s31] =	ssyncpa.u1 $0x1  }
0x3d: {  	p0 =	sne.s32 s0, $0x0;
	_ =	strace $0x9000004A  }
0x3e: {  	s0 =	sadd.s32 @!p0 $0x100000, s1;
	[bflag:$0x2] =	sbarrier.arrive $0xFFFF  }
0x3f: {  	[sflag:s0] =	ssyncadd.tile.s32 @!p0 $0x1;
	_ =	shalt  }
.Lfunc_end1:
_tile_overlayer_lowered:
.L_overlay_start_2:
0x40: {  	(tag) =	ssettag $0x2  }
0x41: {  	s0 =	rddreg [dreg:$0x0];
	s2 =	stileid.u32  }
0x42: {  	s1 =	rddreg [dreg:$0x1];
	p0 =	sne.s32 s2, $0x0  }
0x43: {  	s3 =	rddreg [dreg:$0x2];
	[bflag:$0x3] =	sbarrier.arrive $0xFFFF;
	s2 =	simm.s32 @!p0 $0x1C01  }
0x44: {  	[timem:s3], [sflag:s2] =	dma.local @!p0 [hbm:s0], s1  }
0x45: {  	s0 =	simm.s32 @!p0 $0x1  }
0x46: {  	_ =	swait.ge @!p0 [sflag:s0], s1  }
0x47: {  	s1 =	ssub.s32 @!p0 $0x0, s1;
	[sflag:s0] =	ssyncset.done @!p0 $0x0  }
0x48: {  	[sflag:s0] =	ssyncadd.s32 @!p0 s1  }
0x49: {  	[bflag:$0x3] =	sbarrier.arrive $0xFFFF  }
0x4a: {  	_ =	shalt  }

</sc_bundles>
